<compile_context>
chip_gen: v7x
topology: tpu7x:2x2x1
jax: 0.10.2.dev20260603
libtpu: 0.0.44.dev20260713+nightly
codegen_flags: <defaults>
</compile_context>

<pallas_src>
import functools

import jax
import jax.numpy as jnp
from jax import lax
from jax.experimental import pallas as pl
from jax.experimental.pallas import tpu as pltpu
from jax.experimental.pallas import tpu_sc as plsc

_D = 64
_SCALE = 8.0
_NW = 32
_C = 256
_LANES = 16


def _build(n_total):
    per_w = n_total // _NW
    n_chunks = per_w // _C
    mesh = plsc.VectorSubcoreMesh(core_axis_name="c", subcore_axis_name="s")

    @functools.partial(
        pl.kernel,
        mesh=mesh,
        out_type=jax.ShapeDtypeStruct((n_total, _D), jnp.float32),
        scratch_types=[
            pltpu.VMEM((per_w,), jnp.int32),
            pltpu.VMEM((_C, _D), jnp.float32),
            pltpu.VMEM((_C, _D), jnp.float32),
            pltpu.SemaphoreType.DMA,
            pltpu.SemaphoreType.DMA,
            pltpu.SemaphoreType.DMA,
            pltpu.SemaphoreType.DMA,
        ],
    )
    def k(x_hbm, table_hbm, out_hbm, idx_v, rb0, rb1, g0, g1, o0, o1):
        rbs = (rb0, rb1)
        gsems = (g0, g1)
        osems = (o0, o1)
        wid = lax.axis_index("s") * 2 + lax.axis_index("c")
        base = wid * per_w
        pltpu.sync_copy(x_hbm.at[pl.ds(base, per_w)], idx_v)

        def enqueue(j, rb, gsem):
            def grp(g, carry):
                v = idx_v[pl.ds(j * _C + g * _LANES, _LANES)]
                for l in range(_LANES):
                    s = v[l]
                    pltpu.async_copy(
                        table_hbm.at[pl.ds(s, 1)],
                        rb.at[pl.ds(g * _LANES + l, 1)],
                        gsem,
                    )
                return carry

            lax.fori_loop(0, _C // _LANES, grp, 0, unroll=2)

        def drain(rb, gsem):
            pltpu.make_async_copy(table_hbm.at[pl.ds(0, _C)], rb, gsem).wait()

        def scale(rb):
            def row(r, carry):
                for c in range(_D // _LANES):
                    sl = pl.ds(c * _LANES, _LANES)
                    rb[r, sl] = rb[r, sl] * _SCALE
                return carry

            lax.fori_loop(0, _C, row, 0, unroll=4)

        def put(j, rb, osem):
            pltpu.async_copy(rb, out_hbm.at[pl.ds(base + j * _C, _C)], osem)

        def wait_put(rb, osem):
            pltpu.make_async_copy(rb, out_hbm.at[pl.ds(0, _C)], osem).wait()

        enqueue(0, rbs[0], gsems[0])

        def body(j, carry):
            def go(rb, gsem, osem, nrb, ngsem, nosem):
                @pl.when(j + 1 < n_chunks)
                def _():
                    @pl.when(j >= 1)
                    def _():
                        wait_put(nrb, nosem)

                    enqueue(j + 1, nrb, ngsem)

                drain(rb, gsem)
                scale(rb)
                put(j, rb, osem)

            lax.cond(
                lax.rem(j, 2) == 0,
                lambda: go(rbs[0], gsems[0], osems[0], rbs[1], gsems[1], osems[1]),
                lambda: go(rbs[1], gsems[1], osems[1], rbs[0], gsems[0], osems[0]),
            )
            return carry

        lax.fori_loop(0, n_chunks, body, 0)
        wait_put(rbs[0], osems[0])
        wait_put(rbs[1], osems[1])

    return k


def kernel(x, table):
    b, t = x.shape
    n_total = b * t
    xf = x.reshape(n_total)
    out = _build(n_total)(xf, table)
    return out.reshape(b, t, _D)

# --- scband reference (transcript-rebuilt; emitter-appended) ---
"""Pipeline reference for scband-token-embedding-62972810494194 (READ-ONLY COPY).

The authoritative reference and input builder live on the scoring server;
editing this copy changes nothing except your own understanding.
"""

import jax, jax.numpy as jnp
import numpy as np

D_MODEL = 64
VOCAB = 1000000
PADDING_IDX = 0

def setup_inputs(seed: int = 0) -> dict:
    key = jax.random.key(seed)
    k1, k2 = jax.random.split(key)
    x = jax.random.randint(k1, (1024, 200), 0, VOCAB, dtype=jnp.int32)
    table = jax.random.normal(k2, (VOCAB, D_MODEL), dtype=jnp.float32)
    # nn.Embedding with padding_idx zeros that row at init
    table = table.at[PADDING_IDX].set(0.0)
    return {"x": x, "table": table}

def reference(x, table):
    # TokenEmbedding.forward: embedding(x) * sqrt(d_model)
    emb = jnp.take(table, x, axis=0)
    return emb * (D_MODEL ** 0.5)

if __name__ == "__main__":
    import jax
    _d = setup_inputs()
    print(jax.jit(kernel)(*tuple(_d.values())))

</pallas_src>

<mosaic_0001>
#map = affine_map<(d0, d1) -> (0)>
#map1 = affine_map<(d0, d1) -> (0, 0)>
module attributes {stable_mosaic.version = 14 : i64} {
  func.func @k(%arg0: i32, %arg1: i32, %arg2: memref<204800xi32, #tpu.memory_space<hbm>>, %arg3: memref<1000000x64xf32, #tpu.memory_space<hbm>>, %arg4: memref<204800x64xf32, #tpu.memory_space<hbm>>, %arg5: memref<6400xi32, #tpu.memory_space<vmem>>, %arg6: memref<256x64xf32, #tpu.memory_space<vmem>>, %arg7: memref<256x64xf32, #tpu.memory_space<vmem>>, %arg8: memref<!tpu.dma_semaphore, #tpu.memory_space<semaphore_mem>>, %arg9: memref<!tpu.dma_semaphore, #tpu.memory_space<semaphore_mem>>, %arg10: memref<!tpu.dma_semaphore, #tpu.memory_space<semaphore_mem>>, %arg11: memref<!tpu.dma_semaphore, #tpu.memory_space<semaphore_mem>>) attributes {dimension_semantics = [#tpu.dimension_semantics<core_parallel>, #tpu.dimension_semantics<subcore_parallel>], iteration_bounds = array<i64: 2, 16>, scalar_prefetch = 0 : i64, scratch_operands = 7 : i64, tpu.core_type = #tpu.core_type<sc_vector_subcore>, window_params = [{transform_indices = #map}, {transform_indices = #map1}, {transform_indices = #map1}]} {
    %mul3A = arith.constant 2 : i32
    %mul3A_0 = arith.muli %arg1, %mul3A : i32
    %add3A = arith.addi %mul3A_0, %arg0 : i32
    %mul3A_1 = arith.constant 6400 : i32
    %mul3A_2 = arith.muli %add3A, %mul3A_1 : i32
    "tpu.region"() ({
      %run_scoped3A = tpu.sem_alloc : memref<!tpu.dma_semaphore, #tpu.memory_space<semaphore_mem>>
      %dma_start3A = tpu.memref_slice %arg2[%mul3A_2] : memref<204800xi32, #tpu.memory_space<hbm>> -> memref<6400xi32, #tpu.memory_space<hbm>>
      %dma_start3A_25 = tpu.memref_slice %arg2[%mul3A_2] : memref<204800xi32, #tpu.memory_space<hbm>> -> memref<6400xi32, #tpu.memory_space<hbm>>
      tpu.enqueue_dma source(%dma_start3A_25 : memref<6400xi32, #tpu.memory_space<hbm>>) target(%arg5 : memref<6400xi32, #tpu.memory_space<vmem>>) target_semaphore(%run_scoped3A : memref<!tpu.dma_semaphore, #tpu.memory_space<semaphore_mem>>)
      %dma_wait3A_26 = tpu.memref_slice %arg2[%mul3A_2] : memref<204800xi32, #tpu.memory_space<hbm>> -> memref<6400xi32, #tpu.memory_space<hbm>>
      %dma_wait3A_27 = tpu.memref_slice %arg2[%mul3A_2] : memref<204800xi32, #tpu.memory_space<hbm>> -> memref<6400xi32, #tpu.memory_space<hbm>>
      tpu.wait_dma2 semaphore(%run_scoped3A : memref<!tpu.dma_semaphore, #tpu.memory_space<semaphore_mem>>) src(%dma_wait3A_27 : memref<6400xi32, #tpu.memory_space<hbm>>) dst(%arg5 : memref<6400xi32, #tpu.memory_space<vmem>>)
      tpu.yield
    }) : () -> ()
    %scan3A = arith.constant 0 : i32
    %scan3A_3 = arith.constant 0 : i32
    %scan3A_4 = arith.constant 16 : i32
    %scan3A_5 = arith.addi %scan3A_3, %scan3A_4 : i32
    %scan3A_6 = arith.constant 2 : i32
    scf.for %scan3A_25 = %scan3A_3 to %scan3A_5 step %scan3A_6  : i32 {
      %mul3A_26 = arith.constant 16 : i32
      %mul3A_27 = arith.muli %scan3A_25, %mul3A_26 : i32
      %add3A_28 = arith.constant 0 : i32
      %add3A_29 = arith.addi %add3A_28, %mul3A_27 : i32
      %get3A = arith.index_cast %add3A_29 : i32 to index
      %get3A_30 = tpu.vector_load %arg5[%get3A] {strides = array<i32>} : memref<6400xi32, #tpu.memory_space<vmem>>, vector<16xi32>,
      %get3A_31 = vector.shape_cast %get3A_30 : vector<16xi32> to vector<16xi32>
      %slice3A = vector.extract_strided_slice %get3A_31 {offsets = [0], sizes = [1], strides = [1]} : vector<16xi32> to vector<1xi32>
      %squeeze3A = vector.extract %slice3A[0] : i32 from vector<1xi32>
      %mul3A_32 = arith.constant 16 : i32
      %mul3A_33 = arith.muli %scan3A_25, %mul3A_32 : i32
      %add3A_34 = arith.constant 0 : i32
      %add3A_35 = arith.addi %mul3A_33, %add3A_34 : i32
      %dma_start3A = arith.constant 0 : i32
      %dma_start3A_36 = tpu.memref_slice %arg6[%add3A_35, %dma_start3A] : memref<256x64xf32, #tpu.memory_space<vmem>> -> memref<1x64xf32, #tpu.memory_space<vmem>>
      %dma_start3A_37 = arith.constant 0 : i32
      %dma_start3A_38 = tpu.memref_slice %arg3[%squeeze3A, %dma_start3A_37] : memref<1000000x64xf32, #tpu.memory_space<hbm>> -> memref<1x64xf32, #tpu.memory_space<hbm>>
      %dma_start3A_39 = arith.constant 0 : i32
      %dma_start3A_40 = tpu.memref_slice %arg6[%add3A_35, %dma_start3A_39] : memref<256x64xf32, #tpu.memory_space<vmem>> -> memref<1x64xf32, #tpu.memory_space<vmem>>
      %dma_start3A_41 = arith.constant 0 : i32
      %dma_start3A_42 = tpu.memref_slice %arg3[%squeeze3A, %dma_start3A_41] : memref<1000000x64xf32, #tpu.memory_space<hbm>> -> memref<1x64xf32, #tpu.memory_space<hbm>>
      tpu.enqueue_dma source(%dma_start3A_42 : memref<1x64xf32, #tpu.memory_space<hbm>>) target(%dma_start3A_40 : memref<1x64xf32, #tpu.memory_space<vmem>>) target_semaphore(%arg8 : memref<!tpu.dma_semaphore, #tpu.memory_space<semaphore_mem>>)
      %slice3A_43 = vector.extract_strided_slice %get3A_31 {offsets = [1], sizes = [1], strides = [1]} : vector<16xi32> to vector<1xi32>
      %squeeze3A_44 = vector.extract %slice3A_43[0] : i32 from vector<1xi32>
      %mul3A_45 = arith.constant 16 : i32
      %mul3A_46 = arith.muli %scan3A_25, %mul3A_45 : i32
      %add3A_47 = arith.constant 1 : i32
      %add3A_48 = arith.addi %mul3A_46, %add3A_47 : i32
      %dma_start3A_49 = arith.constant 0 : i32
      %dma_start3A_50 = tpu.memref_slice %arg6[%add3A_48, %dma_start3A_49] : memref<256x64xf32, #tpu.memory_space<vmem>> -> memref<1x64xf32, #tpu.memory_space<vmem>>
      %dma_start3A_51 = arith.constant 0 : i32
      %dma_start3A_52 = tpu.memref_slice %arg3[%squeeze3A_44, %dma_start3A_51] : memref<1000000x64xf32, #tpu.memory_space<hbm>> -> memref<1x64xf32, #tpu.memory_space<hbm>>
      %dma_start3A_53 = arith.constant 0 : i32
      %dma_start3A_54 = tpu.memref_slice %arg6[%add3A_48, %dma_start3A_53] : memref<256x64xf32, #tpu.memory_space<vmem>> -> memref<1x64xf32, #tpu.memory_space<vmem>>
      %dma_start3A_55 = arith.constant 0 : i32
      %dma_start3A_56 = tpu.memref_slice %arg3[%squeeze3A_44, %dma_start3A_55] : memref<1000000x64xf32, #tpu.memory_space<hbm>> -> memref<1x64xf32, #tpu.memory_space<hbm>>
      tpu.enqueue_dma source(%dma_start3A_56 : memref<1x64xf32, #tpu.memory_space<hbm>>) target(%dma_start3A_54 : memref<1x64xf32, #tpu.memory_space<vmem>>) target_semaphore(%arg8 : memref<!tpu.dma_semaphore, #tpu.memory_space<semaphore_mem>>)
      %slice3A_57 = vector.extract_strided_slice %get3A_31 {offsets = [2], sizes = [1], strides = [1]} : vector<16xi32> to vector<1xi32>
      %squeeze3A_58 = vector.extract %slice3A_57[0] : i32 from vector<1xi32>
      %mul3A_59 = arith.constant 16 : i32
      %mul3A_60 = arith.muli %scan3A_25, %mul3A_59 : i32
      %add3A_61 = arith.constant 2 : i32
      %add3A_62 = arith.addi %mul3A_60, %add3A_61 : i32
      %dma_start3A_63 = arith.constant 0 : i32
      %dma_start3A_64 = tpu.memref_slice %arg6[%add3A_62, %dma_start3A_63] : memref<256x64xf32, #tpu.memory_space<vmem>> -> memref<1x64xf32, #tpu.memory_space<vmem>>
      %dma_start3A_65 = arith.constant 0 : i32
      %dma_start3A_66 = tpu.memref_slice %arg3[%squeeze3A_58, %dma_start3A_65] : memref<1000000x64xf32, #tpu.memory_space<hbm>> -> memref<1x64xf32, #tpu.memory_space<hbm>>
      %dma_start3A_67 = arith.constant 0 : i32
      %dma_start3A_68 = tpu.memref_slice %arg6[%add3A_62, %dma_start3A_67] : memref<256x64xf32, #tpu.memory_space<vmem>> -> memref<1x64xf32, #tpu.memory_space<vmem>>
      %dma_start3A_69 = arith.constant 0 : i32
      %dma_start3A_70 = tpu.memref_slice %arg3[%squeeze3A_58, %dma_start3A_69] : memref<1000000x64xf32, #tpu.memory_space<hbm>> -> memref<1x64xf32, #tpu.memory_space<hbm>>
      tpu.enqueue_dma source(%dma_start3A_70 : memref<1x64xf32, #tpu.memory_space<hbm>>) target(%dma_start3A_68 : memref<1x64xf32, #tpu.memory_space<vmem>>) target_semaphore(%arg8 : memref<!tpu.dma_semaphore, #tpu.memory_space<semaphore_mem>>)
      %slice3A_71 = vector.extract_strided_slice %get3A_31 {offsets = [3], sizes = [1], strides = [1]} : vector<16xi32> to vector<1xi32>
      %squeeze3A_72 = vector.extract %slice3A_71[0] : i32 from vector<1xi32>
      %mul3A_73 = arith.constant 16 : i32
      %mul3A_74 = arith.muli %scan3A_25, %mul3A_73 : i32
      %add3A_75 = arith.constant 3 : i32
      %add3A_76 = arith.addi %mul3A_74, %add3A_75 : i32
      %dma_start3A_77 = arith.constant 0 : i32
      %dma_start3A_78 = tpu.memref_slice %arg6[%add3A_76, %dma_start3A_77] : memref<256x64xf32, #tpu.memory_space<vmem>> -> memref<1x64xf32, #tpu.memory_space<vmem>>
      %dma_start3A_79 = arith.constant 0 : i32
      %dma_start3A_80 = tpu.memref_slice %arg3[%squeeze3A_72, %dma_start3A_79] : memref<1000000x64xf32, #tpu.memory_space<hbm>> -> memref<1x64xf32, #tpu.memory_space<hbm>>
      %dma_start3A_81 = arith.constant 0 : i32
      %dma_start3A_82 = tpu.memref_slice %arg6[%add3A_76, %dma_start3A_81] : memref<256x64xf32, #tpu.memory_space<vmem>> -> memref<1x64xf32, #tpu.memory_space<vmem>>
      %dma_start3A_83 = arith.constant 0 : i32
      %dma_start3A_84 = tpu.memref_slice %arg3[%squeeze3A_72, %dma_start3A_83] : memref<1000000x64xf32, #tpu.memory_space<hbm>> -> memref<1x64xf32, #tpu.memory_space<hbm>>
      tpu.enqueue_dma source(%dma_start3A_84 : memref<1x64xf32, #tpu.memory_space<hbm>>) target(%dma_start3A_82 : memref<1x64xf32, #tpu.memory_space<vmem>>) target_semaphore(%arg8 : memref<!tpu.dma_semaphore, #tpu.memory_space<semaphore_mem>>)
      %slice3A_85 = vector.extract_strided_slice %get3A_31 {offsets = [4], sizes = [1], strides = [1]} : vector<16xi32> to vector<1xi32>
      %squeeze3A_86 = vector.extract %slice3A_85[0] : i32 from vector<1xi32>
      %mul3A_87 = arith.constant 16 : i32
      %mul3A_88 = arith.muli %scan3A_25, %mul3A_87 : i32
      %add3A_89 = arith.constant 4 : i32
      %add3A_90 = arith.addi %mul3A_88, %add3A_89 : i32
      %dma_start3A_91 = arith.constant 0 : i32
      %dma_start3A_92 = tpu.memref_slice %arg6[%add3A_90, %dma_start3A_91] : memref<256x64xf32, #tpu.memory_space<vmem>> -> memref<1x64xf32, #tpu.memory_space<vmem>>
      %dma_start3A_93 = arith.constant 0 : i32
      %dma_start3A_94 = tpu.memref_slice %arg3[%squeeze3A_86, %dma_start3A_93] : memref<1000000x64xf32, #tpu.memory_space<hbm>> -> memref<1x64xf32, #tpu.memory_space<hbm>>
      %dma_start3A_95 = arith.constant 0 : i32
      %dma_start3A_96 = tpu.memref_slice %arg6[%add3A_90, %dma_start3A_95] : memref<256x64xf32, #tpu.memory_space<vmem>> -> memref<1x64xf32, #tpu.memory_space<vmem>>
      %dma_start3A_97 = arith.constant 0 : i32
      %dma_start3A_98 = tpu.memref_slice %arg3[%squeeze3A_86, %dma_start3A_97] : memref<1000000x64xf32, #tpu.memory_space<hbm>> -> memref<1x64xf32, #tpu.memory_space<hbm>>
      tpu.enqueue_dma source(%dma_start3A_98 : memref<1x64xf32, #tpu.memory_space<hbm>>) target(%dma_start3A_96 : memref<1x64xf32, #tpu.memory_space<vmem>>) target_semaphore(%arg8 : memref<!tpu.dma_semaphore, #tpu.memory_space<semaphore_mem>>)
      %slice3A_99 = vector.extract_strided_slice %get3A_31 {offsets = [5], sizes = [1], strides = [1]} : vector<16xi32> to vector<1xi32>
      %squeeze3A_100 = vector.extract %slice3A_99[0] : i32 from vector<1xi32>
      %mul3A_101 = arith.constant 16 : i32
      %mul3A_102 = arith.muli %scan3A_25, %mul3A_101 : i32
      %add3A_103 = arith.constant 5 : i32
      %add3A_104 = arith.addi %mul3A_102, %add3A_103 : i32
      %dma_start3A_105 = arith.constant 0 : i32
      %dma_start3A_106 = tpu.memref_slice %arg6[%add3A_104, %dma_start3A_105] : memref<256x64xf32, #tpu.memory_space<vmem>> -> memref<1x64xf32, #tpu.memory_space<vmem>>
      %dma_start3A_107 = arith.constant 0 : i32
      %dma_start3A_108 = tpu.memref_slice %arg3[%squeeze3A_100, %dma_start3A_107] : memref<1000000x64xf32, #tpu.memory_space<hbm>> -> memref<1x64xf32, #tpu.memory_space<hbm>>
      %dma_start3A_109 = arith.constant 0 : i32
      %dma_start3A_110 = tpu.memref_slice %arg6[%add3A_104, %dma_start3A_109] : memref<256x64xf32, #tpu.memory_space<vmem>> -> memref<1x64xf32, #tpu.memory_space<vmem>>
      %dma_start3A_111 = arith.constant 0 : i32
      %dma_start3A_112 = tpu.memref_slice %arg3[%squeeze3A_100, %dma_start3A_111] : memref<1000000x64xf32, #tpu.memory_space<hbm>> -> memref<1x64xf32, #tpu.memory_space<hbm>>
      tpu.enqueue_dma source(%dma_start3A_112 : memref<1x64xf32, #tpu.memory_space<hbm>>) target(%dma_start3A_110 : memref<1x64xf32, #tpu.memory_space<vmem>>) target_semaphore(%arg8 : memref<!tpu.dma_semaphore, #tpu.memory_space<semaphore_mem>>)
      %slice3A_113 = vector.extract_strided_slice %get3A_31 {offsets = [6], sizes = [1], strides = [1]} : vector<16xi32> to vector<1xi32>
      %squeeze3A_114 = vector.extract %slice3A_113[0] : i32 from vector<1xi32>
      %mul3A_115 = arith.constant 16 : i32
      %mul3A_116 = arith.muli %scan3A_25, %mul3A_115 : i32
      %add3A_117 = arith.constant 6 : i32
      %add3A_118 = arith.addi %mul3A_116, %add3A_117 : i32
      %dma_start3A_119 = arith.constant 0 : i32
      %dma_start3A_120 = tpu.memref_slice %arg6[%add3A_118, %dma_start3A_119] : memref<256x64xf32, #tpu.memory_space<vmem>> -> memref<1x64xf32, #tpu.memory_space<vmem>>
      %dma_start3A_121 = arith.constant 0 : i32
      %dma_start3A_122 = tpu.memref_slice %arg3[%squeeze3A_114, %dma_start3A_121] : memref<1000000x64xf32, #tpu.memory_space<hbm>> -> memref<1x64xf32, #tpu.memory_space<hbm>>
      %dma_start3A_123 = arith.constant 0 : i32
      %dma_start3A_124 = tpu.memref_slice %arg6[%add3A_118, %dma_start3A_123] : memref<256x64xf32, #tpu.memory_space<vmem>> -> memref<1x64xf32, #tpu.memory_space<vmem>>
      %dma_start3A_125 = arith.constant 0 : i32
      %dma_start3A_126 = tpu.memref_slice %arg3[%squeeze3A_114, %dma_start3A_125] : memref<1000000x64xf32, #tpu.memory_space<hbm>> -> memref<1x64xf32, #tpu.memory_space<hbm>>
      tpu.enqueue_dma source(%dma_start3A_126 : memref<1x64xf32, #tpu.memory_space<hbm>>) target(%dma_start3A_124 : memref<1x64xf32, #tpu.memory_space<vmem>>) target_semaphore(%arg8 : memref<!tpu.dma_semaphore, #tpu.memory_space<semaphore_mem>>)
      %slice3A_127 = vector.extract_strided_slice %get3A_31 {offsets = [7], sizes = [1], strides = [1]} : vector<16xi32> to vector<1xi32>
      %squeeze3A_128 = vector.extract %slice3A_127[0] : i32 from vector<1xi32>
      %mul3A_129 = arith.constant 16 : i32
      %mul3A_130 = arith.muli %scan3A_25, %mul3A_129 : i32
      %add3A_131 = arith.constant 7 : i32
      %add3A_132 = arith.addi %mul3A_130, %add3A_131 : i32
      %dma_start3A_133 = arith.constant 0 : i32
      %dma_start3A_134 = tpu.memref_slice %arg6[%add3A_132, %dma_start3A_133] : memref<256x64xf32, #tpu.memory_space<vmem>> -> memref<1x64xf32, #tpu.memory_space<vmem>>
      %dma_start3A_135 = arith.constant 0 : i32
      %dma_start3A_136 = tpu.memref_slice %arg3[%squeeze3A_128, %dma_start3A_135] : memref<1000000x64xf32, #tpu.memory_space<hbm>> -> memref<1x64xf32, #tpu.memory_space<hbm>>
      %dma_start3A_137 = arith.constant 0 : i32
      %dma_start3A_138 = tpu.memref_slice %arg6[%add3A_132, %dma_start3A_137] : memref<256x64xf32, #tpu.memory_space<vmem>> -> memref<1x64xf32, #tpu.memory_space<vmem>>
      %dma_start3A_139 = arith.constant 0 : i32
      %dma_start3A_140 = tpu.memref_slice %arg3[%squeeze3A_128, %dma_start3A_139] : memref<1000000x64xf32, #tpu.memory_space<hbm>> -> memref<1x64xf32, #tpu.memory_space<hbm>>
      tpu.enqueue_dma source(%dma_start3A_140 : memref<1x64xf32, #tpu.memory_space<hbm>>) target(%dma_start3A_138 : memref<1x64xf32, #tpu.memory_space<vmem>>) target_semaphore(%arg8 : memref<!tpu.dma_semaphore, #tpu.memory_space<semaphore_mem>>)
      %slice3A_141 = vector.extract_strided_slice %get3A_31 {offsets = [8], sizes = [1], strides = [1]} : vector<16xi32> to vector<1xi32>
      %squeeze3A_142 = vector.extract %slice3A_141[0] : i32 from vector<1xi32>
      %mul3A_143 = arith.constant 16 : i32
      %mul3A_144 = arith.muli %scan3A_25, %mul3A_143 : i32
      %add3A_145 = arith.constant 8 : i32
      %add3A_146 = arith.addi %mul3A_144, %add3A_145 : i32
      %dma_start3A_147 = arith.constant 0 : i32
      %dma_start3A_148 = tpu.memref_slice %arg6[%add3A_146, %dma_start3A_147] : memref<256x64xf32, #tpu.memory_space<vmem>> -> memref<1x64xf32, #tpu.memory_space<vmem>>
      %dma_start3A_149 = arith.constant 0 : i32
      %dma_start3A_150 = tpu.memref_slice %arg3[%squeeze3A_142, %dma_start3A_149] : memref<1000000x64xf32, #tpu.memory_space<hbm>> -> memref<1x64xf32, #tpu.memory_space<hbm>>
      %dma_start3A_151 = arith.constant 0 : i32
      %dma_start3A_152 = tpu.memref_slice %arg6[%add3A_146, %dma_start3A_151] : memref<256x64xf32, #tpu.memory_space<vmem>> -> memref<1x64xf32, #tpu.memory_space<vmem>>
      %dma_start3A_153 = arith.constant 0 : i32
      %dma_start3A_154 = tpu.memref_slice %arg3[%squeeze3A_142, %dma_start3A_153] : memref<1000000x64xf32, #tpu.memory_space<hbm>> -> memref<1x64xf32, #tpu.memory_space<hbm>>
      tpu.enqueue_dma source(%dma_start3A_154 : memref<1x64xf32, #tpu.memory_space<hbm>>) target(%dma_start3A_152 : memref<1x64xf32, #tpu.memory_space<vmem>>) target_semaphore(%arg8 : memref<!tpu.dma_semaphore, #tpu.memory_space<semaphore_mem>>)
      %slice3A_155 = vector.extract_strided_slice %get3A_31 {offsets = [9], sizes = [1], strides = [1]} : vector<16xi32> to vector<1xi32>
      %squeeze3A_156 = vector.extract %slice3A_155[0] : i32 from vector<1xi32>
      %mul3A_157 = arith.constant 16 : i32
      %mul3A_158 = arith.muli %scan3A_25, %mul3A_157 : i32
      %add3A_159 = arith.constant 9 : i32
      %add3A_160 = arith.addi %mul3A_158, %add3A_159 : i32
      %dma_start3A_161 = arith.constant 0 : i32
      %dma_start3A_162 = tpu.memref_slice %arg6[%add3A_160, %dma_start3A_161] : memref<256x64xf32, #tpu.memory_space<vmem>> -> memref<1x64xf32, #tpu.memory_space<vmem>>
      %dma_start3A_163 = arith.constant 0 : i32
      %dma_start3A_164 = tpu.memref_slice %arg3[%squeeze3A_156, %dma_start3A_163] : memref<1000000x64xf32, #tpu.memory_space<hbm>> -> memref<1x64xf32, #tpu.memory_space<hbm>>
      %dma_start3A_165 = arith.constant 0 : i32
      %dma_start3A_166 = tpu.memref_slice %arg6[%add3A_160, %dma_start3A_165] : memref<256x64xf32, #tpu.memory_space<vmem>> -> memref<1x64xf32, #tpu.memory_space<vmem>>
      %dma_start3A_167 = arith.constant 0 : i32
      %dma_start3A_168 = tpu.memref_slice %arg3[%squeeze3A_156, %dma_start3A_167] : memref<1000000x64xf32, #tpu.memory_space<hbm>> -> memref<1x64xf32, #tpu.memory_space<hbm>>
      tpu.enqueue_dma source(%dma_start3A_168 : memref<1x64xf32, #tpu.memory_space<hbm>>) target(%dma_start3A_166 : memref<1x64xf32, #tpu.memory_space<vmem>>) target_semaphore(%arg8 : memref<!tpu.dma_semaphore, #tpu.memory_space<semaphore_mem>>)
      %slice3A_169 = vector.extract_strided_slice %get3A_31 {offsets = [10], sizes = [1], strides = [1]} : vector<16xi32> to vector<1xi32>
      %squeeze3A_170 = vector.extract %slice3A_169[0] : i32 from vector<1xi32>
      %mul3A_171 = arith.constant 16 : i32
      %mul3A_172 = arith.muli %scan3A_25, %mul3A_171 : i32
      %add3A_173 = arith.constant 10 : i32
      %add3A_174 = arith.addi %mul3A_172, %add3A_173 : i32
      %dma_start3A_175 = arith.constant 0 : i32
      %dma_start3A_176 = tpu.memref_slice %arg6[%add3A_174, %dma_start3A_175] : memref<256x64xf32, #tpu.memory_space<vmem>> -> memref<1x64xf32, #tpu.memory_space<vmem>>
      %dma_start3A_177 = arith.constant 0 : i32
      %dma_start3A_178 = tpu.memref_slice %arg3[%squeeze3A_170, %dma_start3A_177] : memref<1000000x64xf32, #tpu.memory_space<hbm>> -> memref<1x64xf32, #tpu.memory_space<hbm>>
      %dma_start3A_179 = arith.constant 0 : i32
      %dma_start3A_180 = tpu.memref_slice %arg6[%add3A_174, %dma_start3A_179] : memref<256x64xf32, #tpu.memory_space<vmem>> -> memref<1x64xf32, #tpu.memory_space<vmem>>
      %dma_start3A_181 = arith.constant 0 : i32
      %dma_start3A_182 = tpu.memref_slice %arg3[%squeeze3A_170, %dma_start3A_181] : memref<1000000x64xf32, #tpu.memory_space<hbm>> -> memref<1x64xf32, #tpu.memory_space<hbm>>
      tpu.enqueue_dma source(%dma_start3A_182 : memref<1x64xf32, #tpu.memory_space<hbm>>) target(%dma_start3A_180 : memref<1x64xf32, #tpu.memory_space<vmem>>) target_semaphore(%arg8 : memref<!tpu.dma_semaphore, #tpu.memory_space<semaphore_mem>>)
      %slice3A_183 = vector.extract_strided_slice %get3A_31 {offsets = [11], sizes = [1], strides = [1]} : vector<16xi32> to vector<1xi32>
      %squeeze3A_184 = vector.extract %slice3A_183[0] : i32 from vector<1xi32>
      %mul3A_185 = arith.constant 16 : i32
      %mul3A_186 = arith.muli %scan3A_25, %mul3A_185 : i32
      %add3A_187 = arith.constant 11 : i32
      %add3A_188 = arith.addi %mul3A_186, %add3A_187 : i32
      %dma_start3A_189 = arith.constant 0 : i32
      %dma_start3A_190 = tpu.memref_slice %arg6[%add3A_188, %dma_start3A_189] : memref<256x64xf32, #tpu.memory_space<vmem>> -> memref<1x64xf32, #tpu.memory_space<vmem>>
      %dma_start3A_191 = arith.constant 0 : i32
      %dma_start3A_192 = tpu.memref_slice %arg3[%squeeze3A_184, %dma_start3A_191] : memref<1000000x64xf32, #tpu.memory_space<hbm>> -> memref<1x64xf32, #tpu.memory_space<hbm>>
      %dma_start3A_193 = arith.constant 0 : i32
      %dma_start3A_194 = tpu.memref_slice %arg6[%add3A_188, %dma_start3A_193] : memref<256x64xf32, #tpu.memory_space<vmem>> -> memref<1x64xf32, #tpu.memory_space<vmem>>
      %dma_start3A_195 = arith.constant 0 : i32
      %dma_start3A_196 = tpu.memref_slice %arg3[%squeeze3A_184, %dma_start3A_195] : memref<1000000x64xf32, #tpu.memory_space<hbm>> -> memref<1x64xf32, #tpu.memory_space<hbm>>
      tpu.enqueue_dma source(%dma_start3A_196 : memref<1x64xf32, #tpu.memory_space<hbm>>) target(%dma_start3A_194 : memref<1x64xf32, #tpu.memory_space<vmem>>) target_semaphore(%arg8 : memref<!tpu.dma_semaphore, #tpu.memory_space<semaphore_mem>>)
      %slice3A_197 = vector.extract_strided_slice %get3A_31 {offsets = [12], sizes = [1], strides = [1]} : vector<16xi32> to vector<1xi32>
      %squeeze3A_198 = vector.extract %slice3A_197[0] : i32 from vector<1xi32>
      %mul3A_199 = arith.constant 16 : i32
      %mul3A_200 = arith.muli %scan3A_25, %mul3A_199 : i32
      %add3A_201 = arith.constant 12 : i32
      %add3A_202 = arith.addi %mul3A_200, %add3A_201 : i32
      %dma_start3A_203 = arith.constant 0 : i32
      %dma_start3A_204 = tpu.memref_slice %arg6[%add3A_202, %dma_start3A_203] : memref<256x64xf32, #tpu.memory_space<vmem>> -> memref<1x64xf32, #tpu.memory_space<vmem>>
      %dma_start3A_205 = arith.constant 0 : i32
      %dma_start3A_206 = tpu.memref_slice %arg3[%squeeze3A_198, %dma_start3A_205] : memref<1000000x64xf32, #tpu.memory_space<hbm>> -> memref<1x64xf32, #tpu.memory_space<hbm>>
      %dma_start3A_207 = arith.constant 0 : i32
      %dma_start3A_208 = tpu.memref_slice %arg6[%add3A_202, %dma_start3A_207] : memref<256x64xf32, #tpu.memory_space<vmem>> -> memref<1x64xf32, #tpu.memory_space<vmem>>
      %dma_start3A_209 = arith.constant 0 : i32
      %dma_start3A_210 = tpu.memref_slice %arg3[%squeeze3A_198, %dma_start3A_209] : memref<1000000x64xf32, #tpu.memory_space<hbm>> -> memref<1x64xf32, #tpu.memory_space<hbm>>
      tpu.enqueue_dma source(%dma_start3A_210 : memref<1x64xf32, #tpu.memory_space<hbm>>) target(%dma_start3A_208 : memref<1x64xf32, #tpu.memory_space<vmem>>) target_semaphore(%arg8 : memref<!tpu.dma_semaphore, #tpu.memory_space<semaphore_mem>>)
      %slice3A_211 = vector.extract_strided_slice %get3A_31 {offsets = [13], sizes = [1], strides = [1]} : vector<16xi32> to vector<1xi32>
      %squeeze3A_212 = vector.extract %slice3A_211[0] : i32 from vector<1xi32>
      %mul3A_213 = arith.constant 16 : i32
      %mul3A_214 = arith.muli %scan3A_25, %mul3A_213 : i32
      %add3A_215 = arith.constant 13 : i32
      %add3A_216 = arith.addi %mul3A_214, %add3A_215 : i32
      %dma_start3A_217 = arith.constant 0 : i32
      %dma_start3A_218 = tpu.memref_slice %arg6[%add3A_216, %dma_start3A_217] : memref<256x64xf32, #tpu.memory_space<vmem>> -> memref<1x64xf32, #tpu.memory_space<vmem>>
      %dma_start3A_219 = arith.constant 0 : i32
      %dma_start3A_220 = tpu.memref_slice %arg3[%squeeze3A_212, %dma_start3A_219] : memref<1000000x64xf32, #tpu.memory_space<hbm>> -> memref<1x64xf32, #tpu.memory_space<hbm>>
      %dma_start3A_221 = arith.constant 0 : i32
      %dma_start3A_222 = tpu.memref_slice %arg6[%add3A_216, %dma_start3A_221] : memref<256x64xf32, #tpu.memory_space<vmem>> -> memref<1x64xf32, #tpu.memory_space<vmem>>
      %dma_start3A_223 = arith.constant 0 : i32
      %dma_start3A_224 = tpu.memref_slice %arg3[%squeeze3A_212, %dma_start3A_223] : memref<1000000x64xf32, #tpu.memory_space<hbm>> -> memref<1x64xf32, #tpu.memory_space<hbm>>
      tpu.enqueue_dma source(%dma_start3A_224 : memref<1x64xf32, #tpu.memory_space<hbm>>) target(%dma_start3A_222 : memref<1x64xf32, #tpu.memory_space<vmem>>) target_semaphore(%arg8 : memref<!tpu.dma_semaphore, #tpu.memory_space<semaphore_mem>>)
      %slice3A_225 = vector.extract_strided_slice %get3A_31 {offsets = [14], sizes = [1], strides = [1]} : vector<16xi32> to vector<1xi32>
      %squeeze3A_226 = vector.extract %slice3A_225[0] : i32 from vector<1xi32>
      %mul3A_227 = arith.constant 16 : i32
      %mul3A_228 = arith.muli %scan3A_25, %mul3A_227 : i32
      %add3A_229 = arith.constant 14 : i32
      %add3A_230 = arith.addi %mul3A_228, %add3A_229 : i32
      %dma_start3A_231 = arith.constant 0 : i32
      %dma_start3A_232 = tpu.memref_slice %arg6[%add3A_230, %dma_start3A_231] : memref<256x64xf32, #tpu.memory_space<vmem>> -> memref<1x64xf32, #tpu.memory_space<vmem>>
      %dma_start3A_233 = arith.constant 0 : i32
      %dma_start3A_234 = tpu.memref_slice %arg3[%squeeze3A_226, %dma_start3A_233] : memref<1000000x64xf32, #tpu.memory_space<hbm>> -> memref<1x64xf32, #tpu.memory_space<hbm>>
      %dma_start3A_235 = arith.constant 0 : i32
      %dma_start3A_236 = tpu.memref_slice %arg6[%add3A_230, %dma_start3A_235] : memref<256x64xf32, #tpu.memory_space<vmem>> -> memref<1x64xf32, #tpu.memory_space<vmem>>
      %dma_start3A_237 = arith.constant 0 : i32
      %dma_start3A_238 = tpu.memref_slice %arg3[%squeeze3A_226, %dma_start3A_237] : memref<1000000x64xf32, #tpu.memory_space<hbm>> -> memref<1x64xf32, #tpu.memory_space<hbm>>
      tpu.enqueue_dma source(%dma_start3A_238 : memref<1x64xf32, #tpu.memory_space<hbm>>) target(%dma_start3A_236 : memref<1x64xf32, #tpu.memory_space<vmem>>) target_semaphore(%arg8 : memref<!tpu.dma_semaphore, #tpu.memory_space<semaphore_mem>>)
      %slice3A_239 = vector.extract_strided_slice %get3A_31 {offsets = [15], sizes = [1], strides = [1]} : vector<16xi32> to vector<1xi32>
      %squeeze3A_240 = vector.extract %slice3A_239[0] : i32 from vector<1xi32>
      %mul3A_241 = arith.constant 16 : i32
      %mul3A_242 = arith.muli %scan3A_25, %mul3A_241 : i32
      %add3A_243 = arith.constant 15 : i32
      %add3A_244 = arith.addi %mul3A_242, %add3A_243 : i32
      %dma_start3A_245 = arith.constant 0 : i32
      %dma_start3A_246 = tpu.memref_slice %arg6[%add3A_244, %dma_start3A_245] : memref<256x64xf32, #tpu.memory_space<vmem>> -> memref<1x64xf32, #tpu.memory_space<vmem>>
      %dma_start3A_247 = arith.constant 0 : i32
      %dma_start3A_248 = tpu.memref_slice %arg3[%squeeze3A_240, %dma_start3A_247] : memref<1000000x64xf32, #tpu.memory_space<hbm>> -> memref<1x64xf32, #tpu.memory_space<hbm>>
      %dma_start3A_249 = arith.constant 0 : i32
      %dma_start3A_250 = tpu.memref_slice %arg6[%add3A_244, %dma_start3A_249] : memref<256x64xf32, #tpu.memory_space<vmem>> -> memref<1x64xf32, #tpu.memory_space<vmem>>
      %dma_start3A_251 = arith.constant 0 : i32
      %dma_start3A_252 = tpu.memref_slice %arg3[%squeeze3A_240, %dma_start3A_251] : memref<1000000x64xf32, #tpu.memory_space<hbm>> -> memref<1x64xf32, #tpu.memory_space<hbm>>
      tpu.enqueue_dma source(%dma_start3A_252 : memref<1x64xf32, #tpu.memory_space<hbm>>) target(%dma_start3A_250 : memref<1x64xf32, #tpu.memory_space<vmem>>) target_semaphore(%arg8 : memref<!tpu.dma_semaphore, #tpu.memory_space<semaphore_mem>>)
      %scan3A_253 = arith.constant 1 : i32
      %scan3A_254 = arith.addi %scan3A_25, %scan3A_253 : i32
      %mul3A_255 = arith.constant 16 : i32
      %mul3A_256 = arith.muli %scan3A_254, %mul3A_255 : i32
      %add3A_257 = arith.constant 0 : i32
      %add3A_258 = arith.addi %add3A_257, %mul3A_256 : i32
      %get3A_259 = arith.index_cast %add3A_258 : i32 to index
      %get3A_260 = tpu.vector_load %arg5[%get3A_259] {strides = array<i32>} : memref<6400xi32, #tpu.memory_space<vmem>>, vector<16xi32>,
      %get3A_261 = vector.shape_cast %get3A_260 : vector<16xi32> to vector<16xi32>
      %slice3A_262 = vector.extract_strided_slice %get3A_261 {offsets = [0], sizes = [1], strides = [1]} : vector<16xi32> to vector<1xi32>
      %squeeze3A_263 = vector.extract %slice3A_262[0] : i32 from vector<1xi32>
      %mul3A_264 = arith.constant 16 : i32
      %mul3A_265 = arith.muli %scan3A_254, %mul3A_264 : i32
      %add3A_266 = arith.constant 0 : i32
      %add3A_267 = arith.addi %mul3A_265, %add3A_266 : i32
      %dma_start3A_268 = arith.constant 0 : i32
      %dma_start3A_269 = tpu.memref_slice %arg6[%add3A_267, %dma_start3A_268] : memref<256x64xf32, #tpu.memory_space<vmem>> -> memref<1x64xf32, #tpu.memory_space<vmem>>
      %dma_start3A_270 = arith.constant 0 : i32
      %dma_start3A_271 = tpu.memref_slice %arg3[%squeeze3A_263, %dma_start3A_270] : memref<1000000x64xf32, #tpu.memory_space<hbm>> -> memref<1x64xf32, #tpu.memory_space<hbm>>
      %dma_start3A_272 = arith.constant 0 : i32
      %dma_start3A_273 = tpu.memref_slice %arg6[%add3A_267, %dma_start3A_272] : memref<256x64xf32, #tpu.memory_space<vmem>> -> memref<1x64xf32, #tpu.memory_space<vmem>>
      %dma_start3A_274 = arith.constant 0 : i32
      %dma_start3A_275 = tpu.memref_slice %arg3[%squeeze3A_263, %dma_start3A_274] : memref<1000000x64xf32, #tpu.memory_space<hbm>> -> memref<1x64xf32, #tpu.memory_space<hbm>>
      tpu.enqueue_dma source(%dma_start3A_275 : memref<1x64xf32, #tpu.memory_space<hbm>>) target(%dma_start3A_273 : memref<1x64xf32, #tpu.memory_space<vmem>>) target_semaphore(%arg8 : memref<!tpu.dma_semaphore, #tpu.memory_space<semaphore_mem>>)
      %slice3A_276 = vector.extract_strided_slice %get3A_261 {offsets = [1], sizes = [1], strides = [1]} : vector<16xi32> to vector<1xi32>
      %squeeze3A_277 = vector.extract %slice3A_276[0] : i32 from vector<1xi32>
      %mul3A_278 = arith.constant 16 : i32
      %mul3A_279 = arith.muli %scan3A_254, %mul3A_278 : i32
      %add3A_280 = arith.constant 1 : i32
      %add3A_281 = arith.addi %mul3A_279, %add3A_280 : i32
      %dma_start3A_282 = arith.constant 0 : i32
      %dma_start3A_283 = tpu.memref_slice %arg6[%add3A_281, %dma_start3A_282] : memref<256x64xf32, #tpu.memory_space<vmem>> -> memref<1x64xf32, #tpu.memory_space<vmem>>
      %dma_start3A_284 = arith.constant 0 : i32
      %dma_start3A_285 = tpu.memref_slice %arg3[%squeeze3A_277, %dma_start3A_284] : memref<1000000x64xf32, #tpu.memory_space<hbm>> -> memref<1x64xf32, #tpu.memory_space<hbm>>
      %dma_start3A_286 = arith.constant 0 : i32
      %dma_start3A_287 = tpu.memref_slice %arg6[%add3A_281, %dma_start3A_286] : memref<256x64xf32, #tpu.memory_space<vmem>> -> memref<1x64xf32, #tpu.memory_space<vmem>>
      %dma_start3A_288 = arith.constant 0 : i32
      %dma_start3A_289 = tpu.memref_slice %arg3[%squeeze3A_277, %dma_start3A_288] : memref<1000000x64xf32, #tpu.memory_space<hbm>> -> memref<1x64xf32, #tpu.memory_space<hbm>>
      tpu.enqueue_dma source(%dma_start3A_289 : memref<1x64xf32, #tpu.memory_space<hbm>>) target(%dma_start3A_287 : memref<1x64xf32, #tpu.memory_space<vmem>>) target_semaphore(%arg8 : memref<!tpu.dma_semaphore, #tpu.memory_space<semaphore_mem>>)
      %slice3A_290 = vector.extract_strided_slice %get3A_261 {offsets = [2], sizes = [1], strides = [1]} : vector<16xi32> to vector<1xi32>
      %squeeze3A_291 = vector.extract %slice3A_290[0] : i32 from vector<1xi32>
      %mul3A_292 = arith.constant 16 : i32
      %mul3A_293 = arith.muli %scan3A_254, %mul3A_292 : i32
      %add3A_294 = arith.constant 2 : i32
      %add3A_295 = arith.addi %mul3A_293, %add3A_294 : i32
      %dma_start3A_296 = arith.constant 0 : i32
      %dma_start3A_297 = tpu.memref_slice %arg6[%add3A_295, %dma_start3A_296] : memref<256x64xf32, #tpu.memory_space<vmem>> -> memref<1x64xf32, #tpu.memory_space<vmem>>
      %dma_start3A_298 = arith.constant 0 : i32
      %dma_start3A_299 = tpu.memref_slice %arg3[%squeeze3A_291, %dma_start3A_298] : memref<1000000x64xf32, #tpu.memory_space<hbm>> -> memref<1x64xf32, #tpu.memory_space<hbm>>
      %dma_start3A_300 = arith.constant 0 : i32
      %dma_start3A_301 = tpu.memref_slice %arg6[%add3A_295, %dma_start3A_300] : memref<256x64xf32, #tpu.memory_space<vmem>> -> memref<1x64xf32, #tpu.memory_space<vmem>>
      %dma_start3A_302 = arith.constant 0 : i32
      %dma_start3A_303 = tpu.memref_slice %arg3[%squeeze3A_291, %dma_start3A_302] : memref<1000000x64xf32, #tpu.memory_space<hbm>> -> memref<1x64xf32, #tpu.memory_space<hbm>>
      tpu.enqueue_dma source(%dma_start3A_303 : memref<1x64xf32, #tpu.memory_space<hbm>>) target(%dma_start3A_301 : memref<1x64xf32, #tpu.memory_space<vmem>>) target_semaphore(%arg8 : memref<!tpu.dma_semaphore, #tpu.memory_space<semaphore_mem>>)
      %slice3A_304 = vector.extract_strided_slice %get3A_261 {offsets = [3], sizes = [1], strides = [1]} : vector<16xi32> to vector<1xi32>
      %squeeze3A_305 = vector.extract %slice3A_304[0] : i32 from vector<1xi32>
      %mul3A_306 = arith.constant 16 : i32
      %mul3A_307 = arith.muli %scan3A_254, %mul3A_306 : i32
      %add3A_308 = arith.constant 3 : i32
      %add3A_309 = arith.addi %mul3A_307, %add3A_308 : i32
      %dma_start3A_310 = arith.constant 0 : i32
      %dma_start3A_311 = tpu.memref_slice %arg6[%add3A_309, %dma_start3A_310] : memref<256x64xf32, #tpu.memory_space<vmem>> -> memref<1x64xf32, #tpu.memory_space<vmem>>
      %dma_start3A_312 = arith.constant 0 : i32
      %dma_start3A_313 = tpu.memref_slice %arg3[%squeeze3A_305, %dma_start3A_312] : memref<1000000x64xf32, #tpu.memory_space<hbm>> -> memref<1x64xf32, #tpu.memory_space<hbm>>
      %dma_start3A_314 = arith.constant 0 : i32
      %dma_start3A_315 = tpu.memref_slice %arg6[%add3A_309, %dma_start3A_314] : memref<256x64xf32, #tpu.memory_space<vmem>> -> memref<1x64xf32, #tpu.memory_space<vmem>>
      %dma_start3A_316 = arith.constant 0 : i32
      %dma_start3A_317 = tpu.memref_slice %arg3[%squeeze3A_305, %dma_start3A_316] : memref<1000000x64xf32, #tpu.memory_space<hbm>> -> memref<1x64xf32, #tpu.memory_space<hbm>>
      tpu.enqueue_dma source(%dma_start3A_317 : memref<1x64xf32, #tpu.memory_space<hbm>>) target(%dma_start3A_315 : memref<1x64xf32, #tpu.memory_space<vmem>>) target_semaphore(%arg8 : memref<!tpu.dma_semaphore, #tpu.memory_space<semaphore_mem>>)
      %slice3A_318 = vector.extract_strided_slice %get3A_261 {offsets = [4], sizes = [1], strides = [1]} : vector<16xi32> to vector<1xi32>
      %squeeze3A_319 = vector.extract %slice3A_318[0] : i32 from vector<1xi32>
      %mul3A_320 = arith.constant 16 : i32
      %mul3A_321 = arith.muli %scan3A_254, %mul3A_320 : i32
      %add3A_322 = arith.constant 4 : i32
      %add3A_323 = arith.addi %mul3A_321, %add3A_322 : i32
      %dma_start3A_324 = arith.constant 0 : i32
      %dma_start3A_325 = tpu.memref_slice %arg6[%add3A_323, %dma_start3A_324] : memref<256x64xf32, #tpu.memory_space<vmem>> -> memref<1x64xf32, #tpu.memory_space<vmem>>
      %dma_start3A_326 = arith.constant 0 : i32
      %dma_start3A_327 = tpu.memref_slice %arg3[%squeeze3A_319, %dma_start3A_326] : memref<1000000x64xf32, #tpu.memory_space<hbm>> -> memref<1x64xf32, #tpu.memory_space<hbm>>
      %dma_start3A_328 = arith.constant 0 : i32
      %dma_start3A_329 = tpu.memref_slice %arg6[%add3A_323, %dma_start3A_328] : memref<256x64xf32, #tpu.memory_space<vmem>> -> memref<1x64xf32, #tpu.memory_space<vmem>>
      %dma_start3A_330 = arith.constant 0 : i32
      %dma_start3A_331 = tpu.memref_slice %arg3[%squeeze3A_319, %dma_start3A_330] : memref<1000000x64xf32, #tpu.memory_space<hbm>> -> memref<1x64xf32, #tpu.memory_space<hbm>>
      tpu.enqueue_dma source(%dma_start3A_331 : memref<1x64xf32, #tpu.memory_space<hbm>>) target(%dma_start3A_329 : memref<1x64xf32, #tpu.memory_space<vmem>>) target_semaphore(%arg8 : memref<!tpu.dma_semaphore, #tpu.memory_space<semaphore_mem>>)
      %slice3A_332 = vector.extract_strided_slice %get3A_261 {offsets = [5], sizes = [1], strides = [1]} : vector<16xi32> to vector<1xi32>
      %squeeze3A_333 = vector.extract %slice3A_332[0] : i32 from vector<1xi32>
      %mul3A_334 = arith.constant 16 : i32
      %mul3A_335 = arith.muli %scan3A_254, %mul3A_334 : i32
      %add3A_336 = arith.constant 5 : i32
      %add3A_337 = arith.addi %mul3A_335, %add3A_336 : i32
      %dma_start3A_338 = arith.constant 0 : i32
      %dma_start3A_339 = tpu.memref_slice %arg6[%add3A_337, %dma_start3A_338] : memref<256x64xf32, #tpu.memory_space<vmem>> -> memref<1x64xf32, #tpu.memory_space<vmem>>
      %dma_start3A_340 = arith.constant 0 : i32
      %dma_start3A_341 = tpu.memref_slice %arg3[%squeeze3A_333, %dma_start3A_340] : memref<1000000x64xf32, #tpu.memory_space<hbm>> -> memref<1x64xf32, #tpu.memory_space<hbm>>
      %dma_start3A_342 = arith.constant 0 : i32
      %dma_start3A_343 = tpu.memref_slice %arg6[%add3A_337, %dma_start3A_342] : memref<256x64xf32, #tpu.memory_space<vmem>> -> memref<1x64xf32, #tpu.memory_space<vmem>>
      %dma_start3A_344 = arith.constant 0 : i32
      %dma_start3A_345 = tpu.memref_slice %arg3[%squeeze3A_333, %dma_start3A_344] : memref<1000000x64xf32, #tpu.memory_space<hbm>> -> memref<1x64xf32, #tpu.memory_space<hbm>>
      tpu.enqueue_dma source(%dma_start3A_345 : memref<1x64xf32, #tpu.memory_space<hbm>>) target(%dma_start3A_343 : memref<1x64xf32, #tpu.memory_space<vmem>>) target_semaphore(%arg8 : memref<!tpu.dma_semaphore, #tpu.memory_space<semaphore_mem>>)
      %slice3A_346 = vector.extract_strided_slice %get3A_261 {offsets = [6], sizes = [1], strides = [1]} : vector<16xi32> to vector<1xi32>
      %squeeze3A_347 = vector.extract %slice3A_346[0] : i32 from vector<1xi32>
      %mul3A_348 = arith.constant 16 : i32
      %mul3A_349 = arith.muli %scan3A_254, %mul3A_348 : i32
      %add3A_350 = arith.constant 6 : i32
      %add3A_351 = arith.addi %mul3A_349, %add3A_350 : i32
      %dma_start3A_352 = arith.constant 0 : i32
      %dma_start3A_353 = tpu.memref_slice %arg6[%add3A_351, %dma_start3A_352] : memref<256x64xf32, #tpu.memory_space<vmem>> -> memref<1x64xf32, #tpu.memory_space<vmem>>
      %dma_start3A_354 = arith.constant 0 : i32
      %dma_start3A_355 = tpu.memref_slice %arg3[%squeeze3A_347, %dma_start3A_354] : memref<1000000x64xf32, #tpu.memory_space<hbm>> -> memref<1x64xf32, #tpu.memory_space<hbm>>
      %dma_start3A_356 = arith.constant 0 : i32
      %dma_start3A_357 = tpu.memref_slice %arg6[%add3A_351, %dma_start3A_356] : memref<256x64xf32, #tpu.memory_space<vmem>> -> memref<1x64xf32, #tpu.memory_space<vmem>>
      %dma_start3A_358 = arith.constant 0 : i32
      %dma_start3A_359 = tpu.memref_slice %arg3[%squeeze3A_347, %dma_start3A_358] : memref<1000000x64xf32, #tpu.memory_space<hbm>> -> memref<1x64xf32, #tpu.memory_space<hbm>>
      tpu.enqueue_dma source(%dma_start3A_359 : memref<1x64xf32, #tpu.memory_space<hbm>>) target(%dma_start3A_357 : memref<1x64xf32, #tpu.memory_space<vmem>>) target_semaphore(%arg8 : memref<!tpu.dma_semaphore, #tpu.memory_space<semaphore_mem>>)
      %slice3A_360 = vector.extract_strided_slice %get3A_261 {offsets = [7], sizes = [1], strides = [1]} : vector<16xi32> to vector<1xi32>
      %squeeze3A_361 = vector.extract %slice3A_360[0] : i32 from vector<1xi32>
      %mul3A_362 = arith.constant 16 : i32
      %mul3A_363 = arith.muli %scan3A_254, %mul3A_362 : i32
      %add3A_364 = arith.constant 7 : i32
      %add3A_365 = arith.addi %mul3A_363, %add3A_364 : i32
      %dma_start3A_366 = arith.constant 0 : i32
      %dma_start3A_367 = tpu.memref_slice %arg6[%add3A_365, %dma_start3A_366] : memref<256x64xf32, #tpu.memory_space<vmem>> -> memref<1x64xf32, #tpu.memory_space<vmem>>
      %dma_start3A_368 = arith.constant 0 : i32
      %dma_start3A_369 = tpu.memref_slice %arg3[%squeeze3A_361, %dma_start3A_368] : memref<1000000x64xf32, #tpu.memory_space<hbm>> -> memref<1x64xf32, #tpu.memory_space<hbm>>
      %dma_start3A_370 = arith.constant 0 : i32
      %dma_start3A_371 = tpu.memref_slice %arg6[%add3A_365, %dma_start3A_370] : memref<256x64xf32, #tpu.memory_space<vmem>> -> memref<1x64xf32, #tpu.memory_space<vmem>>
      %dma_start3A_372 = arith.constant 0 : i32
      %dma_start3A_373 = tpu.memref_slice %arg3[%squeeze3A_361, %dma_start3A_372] : memref<1000000x64xf32, #tpu.memory_space<hbm>> -> memref<1x64xf32, #tpu.memory_space<hbm>>
      tpu.enqueue_dma source(%dma_start3A_373 : memref<1x64xf32, #tpu.memory_space<hbm>>) target(%dma_start3A_371 : memref<1x64xf32, #tpu.memory_space<vmem>>) target_semaphore(%arg8 : memref<!tpu.dma_semaphore, #tpu.memory_space<semaphore_mem>>)
      %slice3A_374 = vector.extract_strided_slice %get3A_261 {offsets = [8], sizes = [1], strides = [1]} : vector<16xi32> to vector<1xi32>
      %squeeze3A_375 = vector.extract %slice3A_374[0] : i32 from vector<1xi32>
      %mul3A_376 = arith.constant 16 : i32
      %mul3A_377 = arith.muli %scan3A_254, %mul3A_376 : i32
      %add3A_378 = arith.constant 8 : i32
      %add3A_379 = arith.addi %mul3A_377, %add3A_378 : i32
      %dma_start3A_380 = arith.constant 0 : i32
      %dma_start3A_381 = tpu.memref_slice %arg6[%add3A_379, %dma_start3A_380] : memref<256x64xf32, #tpu.memory_space<vmem>> -> memref<1x64xf32, #tpu.memory_space<vmem>>
      %dma_start3A_382 = arith.constant 0 : i32
      %dma_start3A_383 = tpu.memref_slice %arg3[%squeeze3A_375, %dma_start3A_382] : memref<1000000x64xf32, #tpu.memory_space<hbm>> -> memref<1x64xf32, #tpu.memory_space<hbm>>
      %dma_start3A_384 = arith.constant 0 : i32
      %dma_start3A_385 = tpu.memref_slice %arg6[%add3A_379, %dma_start3A_384] : memref<256x64xf32, #tpu.memory_space<vmem>> -> memref<1x64xf32, #tpu.memory_space<vmem>>
      %dma_start3A_386 = arith.constant 0 : i32
      %dma_start3A_387 = tpu.memref_slice %arg3[%squeeze3A_375, %dma_start3A_386] : memref<1000000x64xf32, #tpu.memory_space<hbm>> -> memref<1x64xf32, #tpu.memory_space<hbm>>
      tpu.enqueue_dma source(%dma_start3A_387 : memref<1x64xf32, #tpu.memory_space<hbm>>) target(%dma_start3A_385 : memref<1x64xf32, #tpu.memory_space<vmem>>) target_semaphore(%arg8 : memref<!tpu.dma_semaphore, #tpu.memory_space<semaphore_mem>>)
      %slice3A_388 = vector.extract_strided_slice %get3A_261 {offsets = [9], sizes = [1], strides = [1]} : vector<16xi32> to vector<1xi32>
      %squeeze3A_389 = vector.extract %slice3A_388[0] : i32 from vector<1xi32>
      %mul3A_390 = arith.constant 16 : i32
      %mul3A_391 = arith.muli %scan3A_254, %mul3A_390 : i32
      %add3A_392 = arith.constant 9 : i32
      %add3A_393 = arith.addi %mul3A_391, %add3A_392 : i32
      %dma_start3A_394 = arith.constant 0 : i32
      %dma_start3A_395 = tpu.memref_slice %arg6[%add3A_393, %dma_start3A_394] : memref<256x64xf32, #tpu.memory_space<vmem>> -> memref<1x64xf32, #tpu.memory_space<vmem>>
      %dma_start3A_396 = arith.constant 0 : i32
      %dma_start3A_397 = tpu.memref_slice %arg3[%squeeze3A_389, %dma_start3A_396] : memref<1000000x64xf32, #tpu.memory_space<hbm>> -> memref<1x64xf32, #tpu.memory_space<hbm>>
      %dma_start3A_398 = arith.constant 0 : i32
      %dma_start3A_399 = tpu.memref_slice %arg6[%add3A_393, %dma_start3A_398] : memref<256x64xf32, #tpu.memory_space<vmem>> -> memref<1x64xf32, #tpu.memory_space<vmem>>
      %dma_start3A_400 = arith.constant 0 : i32
      %dma_start3A_401 = tpu.memref_slice %arg3[%squeeze3A_389, %dma_start3A_400] : memref<1000000x64xf32, #tpu.memory_space<hbm>> -> memref<1x64xf32, #tpu.memory_space<hbm>>
      tpu.enqueue_dma source(%dma_start3A_401 : memref<1x64xf32, #tpu.memory_space<hbm>>) target(%dma_start3A_399 : memref<1x64xf32, #tpu.memory_space<vmem>>) target_semaphore(%arg8 : memref<!tpu.dma_semaphore, #tpu.memory_space<semaphore_mem>>)
      %slice3A_402 = vector.extract_strided_slice %get3A_261 {offsets = [10], sizes = [1], strides = [1]} : vector<16xi32> to vector<1xi32>
      %squeeze3A_403 = vector.extract %slice3A_402[0] : i32 from vector<1xi32>
      %mul3A_404 = arith.constant 16 : i32
      %mul3A_405 = arith.muli %scan3A_254, %mul3A_404 : i32
      %add3A_406 = arith.constant 10 : i32
      %add3A_407 = arith.addi %mul3A_405, %add3A_406 : i32
      %dma_start3A_408 = arith.constant 0 : i32
      %dma_start3A_409 = tpu.memref_slice %arg6[%add3A_407, %dma_start3A_408] : memref<256x64xf32, #tpu.memory_space<vmem>> -> memref<1x64xf32, #tpu.memory_space<vmem>>
      %dma_start3A_410 = arith.constant 0 : i32
      %dma_start3A_411 = tpu.memref_slice %arg3[%squeeze3A_403, %dma_start3A_410] : memref<1000000x64xf32, #tpu.memory_space<hbm>> -> memref<1x64xf32, #tpu.memory_space<hbm>>
      %dma_start3A_412 = arith.constant 0 : i32
      %dma_start3A_413 = tpu.memref_slice %arg6[%add3A_407, %dma_start3A_412] : memref<256x64xf32, #tpu.memory_space<vmem>> -> memref<1x64xf32, #tpu.memory_space<vmem>>
      %dma_start3A_414 = arith.constant 0 : i32
      %dma_start3A_415 = tpu.memref_slice %arg3[%squeeze3A_403, %dma_start3A_414] : memref<1000000x64xf32, #tpu.memory_space<hbm>> -> memref<1x64xf32, #tpu.memory_space<hbm>>
      tpu.enqueue_dma source(%dma_start3A_415 : memref<1x64xf32, #tpu.memory_space<hbm>>) target(%dma_start3A_413 : memref<1x64xf32, #tpu.memory_space<vmem>>) target_semaphore(%arg8 : memref<!tpu.dma_semaphore, #tpu.memory_space<semaphore_mem>>)
      %slice3A_416 = vector.extract_strided_slice %get3A_261 {offsets = [11], sizes = [1], strides = [1]} : vector<16xi32> to vector<1xi32>
      %squeeze3A_417 = vector.extract %slice3A_416[0] : i32 from vector<1xi32>
      %mul3A_418 = arith.constant 16 : i32
      %mul3A_419 = arith.muli %scan3A_254, %mul3A_418 : i32
      %add3A_420 = arith.constant 11 : i32
      %add3A_421 = arith.addi %mul3A_419, %add3A_420 : i32
      %dma_start3A_422 = arith.constant 0 : i32
      %dma_start3A_423 = tpu.memref_slice %arg6[%add3A_421, %dma_start3A_422] : memref<256x64xf32, #tpu.memory_space<vmem>> -> memref<1x64xf32, #tpu.memory_space<vmem>>
      %dma_start3A_424 = arith.constant 0 : i32
      %dma_start3A_425 = tpu.memref_slice %arg3[%squeeze3A_417, %dma_start3A_424] : memref<1000000x64xf32, #tpu.memory_space<hbm>> -> memref<1x64xf32, #tpu.memory_space<hbm>>
      %dma_start3A_426 = arith.constant 0 : i32
      %dma_start3A_427 = tpu.memref_slice %arg6[%add3A_421, %dma_start3A_426] : memref<256x64xf32, #tpu.memory_space<vmem>> -> memref<1x64xf32, #tpu.memory_space<vmem>>
      %dma_start3A_428 = arith.constant 0 : i32
      %dma_start3A_429 = tpu.memref_slice %arg3[%squeeze3A_417, %dma_start3A_428] : memref<1000000x64xf32, #tpu.memory_space<hbm>> -> memref<1x64xf32, #tpu.memory_space<hbm>>
      tpu.enqueue_dma source(%dma_start3A_429 : memref<1x64xf32, #tpu.memory_space<hbm>>) target(%dma_start3A_427 : memref<1x64xf32, #tpu.memory_space<vmem>>) target_semaphore(%arg8 : memref<!tpu.dma_semaphore, #tpu.memory_space<semaphore_mem>>)
      %slice3A_430 = vector.extract_strided_slice %get3A_261 {offsets = [12], sizes = [1], strides = [1]} : vector<16xi32> to vector<1xi32>
      %squeeze3A_431 = vector.extract %slice3A_430[0] : i32 from vector<1xi32>
      %mul3A_432 = arith.constant 16 : i32
      %mul3A_433 = arith.muli %scan3A_254, %mul3A_432 : i32
      %add3A_434 = arith.constant 12 : i32
      %add3A_435 = arith.addi %mul3A_433, %add3A_434 : i32
      %dma_start3A_436 = arith.constant 0 : i32
      %dma_start3A_437 = tpu.memref_slice %arg6[%add3A_435, %dma_start3A_436] : memref<256x64xf32, #tpu.memory_space<vmem>> -> memref<1x64xf32, #tpu.memory_space<vmem>>
      %dma_start3A_438 = arith.constant 0 : i32
      %dma_start3A_439 = tpu.memref_slice %arg3[%squeeze3A_431, %dma_start3A_438] : memref<1000000x64xf32, #tpu.memory_space<hbm>> -> memref<1x64xf32, #tpu.memory_space<hbm>>
      %dma_start3A_440 = arith.constant 0 : i32
      %dma_start3A_441 = tpu.memref_slice %arg6[%add3A_435, %dma_start3A_440] : memref<256x64xf32, #tpu.memory_space<vmem>> -> memref<1x64xf32, #tpu.memory_space<vmem>>
      %dma_start3A_442 = arith.constant 0 : i32
      %dma_start3A_443 = tpu.memref_slice %arg3[%squeeze3A_431, %dma_start3A_442] : memref<1000000x64xf32, #tpu.memory_space<hbm>> -> memref<1x64xf32, #tpu.memory_space<hbm>>
      tpu.enqueue_dma source(%dma_start3A_443 : memref<1x64xf32, #tpu.memory_space<hbm>>) target(%dma_start3A_441 : memref<1x64xf32, #tpu.memory_space<vmem>>) target_semaphore(%arg8 : memref<!tpu.dma_semaphore, #tpu.memory_space<semaphore_mem>>)
      %slice3A_444 = vector.extract_strided_slice %get3A_261 {offsets = [13], sizes = [1], strides = [1]} : vector<16xi32> to vector<1xi32>
      %squeeze3A_445 = vector.extract %slice3A_444[0] : i32 from vector<1xi32>
      %mul3A_446 = arith.constant 16 : i32
      %mul3A_447 = arith.muli %scan3A_254, %mul3A_446 : i32
      %add3A_448 = arith.constant 13 : i32
      %add3A_449 = arith.addi %mul3A_447, %add3A_448 : i32
      %dma_start3A_450 = arith.constant 0 : i32
      %dma_start3A_451 = tpu.memref_slice %arg6[%add3A_449, %dma_start3A_450] : memref<256x64xf32, #tpu.memory_space<vmem>> -> memref<1x64xf32, #tpu.memory_space<vmem>>
      %dma_start3A_452 = arith.constant 0 : i32
      %dma_start3A_453 = tpu.memref_slice %arg3[%squeeze3A_445, %dma_start3A_452] : memref<1000000x64xf32, #tpu.memory_space<hbm>> -> memref<1x64xf32, #tpu.memory_space<hbm>>
      %dma_start3A_454 = arith.constant 0 : i32
      %dma_start3A_455 = tpu.memref_slice %arg6[%add3A_449, %dma_start3A_454] : memref<256x64xf32, #tpu.memory_space<vmem>> -> memref<1x64xf32, #tpu.memory_space<vmem>>
      %dma_start3A_456 = arith.constant 0 : i32
      %dma_start3A_457 = tpu.memref_slice %arg3[%squeeze3A_445, %dma_start3A_456] : memref<1000000x64xf32, #tpu.memory_space<hbm>> -> memref<1x64xf32, #tpu.memory_space<hbm>>
      tpu.enqueue_dma source(%dma_start3A_457 : memref<1x64xf32, #tpu.memory_space<hbm>>) target(%dma_start3A_455 : memref<1x64xf32, #tpu.memory_space<vmem>>) target_semaphore(%arg8 : memref<!tpu.dma_semaphore, #tpu.memory_space<semaphore_mem>>)
      %slice3A_458 = vector.extract_strided_slice %get3A_261 {offsets = [14], sizes = [1], strides = [1]} : vector<16xi32> to vector<1xi32>
      %squeeze3A_459 = vector.extract %slice3A_458[0] : i32 from vector<1xi32>
      %mul3A_460 = arith.constant 16 : i32
      %mul3A_461 = arith.muli %scan3A_254, %mul3A_460 : i32
      %add3A_462 = arith.constant 14 : i32
      %add3A_463 = arith.addi %mul3A_461, %add3A_462 : i32
      %dma_start3A_464 = arith.constant 0 : i32
      %dma_start3A_465 = tpu.memref_slice %arg6[%add3A_463, %dma_start3A_464] : memref<256x64xf32, #tpu.memory_space<vmem>> -> memref<1x64xf32, #tpu.memory_space<vmem>>
      %dma_start3A_466 = arith.constant 0 : i32
      %dma_start3A_467 = tpu.memref_slice %arg3[%squeeze3A_459, %dma_start3A_466] : memref<1000000x64xf32, #tpu.memory_space<hbm>> -> memref<1x64xf32, #tpu.memory_space<hbm>>
      %dma_start3A_468 = arith.constant 0 : i32
      %dma_start3A_469 = tpu.memref_slice %arg6[%add3A_463, %dma_start3A_468] : memref<256x64xf32, #tpu.memory_space<vmem>> -> memref<1x64xf32, #tpu.memory_space<vmem>>
      %dma_start3A_470 = arith.constant 0 : i32
      %dma_start3A_471 = tpu.memref_slice %arg3[%squeeze3A_459, %dma_start3A_470] : memref<1000000x64xf32, #tpu.memory_space<hbm>> -> memref<1x64xf32, #tpu.memory_space<hbm>>
      tpu.enqueue_dma source(%dma_start3A_471 : memref<1x64xf32, #tpu.memory_space<hbm>>) target(%dma_start3A_469 : memref<1x64xf32, #tpu.memory_space<vmem>>) target_semaphore(%arg8 : memref<!tpu.dma_semaphore, #tpu.memory_space<semaphore_mem>>)
      %slice3A_472 = vector.extract_strided_slice %get3A_261 {offsets = [15], sizes = [1], strides = [1]} : vector<16xi32> to vector<1xi32>
      %squeeze3A_473 = vector.extract %slice3A_472[0] : i32 from vector<1xi32>
      %mul3A_474 = arith.constant 16 : i32
      %mul3A_475 = arith.muli %scan3A_254, %mul3A_474 : i32
      %add3A_476 = arith.constant 15 : i32
      %add3A_477 = arith.addi %mul3A_475, %add3A_476 : i32
      %dma_start3A_478 = arith.constant 0 : i32
      %dma_start3A_479 = tpu.memref_slice %arg6[%add3A_477, %dma_start3A_478] : memref<256x64xf32, #tpu.memory_space<vmem>> -> memref<1x64xf32, #tpu.memory_space<vmem>>
      %dma_start3A_480 = arith.constant 0 : i32
      %dma_start3A_481 = tpu.memref_slice %arg3[%squeeze3A_473, %dma_start3A_480] : memref<1000000x64xf32, #tpu.memory_space<hbm>> -> memref<1x64xf32, #tpu.memory_space<hbm>>
      %dma_start3A_482 = arith.constant 0 : i32
      %dma_start3A_483 = tpu.memref_slice %arg6[%add3A_477, %dma_start3A_482] : memref<256x64xf32, #tpu.memory_space<vmem>> -> memref<1x64xf32, #tpu.memory_space<vmem>>
      %dma_start3A_484 = arith.constant 0 : i32
      %dma_start3A_485 = tpu.memref_slice %arg3[%squeeze3A_473, %dma_start3A_484] : memref<1000000x64xf32, #tpu.memory_space<hbm>> -> memref<1x64xf32, #tpu.memory_space<hbm>>
      tpu.enqueue_dma source(%dma_start3A_485 : memref<1x64xf32, #tpu.memory_space<hbm>>) target(%dma_start3A_483 : memref<1x64xf32, #tpu.memory_space<vmem>>) target_semaphore(%arg8 : memref<!tpu.dma_semaphore, #tpu.memory_space<semaphore_mem>>)
    }
    %scan3A_7 = arith.constant 16 : i32
    %scan3A_8 = arith.constant 0 : i32
    %scan3A_9 = arith.constant 0 : i32
    %scan3A_10 = arith.constant 25 : i32
    %scan3A_11 = arith.addi %scan3A_9, %scan3A_10 : i32
    %scan3A_12 = arith.constant 1 : i32
    scf.for %scan3A_25 = %scan3A_9 to %scan3A_11 step %scan3A_12  : i32 {
      %rem3A = arith.constant 2 : i32
      %rem3A_26 = arith.remsi %scan3A_25, %rem3A : i32
      %eq3A = arith.constant 0 : i32
      %eq3A_27 = arith.cmpi eq, %rem3A_26, %eq3A : i32
      %convert_element_type3A = arith.extui %eq3A_27 : i1 to i32
      %cond3A = arith.constant 0 : i32
      %cond3A_28 = arith.cmpi ne, %convert_element_type3A, %cond3A : i32
      scf.if %cond3A_28 {
        %add3A_29 = arith.constant 1 : i32
        %add3A_30 = arith.addi %scan3A_25, %add3A_29 : i32
        %lt3A = arith.constant 25 : i32
        %lt3A_31 = arith.cmpi slt, %add3A_30, %lt3A : i32
        %convert_element_type3A_32 = arith.extui %lt3A_31 : i1 to i32
        %cond3A_33 = arith.constant 0 : i32
        %cond3A_34 = arith.cmpi ne, %convert_element_type3A_32, %cond3A_33 : i32
        scf.if %cond3A_34 {
          %ge3A = arith.constant 1 : i32
          %ge3A_53 = arith.cmpi sge, %scan3A_25, %ge3A : i32
          %convert_element_type3A_54 = arith.extui %ge3A_53 : i1 to i32
          %cond3A_55 = arith.constant 0 : i32
          %cond3A_56 = arith.cmpi ne, %convert_element_type3A_54, %cond3A_55 : i32
          scf.if %cond3A_56 {
            %dma_wait3A_65 = arith.constant 0 : i32
            %dma_wait3A_66 = arith.constant 0 : i32
            %dma_wait3A_67 = tpu.memref_slice %arg4[%dma_wait3A_65, %dma_wait3A_66] : memref<204800x64xf32, #tpu.memory_space<hbm>> -> memref<256x64xf32, #tpu.memory_space<hbm>>
            %dma_wait3A_68 = arith.constant 0 : i32
            %dma_wait3A_69 = arith.constant 0 : i32
            %dma_wait3A_70 = tpu.memref_slice %arg4[%dma_wait3A_68, %dma_wait3A_69] : memref<204800x64xf32, #tpu.memory_space<hbm>> -> memref<256x64xf32, #tpu.memory_space<hbm>>
            tpu.wait_dma2 semaphore(%arg11 : memref<!tpu.dma_semaphore, #tpu.memory_space<semaphore_mem>>) src(%arg7 : memref<256x64xf32, #tpu.memory_space<vmem>>) dst(%dma_wait3A_70 : memref<256x64xf32, #tpu.memory_space<hbm>>)
          } else {
          }
          %add3A_57 = arith.constant 1 : i32
          %add3A_58 = arith.addi %scan3A_25, %add3A_57 : i32
          %scan3A_59 = arith.constant 0 : i32
          %scan3A_60 = arith.constant 0 : i32
          %scan3A_61 = arith.constant 16 : i32
          %scan3A_62 = arith.addi %scan3A_60, %scan3A_61 : i32
          %scan3A_63 = arith.constant 2 : i32
          scf.for %scan3A_65 = %scan3A_60 to %scan3A_62 step %scan3A_63  : i32 {
            %mul3A_66 = arith.constant 256 : i32
            %mul3A_67 = arith.muli %add3A_58, %mul3A_66 : i32
            %mul3A_68 = arith.constant 16 : i32
            %mul3A_69 = arith.muli %scan3A_65, %mul3A_68 : i32
            %add3A_70 = arith.addi %mul3A_67, %mul3A_69 : i32
            %get3A = arith.index_cast %add3A_70 : i32 to index
            %get3A_71 = tpu.vector_load %arg5[%get3A] {strides = array<i32>} : memref<6400xi32, #tpu.memory_space<vmem>>, vector<16xi32>,
            %get3A_72 = vector.shape_cast %get3A_71 : vector<16xi32> to vector<16xi32>
            %slice3A = vector.extract_strided_slice %get3A_72 {offsets = [0], sizes = [1], strides = [1]} : vector<16xi32> to vector<1xi32>
            %squeeze3A = vector.extract %slice3A[0] : i32 from vector<1xi32>
            %mul3A_73 = arith.constant 16 : i32
            %mul3A_74 = arith.muli %scan3A_65, %mul3A_73 : i32
            %add3A_75 = arith.constant 0 : i32
            %add3A_76 = arith.addi %mul3A_74, %add3A_75 : i32
            %dma_start3A_77 = arith.constant 0 : i32
            %dma_start3A_78 = tpu.memref_slice %arg7[%add3A_76, %dma_start3A_77] : memref<256x64xf32, #tpu.memory_space<vmem>> -> memref<1x64xf32, #tpu.memory_space<vmem>>
            %dma_start3A_79 = arith.constant 0 : i32
            %dma_start3A_80 = tpu.memref_slice %arg3[%squeeze3A, %dma_start3A_79] : memref<1000000x64xf32, #tpu.memory_space<hbm>> -> memref<1x64xf32, #tpu.memory_space<hbm>>
            %dma_start3A_81 = arith.constant 0 : i32
            %dma_start3A_82 = tpu.memref_slice %arg7[%add3A_76, %dma_start3A_81] : memref<256x64xf32, #tpu.memory_space<vmem>> -> memref<1x64xf32, #tpu.memory_space<vmem>>
            %dma_start3A_83 = arith.constant 0 : i32
            %dma_start3A_84 = tpu.memref_slice %arg3[%squeeze3A, %dma_start3A_83] : memref<1000000x64xf32, #tpu.memory_space<hbm>> -> memref<1x64xf32, #tpu.memory_space<hbm>>
            tpu.enqueue_dma source(%dma_start3A_84 : memref<1x64xf32, #tpu.memory_space<hbm>>) target(%dma_start3A_82 : memref<1x64xf32, #tpu.memory_space<vmem>>) target_semaphore(%arg9 : memref<!tpu.dma_semaphore, #tpu.memory_space<semaphore_mem>>)
            %slice3A_85 = vector.extract_strided_slice %get3A_72 {offsets = [1], sizes = [1], strides = [1]} : vector<16xi32> to vector<1xi32>
            %squeeze3A_86 = vector.extract %slice3A_85[0] : i32 from vector<1xi32>
            %mul3A_87 = arith.constant 16 : i32
            %mul3A_88 = arith.muli %scan3A_65, %mul3A_87 : i32
            %add3A_89 = arith.constant 1 : i32
            %add3A_90 = arith.addi %mul3A_88, %add3A_89 : i32
            %dma_start3A_91 = arith.constant 0 : i32
            %dma_start3A_92 = tpu.memref_slice %arg7[%add3A_90, %dma_start3A_91] : memref<256x64xf32, #tpu.memory_space<vmem>> -> memref<1x64xf32, #tpu.memory_space<vmem>>
            %dma_start3A_93 = arith.constant 0 : i32
            %dma_start3A_94 = tpu.memref_slice %arg3[%squeeze3A_86, %dma_start3A_93] : memref<1000000x64xf32, #tpu.memory_space<hbm>> -> memref<1x64xf32, #tpu.memory_space<hbm>>
            %dma_start3A_95 = arith.constant 0 : i32
            %dma_start3A_96 = tpu.memref_slice %arg7[%add3A_90, %dma_start3A_95] : memref<256x64xf32, #tpu.memory_space<vmem>> -> memref<1x64xf32, #tpu.memory_space<vmem>>
            %dma_start3A_97 = arith.constant 0 : i32
            %dma_start3A_98 = tpu.memref_slice %arg3[%squeeze3A_86, %dma_start3A_97] : memref<1000000x64xf32, #tpu.memory_space<hbm>> -> memref<1x64xf32, #tpu.memory_space<hbm>>
            tpu.enqueue_dma source(%dma_start3A_98 : memref<1x64xf32, #tpu.memory_space<hbm>>) target(%dma_start3A_96 : memref<1x64xf32, #tpu.memory_space<vmem>>) target_semaphore(%arg9 : memref<!tpu.dma_semaphore, #tpu.memory_space<semaphore_mem>>)
            %slice3A_99 = vector.extract_strided_slice %get3A_72 {offsets = [2], sizes = [1], strides = [1]} : vector<16xi32> to vector<1xi32>
            %squeeze3A_100 = vector.extract %slice3A_99[0] : i32 from vector<1xi32>
            %mul3A_101 = arith.constant 16 : i32
            %mul3A_102 = arith.muli %scan3A_65, %mul3A_101 : i32
            %add3A_103 = arith.constant 2 : i32
            %add3A_104 = arith.addi %mul3A_102, %add3A_103 : i32
            %dma_start3A_105 = arith.constant 0 : i32
            %dma_start3A_106 = tpu.memref_slice %arg7[%add3A_104, %dma_start3A_105] : memref<256x64xf32, #tpu.memory_space<vmem>> -> memref<1x64xf32, #tpu.memory_space<vmem>>
            %dma_start3A_107 = arith.constant 0 : i32
            %dma_start3A_108 = tpu.memref_slice %arg3[%squeeze3A_100, %dma_start3A_107] : memref<1000000x64xf32, #tpu.memory_space<hbm>> -> memref<1x64xf32, #tpu.memory_space<hbm>>
            %dma_start3A_109 = arith.constant 0 : i32
            %dma_start3A_110 = tpu.memref_slice %arg7[%add3A_104, %dma_start3A_109] : memref<256x64xf32, #tpu.memory_space<vmem>> -> memref<1x64xf32, #tpu.memory_space<vmem>>
            %dma_start3A_111 = arith.constant 0 : i32
            %dma_start3A_112 = tpu.memref_slice %arg3[%squeeze3A_100, %dma_start3A_111] : memref<1000000x64xf32, #tpu.memory_space<hbm>> -> memref<1x64xf32, #tpu.memory_space<hbm>>
            tpu.enqueue_dma source(%dma_start3A_112 : memref<1x64xf32, #tpu.memory_space<hbm>>) target(%dma_start3A_110 : memref<1x64xf32, #tpu.memory_space<vmem>>) target_semaphore(%arg9 : memref<!tpu.dma_semaphore, #tpu.memory_space<semaphore_mem>>)
            %slice3A_113 = vector.extract_strided_slice %get3A_72 {offsets = [3], sizes = [1], strides = [1]} : vector<16xi32> to vector<1xi32>
            %squeeze3A_114 = vector.extract %slice3A_113[0] : i32 from vector<1xi32>
            %mul3A_115 = arith.constant 16 : i32
            %mul3A_116 = arith.muli %scan3A_65, %mul3A_115 : i32
            %add3A_117 = arith.constant 3 : i32
            %add3A_118 = arith.addi %mul3A_116, %add3A_117 : i32
            %dma_start3A_119 = arith.constant 0 : i32
            %dma_start3A_120 = tpu.memref_slice %arg7[%add3A_118, %dma_start3A_119] : memref<256x64xf32, #tpu.memory_space<vmem>> -> memref<1x64xf32, #tpu.memory_space<vmem>>
            %dma_start3A_121 = arith.constant 0 : i32
            %dma_start3A_122 = tpu.memref_slice %arg3[%squeeze3A_114, %dma_start3A_121] : memref<1000000x64xf32, #tpu.memory_space<hbm>> -> memref<1x64xf32, #tpu.memory_space<hbm>>
            %dma_start3A_123 = arith.constant 0 : i32
            %dma_start3A_124 = tpu.memref_slice %arg7[%add3A_118, %dma_start3A_123] : memref<256x64xf32, #tpu.memory_space<vmem>> -> memref<1x64xf32, #tpu.memory_space<vmem>>
            %dma_start3A_125 = arith.constant 0 : i32
            %dma_start3A_126 = tpu.memref_slice %arg3[%squeeze3A_114, %dma_start3A_125] : memref<1000000x64xf32, #tpu.memory_space<hbm>> -> memref<1x64xf32, #tpu.memory_space<hbm>>
            tpu.enqueue_dma source(%dma_start3A_126 : memref<1x64xf32, #tpu.memory_space<hbm>>) target(%dma_start3A_124 : memref<1x64xf32, #tpu.memory_space<vmem>>) target_semaphore(%arg9 : memref<!tpu.dma_semaphore, #tpu.memory_space<semaphore_mem>>)
            %slice3A_127 = vector.extract_strided_slice %get3A_72 {offsets = [4], sizes = [1], strides = [1]} : vector<16xi32> to vector<1xi32>
            %squeeze3A_128 = vector.extract %slice3A_127[0] : i32 from vector<1xi32>
            %mul3A_129 = arith.constant 16 : i32
            %mul3A_130 = arith.muli %scan3A_65, %mul3A_129 : i32
            %add3A_131 = arith.constant 4 : i32
            %add3A_132 = arith.addi %mul3A_130, %add3A_131 : i32
            %dma_start3A_133 = arith.constant 0 : i32
            %dma_start3A_134 = tpu.memref_slice %arg7[%add3A_132, %dma_start3A_133] : memref<256x64xf32, #tpu.memory_space<vmem>> -> memref<1x64xf32, #tpu.memory_space<vmem>>
            %dma_start3A_135 = arith.constant 0 : i32
            %dma_start3A_136 = tpu.memref_slice %arg3[%squeeze3A_128, %dma_start3A_135] : memref<1000000x64xf32, #tpu.memory_space<hbm>> -> memref<1x64xf32, #tpu.memory_space<hbm>>
            %dma_start3A_137 = arith.constant 0 : i32
            %dma_start3A_138 = tpu.memref_slice %arg7[%add3A_132, %dma_start3A_137] : memref<256x64xf32, #tpu.memory_space<vmem>> -> memref<1x64xf32, #tpu.memory_space<vmem>>
            %dma_start3A_139 = arith.constant 0 : i32
            %dma_start3A_140 = tpu.memref_slice %arg3[%squeeze3A_128, %dma_start3A_139] : memref<1000000x64xf32, #tpu.memory_space<hbm>> -> memref<1x64xf32, #tpu.memory_space<hbm>>
            tpu.enqueue_dma source(%dma_start3A_140 : memref<1x64xf32, #tpu.memory_space<hbm>>) target(%dma_start3A_138 : memref<1x64xf32, #tpu.memory_space<vmem>>) target_semaphore(%arg9 : memref<!tpu.dma_semaphore, #tpu.memory_space<semaphore_mem>>)
            %slice3A_141 = vector.extract_strided_slice %get3A_72 {offsets = [5], sizes = [1], strides = [1]} : vector<16xi32> to vector<1xi32>
            %squeeze3A_142 = vector.extract %slice3A_141[0] : i32 from vector<1xi32>
            %mul3A_143 = arith.constant 16 : i32
            %mul3A_144 = arith.muli %scan3A_65, %mul3A_143 : i32
            %add3A_145 = arith.constant 5 : i32
            %add3A_146 = arith.addi %mul3A_144, %add3A_145 : i32
            %dma_start3A_147 = arith.constant 0 : i32
            %dma_start3A_148 = tpu.memref_slice %arg7[%add3A_146, %dma_start3A_147] : memref<256x64xf32, #tpu.memory_space<vmem>> -> memref<1x64xf32, #tpu.memory_space<vmem>>
            %dma_start3A_149 = arith.constant 0 : i32
            %dma_start3A_150 = tpu.memref_slice %arg3[%squeeze3A_142, %dma_start3A_149] : memref<1000000x64xf32, #tpu.memory_space<hbm>> -> memref<1x64xf32, #tpu.memory_space<hbm>>
            %dma_start3A_151 = arith.constant 0 : i32
            %dma_start3A_152 = tpu.memref_slice %arg7[%add3A_146, %dma_start3A_151] : memref<256x64xf32, #tpu.memory_space<vmem>> -> memref<1x64xf32, #tpu.memory_space<vmem>>
            %dma_start3A_153 = arith.constant 0 : i32
            %dma_start3A_154 = tpu.memref_slice %arg3[%squeeze3A_142, %dma_start3A_153] : memref<1000000x64xf32, #tpu.memory_space<hbm>> -> memref<1x64xf32, #tpu.memory_space<hbm>>
            tpu.enqueue_dma source(%dma_start3A_154 : memref<1x64xf32, #tpu.memory_space<hbm>>) target(%dma_start3A_152 : memref<1x64xf32, #tpu.memory_space<vmem>>) target_semaphore(%arg9 : memref<!tpu.dma_semaphore, #tpu.memory_space<semaphore_mem>>)
            %slice3A_155 = vector.extract_strided_slice %get3A_72 {offsets = [6], sizes = [1], strides = [1]} : vector<16xi32> to vector<1xi32>
            %squeeze3A_156 = vector.extract %slice3A_155[0] : i32 from vector<1xi32>
            %mul3A_157 = arith.constant 16 : i32
            %mul3A_158 = arith.muli %scan3A_65, %mul3A_157 : i32
            %add3A_159 = arith.constant 6 : i32
            %add3A_160 = arith.addi %mul3A_158, %add3A_159 : i32
            %dma_start3A_161 = arith.constant 0 : i32
            %dma_start3A_162 = tpu.memref_slice %arg7[%add3A_160, %dma_start3A_161] : memref<256x64xf32, #tpu.memory_space<vmem>> -> memref<1x64xf32, #tpu.memory_space<vmem>>
            %dma_start3A_163 = arith.constant 0 : i32
            %dma_start3A_164 = tpu.memref_slice %arg3[%squeeze3A_156, %dma_start3A_163] : memref<1000000x64xf32, #tpu.memory_space<hbm>> -> memref<1x64xf32, #tpu.memory_space<hbm>>
            %dma_start3A_165 = arith.constant 0 : i32
            %dma_start3A_166 = tpu.memref_slice %arg7[%add3A_160, %dma_start3A_165] : memref<256x64xf32, #tpu.memory_space<vmem>> -> memref<1x64xf32, #tpu.memory_space<vmem>>
            %dma_start3A_167 = arith.constant 0 : i32
            %dma_start3A_168 = tpu.memref_slice %arg3[%squeeze3A_156, %dma_start3A_167] : memref<1000000x64xf32, #tpu.memory_space<hbm>> -> memref<1x64xf32, #tpu.memory_space<hbm>>
            tpu.enqueue_dma source(%dma_start3A_168 : memref<1x64xf32, #tpu.memory_space<hbm>>) target(%dma_start3A_166 : memref<1x64xf32, #tpu.memory_space<vmem>>) target_semaphore(%arg9 : memref<!tpu.dma_semaphore, #tpu.memory_space<semaphore_mem>>)
            %slice3A_169 = vector.extract_strided_slice %get3A_72 {offsets = [7], sizes = [1], strides = [1]} : vector<16xi32> to vector<1xi32>
            %squeeze3A_170 = vector.extract %slice3A_169[0] : i32 from vector<1xi32>
            %mul3A_171 = arith.constant 16 : i32
            %mul3A_172 = arith.muli %scan3A_65, %mul3A_171 : i32
            %add3A_173 = arith.constant 7 : i32
            %add3A_174 = arith.addi %mul3A_172, %add3A_173 : i32
            %dma_start3A_175 = arith.constant 0 : i32
            %dma_start3A_176 = tpu.memref_slice %arg7[%add3A_174, %dma_start3A_175] : memref<256x64xf32, #tpu.memory_space<vmem>> -> memref<1x64xf32, #tpu.memory_space<vmem>>
            %dma_start3A_177 = arith.constant 0 : i32
            %dma_start3A_178 = tpu.memref_slice %arg3[%squeeze3A_170, %dma_start3A_177] : memref<1000000x64xf32, #tpu.memory_space<hbm>> -> memref<1x64xf32, #tpu.memory_space<hbm>>
            %dma_start3A_179 = arith.constant 0 : i32
            %dma_start3A_180 = tpu.memref_slice %arg7[%add3A_174, %dma_start3A_179] : memref<256x64xf32, #tpu.memory_space<vmem>> -> memref<1x64xf32, #tpu.memory_space<vmem>>
            %dma_start3A_181 = arith.constant 0 : i32
            %dma_start3A_182 = tpu.memref_slice %arg3[%squeeze3A_170, %dma_start3A_181] : memref<1000000x64xf32, #tpu.memory_space<hbm>> -> memref<1x64xf32, #tpu.memory_space<hbm>>
            tpu.enqueue_dma source(%dma_start3A_182 : memref<1x64xf32, #tpu.memory_space<hbm>>) target(%dma_start3A_180 : memref<1x64xf32, #tpu.memory_space<vmem>>) target_semaphore(%arg9 : memref<!tpu.dma_semaphore, #tpu.memory_space<semaphore_mem>>)
            %slice3A_183 = vector.extract_strided_slice %get3A_72 {offsets = [8], sizes = [1], strides = [1]} : vector<16xi32> to vector<1xi32>
            %squeeze3A_184 = vector.extract %slice3A_183[0] : i32 from vector<1xi32>
            %mul3A_185 = arith.constant 16 : i32
            %mul3A_186 = arith.muli %scan3A_65, %mul3A_185 : i32
            %add3A_187 = arith.constant 8 : i32
            %add3A_188 = arith.addi %mul3A_186, %add3A_187 : i32
            %dma_start3A_189 = arith.constant 0 : i32
            %dma_start3A_190 = tpu.memref_slice %arg7[%add3A_188, %dma_start3A_189] : memref<256x64xf32, #tpu.memory_space<vmem>> -> memref<1x64xf32, #tpu.memory_space<vmem>>
            %dma_start3A_191 = arith.constant 0 : i32
            %dma_start3A_192 = tpu.memref_slice %arg3[%squeeze3A_184, %dma_start3A_191] : memref<1000000x64xf32, #tpu.memory_space<hbm>> -> memref<1x64xf32, #tpu.memory_space<hbm>>
            %dma_start3A_193 = arith.constant 0 : i32
            %dma_start3A_194 = tpu.memref_slice %arg7[%add3A_188, %dma_start3A_193] : memref<256x64xf32, #tpu.memory_space<vmem>> -> memref<1x64xf32, #tpu.memory_space<vmem>>
            %dma_start3A_195 = arith.constant 0 : i32
            %dma_start3A_196 = tpu.memref_slice %arg3[%squeeze3A_184, %dma_start3A_195] : memref<1000000x64xf32, #tpu.memory_space<hbm>> -> memref<1x64xf32, #tpu.memory_space<hbm>>
            tpu.enqueue_dma source(%dma_start3A_196 : memref<1x64xf32, #tpu.memory_space<hbm>>) target(%dma_start3A_194 : memref<1x64xf32, #tpu.memory_space<vmem>>) target_semaphore(%arg9 : memref<!tpu.dma_semaphore, #tpu.memory_space<semaphore_mem>>)
            %slice3A_197 = vector.extract_strided_slice %get3A_72 {offsets = [9], sizes = [1], strides = [1]} : vector<16xi32> to vector<1xi32>
            %squeeze3A_198 = vector.extract %slice3A_197[0] : i32 from vector<1xi32>
            %mul3A_199 = arith.constant 16 : i32
            %mul3A_200 = arith.muli %scan3A_65, %mul3A_199 : i32
            %add3A_201 = arith.constant 9 : i32
            %add3A_202 = arith.addi %mul3A_200, %add3A_201 : i32
            %dma_start3A_203 = arith.constant 0 : i32
            %dma_start3A_204 = tpu.memref_slice %arg7[%add3A_202, %dma_start3A_203] : memref<256x64xf32, #tpu.memory_space<vmem>> -> memref<1x64xf32, #tpu.memory_space<vmem>>
            %dma_start3A_205 = arith.constant 0 : i32
            %dma_start3A_206 = tpu.memref_slice %arg3[%squeeze3A_198, %dma_start3A_205] : memref<1000000x64xf32, #tpu.memory_space<hbm>> -> memref<1x64xf32, #tpu.memory_space<hbm>>
            %dma_start3A_207 = arith.constant 0 : i32
            %dma_start3A_208 = tpu.memref_slice %arg7[%add3A_202, %dma_start3A_207] : memref<256x64xf32, #tpu.memory_space<vmem>> -> memref<1x64xf32, #tpu.memory_space<vmem>>
            %dma_start3A_209 = arith.constant 0 : i32
            %dma_start3A_210 = tpu.memref_slice %arg3[%squeeze3A_198, %dma_start3A_209] : memref<1000000x64xf32, #tpu.memory_space<hbm>> -> memref<1x64xf32, #tpu.memory_space<hbm>>
            tpu.enqueue_dma source(%dma_start3A_210 : memref<1x64xf32, #tpu.memory_space<hbm>>) target(%dma_start3A_208 : memref<1x64xf32, #tpu.memory_space<vmem>>) target_semaphore(%arg9 : memref<!tpu.dma_semaphore, #tpu.memory_space<semaphore_mem>>)
            %slice3A_211 = vector.extract_strided_slice %get3A_72 {offsets = [10], sizes = [1], strides = [1]} : vector<16xi32> to vector<1xi32>
            %squeeze3A_212 = vector.extract %slice3A_211[0] : i32 from vector<1xi32>
            %mul3A_213 = arith.constant 16 : i32
            %mul3A_214 = arith.muli %scan3A_65, %mul3A_213 : i32
            %add3A_215 = arith.constant 10 : i32
            %add3A_216 = arith.addi %mul3A_214, %add3A_215 : i32
            %dma_start3A_217 = arith.constant 0 : i32
            %dma_start3A_218 = tpu.memref_slice %arg7[%add3A_216, %dma_start3A_217] : memref<256x64xf32, #tpu.memory_space<vmem>> -> memref<1x64xf32, #tpu.memory_space<vmem>>
            %dma_start3A_219 = arith.constant 0 : i32
            %dma_start3A_220 = tpu.memref_slice %arg3[%squeeze3A_212, %dma_start3A_219] : memref<1000000x64xf32, #tpu.memory_space<hbm>> -> memref<1x64xf32, #tpu.memory_space<hbm>>
            %dma_start3A_221 = arith.constant 0 : i32
            %dma_start3A_222 = tpu.memref_slice %arg7[%add3A_216, %dma_start3A_221] : memref<256x64xf32, #tpu.memory_space<vmem>> -> memref<1x64xf32, #tpu.memory_space<vmem>>
            %dma_start3A_223 = arith.constant 0 : i32
            %dma_start3A_224 = tpu.memref_slice %arg3[%squeeze3A_212, %dma_start3A_223] : memref<1000000x64xf32, #tpu.memory_space<hbm>> -> memref<1x64xf32, #tpu.memory_space<hbm>>
            tpu.enqueue_dma source(%dma_start3A_224 : memref<1x64xf32, #tpu.memory_space<hbm>>) target(%dma_start3A_222 : memref<1x64xf32, #tpu.memory_space<vmem>>) target_semaphore(%arg9 : memref<!tpu.dma_semaphore, #tpu.memory_space<semaphore_mem>>)
            %slice3A_225 = vector.extract_strided_slice %get3A_72 {offsets = [11], sizes = [1], strides = [1]} : vector<16xi32> to vector<1xi32>
            %squeeze3A_226 = vector.extract %slice3A_225[0] : i32 from vector<1xi32>
            %mul3A_227 = arith.constant 16 : i32
            %mul3A_228 = arith.muli %scan3A_65, %mul3A_227 : i32
            %add3A_229 = arith.constant 11 : i32
            %add3A_230 = arith.addi %mul3A_228, %add3A_229 : i32
            %dma_start3A_231 = arith.constant 0 : i32
            %dma_start3A_232 = tpu.memref_slice %arg7[%add3A_230, %dma_start3A_231] : memref<256x64xf32, #tpu.memory_space<vmem>> -> memref<1x64xf32, #tpu.memory_space<vmem>>
            %dma_start3A_233 = arith.constant 0 : i32
            %dma_start3A_234 = tpu.memref_slice %arg3[%squeeze3A_226, %dma_start3A_233] : memref<1000000x64xf32, #tpu.memory_space<hbm>> -> memref<1x64xf32, #tpu.memory_space<hbm>>
            %dma_start3A_235 = arith.constant 0 : i32
            %dma_start3A_236 = tpu.memref_slice %arg7[%add3A_230, %dma_start3A_235] : memref<256x64xf32, #tpu.memory_space<vmem>> -> memref<1x64xf32, #tpu.memory_space<vmem>>
            %dma_start3A_237 = arith.constant 0 : i32
            %dma_start3A_238 = tpu.memref_slice %arg3[%squeeze3A_226, %dma_start3A_237] : memref<1000000x64xf32, #tpu.memory_space<hbm>> -> memref<1x64xf32, #tpu.memory_space<hbm>>
            tpu.enqueue_dma source(%dma_start3A_238 : memref<1x64xf32, #tpu.memory_space<hbm>>) target(%dma_start3A_236 : memref<1x64xf32, #tpu.memory_space<vmem>>) target_semaphore(%arg9 : memref<!tpu.dma_semaphore, #tpu.memory_space<semaphore_mem>>)
            %slice3A_239 = vector.extract_strided_slice %get3A_72 {offsets = [12], sizes = [1], strides = [1]} : vector<16xi32> to vector<1xi32>
            %squeeze3A_240 = vector.extract %slice3A_239[0] : i32 from vector<1xi32>
            %mul3A_241 = arith.constant 16 : i32
            %mul3A_242 = arith.muli %scan3A_65, %mul3A_241 : i32
            %add3A_243 = arith.constant 12 : i32
            %add3A_244 = arith.addi %mul3A_242, %add3A_243 : i32
            %dma_start3A_245 = arith.constant 0 : i32
            %dma_start3A_246 = tpu.memref_slice %arg7[%add3A_244, %dma_start3A_245] : memref<256x64xf32, #tpu.memory_space<vmem>> -> memref<1x64xf32, #tpu.memory_space<vmem>>
            %dma_start3A_247 = arith.constant 0 : i32
            %dma_start3A_248 = tpu.memref_slice %arg3[%squeeze3A_240, %dma_start3A_247] : memref<1000000x64xf32, #tpu.memory_space<hbm>> -> memref<1x64xf32, #tpu.memory_space<hbm>>
            %dma_start3A_249 = arith.constant 0 : i32
            %dma_start3A_250 = tpu.memref_slice %arg7[%add3A_244, %dma_start3A_249] : memref<256x64xf32, #tpu.memory_space<vmem>> -> memref<1x64xf32, #tpu.memory_space<vmem>>
            %dma_start3A_251 = arith.constant 0 : i32
            %dma_start3A_252 = tpu.memref_slice %arg3[%squeeze3A_240, %dma_start3A_251] : memref<1000000x64xf32, #tpu.memory_space<hbm>> -> memref<1x64xf32, #tpu.memory_space<hbm>>
            tpu.enqueue_dma source(%dma_start3A_252 : memref<1x64xf32, #tpu.memory_space<hbm>>) target(%dma_start3A_250 : memref<1x64xf32, #tpu.memory_space<vmem>>) target_semaphore(%arg9 : memref<!tpu.dma_semaphore, #tpu.memory_space<semaphore_mem>>)
            %slice3A_253 = vector.extract_strided_slice %get3A_72 {offsets = [13], sizes = [1], strides = [1]} : vector<16xi32> to vector<1xi32>
            %squeeze3A_254 = vector.extract %slice3A_253[0] : i32 from vector<1xi32>
            %mul3A_255 = arith.constant 16 : i32
            %mul3A_256 = arith.muli %scan3A_65, %mul3A_255 : i32
            %add3A_257 = arith.constant 13 : i32
            %add3A_258 = arith.addi %mul3A_256, %add3A_257 : i32
            %dma_start3A_259 = arith.constant 0 : i32
            %dma_start3A_260 = tpu.memref_slice %arg7[%add3A_258, %dma_start3A_259] : memref<256x64xf32, #tpu.memory_space<vmem>> -> memref<1x64xf32, #tpu.memory_space<vmem>>
            %dma_start3A_261 = arith.constant 0 : i32
            %dma_start3A_262 = tpu.memref_slice %arg3[%squeeze3A_254, %dma_start3A_261] : memref<1000000x64xf32, #tpu.memory_space<hbm>> -> memref<1x64xf32, #tpu.memory_space<hbm>>
            %dma_start3A_263 = arith.constant 0 : i32
            %dma_start3A_264 = tpu.memref_slice %arg7[%add3A_258, %dma_start3A_263] : memref<256x64xf32, #tpu.memory_space<vmem>> -> memref<1x64xf32, #tpu.memory_space<vmem>>
            %dma_start3A_265 = arith.constant 0 : i32
            %dma_start3A_266 = tpu.memref_slice %arg3[%squeeze3A_254, %dma_start3A_265] : memref<1000000x64xf32, #tpu.memory_space<hbm>> -> memref<1x64xf32, #tpu.memory_space<hbm>>
            tpu.enqueue_dma source(%dma_start3A_266 : memref<1x64xf32, #tpu.memory_space<hbm>>) target(%dma_start3A_264 : memref<1x64xf32, #tpu.memory_space<vmem>>) target_semaphore(%arg9 : memref<!tpu.dma_semaphore, #tpu.memory_space<semaphore_mem>>)
            %slice3A_267 = vector.extract_strided_slice %get3A_72 {offsets = [14], sizes = [1], strides = [1]} : vector<16xi32> to vector<1xi32>
            %squeeze3A_268 = vector.extract %slice3A_267[0] : i32 from vector<1xi32>
            %mul3A_269 = arith.constant 16 : i32
            %mul3A_270 = arith.muli %scan3A_65, %mul3A_269 : i32
            %add3A_271 = arith.constant 14 : i32
            %add3A_272 = arith.addi %mul3A_270, %add3A_271 : i32
            %dma_start3A_273 = arith.constant 0 : i32
            %dma_start3A_274 = tpu.memref_slice %arg7[%add3A_272, %dma_start3A_273] : memref<256x64xf32, #tpu.memory_space<vmem>> -> memref<1x64xf32, #tpu.memory_space<vmem>>
            %dma_start3A_275 = arith.constant 0 : i32
            %dma_start3A_276 = tpu.memref_slice %arg3[%squeeze3A_268, %dma_start3A_275] : memref<1000000x64xf32, #tpu.memory_space<hbm>> -> memref<1x64xf32, #tpu.memory_space<hbm>>
            %dma_start3A_277 = arith.constant 0 : i32
            %dma_start3A_278 = tpu.memref_slice %arg7[%add3A_272, %dma_start3A_277] : memref<256x64xf32, #tpu.memory_space<vmem>> -> memref<1x64xf32, #tpu.memory_space<vmem>>
            %dma_start3A_279 = arith.constant 0 : i32
            %dma_start3A_280 = tpu.memref_slice %arg3[%squeeze3A_268, %dma_start3A_279] : memref<1000000x64xf32, #tpu.memory_space<hbm>> -> memref<1x64xf32, #tpu.memory_space<hbm>>
            tpu.enqueue_dma source(%dma_start3A_280 : memref<1x64xf32, #tpu.memory_space<hbm>>) target(%dma_start3A_278 : memref<1x64xf32, #tpu.memory_space<vmem>>) target_semaphore(%arg9 : memref<!tpu.dma_semaphore, #tpu.memory_space<semaphore_mem>>)
            %slice3A_281 = vector.extract_strided_slice %get3A_72 {offsets = [15], sizes = [1], strides = [1]} : vector<16xi32> to vector<1xi32>
            %squeeze3A_282 = vector.extract %slice3A_281[0] : i32 from vector<1xi32>
            %mul3A_283 = arith.constant 16 : i32
            %mul3A_284 = arith.muli %scan3A_65, %mul3A_283 : i32
            %add3A_285 = arith.constant 15 : i32
            %add3A_286 = arith.addi %mul3A_284, %add3A_285 : i32
            %dma_start3A_287 = arith.constant 0 : i32
            %dma_start3A_288 = tpu.memref_slice %arg7[%add3A_286, %dma_start3A_287] : memref<256x64xf32, #tpu.memory_space<vmem>> -> memref<1x64xf32, #tpu.memory_space<vmem>>
            %dma_start3A_289 = arith.constant 0 : i32
            %dma_start3A_290 = tpu.memref_slice %arg3[%squeeze3A_282, %dma_start3A_289] : memref<1000000x64xf32, #tpu.memory_space<hbm>> -> memref<1x64xf32, #tpu.memory_space<hbm>>
            %dma_start3A_291 = arith.constant 0 : i32
            %dma_start3A_292 = tpu.memref_slice %arg7[%add3A_286, %dma_start3A_291] : memref<256x64xf32, #tpu.memory_space<vmem>> -> memref<1x64xf32, #tpu.memory_space<vmem>>
            %dma_start3A_293 = arith.constant 0 : i32
            %dma_start3A_294 = tpu.memref_slice %arg3[%squeeze3A_282, %dma_start3A_293] : memref<1000000x64xf32, #tpu.memory_space<hbm>> -> memref<1x64xf32, #tpu.memory_space<hbm>>
            tpu.enqueue_dma source(%dma_start3A_294 : memref<1x64xf32, #tpu.memory_space<hbm>>) target(%dma_start3A_292 : memref<1x64xf32, #tpu.memory_space<vmem>>) target_semaphore(%arg9 : memref<!tpu.dma_semaphore, #tpu.memory_space<semaphore_mem>>)
            %scan3A_295 = arith.constant 1 : i32
            %scan3A_296 = arith.addi %scan3A_65, %scan3A_295 : i32
            %mul3A_297 = arith.constant 256 : i32
            %mul3A_298 = arith.muli %add3A_58, %mul3A_297 : i32
            %mul3A_299 = arith.constant 16 : i32
            %mul3A_300 = arith.muli %scan3A_296, %mul3A_299 : i32
            %add3A_301 = arith.addi %mul3A_298, %mul3A_300 : i32
            %get3A_302 = arith.index_cast %add3A_301 : i32 to index
            %get3A_303 = tpu.vector_load %arg5[%get3A_302] {strides = array<i32>} : memref<6400xi32, #tpu.memory_space<vmem>>, vector<16xi32>,
            %get3A_304 = vector.shape_cast %get3A_303 : vector<16xi32> to vector<16xi32>
            %slice3A_305 = vector.extract_strided_slice %get3A_304 {offsets = [0], sizes = [1], strides = [1]} : vector<16xi32> to vector<1xi32>
            %squeeze3A_306 = vector.extract %slice3A_305[0] : i32 from vector<1xi32>
            %mul3A_307 = arith.constant 16 : i32
            %mul3A_308 = arith.muli %scan3A_296, %mul3A_307 : i32
            %add3A_309 = arith.constant 0 : i32
            %add3A_310 = arith.addi %mul3A_308, %add3A_309 : i32
            %dma_start3A_311 = arith.constant 0 : i32
            %dma_start3A_312 = tpu.memref_slice %arg7[%add3A_310, %dma_start3A_311] : memref<256x64xf32, #tpu.memory_space<vmem>> -> memref<1x64xf32, #tpu.memory_space<vmem>>
            %dma_start3A_313 = arith.constant 0 : i32
            %dma_start3A_314 = tpu.memref_slice %arg3[%squeeze3A_306, %dma_start3A_313] : memref<1000000x64xf32, #tpu.memory_space<hbm>> -> memref<1x64xf32, #tpu.memory_space<hbm>>
            %dma_start3A_315 = arith.constant 0 : i32
            %dma_start3A_316 = tpu.memref_slice %arg7[%add3A_310, %dma_start3A_315] : memref<256x64xf32, #tpu.memory_space<vmem>> -> memref<1x64xf32, #tpu.memory_space<vmem>>
            %dma_start3A_317 = arith.constant 0 : i32
            %dma_start3A_318 = tpu.memref_slice %arg3[%squeeze3A_306, %dma_start3A_317] : memref<1000000x64xf32, #tpu.memory_space<hbm>> -> memref<1x64xf32, #tpu.memory_space<hbm>>
            tpu.enqueue_dma source(%dma_start3A_318 : memref<1x64xf32, #tpu.memory_space<hbm>>) target(%dma_start3A_316 : memref<1x64xf32, #tpu.memory_space<vmem>>) target_semaphore(%arg9 : memref<!tpu.dma_semaphore, #tpu.memory_space<semaphore_mem>>)
            %slice3A_319 = vector.extract_strided_slice %get3A_304 {offsets = [1], sizes = [1], strides = [1]} : vector<16xi32> to vector<1xi32>
            %squeeze3A_320 = vector.extract %slice3A_319[0] : i32 from vector<1xi32>
            %mul3A_321 = arith.constant 16 : i32
            %mul3A_322 = arith.muli %scan3A_296, %mul3A_321 : i32
            %add3A_323 = arith.constant 1 : i32
            %add3A_324 = arith.addi %mul3A_322, %add3A_323 : i32
            %dma_start3A_325 = arith.constant 0 : i32
            %dma_start3A_326 = tpu.memref_slice %arg7[%add3A_324, %dma_start3A_325] : memref<256x64xf32, #tpu.memory_space<vmem>> -> memref<1x64xf32, #tpu.memory_space<vmem>>
            %dma_start3A_327 = arith.constant 0 : i32
            %dma_start3A_328 = tpu.memref_slice %arg3[%squeeze3A_320, %dma_start3A_327] : memref<1000000x64xf32, #tpu.memory_space<hbm>> -> memref<1x64xf32, #tpu.memory_space<hbm>>
            %dma_start3A_329 = arith.constant 0 : i32
            %dma_start3A_330 = tpu.memref_slice %arg7[%add3A_324, %dma_start3A_329] : memref<256x64xf32, #tpu.memory_space<vmem>> -> memref<1x64xf32, #tpu.memory_space<vmem>>
            %dma_start3A_331 = arith.constant 0 : i32
            %dma_start3A_332 = tpu.memref_slice %arg3[%squeeze3A_320, %dma_start3A_331] : memref<1000000x64xf32, #tpu.memory_space<hbm>> -> memref<1x64xf32, #tpu.memory_space<hbm>>
            tpu.enqueue_dma source(%dma_start3A_332 : memref<1x64xf32, #tpu.memory_space<hbm>>) target(%dma_start3A_330 : memref<1x64xf32, #tpu.memory_space<vmem>>) target_semaphore(%arg9 : memref<!tpu.dma_semaphore, #tpu.memory_space<semaphore_mem>>)
            %slice3A_333 = vector.extract_strided_slice %get3A_304 {offsets = [2], sizes = [1], strides = [1]} : vector<16xi32> to vector<1xi32>
            %squeeze3A_334 = vector.extract %slice3A_333[0] : i32 from vector<1xi32>
            %mul3A_335 = arith.constant 16 : i32
            %mul3A_336 = arith.muli %scan3A_296, %mul3A_335 : i32
            %add3A_337 = arith.constant 2 : i32
            %add3A_338 = arith.addi %mul3A_336, %add3A_337 : i32
            %dma_start3A_339 = arith.constant 0 : i32
            %dma_start3A_340 = tpu.memref_slice %arg7[%add3A_338, %dma_start3A_339] : memref<256x64xf32, #tpu.memory_space<vmem>> -> memref<1x64xf32, #tpu.memory_space<vmem>>
            %dma_start3A_341 = arith.constant 0 : i32
            %dma_start3A_342 = tpu.memref_slice %arg3[%squeeze3A_334, %dma_start3A_341] : memref<1000000x64xf32, #tpu.memory_space<hbm>> -> memref<1x64xf32, #tpu.memory_space<hbm>>
            %dma_start3A_343 = arith.constant 0 : i32
            %dma_start3A_344 = tpu.memref_slice %arg7[%add3A_338, %dma_start3A_343] : memref<256x64xf32, #tpu.memory_space<vmem>> -> memref<1x64xf32, #tpu.memory_space<vmem>>
            %dma_start3A_345 = arith.constant 0 : i32
            %dma_start3A_346 = tpu.memref_slice %arg3[%squeeze3A_334, %dma_start3A_345] : memref<1000000x64xf32, #tpu.memory_space<hbm>> -> memref<1x64xf32, #tpu.memory_space<hbm>>
            tpu.enqueue_dma source(%dma_start3A_346 : memref<1x64xf32, #tpu.memory_space<hbm>>) target(%dma_start3A_344 : memref<1x64xf32, #tpu.memory_space<vmem>>) target_semaphore(%arg9 : memref<!tpu.dma_semaphore, #tpu.memory_space<semaphore_mem>>)
            %slice3A_347 = vector.extract_strided_slice %get3A_304 {offsets = [3], sizes = [1], strides = [1]} : vector<16xi32> to vector<1xi32>
            %squeeze3A_348 = vector.extract %slice3A_347[0] : i32 from vector<1xi32>
            %mul3A_349 = arith.constant 16 : i32
            %mul3A_350 = arith.muli %scan3A_296, %mul3A_349 : i32
            %add3A_351 = arith.constant 3 : i32
            %add3A_352 = arith.addi %mul3A_350, %add3A_351 : i32
            %dma_start3A_353 = arith.constant 0 : i32
            %dma_start3A_354 = tpu.memref_slice %arg7[%add3A_352, %dma_start3A_353] : memref<256x64xf32, #tpu.memory_space<vmem>> -> memref<1x64xf32, #tpu.memory_space<vmem>>
            %dma_start3A_355 = arith.constant 0 : i32
            %dma_start3A_356 = tpu.memref_slice %arg3[%squeeze3A_348, %dma_start3A_355] : memref<1000000x64xf32, #tpu.memory_space<hbm>> -> memref<1x64xf32, #tpu.memory_space<hbm>>
            %dma_start3A_357 = arith.constant 0 : i32
            %dma_start3A_358 = tpu.memref_slice %arg7[%add3A_352, %dma_start3A_357] : memref<256x64xf32, #tpu.memory_space<vmem>> -> memref<1x64xf32, #tpu.memory_space<vmem>>
            %dma_start3A_359 = arith.constant 0 : i32
            %dma_start3A_360 = tpu.memref_slice %arg3[%squeeze3A_348, %dma_start3A_359] : memref<1000000x64xf32, #tpu.memory_space<hbm>> -> memref<1x64xf32, #tpu.memory_space<hbm>>
            tpu.enqueue_dma source(%dma_start3A_360 : memref<1x64xf32, #tpu.memory_space<hbm>>) target(%dma_start3A_358 : memref<1x64xf32, #tpu.memory_space<vmem>>) target_semaphore(%arg9 : memref<!tpu.dma_semaphore, #tpu.memory_space<semaphore_mem>>)
            %slice3A_361 = vector.extract_strided_slice %get3A_304 {offsets = [4], sizes = [1], strides = [1]} : vector<16xi32> to vector<1xi32>
            %squeeze3A_362 = vector.extract %slice3A_361[0] : i32 from vector<1xi32>
            %mul3A_363 = arith.constant 16 : i32
            %mul3A_364 = arith.muli %scan3A_296, %mul3A_363 : i32
            %add3A_365 = arith.constant 4 : i32
            %add3A_366 = arith.addi %mul3A_364, %add3A_365 : i32
            %dma_start3A_367 = arith.constant 0 : i32
            %dma_start3A_368 = tpu.memref_slice %arg7[%add3A_366, %dma_start3A_367] : memref<256x64xf32, #tpu.memory_space<vmem>> -> memref<1x64xf32, #tpu.memory_space<vmem>>
            %dma_start3A_369 = arith.constant 0 : i32
            %dma_start3A_370 = tpu.memref_slice %arg3[%squeeze3A_362, %dma_start3A_369] : memref<1000000x64xf32, #tpu.memory_space<hbm>> -> memref<1x64xf32, #tpu.memory_space<hbm>>
            %dma_start3A_371 = arith.constant 0 : i32
            %dma_start3A_372 = tpu.memref_slice %arg7[%add3A_366, %dma_start3A_371] : memref<256x64xf32, #tpu.memory_space<vmem>> -> memref<1x64xf32, #tpu.memory_space<vmem>>
            %dma_start3A_373 = arith.constant 0 : i32
            %dma_start3A_374 = tpu.memref_slice %arg3[%squeeze3A_362, %dma_start3A_373] : memref<1000000x64xf32, #tpu.memory_space<hbm>> -> memref<1x64xf32, #tpu.memory_space<hbm>>
            tpu.enqueue_dma source(%dma_start3A_374 : memref<1x64xf32, #tpu.memory_space<hbm>>) target(%dma_start3A_372 : memref<1x64xf32, #tpu.memory_space<vmem>>) target_semaphore(%arg9 : memref<!tpu.dma_semaphore, #tpu.memory_space<semaphore_mem>>)
            %slice3A_375 = vector.extract_strided_slice %get3A_304 {offsets = [5], sizes = [1], strides = [1]} : vector<16xi32> to vector<1xi32>
            %squeeze3A_376 = vector.extract %slice3A_375[0] : i32 from vector<1xi32>
            %mul3A_377 = arith.constant 16 : i32
            %mul3A_378 = arith.muli %scan3A_296, %mul3A_377 : i32
            %add3A_379 = arith.constant 5 : i32
            %add3A_380 = arith.addi %mul3A_378, %add3A_379 : i32
            %dma_start3A_381 = arith.constant 0 : i32
            %dma_start3A_382 = tpu.memref_slice %arg7[%add3A_380, %dma_start3A_381] : memref<256x64xf32, #tpu.memory_space<vmem>> -> memref<1x64xf32, #tpu.memory_space<vmem>>
            %dma_start3A_383 = arith.constant 0 : i32
            %dma_start3A_384 = tpu.memref_slice %arg3[%squeeze3A_376, %dma_start3A_383] : memref<1000000x64xf32, #tpu.memory_space<hbm>> -> memref<1x64xf32, #tpu.memory_space<hbm>>
            %dma_start3A_385 = arith.constant 0 : i32
            %dma_start3A_386 = tpu.memref_slice %arg7[%add3A_380, %dma_start3A_385] : memref<256x64xf32, #tpu.memory_space<vmem>> -> memref<1x64xf32, #tpu.memory_space<vmem>>
            %dma_start3A_387 = arith.constant 0 : i32
            %dma_start3A_388 = tpu.memref_slice %arg3[%squeeze3A_376, %dma_start3A_387] : memref<1000000x64xf32, #tpu.memory_space<hbm>> -> memref<1x64xf32, #tpu.memory_space<hbm>>
            tpu.enqueue_dma source(%dma_start3A_388 : memref<1x64xf32, #tpu.memory_space<hbm>>) target(%dma_start3A_386 : memref<1x64xf32, #tpu.memory_space<vmem>>) target_semaphore(%arg9 : memref<!tpu.dma_semaphore, #tpu.memory_space<semaphore_mem>>)
            %slice3A_389 = vector.extract_strided_slice %get3A_304 {offsets = [6], sizes = [1], strides = [1]} : vector<16xi32> to vector<1xi32>
            %squeeze3A_390 = vector.extract %slice3A_389[0] : i32 from vector<1xi32>
            %mul3A_391 = arith.constant 16 : i32
            %mul3A_392 = arith.muli %scan3A_296, %mul3A_391 : i32
            %add3A_393 = arith.constant 6 : i32
            %add3A_394 = arith.addi %mul3A_392, %add3A_393 : i32
            %dma_start3A_395 = arith.constant 0 : i32
            %dma_start3A_396 = tpu.memref_slice %arg7[%add3A_394, %dma_start3A_395] : memref<256x64xf32, #tpu.memory_space<vmem>> -> memref<1x64xf32, #tpu.memory_space<vmem>>
            %dma_start3A_397 = arith.constant 0 : i32
            %dma_start3A_398 = tpu.memref_slice %arg3[%squeeze3A_390, %dma_start3A_397] : memref<1000000x64xf32, #tpu.memory_space<hbm>> -> memref<1x64xf32, #tpu.memory_space<hbm>>
            %dma_start3A_399 = arith.constant 0 : i32
            %dma_start3A_400 = tpu.memref_slice %arg7[%add3A_394, %dma_start3A_399] : memref<256x64xf32, #tpu.memory_space<vmem>> -> memref<1x64xf32, #tpu.memory_space<vmem>>
            %dma_start3A_401 = arith.constant 0 : i32
            %dma_start3A_402 = tpu.memref_slice %arg3[%squeeze3A_390, %dma_start3A_401] : memref<1000000x64xf32, #tpu.memory_space<hbm>> -> memref<1x64xf32, #tpu.memory_space<hbm>>
            tpu.enqueue_dma source(%dma_start3A_402 : memref<1x64xf32, #tpu.memory_space<hbm>>) target(%dma_start3A_400 : memref<1x64xf32, #tpu.memory_space<vmem>>) target_semaphore(%arg9 : memref<!tpu.dma_semaphore, #tpu.memory_space<semaphore_mem>>)
            %slice3A_403 = vector.extract_strided_slice %get3A_304 {offsets = [7], sizes = [1], strides = [1]} : vector<16xi32> to vector<1xi32>
            %squeeze3A_404 = vector.extract %slice3A_403[0] : i32 from vector<1xi32>
            %mul3A_405 = arith.constant 16 : i32
            %mul3A_406 = arith.muli %scan3A_296, %mul3A_405 : i32
            %add3A_407 = arith.constant 7 : i32
            %add3A_408 = arith.addi %mul3A_406, %add3A_407 : i32
            %dma_start3A_409 = arith.constant 0 : i32
            %dma_start3A_410 = tpu.memref_slice %arg7[%add3A_408, %dma_start3A_409] : memref<256x64xf32, #tpu.memory_space<vmem>> -> memref<1x64xf32, #tpu.memory_space<vmem>>
            %dma_start3A_411 = arith.constant 0 : i32
            %dma_start3A_412 = tpu.memref_slice %arg3[%squeeze3A_404, %dma_start3A_411] : memref<1000000x64xf32, #tpu.memory_space<hbm>> -> memref<1x64xf32, #tpu.memory_space<hbm>>
            %dma_start3A_413 = arith.constant 0 : i32
            %dma_start3A_414 = tpu.memref_slice %arg7[%add3A_408, %dma_start3A_413] : memref<256x64xf32, #tpu.memory_space<vmem>> -> memref<1x64xf32, #tpu.memory_space<vmem>>
            %dma_start3A_415 = arith.constant 0 : i32
            %dma_start3A_416 = tpu.memref_slice %arg3[%squeeze3A_404, %dma_start3A_415] : memref<1000000x64xf32, #tpu.memory_space<hbm>> -> memref<1x64xf32, #tpu.memory_space<hbm>>
            tpu.enqueue_dma source(%dma_start3A_416 : memref<1x64xf32, #tpu.memory_space<hbm>>) target(%dma_start3A_414 : memref<1x64xf32, #tpu.memory_space<vmem>>) target_semaphore(%arg9 : memref<!tpu.dma_semaphore, #tpu.memory_space<semaphore_mem>>)
            %slice3A_417 = vector.extract_strided_slice %get3A_304 {offsets = [8], sizes = [1], strides = [1]} : vector<16xi32> to vector<1xi32>
            %squeeze3A_418 = vector.extract %slice3A_417[0] : i32 from vector<1xi32>
            %mul3A_419 = arith.constant 16 : i32
            %mul3A_420 = arith.muli %scan3A_296, %mul3A_419 : i32
            %add3A_421 = arith.constant 8 : i32
            %add3A_422 = arith.addi %mul3A_420, %add3A_421 : i32
            %dma_start3A_423 = arith.constant 0 : i32
            %dma_start3A_424 = tpu.memref_slice %arg7[%add3A_422, %dma_start3A_423] : memref<256x64xf32, #tpu.memory_space<vmem>> -> memref<1x64xf32, #tpu.memory_space<vmem>>
            %dma_start3A_425 = arith.constant 0 : i32
            %dma_start3A_426 = tpu.memref_slice %arg3[%squeeze3A_418, %dma_start3A_425] : memref<1000000x64xf32, #tpu.memory_space<hbm>> -> memref<1x64xf32, #tpu.memory_space<hbm>>
            %dma_start3A_427 = arith.constant 0 : i32
            %dma_start3A_428 = tpu.memref_slice %arg7[%add3A_422, %dma_start3A_427] : memref<256x64xf32, #tpu.memory_space<vmem>> -> memref<1x64xf32, #tpu.memory_space<vmem>>
            %dma_start3A_429 = arith.constant 0 : i32
            %dma_start3A_430 = tpu.memref_slice %arg3[%squeeze3A_418, %dma_start3A_429] : memref<1000000x64xf32, #tpu.memory_space<hbm>> -> memref<1x64xf32, #tpu.memory_space<hbm>>
            tpu.enqueue_dma source(%dma_start3A_430 : memref<1x64xf32, #tpu.memory_space<hbm>>) target(%dma_start3A_428 : memref<1x64xf32, #tpu.memory_space<vmem>>) target_semaphore(%arg9 : memref<!tpu.dma_semaphore, #tpu.memory_space<semaphore_mem>>)
            %slice3A_431 = vector.extract_strided_slice %get3A_304 {offsets = [9], sizes = [1], strides = [1]} : vector<16xi32> to vector<1xi32>
            %squeeze3A_432 = vector.extract %slice3A_431[0] : i32 from vector<1xi32>
            %mul3A_433 = arith.constant 16 : i32
            %mul3A_434 = arith.muli %scan3A_296, %mul3A_433 : i32
            %add3A_435 = arith.constant 9 : i32
            %add3A_436 = arith.addi %mul3A_434, %add3A_435 : i32
            %dma_start3A_437 = arith.constant 0 : i32
            %dma_start3A_438 = tpu.memref_slice %arg7[%add3A_436, %dma_start3A_437] : memref<256x64xf32, #tpu.memory_space<vmem>> -> memref<1x64xf32, #tpu.memory_space<vmem>>
            %dma_start3A_439 = arith.constant 0 : i32
            %dma_start3A_440 = tpu.memref_slice %arg3[%squeeze3A_432, %dma_start3A_439] : memref<1000000x64xf32, #tpu.memory_space<hbm>> -> memref<1x64xf32, #tpu.memory_space<hbm>>
            %dma_start3A_441 = arith.constant 0 : i32
            %dma_start3A_442 = tpu.memref_slice %arg7[%add3A_436, %dma_start3A_441] : memref<256x64xf32, #tpu.memory_space<vmem>> -> memref<1x64xf32, #tpu.memory_space<vmem>>
            %dma_start3A_443 = arith.constant 0 : i32
            %dma_start3A_444 = tpu.memref_slice %arg3[%squeeze3A_432, %dma_start3A_443] : memref<1000000x64xf32, #tpu.memory_space<hbm>> -> memref<1x64xf32, #tpu.memory_space<hbm>>
            tpu.enqueue_dma source(%dma_start3A_444 : memref<1x64xf32, #tpu.memory_space<hbm>>) target(%dma_start3A_442 : memref<1x64xf32, #tpu.memory_space<vmem>>) target_semaphore(%arg9 : memref<!tpu.dma_semaphore, #tpu.memory_space<semaphore_mem>>)
            %slice3A_445 = vector.extract_strided_slice %get3A_304 {offsets = [10], sizes = [1], strides = [1]} : vector<16xi32> to vector<1xi32>
            %squeeze3A_446 = vector.extract %slice3A_445[0] : i32 from vector<1xi32>
            %mul3A_447 = arith.constant 16 : i32
            %mul3A_448 = arith.muli %scan3A_296, %mul3A_447 : i32
            %add3A_449 = arith.constant 10 : i32
            %add3A_450 = arith.addi %mul3A_448, %add3A_449 : i32
            %dma_start3A_451 = arith.constant 0 : i32
            %dma_start3A_452 = tpu.memref_slice %arg7[%add3A_450, %dma_start3A_451] : memref<256x64xf32, #tpu.memory_space<vmem>> -> memref<1x64xf32, #tpu.memory_space<vmem>>
            %dma_start3A_453 = arith.constant 0 : i32
            %dma_start3A_454 = tpu.memref_slice %arg3[%squeeze3A_446, %dma_start3A_453] : memref<1000000x64xf32, #tpu.memory_space<hbm>> -> memref<1x64xf32, #tpu.memory_space<hbm>>
            %dma_start3A_455 = arith.constant 0 : i32
            %dma_start3A_456 = tpu.memref_slice %arg7[%add3A_450, %dma_start3A_455] : memref<256x64xf32, #tpu.memory_space<vmem>> -> memref<1x64xf32, #tpu.memory_space<vmem>>
            %dma_start3A_457 = arith.constant 0 : i32
            %dma_start3A_458 = tpu.memref_slice %arg3[%squeeze3A_446, %dma_start3A_457] : memref<1000000x64xf32, #tpu.memory_space<hbm>> -> memref<1x64xf32, #tpu.memory_space<hbm>>
            tpu.enqueue_dma source(%dma_start3A_458 : memref<1x64xf32, #tpu.memory_space<hbm>>) target(%dma_start3A_456 : memref<1x64xf32, #tpu.memory_space<vmem>>) target_semaphore(%arg9 : memref<!tpu.dma_semaphore, #tpu.memory_space<semaphore_mem>>)
            %slice3A_459 = vector.extract_strided_slice %get3A_304 {offsets = [11], sizes = [1], strides = [1]} : vector<16xi32> to vector<1xi32>
            %squeeze3A_460 = vector.extract %slice3A_459[0] : i32 from vector<1xi32>
            %mul3A_461 = arith.constant 16 : i32
            %mul3A_462 = arith.muli %scan3A_296, %mul3A_461 : i32
            %add3A_463 = arith.constant 11 : i32
            %add3A_464 = arith.addi %mul3A_462, %add3A_463 : i32
            %dma_start3A_465 = arith.constant 0 : i32
            %dma_start3A_466 = tpu.memref_slice %arg7[%add3A_464, %dma_start3A_465] : memref<256x64xf32, #tpu.memory_space<vmem>> -> memref<1x64xf32, #tpu.memory_space<vmem>>
            %dma_start3A_467 = arith.constant 0 : i32
            %dma_start3A_468 = tpu.memref_slice %arg3[%squeeze3A_460, %dma_start3A_467] : memref<1000000x64xf32, #tpu.memory_space<hbm>> -> memref<1x64xf32, #tpu.memory_space<hbm>>
            %dma_start3A_469 = arith.constant 0 : i32
            %dma_start3A_470 = tpu.memref_slice %arg7[%add3A_464, %dma_start3A_469] : memref<256x64xf32, #tpu.memory_space<vmem>> -> memref<1x64xf32, #tpu.memory_space<vmem>>
            %dma_start3A_471 = arith.constant 0 : i32
            %dma_start3A_472 = tpu.memref_slice %arg3[%squeeze3A_460, %dma_start3A_471] : memref<1000000x64xf32, #tpu.memory_space<hbm>> -> memref<1x64xf32, #tpu.memory_space<hbm>>
            tpu.enqueue_dma source(%dma_start3A_472 : memref<1x64xf32, #tpu.memory_space<hbm>>) target(%dma_start3A_470 : memref<1x64xf32, #tpu.memory_space<vmem>>) target_semaphore(%arg9 : memref<!tpu.dma_semaphore, #tpu.memory_space<semaphore_mem>>)
            %slice3A_473 = vector.extract_strided_slice %get3A_304 {offsets = [12], sizes = [1], strides = [1]} : vector<16xi32> to vector<1xi32>
            %squeeze3A_474 = vector.extract %slice3A_473[0] : i32 from vector<1xi32>
            %mul3A_475 = arith.constant 16 : i32
            %mul3A_476 = arith.muli %scan3A_296, %mul3A_475 : i32
            %add3A_477 = arith.constant 12 : i32
            %add3A_478 = arith.addi %mul3A_476, %add3A_477 : i32
            %dma_start3A_479 = arith.constant 0 : i32
            %dma_start3A_480 = tpu.memref_slice %arg7[%add3A_478, %dma_start3A_479] : memref<256x64xf32, #tpu.memory_space<vmem>> -> memref<1x64xf32, #tpu.memory_space<vmem>>
            %dma_start3A_481 = arith.constant 0 : i32
            %dma_start3A_482 = tpu.memref_slice %arg3[%squeeze3A_474, %dma_start3A_481] : memref<1000000x64xf32, #tpu.memory_space<hbm>> -> memref<1x64xf32, #tpu.memory_space<hbm>>
            %dma_start3A_483 = arith.constant 0 : i32
            %dma_start3A_484 = tpu.memref_slice %arg7[%add3A_478, %dma_start3A_483] : memref<256x64xf32, #tpu.memory_space<vmem>> -> memref<1x64xf32, #tpu.memory_space<vmem>>
            %dma_start3A_485 = arith.constant 0 : i32
            %dma_start3A_486 = tpu.memref_slice %arg3[%squeeze3A_474, %dma_start3A_485] : memref<1000000x64xf32, #tpu.memory_space<hbm>> -> memref<1x64xf32, #tpu.memory_space<hbm>>
            tpu.enqueue_dma source(%dma_start3A_486 : memref<1x64xf32, #tpu.memory_space<hbm>>) target(%dma_start3A_484 : memref<1x64xf32, #tpu.memory_space<vmem>>) target_semaphore(%arg9 : memref<!tpu.dma_semaphore, #tpu.memory_space<semaphore_mem>>)
            %slice3A_487 = vector.extract_strided_slice %get3A_304 {offsets = [13], sizes = [1], strides = [1]} : vector<16xi32> to vector<1xi32>
            %squeeze3A_488 = vector.extract %slice3A_487[0] : i32 from vector<1xi32>
            %mul3A_489 = arith.constant 16 : i32
            %mul3A_490 = arith.muli %scan3A_296, %mul3A_489 : i32
            %add3A_491 = arith.constant 13 : i32
            %add3A_492 = arith.addi %mul3A_490, %add3A_491 : i32
            %dma_start3A_493 = arith.constant 0 : i32
            %dma_start3A_494 = tpu.memref_slice %arg7[%add3A_492, %dma_start3A_493] : memref<256x64xf32, #tpu.memory_space<vmem>> -> memref<1x64xf32, #tpu.memory_space<vmem>>
            %dma_start3A_495 = arith.constant 0 : i32
            %dma_start3A_496 = tpu.memref_slice %arg3[%squeeze3A_488, %dma_start3A_495] : memref<1000000x64xf32, #tpu.memory_space<hbm>> -> memref<1x64xf32, #tpu.memory_space<hbm>>
            %dma_start3A_497 = arith.constant 0 : i32
            %dma_start3A_498 = tpu.memref_slice %arg7[%add3A_492, %dma_start3A_497] : memref<256x64xf32, #tpu.memory_space<vmem>> -> memref<1x64xf32, #tpu.memory_space<vmem>>
            %dma_start3A_499 = arith.constant 0 : i32
            %dma_start3A_500 = tpu.memref_slice %arg3[%squeeze3A_488, %dma_start3A_499] : memref<1000000x64xf32, #tpu.memory_space<hbm>> -> memref<1x64xf32, #tpu.memory_space<hbm>>
            tpu.enqueue_dma source(%dma_start3A_500 : memref<1x64xf32, #tpu.memory_space<hbm>>) target(%dma_start3A_498 : memref<1x64xf32, #tpu.memory_space<vmem>>) target_semaphore(%arg9 : memref<!tpu.dma_semaphore, #tpu.memory_space<semaphore_mem>>)
            %slice3A_501 = vector.extract_strided_slice %get3A_304 {offsets = [14], sizes = [1], strides = [1]} : vector<16xi32> to vector<1xi32>
            %squeeze3A_502 = vector.extract %slice3A_501[0] : i32 from vector<1xi32>
            %mul3A_503 = arith.constant 16 : i32
            %mul3A_504 = arith.muli %scan3A_296, %mul3A_503 : i32
            %add3A_505 = arith.constant 14 : i32
            %add3A_506 = arith.addi %mul3A_504, %add3A_505 : i32
            %dma_start3A_507 = arith.constant 0 : i32
            %dma_start3A_508 = tpu.memref_slice %arg7[%add3A_506, %dma_start3A_507] : memref<256x64xf32, #tpu.memory_space<vmem>> -> memref<1x64xf32, #tpu.memory_space<vmem>>
            %dma_start3A_509 = arith.constant 0 : i32
            %dma_start3A_510 = tpu.memref_slice %arg3[%squeeze3A_502, %dma_start3A_509] : memref<1000000x64xf32, #tpu.memory_space<hbm>> -> memref<1x64xf32, #tpu.memory_space<hbm>>
            %dma_start3A_511 = arith.constant 0 : i32
            %dma_start3A_512 = tpu.memref_slice %arg7[%add3A_506, %dma_start3A_511] : memref<256x64xf32, #tpu.memory_space<vmem>> -> memref<1x64xf32, #tpu.memory_space<vmem>>
            %dma_start3A_513 = arith.constant 0 : i32
            %dma_start3A_514 = tpu.memref_slice %arg3[%squeeze3A_502, %dma_start3A_513] : memref<1000000x64xf32, #tpu.memory_space<hbm>> -> memref<1x64xf32, #tpu.memory_space<hbm>>
            tpu.enqueue_dma source(%dma_start3A_514 : memref<1x64xf32, #tpu.memory_space<hbm>>) target(%dma_start3A_512 : memref<1x64xf32, #tpu.memory_space<vmem>>) target_semaphore(%arg9 : memref<!tpu.dma_semaphore, #tpu.memory_space<semaphore_mem>>)
            %slice3A_515 = vector.extract_strided_slice %get3A_304 {offsets = [15], sizes = [1], strides = [1]} : vector<16xi32> to vector<1xi32>
            %squeeze3A_516 = vector.extract %slice3A_515[0] : i32 from vector<1xi32>
            %mul3A_517 = arith.constant 16 : i32
            %mul3A_518 = arith.muli %scan3A_296, %mul3A_517 : i32
            %add3A_519 = arith.constant 15 : i32
            %add3A_520 = arith.addi %mul3A_518, %add3A_519 : i32
            %dma_start3A_521 = arith.constant 0 : i32
            %dma_start3A_522 = tpu.memref_slice %arg7[%add3A_520, %dma_start3A_521] : memref<256x64xf32, #tpu.memory_space<vmem>> -> memref<1x64xf32, #tpu.memory_space<vmem>>
            %dma_start3A_523 = arith.constant 0 : i32
            %dma_start3A_524 = tpu.memref_slice %arg3[%squeeze3A_516, %dma_start3A_523] : memref<1000000x64xf32, #tpu.memory_space<hbm>> -> memref<1x64xf32, #tpu.memory_space<hbm>>
            %dma_start3A_525 = arith.constant 0 : i32
            %dma_start3A_526 = tpu.memref_slice %arg7[%add3A_520, %dma_start3A_525] : memref<256x64xf32, #tpu.memory_space<vmem>> -> memref<1x64xf32, #tpu.memory_space<vmem>>
            %dma_start3A_527 = arith.constant 0 : i32
            %dma_start3A_528 = tpu.memref_slice %arg3[%squeeze3A_516, %dma_start3A_527] : memref<1000000x64xf32, #tpu.memory_space<hbm>> -> memref<1x64xf32, #tpu.memory_space<hbm>>
            tpu.enqueue_dma source(%dma_start3A_528 : memref<1x64xf32, #tpu.memory_space<hbm>>) target(%dma_start3A_526 : memref<1x64xf32, #tpu.memory_space<vmem>>) target_semaphore(%arg9 : memref<!tpu.dma_semaphore, #tpu.memory_space<semaphore_mem>>)
          }
          %scan3A_64 = arith.constant 16 : i32
        } else {
        }
        %dma_wait3A_35 = arith.constant 0 : i32
        %dma_wait3A_36 = arith.constant 0 : i32
        %dma_wait3A_37 = tpu.memref_slice %arg3[%dma_wait3A_35, %dma_wait3A_36] : memref<1000000x64xf32, #tpu.memory_space<hbm>> -> memref<256x64xf32, #tpu.memory_space<hbm>>
        %dma_wait3A_38 = arith.constant 0 : i32
        %dma_wait3A_39 = arith.constant 0 : i32
        %dma_wait3A_40 = tpu.memref_slice %arg3[%dma_wait3A_38, %dma_wait3A_39] : memref<1000000x64xf32, #tpu.memory_space<hbm>> -> memref<256x64xf32, #tpu.memory_space<hbm>>
        tpu.wait_dma2 semaphore(%arg8 : memref<!tpu.dma_semaphore, #tpu.memory_space<semaphore_mem>>) src(%dma_wait3A_40 : memref<256x64xf32, #tpu.memory_space<hbm>>) dst(%arg6 : memref<256x64xf32, #tpu.memory_space<vmem>>)
        %scan3A_41 = arith.constant 0 : i32
        %scan3A_42 = arith.constant 0 : i32
        %scan3A_43 = arith.constant 256 : i32
        %scan3A_44 = arith.addi %scan3A_42, %scan3A_43 : i32
        %scan3A_45 = arith.constant 4 : i32
        scf.for %scan3A_53 = %scan3A_42 to %scan3A_44 step %scan3A_45  : i32 {
          %get3A = arith.index_cast %scan3A_53 : i32 to index
          %get3A_54 = arith.constant 0 : index
          %get3A_55 = tpu.vector_load %arg6[%get3A, %get3A_54] {strides = array<i32>} : memref<256x64xf32, #tpu.memory_space<vmem>>, vector<1x16xf32>,
          %get3A_56 = vector.shape_cast %get3A_55 : vector<1x16xf32> to vector<16xf32>
          %mul3A_57 = arith.constant 8.000000e+00 : f32
          %mul3A_58 = vector.broadcast %mul3A_57 : f32 to vector<16xf32>
          %mul3A_59 = arith.mulf %get3A_56, %mul3A_58 : vector<16xf32>
          %swap3A = arith.index_cast %scan3A_53 : i32 to index
          %swap3A_60 = arith.constant 0 : index
          %swap3A_61 = tpu.vector_load %arg6[%swap3A, %swap3A_60] {strides = array<i32>} : memref<256x64xf32, #tpu.memory_space<vmem>>, vector<1x16xf32>,
          %swap3A_62 = vector.shape_cast %swap3A_61 : vector<1x16xf32> to vector<16xf32>
          %swap3A_63 = vector.shape_cast %mul3A_59 : vector<16xf32> to vector<1x16xf32>
          tpu.vector_store %arg6[%swap3A, %swap3A_60], %swap3A_63 {strides = array<i32>} : memref<256x64xf32, #tpu.memory_space<vmem>>, vector<1x16xf32>,
          %get3A_64 = arith.index_cast %scan3A_53 : i32 to index
          %get3A_65 = arith.constant 16 : index
          %get3A_66 = tpu.vector_load %arg6[%get3A_64, %get3A_65] {strides = array<i32>} : memref<256x64xf32, #tpu.memory_space<vmem>>, vector<1x16xf32>,
          %get3A_67 = vector.shape_cast %get3A_66 : vector<1x16xf32> to vector<16xf32>
          %mul3A_68 = arith.constant 8.000000e+00 : f32
          %mul3A_69 = vector.broadcast %mul3A_68 : f32 to vector<16xf32>
          %mul3A_70 = arith.mulf %get3A_67, %mul3A_69 : vector<16xf32>
          %swap3A_71 = arith.index_cast %scan3A_53 : i32 to index
          %swap3A_72 = arith.constant 16 : index
          %swap3A_73 = tpu.vector_load %arg6[%swap3A_71, %swap3A_72] {strides = array<i32>} : memref<256x64xf32, #tpu.memory_space<vmem>>, vector<1x16xf32>,
          %swap3A_74 = vector.shape_cast %swap3A_73 : vector<1x16xf32> to vector<16xf32>
          %swap3A_75 = vector.shape_cast %mul3A_70 : vector<16xf32> to vector<1x16xf32>
          tpu.vector_store %arg6[%swap3A_71, %swap3A_72], %swap3A_75 {strides = array<i32>} : memref<256x64xf32, #tpu.memory_space<vmem>>, vector<1x16xf32>,
          %get3A_76 = arith.index_cast %scan3A_53 : i32 to index
          %get3A_77 = arith.constant 32 : index
          %get3A_78 = tpu.vector_load %arg6[%get3A_76, %get3A_77] {strides = array<i32>} : memref<256x64xf32, #tpu.memory_space<vmem>>, vector<1x16xf32>,
          %get3A_79 = vector.shape_cast %get3A_78 : vector<1x16xf32> to vector<16xf32>
          %mul3A_80 = arith.constant 8.000000e+00 : f32
          %mul3A_81 = vector.broadcast %mul3A_80 : f32 to vector<16xf32>
          %mul3A_82 = arith.mulf %get3A_79, %mul3A_81 : vector<16xf32>
          %swap3A_83 = arith.index_cast %scan3A_53 : i32 to index
          %swap3A_84 = arith.constant 32 : index
          %swap3A_85 = tpu.vector_load %arg6[%swap3A_83, %swap3A_84] {strides = array<i32>} : memref<256x64xf32, #tpu.memory_space<vmem>>, vector<1x16xf32>,
          %swap3A_86 = vector.shape_cast %swap3A_85 : vector<1x16xf32> to vector<16xf32>
          %swap3A_87 = vector.shape_cast %mul3A_82 : vector<16xf32> to vector<1x16xf32>
          tpu.vector_store %arg6[%swap3A_83, %swap3A_84], %swap3A_87 {strides = array<i32>} : memref<256x64xf32, #tpu.memory_space<vmem>>, vector<1x16xf32>,
          %get3A_88 = arith.index_cast %scan3A_53 : i32 to index
          %get3A_89 = arith.constant 48 : index
          %get3A_90 = tpu.vector_load %arg6[%get3A_88, %get3A_89] {strides = array<i32>} : memref<256x64xf32, #tpu.memory_space<vmem>>, vector<1x16xf32>,
          %get3A_91 = vector.shape_cast %get3A_90 : vector<1x16xf32> to vector<16xf32>
          %mul3A_92 = arith.constant 8.000000e+00 : f32
          %mul3A_93 = vector.broadcast %mul3A_92 : f32 to vector<16xf32>
          %mul3A_94 = arith.mulf %get3A_91, %mul3A_93 : vector<16xf32>
          %swap3A_95 = arith.index_cast %scan3A_53 : i32 to index
          %swap3A_96 = arith.constant 48 : index
          %swap3A_97 = tpu.vector_load %arg6[%swap3A_95, %swap3A_96] {strides = array<i32>} : memref<256x64xf32, #tpu.memory_space<vmem>>, vector<1x16xf32>,
          %swap3A_98 = vector.shape_cast %swap3A_97 : vector<1x16xf32> to vector<16xf32>
          %swap3A_99 = vector.shape_cast %mul3A_94 : vector<16xf32> to vector<1x16xf32>
          tpu.vector_store %arg6[%swap3A_95, %swap3A_96], %swap3A_99 {strides = array<i32>} : memref<256x64xf32, #tpu.memory_space<vmem>>, vector<1x16xf32>,
          %scan3A_100 = arith.constant 1 : i32
          %scan3A_101 = arith.addi %scan3A_53, %scan3A_100 : i32
          %get3A_102 = arith.index_cast %scan3A_101 : i32 to index
          %get3A_103 = arith.constant 0 : index
          %get3A_104 = tpu.vector_load %arg6[%get3A_102, %get3A_103] {strides = array<i32>} : memref<256x64xf32, #tpu.memory_space<vmem>>, vector<1x16xf32>,
          %get3A_105 = vector.shape_cast %get3A_104 : vector<1x16xf32> to vector<16xf32>
          %mul3A_106 = arith.constant 8.000000e+00 : f32
          %mul3A_107 = vector.broadcast %mul3A_106 : f32 to vector<16xf32>
          %mul3A_108 = arith.mulf %get3A_105, %mul3A_107 : vector<16xf32>
          %swap3A_109 = arith.index_cast %scan3A_101 : i32 to index
          %swap3A_110 = arith.constant 0 : index
          %swap3A_111 = tpu.vector_load %arg6[%swap3A_109, %swap3A_110] {strides = array<i32>} : memref<256x64xf32, #tpu.memory_space<vmem>>, vector<1x16xf32>,
          %swap3A_112 = vector.shape_cast %swap3A_111 : vector<1x16xf32> to vector<16xf32>
          %swap3A_113 = vector.shape_cast %mul3A_108 : vector<16xf32> to vector<1x16xf32>
          tpu.vector_store %arg6[%swap3A_109, %swap3A_110], %swap3A_113 {strides = array<i32>} : memref<256x64xf32, #tpu.memory_space<vmem>>, vector<1x16xf32>,
          %get3A_114 = arith.index_cast %scan3A_101 : i32 to index
          %get3A_115 = arith.constant 16 : index
          %get3A_116 = tpu.vector_load %arg6[%get3A_114, %get3A_115] {strides = array<i32>} : memref<256x64xf32, #tpu.memory_space<vmem>>, vector<1x16xf32>,
          %get3A_117 = vector.shape_cast %get3A_116 : vector<1x16xf32> to vector<16xf32>
          %mul3A_118 = arith.constant 8.000000e+00 : f32
          %mul3A_119 = vector.broadcast %mul3A_118 : f32 to vector<16xf32>
          %mul3A_120 = arith.mulf %get3A_117, %mul3A_119 : vector<16xf32>
          %swap3A_121 = arith.index_cast %scan3A_101 : i32 to index
          %swap3A_122 = arith.constant 16 : index
          %swap3A_123 = tpu.vector_load %arg6[%swap3A_121, %swap3A_122] {strides = array<i32>} : memref<256x64xf32, #tpu.memory_space<vmem>>, vector<1x16xf32>,
          %swap3A_124 = vector.shape_cast %swap3A_123 : vector<1x16xf32> to vector<16xf32>
          %swap3A_125 = vector.shape_cast %mul3A_120 : vector<16xf32> to vector<1x16xf32>
          tpu.vector_store %arg6[%swap3A_121, %swap3A_122], %swap3A_125 {strides = array<i32>} : memref<256x64xf32, #tpu.memory_space<vmem>>, vector<1x16xf32>,
          %get3A_126 = arith.index_cast %scan3A_101 : i32 to index
          %get3A_127 = arith.constant 32 : index
          %get3A_128 = tpu.vector_load %arg6[%get3A_126, %get3A_127] {strides = array<i32>} : memref<256x64xf32, #tpu.memory_space<vmem>>, vector<1x16xf32>,
          %get3A_129 = vector.shape_cast %get3A_128 : vector<1x16xf32> to vector<16xf32>
          %mul3A_130 = arith.constant 8.000000e+00 : f32
          %mul3A_131 = vector.broadcast %mul3A_130 : f32 to vector<16xf32>
          %mul3A_132 = arith.mulf %get3A_129, %mul3A_131 : vector<16xf32>
          %swap3A_133 = arith.index_cast %scan3A_101 : i32 to index
          %swap3A_134 = arith.constant 32 : index
          %swap3A_135 = tpu.vector_load %arg6[%swap3A_133, %swap3A_134] {strides = array<i32>} : memref<256x64xf32, #tpu.memory_space<vmem>>, vector<1x16xf32>,
          %swap3A_136 = vector.shape_cast %swap3A_135 : vector<1x16xf32> to vector<16xf32>
          %swap3A_137 = vector.shape_cast %mul3A_132 : vector<16xf32> to vector<1x16xf32>
          tpu.vector_store %arg6[%swap3A_133, %swap3A_134], %swap3A_137 {strides = array<i32>} : memref<256x64xf32, #tpu.memory_space<vmem>>, vector<1x16xf32>,
          %get3A_138 = arith.index_cast %scan3A_101 : i32 to index
          %get3A_139 = arith.constant 48 : index
          %get3A_140 = tpu.vector_load %arg6[%get3A_138, %get3A_139] {strides = array<i32>} : memref<256x64xf32, #tpu.memory_space<vmem>>, vector<1x16xf32>,
          %get3A_141 = vector.shape_cast %get3A_140 : vector<1x16xf32> to vector<16xf32>
          %mul3A_142 = arith.constant 8.000000e+00 : f32
          %mul3A_143 = vector.broadcast %mul3A_142 : f32 to vector<16xf32>
          %mul3A_144 = arith.mulf %get3A_141, %mul3A_143 : vector<16xf32>
          %swap3A_145 = arith.index_cast %scan3A_101 : i32 to index
          %swap3A_146 = arith.constant 48 : index
          %swap3A_147 = tpu.vector_load %arg6[%swap3A_145, %swap3A_146] {strides = array<i32>} : memref<256x64xf32, #tpu.memory_space<vmem>>, vector<1x16xf32>,
          %swap3A_148 = vector.shape_cast %swap3A_147 : vector<1x16xf32> to vector<16xf32>
          %swap3A_149 = vector.shape_cast %mul3A_144 : vector<16xf32> to vector<1x16xf32>
          tpu.vector_store %arg6[%swap3A_145, %swap3A_146], %swap3A_149 {strides = array<i32>} : memref<256x64xf32, #tpu.memory_space<vmem>>, vector<1x16xf32>,
          %scan3A_150 = arith.constant 2 : i32
          %scan3A_151 = arith.addi %scan3A_53, %scan3A_150 : i32
          %get3A_152 = arith.index_cast %scan3A_151 : i32 to index
          %get3A_153 = arith.constant 0 : index
          %get3A_154 = tpu.vector_load %arg6[%get3A_152, %get3A_153] {strides = array<i32>} : memref<256x64xf32, #tpu.memory_space<vmem>>, vector<1x16xf32>,
          %get3A_155 = vector.shape_cast %get3A_154 : vector<1x16xf32> to vector<16xf32>
          %mul3A_156 = arith.constant 8.000000e+00 : f32
          %mul3A_157 = vector.broadcast %mul3A_156 : f32 to vector<16xf32>
          %mul3A_158 = arith.mulf %get3A_155, %mul3A_157 : vector<16xf32>
          %swap3A_159 = arith.index_cast %scan3A_151 : i32 to index
          %swap3A_160 = arith.constant 0 : index
          %swap3A_161 = tpu.vector_load %arg6[%swap3A_159, %swap3A_160] {strides = array<i32>} : memref<256x64xf32, #tpu.memory_space<vmem>>, vector<1x16xf32>,
          %swap3A_162 = vector.shape_cast %swap3A_161 : vector<1x16xf32> to vector<16xf32>
          %swap3A_163 = vector.shape_cast %mul3A_158 : vector<16xf32> to vector<1x16xf32>
          tpu.vector_store %arg6[%swap3A_159, %swap3A_160], %swap3A_163 {strides = array<i32>} : memref<256x64xf32, #tpu.memory_space<vmem>>, vector<1x16xf32>,
          %get3A_164 = arith.index_cast %scan3A_151 : i32 to index
          %get3A_165 = arith.constant 16 : index
          %get3A_166 = tpu.vector_load %arg6[%get3A_164, %get3A_165] {strides = array<i32>} : memref<256x64xf32, #tpu.memory_space<vmem>>, vector<1x16xf32>,
          %get3A_167 = vector.shape_cast %get3A_166 : vector<1x16xf32> to vector<16xf32>
          %mul3A_168 = arith.constant 8.000000e+00 : f32
          %mul3A_169 = vector.broadcast %mul3A_168 : f32 to vector<16xf32>
          %mul3A_170 = arith.mulf %get3A_167, %mul3A_169 : vector<16xf32>
          %swap3A_171 = arith.index_cast %scan3A_151 : i32 to index
          %swap3A_172 = arith.constant 16 : index
          %swap3A_173 = tpu.vector_load %arg6[%swap3A_171, %swap3A_172] {strides = array<i32>} : memref<256x64xf32, #tpu.memory_space<vmem>>, vector<1x16xf32>,
          %swap3A_174 = vector.shape_cast %swap3A_173 : vector<1x16xf32> to vector<16xf32>
          %swap3A_175 = vector.shape_cast %mul3A_170 : vector<16xf32> to vector<1x16xf32>
          tpu.vector_store %arg6[%swap3A_171, %swap3A_172], %swap3A_175 {strides = array<i32>} : memref<256x64xf32, #tpu.memory_space<vmem>>, vector<1x16xf32>,
          %get3A_176 = arith.index_cast %scan3A_151 : i32 to index
          %get3A_177 = arith.constant 32 : index
          %get3A_178 = tpu.vector_load %arg6[%get3A_176, %get3A_177] {strides = array<i32>} : memref<256x64xf32, #tpu.memory_space<vmem>>, vector<1x16xf32>,
          %get3A_179 = vector.shape_cast %get3A_178 : vector<1x16xf32> to vector<16xf32>
          %mul3A_180 = arith.constant 8.000000e+00 : f32
          %mul3A_181 = vector.broadcast %mul3A_180 : f32 to vector<16xf32>
          %mul3A_182 = arith.mulf %get3A_179, %mul3A_181 : vector<16xf32>
          %swap3A_183 = arith.index_cast %scan3A_151 : i32 to index
          %swap3A_184 = arith.constant 32 : index
          %swap3A_185 = tpu.vector_load %arg6[%swap3A_183, %swap3A_184] {strides = array<i32>} : memref<256x64xf32, #tpu.memory_space<vmem>>, vector<1x16xf32>,
          %swap3A_186 = vector.shape_cast %swap3A_185 : vector<1x16xf32> to vector<16xf32>
          %swap3A_187 = vector.shape_cast %mul3A_182 : vector<16xf32> to vector<1x16xf32>
          tpu.vector_store %arg6[%swap3A_183, %swap3A_184], %swap3A_187 {strides = array<i32>} : memref<256x64xf32, #tpu.memory_space<vmem>>, vector<1x16xf32>,
          %get3A_188 = arith.index_cast %scan3A_151 : i32 to index
          %get3A_189 = arith.constant 48 : index
          %get3A_190 = tpu.vector_load %arg6[%get3A_188, %get3A_189] {strides = array<i32>} : memref<256x64xf32, #tpu.memory_space<vmem>>, vector<1x16xf32>,
          %get3A_191 = vector.shape_cast %get3A_190 : vector<1x16xf32> to vector<16xf32>
          %mul3A_192 = arith.constant 8.000000e+00 : f32
          %mul3A_193 = vector.broadcast %mul3A_192 : f32 to vector<16xf32>
          %mul3A_194 = arith.mulf %get3A_191, %mul3A_193 : vector<16xf32>
          %swap3A_195 = arith.index_cast %scan3A_151 : i32 to index
          %swap3A_196 = arith.constant 48 : index
          %swap3A_197 = tpu.vector_load %arg6[%swap3A_195, %swap3A_196] {strides = array<i32>} : memref<256x64xf32, #tpu.memory_space<vmem>>, vector<1x16xf32>,
          %swap3A_198 = vector.shape_cast %swap3A_197 : vector<1x16xf32> to vector<16xf32>
          %swap3A_199 = vector.shape_cast %mul3A_194 : vector<16xf32> to vector<1x16xf32>
          tpu.vector_store %arg6[%swap3A_195, %swap3A_196], %swap3A_199 {strides = array<i32>} : memref<256x64xf32, #tpu.memory_space<vmem>>, vector<1x16xf32>,
          %scan3A_200 = arith.constant 3 : i32
          %scan3A_201 = arith.addi %scan3A_53, %scan3A_200 : i32
          %get3A_202 = arith.index_cast %scan3A_201 : i32 to index
          %get3A_203 = arith.constant 0 : index
          %get3A_204 = tpu.vector_load %arg6[%get3A_202, %get3A_203] {strides = array<i32>} : memref<256x64xf32, #tpu.memory_space<vmem>>, vector<1x16xf32>,
          %get3A_205 = vector.shape_cast %get3A_204 : vector<1x16xf32> to vector<16xf32>
          %mul3A_206 = arith.constant 8.000000e+00 : f32
          %mul3A_207 = vector.broadcast %mul3A_206 : f32 to vector<16xf32>
          %mul3A_208 = arith.mulf %get3A_205, %mul3A_207 : vector<16xf32>
          %swap3A_209 = arith.index_cast %scan3A_201 : i32 to index
          %swap3A_210 = arith.constant 0 : index
          %swap3A_211 = tpu.vector_load %arg6[%swap3A_209, %swap3A_210] {strides = array<i32>} : memref<256x64xf32, #tpu.memory_space<vmem>>, vector<1x16xf32>,
          %swap3A_212 = vector.shape_cast %swap3A_211 : vector<1x16xf32> to vector<16xf32>
          %swap3A_213 = vector.shape_cast %mul3A_208 : vector<16xf32> to vector<1x16xf32>
          tpu.vector_store %arg6[%swap3A_209, %swap3A_210], %swap3A_213 {strides = array<i32>} : memref<256x64xf32, #tpu.memory_space<vmem>>, vector<1x16xf32>,
          %get3A_214 = arith.index_cast %scan3A_201 : i32 to index
          %get3A_215 = arith.constant 16 : index
          %get3A_216 = tpu.vector_load %arg6[%get3A_214, %get3A_215] {strides = array<i32>} : memref<256x64xf32, #tpu.memory_space<vmem>>, vector<1x16xf32>,
          %get3A_217 = vector.shape_cast %get3A_216 : vector<1x16xf32> to vector<16xf32>
          %mul3A_218 = arith.constant 8.000000e+00 : f32
          %mul3A_219 = vector.broadcast %mul3A_218 : f32 to vector<16xf32>
          %mul3A_220 = arith.mulf %get3A_217, %mul3A_219 : vector<16xf32>
          %swap3A_221 = arith.index_cast %scan3A_201 : i32 to index
          %swap3A_222 = arith.constant 16 : index
          %swap3A_223 = tpu.vector_load %arg6[%swap3A_221, %swap3A_222] {strides = array<i32>} : memref<256x64xf32, #tpu.memory_space<vmem>>, vector<1x16xf32>,
          %swap3A_224 = vector.shape_cast %swap3A_223 : vector<1x16xf32> to vector<16xf32>
          %swap3A_225 = vector.shape_cast %mul3A_220 : vector<16xf32> to vector<1x16xf32>
          tpu.vector_store %arg6[%swap3A_221, %swap3A_222], %swap3A_225 {strides = array<i32>} : memref<256x64xf32, #tpu.memory_space<vmem>>, vector<1x16xf32>,
          %get3A_226 = arith.index_cast %scan3A_201 : i32 to index
          %get3A_227 = arith.constant 32 : index
          %get3A_228 = tpu.vector_load %arg6[%get3A_226, %get3A_227] {strides = array<i32>} : memref<256x64xf32, #tpu.memory_space<vmem>>, vector<1x16xf32>,
          %get3A_229 = vector.shape_cast %get3A_228 : vector<1x16xf32> to vector<16xf32>
          %mul3A_230 = arith.constant 8.000000e+00 : f32
          %mul3A_231 = vector.broadcast %mul3A_230 : f32 to vector<16xf32>
          %mul3A_232 = arith.mulf %get3A_229, %mul3A_231 : vector<16xf32>
          %swap3A_233 = arith.index_cast %scan3A_201 : i32 to index
          %swap3A_234 = arith.constant 32 : index
          %swap3A_235 = tpu.vector_load %arg6[%swap3A_233, %swap3A_234] {strides = array<i32>} : memref<256x64xf32, #tpu.memory_space<vmem>>, vector<1x16xf32>,
          %swap3A_236 = vector.shape_cast %swap3A_235 : vector<1x16xf32> to vector<16xf32>
          %swap3A_237 = vector.shape_cast %mul3A_232 : vector<16xf32> to vector<1x16xf32>
          tpu.vector_store %arg6[%swap3A_233, %swap3A_234], %swap3A_237 {strides = array<i32>} : memref<256x64xf32, #tpu.memory_space<vmem>>, vector<1x16xf32>,
          %get3A_238 = arith.index_cast %scan3A_201 : i32 to index
          %get3A_239 = arith.constant 48 : index
          %get3A_240 = tpu.vector_load %arg6[%get3A_238, %get3A_239] {strides = array<i32>} : memref<256x64xf32, #tpu.memory_space<vmem>>, vector<1x16xf32>,
          %get3A_241 = vector.shape_cast %get3A_240 : vector<1x16xf32> to vector<16xf32>
          %mul3A_242 = arith.constant 8.000000e+00 : f32
          %mul3A_243 = vector.broadcast %mul3A_242 : f32 to vector<16xf32>
          %mul3A_244 = arith.mulf %get3A_241, %mul3A_243 : vector<16xf32>
          %swap3A_245 = arith.index_cast %scan3A_201 : i32 to index
          %swap3A_246 = arith.constant 48 : index
          %swap3A_247 = tpu.vector_load %arg6[%swap3A_245, %swap3A_246] {strides = array<i32>} : memref<256x64xf32, #tpu.memory_space<vmem>>, vector<1x16xf32>,
          %swap3A_248 = vector.shape_cast %swap3A_247 : vector<1x16xf32> to vector<16xf32>
          %swap3A_249 = vector.shape_cast %mul3A_244 : vector<16xf32> to vector<1x16xf32>
          tpu.vector_store %arg6[%swap3A_245, %swap3A_246], %swap3A_249 {strides = array<i32>} : memref<256x64xf32, #tpu.memory_space<vmem>>, vector<1x16xf32>,
        }
        %scan3A_46 = arith.constant 256 : i32
        %mul3A_47 = arith.constant 256 : i32
        %mul3A_48 = arith.muli %scan3A_25, %mul3A_47 : i32
        %add3A_49 = arith.addi %mul3A_2, %mul3A_48 : i32
        %dma_start3A = arith.constant 0 : i32
        %dma_start3A_50 = tpu.memref_slice %arg4[%add3A_49, %dma_start3A] : memref<204800x64xf32, #tpu.memory_space<hbm>> -> memref<256x64xf32, #tpu.memory_space<hbm>>
        %dma_start3A_51 = arith.constant 0 : i32
        %dma_start3A_52 = tpu.memref_slice %arg4[%add3A_49, %dma_start3A_51] : memref<204800x64xf32, #tpu.memory_space<hbm>> -> memref<256x64xf32, #tpu.memory_space<hbm>>
        tpu.enqueue_dma source(%arg6 : memref<256x64xf32, #tpu.memory_space<vmem>>) target(%dma_start3A_52 : memref<256x64xf32, #tpu.memory_space<hbm>>) target_semaphore(%arg10 : memref<!tpu.dma_semaphore, #tpu.memory_space<semaphore_mem>>)
      } else {
        %add3A_29 = arith.constant 1 : i32
        %add3A_30 = arith.addi %scan3A_25, %add3A_29 : i32
        %lt3A = arith.constant 25 : i32
        %lt3A_31 = arith.cmpi slt, %add3A_30, %lt3A : i32
        %convert_element_type3A_32 = arith.extui %lt3A_31 : i1 to i32
        %cond3A_33 = arith.constant 0 : i32
        %cond3A_34 = arith.cmpi ne, %convert_element_type3A_32, %cond3A_33 : i32
        scf.if %cond3A_34 {
          %ge3A = arith.constant 1 : i32
          %ge3A_53 = arith.cmpi sge, %scan3A_25, %ge3A : i32
          %convert_element_type3A_54 = arith.extui %ge3A_53 : i1 to i32
          %cond3A_55 = arith.constant 0 : i32
          %cond3A_56 = arith.cmpi ne, %convert_element_type3A_54, %cond3A_55 : i32
          scf.if %cond3A_56 {
            %dma_wait3A_65 = arith.constant 0 : i32
            %dma_wait3A_66 = arith.constant 0 : i32
            %dma_wait3A_67 = tpu.memref_slice %arg4[%dma_wait3A_65, %dma_wait3A_66] : memref<204800x64xf32, #tpu.memory_space<hbm>> -> memref<256x64xf32, #tpu.memory_space<hbm>>
            %dma_wait3A_68 = arith.constant 0 : i32
            %dma_wait3A_69 = arith.constant 0 : i32
            %dma_wait3A_70 = tpu.memref_slice %arg4[%dma_wait3A_68, %dma_wait3A_69] : memref<204800x64xf32, #tpu.memory_space<hbm>> -> memref<256x64xf32, #tpu.memory_space<hbm>>
            tpu.wait_dma2 semaphore(%arg10 : memref<!tpu.dma_semaphore, #tpu.memory_space<semaphore_mem>>) src(%arg6 : memref<256x64xf32, #tpu.memory_space<vmem>>) dst(%dma_wait3A_70 : memref<256x64xf32, #tpu.memory_space<hbm>>)
          } else {
          }
          %add3A_57 = arith.constant 1 : i32
          %add3A_58 = arith.addi %scan3A_25, %add3A_57 : i32
          %scan3A_59 = arith.constant 0 : i32
          %scan3A_60 = arith.constant 0 : i32
          %scan3A_61 = arith.constant 16 : i32
          %scan3A_62 = arith.addi %scan3A_60, %scan3A_61 : i32
          %scan3A_63 = arith.constant 2 : i32
          scf.for %scan3A_65 = %scan3A_60 to %scan3A_62 step %scan3A_63  : i32 {
            %mul3A_66 = arith.constant 256 : i32
            %mul3A_67 = arith.muli %add3A_58, %mul3A_66 : i32
            %mul3A_68 = arith.constant 16 : i32
            %mul3A_69 = arith.muli %scan3A_65, %mul3A_68 : i32
            %add3A_70 = arith.addi %mul3A_67, %mul3A_69 : i32
            %get3A = arith.index_cast %add3A_70 : i32 to index
            %get3A_71 = tpu.vector_load %arg5[%get3A] {strides = array<i32>} : memref<6400xi32, #tpu.memory_space<vmem>>, vector<16xi32>,
            %get3A_72 = vector.shape_cast %get3A_71 : vector<16xi32> to vector<16xi32>
            %slice3A = vector.extract_strided_slice %get3A_72 {offsets = [0], sizes = [1], strides = [1]} : vector<16xi32> to vector<1xi32>
            %squeeze3A = vector.extract %slice3A[0] : i32 from vector<1xi32>
            %mul3A_73 = arith.constant 16 : i32
            %mul3A_74 = arith.muli %scan3A_65, %mul3A_73 : i32
            %add3A_75 = arith.constant 0 : i32
            %add3A_76 = arith.addi %mul3A_74, %add3A_75 : i32
            %dma_start3A_77 = arith.constant 0 : i32
            %dma_start3A_78 = tpu.memref_slice %arg6[%add3A_76, %dma_start3A_77] : memref<256x64xf32, #tpu.memory_space<vmem>> -> memref<1x64xf32, #tpu.memory_space<vmem>>
            %dma_start3A_79 = arith.constant 0 : i32
            %dma_start3A_80 = tpu.memref_slice %arg3[%squeeze3A, %dma_start3A_79] : memref<1000000x64xf32, #tpu.memory_space<hbm>> -> memref<1x64xf32, #tpu.memory_space<hbm>>
            %dma_start3A_81 = arith.constant 0 : i32
            %dma_start3A_82 = tpu.memref_slice %arg6[%add3A_76, %dma_start3A_81] : memref<256x64xf32, #tpu.memory_space<vmem>> -> memref<1x64xf32, #tpu.memory_space<vmem>>
            %dma_start3A_83 = arith.constant 0 : i32
            %dma_start3A_84 = tpu.memref_slice %arg3[%squeeze3A, %dma_start3A_83] : memref<1000000x64xf32, #tpu.memory_space<hbm>> -> memref<1x64xf32, #tpu.memory_space<hbm>>
            tpu.enqueue_dma source(%dma_start3A_84 : memref<1x64xf32, #tpu.memory_space<hbm>>) target(%dma_start3A_82 : memref<1x64xf32, #tpu.memory_space<vmem>>) target_semaphore(%arg8 : memref<!tpu.dma_semaphore, #tpu.memory_space<semaphore_mem>>)
            %slice3A_85 = vector.extract_strided_slice %get3A_72 {offsets = [1], sizes = [1], strides = [1]} : vector<16xi32> to vector<1xi32>
            %squeeze3A_86 = vector.extract %slice3A_85[0] : i32 from vector<1xi32>
            %mul3A_87 = arith.constant 16 : i32
            %mul3A_88 = arith.muli %scan3A_65, %mul3A_87 : i32
            %add3A_89 = arith.constant 1 : i32
            %add3A_90 = arith.addi %mul3A_88, %add3A_89 : i32
            %dma_start3A_91 = arith.constant 0 : i32
            %dma_start3A_92 = tpu.memref_slice %arg6[%add3A_90, %dma_start3A_91] : memref<256x64xf32, #tpu.memory_space<vmem>> -> memref<1x64xf32, #tpu.memory_space<vmem>>
            %dma_start3A_93 = arith.constant 0 : i32
            %dma_start3A_94 = tpu.memref_slice %arg3[%squeeze3A_86, %dma_start3A_93] : memref<1000000x64xf32, #tpu.memory_space<hbm>> -> memref<1x64xf32, #tpu.memory_space<hbm>>
            %dma_start3A_95 = arith.constant 0 : i32
            %dma_start3A_96 = tpu.memref_slice %arg6[%add3A_90, %dma_start3A_95] : memref<256x64xf32, #tpu.memory_space<vmem>> -> memref<1x64xf32, #tpu.memory_space<vmem>>
            %dma_start3A_97 = arith.constant 0 : i32
            %dma_start3A_98 = tpu.memref_slice %arg3[%squeeze3A_86, %dma_start3A_97] : memref<1000000x64xf32, #tpu.memory_space<hbm>> -> memref<1x64xf32, #tpu.memory_space<hbm>>
            tpu.enqueue_dma source(%dma_start3A_98 : memref<1x64xf32, #tpu.memory_space<hbm>>) target(%dma_start3A_96 : memref<1x64xf32, #tpu.memory_space<vmem>>) target_semaphore(%arg8 : memref<!tpu.dma_semaphore, #tpu.memory_space<semaphore_mem>>)
            %slice3A_99 = vector.extract_strided_slice %get3A_72 {offsets = [2], sizes = [1], strides = [1]} : vector<16xi32> to vector<1xi32>
            %squeeze3A_100 = vector.extract %slice3A_99[0] : i32 from vector<1xi32>
            %mul3A_101 = arith.constant 16 : i32
            %mul3A_102 = arith.muli %scan3A_65, %mul3A_101 : i32
            %add3A_103 = arith.constant 2 : i32
            %add3A_104 = arith.addi %mul3A_102, %add3A_103 : i32
            %dma_start3A_105 = arith.constant 0 : i32
            %dma_start3A_106 = tpu.memref_slice %arg6[%add3A_104, %dma_start3A_105] : memref<256x64xf32, #tpu.memory_space<vmem>> -> memref<1x64xf32, #tpu.memory_space<vmem>>
            %dma_start3A_107 = arith.constant 0 : i32
            %dma_start3A_108 = tpu.memref_slice %arg3[%squeeze3A_100, %dma_start3A_107] : memref<1000000x64xf32, #tpu.memory_space<hbm>> -> memref<1x64xf32, #tpu.memory_space<hbm>>
            %dma_start3A_109 = arith.constant 0 : i32
            %dma_start3A_110 = tpu.memref_slice %arg6[%add3A_104, %dma_start3A_109] : memref<256x64xf32, #tpu.memory_space<vmem>> -> memref<1x64xf32, #tpu.memory_space<vmem>>
            %dma_start3A_111 = arith.constant 0 : i32
            %dma_start3A_112 = tpu.memref_slice %arg3[%squeeze3A_100, %dma_start3A_111] : memref<1000000x64xf32, #tpu.memory_space<hbm>> -> memref<1x64xf32, #tpu.memory_space<hbm>>
            tpu.enqueue_dma source(%dma_start3A_112 : memref<1x64xf32, #tpu.memory_space<hbm>>) target(%dma_start3A_110 : memref<1x64xf32, #tpu.memory_space<vmem>>) target_semaphore(%arg8 : memref<!tpu.dma_semaphore, #tpu.memory_space<semaphore_mem>>)
            %slice3A_113 = vector.extract_strided_slice %get3A_72 {offsets = [3], sizes = [1], strides = [1]} : vector<16xi32> to vector<1xi32>
            %squeeze3A_114 = vector.extract %slice3A_113[0] : i32 from vector<1xi32>
            %mul3A_115 = arith.constant 16 : i32
            %mul3A_116 = arith.muli %scan3A_65, %mul3A_115 : i32
            %add3A_117 = arith.constant 3 : i32
            %add3A_118 = arith.addi %mul3A_116, %add3A_117 : i32
            %dma_start3A_119 = arith.constant 0 : i32
            %dma_start3A_120 = tpu.memref_slice %arg6[%add3A_118, %dma_start3A_119] : memref<256x64xf32, #tpu.memory_space<vmem>> -> memref<1x64xf32, #tpu.memory_space<vmem>>
            %dma_start3A_121 = arith.constant 0 : i32
            %dma_start3A_122 = tpu.memref_slice %arg3[%squeeze3A_114, %dma_start3A_121] : memref<1000000x64xf32, #tpu.memory_space<hbm>> -> memref<1x64xf32, #tpu.memory_space<hbm>>
            %dma_start3A_123 = arith.constant 0 : i32
            %dma_start3A_124 = tpu.memref_slice %arg6[%add3A_118, %dma_start3A_123] : memref<256x64xf32, #tpu.memory_space<vmem>> -> memref<1x64xf32, #tpu.memory_space<vmem>>
            %dma_start3A_125 = arith.constant 0 : i32
            %dma_start3A_126 = tpu.memref_slice %arg3[%squeeze3A_114, %dma_start3A_125] : memref<1000000x64xf32, #tpu.memory_space<hbm>> -> memref<1x64xf32, #tpu.memory_space<hbm>>
            tpu.enqueue_dma source(%dma_start3A_126 : memref<1x64xf32, #tpu.memory_space<hbm>>) target(%dma_start3A_124 : memref<1x64xf32, #tpu.memory_space<vmem>>) target_semaphore(%arg8 : memref<!tpu.dma_semaphore, #tpu.memory_space<semaphore_mem>>)
            %slice3A_127 = vector.extract_strided_slice %get3A_72 {offsets = [4], sizes = [1], strides = [1]} : vector<16xi32> to vector<1xi32>
            %squeeze3A_128 = vector.extract %slice3A_127[0] : i32 from vector<1xi32>
            %mul3A_129 = arith.constant 16 : i32
            %mul3A_130 = arith.muli %scan3A_65, %mul3A_129 : i32
            %add3A_131 = arith.constant 4 : i32
            %add3A_132 = arith.addi %mul3A_130, %add3A_131 : i32
            %dma_start3A_133 = arith.constant 0 : i32
            %dma_start3A_134 = tpu.memref_slice %arg6[%add3A_132, %dma_start3A_133] : memref<256x64xf32, #tpu.memory_space<vmem>> -> memref<1x64xf32, #tpu.memory_space<vmem>>
            %dma_start3A_135 = arith.constant 0 : i32
            %dma_start3A_136 = tpu.memref_slice %arg3[%squeeze3A_128, %dma_start3A_135] : memref<1000000x64xf32, #tpu.memory_space<hbm>> -> memref<1x64xf32, #tpu.memory_space<hbm>>
            %dma_start3A_137 = arith.constant 0 : i32
            %dma_start3A_138 = tpu.memref_slice %arg6[%add3A_132, %dma_start3A_137] : memref<256x64xf32, #tpu.memory_space<vmem>> -> memref<1x64xf32, #tpu.memory_space<vmem>>
            %dma_start3A_139 = arith.constant 0 : i32
            %dma_start3A_140 = tpu.memref_slice %arg3[%squeeze3A_128, %dma_start3A_139] : memref<1000000x64xf32, #tpu.memory_space<hbm>> -> memref<1x64xf32, #tpu.memory_space<hbm>>
            tpu.enqueue_dma source(%dma_start3A_140 : memref<1x64xf32, #tpu.memory_space<hbm>>) target(%dma_start3A_138 : memref<1x64xf32, #tpu.memory_space<vmem>>) target_semaphore(%arg8 : memref<!tpu.dma_semaphore, #tpu.memory_space<semaphore_mem>>)
            %slice3A_141 = vector.extract_strided_slice %get3A_72 {offsets = [5], sizes = [1], strides = [1]} : vector<16xi32> to vector<1xi32>
            %squeeze3A_142 = vector.extract %slice3A_141[0] : i32 from vector<1xi32>
            %mul3A_143 = arith.constant 16 : i32
            %mul3A_144 = arith.muli %scan3A_65, %mul3A_143 : i32
            %add3A_145 = arith.constant 5 : i32
            %add3A_146 = arith.addi %mul3A_144, %add3A_145 : i32
            %dma_start3A_147 = arith.constant 0 : i32
            %dma_start3A_148 = tpu.memref_slice %arg6[%add3A_146, %dma_start3A_147] : memref<256x64xf32, #tpu.memory_space<vmem>> -> memref<1x64xf32, #tpu.memory_space<vmem>>
            %dma_start3A_149 = arith.constant 0 : i32
            %dma_start3A_150 = tpu.memref_slice %arg3[%squeeze3A_142, %dma_start3A_149] : memref<1000000x64xf32, #tpu.memory_space<hbm>> -> memref<1x64xf32, #tpu.memory_space<hbm>>
            %dma_start3A_151 = arith.constant 0 : i32
            %dma_start3A_152 = tpu.memref_slice %arg6[%add3A_146, %dma_start3A_151] : memref<256x64xf32, #tpu.memory_space<vmem>> -> memref<1x64xf32, #tpu.memory_space<vmem>>
            %dma_start3A_153 = arith.constant 0 : i32
            %dma_start3A_154 = tpu.memref_slice %arg3[%squeeze3A_142, %dma_start3A_153] : memref<1000000x64xf32, #tpu.memory_space<hbm>> -> memref<1x64xf32, #tpu.memory_space<hbm>>
            tpu.enqueue_dma source(%dma_start3A_154 : memref<1x64xf32, #tpu.memory_space<hbm>>) target(%dma_start3A_152 : memref<1x64xf32, #tpu.memory_space<vmem>>) target_semaphore(%arg8 : memref<!tpu.dma_semaphore, #tpu.memory_space<semaphore_mem>>)
            %slice3A_155 = vector.extract_strided_slice %get3A_72 {offsets = [6], sizes = [1], strides = [1]} : vector<16xi32> to vector<1xi32>
            %squeeze3A_156 = vector.extract %slice3A_155[0] : i32 from vector<1xi32>
            %mul3A_157 = arith.constant 16 : i32
            %mul3A_158 = arith.muli %scan3A_65, %mul3A_157 : i32
            %add3A_159 = arith.constant 6 : i32
            %add3A_160 = arith.addi %mul3A_158, %add3A_159 : i32
            %dma_start3A_161 = arith.constant 0 : i32
            %dma_start3A_162 = tpu.memref_slice %arg6[%add3A_160, %dma_start3A_161] : memref<256x64xf32, #tpu.memory_space<vmem>> -> memref<1x64xf32, #tpu.memory_space<vmem>>
            %dma_start3A_163 = arith.constant 0 : i32
            %dma_start3A_164 = tpu.memref_slice %arg3[%squeeze3A_156, %dma_start3A_163] : memref<1000000x64xf32, #tpu.memory_space<hbm>> -> memref<1x64xf32, #tpu.memory_space<hbm>>
            %dma_start3A_165 = arith.constant 0 : i32
            %dma_start3A_166 = tpu.memref_slice %arg6[%add3A_160, %dma_start3A_165] : memref<256x64xf32, #tpu.memory_space<vmem>> -> memref<1x64xf32, #tpu.memory_space<vmem>>
            %dma_start3A_167 = arith.constant 0 : i32
            %dma_start3A_168 = tpu.memref_slice %arg3[%squeeze3A_156, %dma_start3A_167] : memref<1000000x64xf32, #tpu.memory_space<hbm>> -> memref<1x64xf32, #tpu.memory_space<hbm>>
            tpu.enqueue_dma source(%dma_start3A_168 : memref<1x64xf32, #tpu.memory_space<hbm>>) target(%dma_start3A_166 : memref<1x64xf32, #tpu.memory_space<vmem>>) target_semaphore(%arg8 : memref<!tpu.dma_semaphore, #tpu.memory_space<semaphore_mem>>)
            %slice3A_169 = vector.extract_strided_slice %get3A_72 {offsets = [7], sizes = [1], strides = [1]} : vector<16xi32> to vector<1xi32>
            %squeeze3A_170 = vector.extract %slice3A_169[0] : i32 from vector<1xi32>
            %mul3A_171 = arith.constant 16 : i32
            %mul3A_172 = arith.muli %scan3A_65, %mul3A_171 : i32
            %add3A_173 = arith.constant 7 : i32
            %add3A_174 = arith.addi %mul3A_172, %add3A_173 : i32
            %dma_start3A_175 = arith.constant 0 : i32
            %dma_start3A_176 = tpu.memref_slice %arg6[%add3A_174, %dma_start3A_175] : memref<256x64xf32, #tpu.memory_space<vmem>> -> memref<1x64xf32, #tpu.memory_space<vmem>>
            %dma_start3A_177 = arith.constant 0 : i32
            %dma_start3A_178 = tpu.memref_slice %arg3[%squeeze3A_170, %dma_start3A_177] : memref<1000000x64xf32, #tpu.memory_space<hbm>> -> memref<1x64xf32, #tpu.memory_space<hbm>>
            %dma_start3A_179 = arith.constant 0 : i32
            %dma_start3A_180 = tpu.memref_slice %arg6[%add3A_174, %dma_start3A_179] : memref<256x64xf32, #tpu.memory_space<vmem>> -> memref<1x64xf32, #tpu.memory_space<vmem>>
            %dma_start3A_181 = arith.constant 0 : i32
            %dma_start3A_182 = tpu.memref_slice %arg3[%squeeze3A_170, %dma_start3A_181] : memref<1000000x64xf32, #tpu.memory_space<hbm>> -> memref<1x64xf32, #tpu.memory_space<hbm>>
            tpu.enqueue_dma source(%dma_start3A_182 : memref<1x64xf32, #tpu.memory_space<hbm>>) target(%dma_start3A_180 : memref<1x64xf32, #tpu.memory_space<vmem>>) target_semaphore(%arg8 : memref<!tpu.dma_semaphore, #tpu.memory_space<semaphore_mem>>)
            %slice3A_183 = vector.extract_strided_slice %get3A_72 {offsets = [8], sizes = [1], strides = [1]} : vector<16xi32> to vector<1xi32>
            %squeeze3A_184 = vector.extract %slice3A_183[0] : i32 from vector<1xi32>
            %mul3A_185 = arith.constant 16 : i32
            %mul3A_186 = arith.muli %scan3A_65, %mul3A_185 : i32
            %add3A_187 = arith.constant 8 : i32
            %add3A_188 = arith.addi %mul3A_186, %add3A_187 : i32
            %dma_start3A_189 = arith.constant 0 : i32
            %dma_start3A_190 = tpu.memref_slice %arg6[%add3A_188, %dma_start3A_189] : memref<256x64xf32, #tpu.memory_space<vmem>> -> memref<1x64xf32, #tpu.memory_space<vmem>>
            %dma_start3A_191 = arith.constant 0 : i32
            %dma_start3A_192 = tpu.memref_slice %arg3[%squeeze3A_184, %dma_start3A_191] : memref<1000000x64xf32, #tpu.memory_space<hbm>> -> memref<1x64xf32, #tpu.memory_space<hbm>>
            %dma_start3A_193 = arith.constant 0 : i32
            %dma_start3A_194 = tpu.memref_slice %arg6[%add3A_188, %dma_start3A_193] : memref<256x64xf32, #tpu.memory_space<vmem>> -> memref<1x64xf32, #tpu.memory_space<vmem>>
            %dma_start3A_195 = arith.constant 0 : i32
            %dma_start3A_196 = tpu.memref_slice %arg3[%squeeze3A_184, %dma_start3A_195] : memref<1000000x64xf32, #tpu.memory_space<hbm>> -> memref<1x64xf32, #tpu.memory_space<hbm>>
            tpu.enqueue_dma source(%dma_start3A_196 : memref<1x64xf32, #tpu.memory_space<hbm>>) target(%dma_start3A_194 : memref<1x64xf32, #tpu.memory_space<vmem>>) target_semaphore(%arg8 : memref<!tpu.dma_semaphore, #tpu.memory_space<semaphore_mem>>)
            %slice3A_197 = vector.extract_strided_slice %get3A_72 {offsets = [9], sizes = [1], strides = [1]} : vector<16xi32> to vector<1xi32>
            %squeeze3A_198 = vector.extract %slice3A_197[0] : i32 from vector<1xi32>
            %mul3A_199 = arith.constant 16 : i32
            %mul3A_200 = arith.muli %scan3A_65, %mul3A_199 : i32
            %add3A_201 = arith.constant 9 : i32
            %add3A_202 = arith.addi %mul3A_200, %add3A_201 : i32
            %dma_start3A_203 = arith.constant 0 : i32
            %dma_start3A_204 = tpu.memref_slice %arg6[%add3A_202, %dma_start3A_203] : memref<256x64xf32, #tpu.memory_space<vmem>> -> memref<1x64xf32, #tpu.memory_space<vmem>>
            %dma_start3A_205 = arith.constant 0 : i32
            %dma_start3A_206 = tpu.memref_slice %arg3[%squeeze3A_198, %dma_start3A_205] : memref<1000000x64xf32, #tpu.memory_space<hbm>> -> memref<1x64xf32, #tpu.memory_space<hbm>>
            %dma_start3A_207 = arith.constant 0 : i32
            %dma_start3A_208 = tpu.memref_slice %arg6[%add3A_202, %dma_start3A_207] : memref<256x64xf32, #tpu.memory_space<vmem>> -> memref<1x64xf32, #tpu.memory_space<vmem>>
            %dma_start3A_209 = arith.constant 0 : i32
            %dma_start3A_210 = tpu.memref_slice %arg3[%squeeze3A_198, %dma_start3A_209] : memref<1000000x64xf32, #tpu.memory_space<hbm>> -> memref<1x64xf32, #tpu.memory_space<hbm>>
            tpu.enqueue_dma source(%dma_start3A_210 : memref<1x64xf32, #tpu.memory_space<hbm>>) target(%dma_start3A_208 : memref<1x64xf32, #tpu.memory_space<vmem>>) target_semaphore(%arg8 : memref<!tpu.dma_semaphore, #tpu.memory_space<semaphore_mem>>)
            %slice3A_211 = vector.extract_strided_slice %get3A_72 {offsets = [10], sizes = [1], strides = [1]} : vector<16xi32> to vector<1xi32>
            %squeeze3A_212 = vector.extract %slice3A_211[0] : i32 from vector<1xi32>
            %mul3A_213 = arith.constant 16 : i32
            %mul3A_214 = arith.muli %scan3A_65, %mul3A_213 : i32
            %add3A_215 = arith.constant 10 : i32
            %add3A_216 = arith.addi %mul3A_214, %add3A_215 : i32
            %dma_start3A_217 = arith.constant 0 : i32
            %dma_start3A_218 = tpu.memref_slice %arg6[%add3A_216, %dma_start3A_217] : memref<256x64xf32, #tpu.memory_space<vmem>> -> memref<1x64xf32, #tpu.memory_space<vmem>>
            %dma_start3A_219 = arith.constant 0 : i32
            %dma_start3A_220 = tpu.memref_slice %arg3[%squeeze3A_212, %dma_start3A_219] : memref<1000000x64xf32, #tpu.memory_space<hbm>> -> memref<1x64xf32, #tpu.memory_space<hbm>>
            %dma_start3A_221 = arith.constant 0 : i32
            %dma_start3A_222 = tpu.memref_slice %arg6[%add3A_216, %dma_start3A_221] : memref<256x64xf32, #tpu.memory_space<vmem>> -> memref<1x64xf32, #tpu.memory_space<vmem>>
            %dma_start3A_223 = arith.constant 0 : i32
            %dma_start3A_224 = tpu.memref_slice %arg3[%squeeze3A_212, %dma_start3A_223] : memref<1000000x64xf32, #tpu.memory_space<hbm>> -> memref<1x64xf32, #tpu.memory_space<hbm>>
            tpu.enqueue_dma source(%dma_start3A_224 : memref<1x64xf32, #tpu.memory_space<hbm>>) target(%dma_start3A_222 : memref<1x64xf32, #tpu.memory_space<vmem>>) target_semaphore(%arg8 : memref<!tpu.dma_semaphore, #tpu.memory_space<semaphore_mem>>)
            %slice3A_225 = vector.extract_strided_slice %get3A_72 {offsets = [11], sizes = [1], strides = [1]} : vector<16xi32> to vector<1xi32>
            %squeeze3A_226 = vector.extract %slice3A_225[0] : i32 from vector<1xi32>
            %mul3A_227 = arith.constant 16 : i32
            %mul3A_228 = arith.muli %scan3A_65, %mul3A_227 : i32
            %add3A_229 = arith.constant 11 : i32
            %add3A_230 = arith.addi %mul3A_228, %add3A_229 : i32
            %dma_start3A_231 = arith.constant 0 : i32
            %dma_start3A_232 = tpu.memref_slice %arg6[%add3A_230, %dma_start3A_231] : memref<256x64xf32, #tpu.memory_space<vmem>> -> memref<1x64xf32, #tpu.memory_space<vmem>>
            %dma_start3A_233 = arith.constant 0 : i32
            %dma_start3A_234 = tpu.memref_slice %arg3[%squeeze3A_226, %dma_start3A_233] : memref<1000000x64xf32, #tpu.memory_space<hbm>> -> memref<1x64xf32, #tpu.memory_space<hbm>>
            %dma_start3A_235 = arith.constant 0 : i32
            %dma_start3A_236 = tpu.memref_slice %arg6[%add3A_230, %dma_start3A_235] : memref<256x64xf32, #tpu.memory_space<vmem>> -> memref<1x64xf32, #tpu.memory_space<vmem>>
            %dma_start3A_237 = arith.constant 0 : i32
            %dma_start3A_238 = tpu.memref_slice %arg3[%squeeze3A_226, %dma_start3A_237] : memref<1000000x64xf32, #tpu.memory_space<hbm>> -> memref<1x64xf32, #tpu.memory_space<hbm>>
            tpu.enqueue_dma source(%dma_start3A_238 : memref<1x64xf32, #tpu.memory_space<hbm>>) target(%dma_start3A_236 : memref<1x64xf32, #tpu.memory_space<vmem>>) target_semaphore(%arg8 : memref<!tpu.dma_semaphore, #tpu.memory_space<semaphore_mem>>)
            %slice3A_239 = vector.extract_strided_slice %get3A_72 {offsets = [12], sizes = [1], strides = [1]} : vector<16xi32> to vector<1xi32>
            %squeeze3A_240 = vector.extract %slice3A_239[0] : i32 from vector<1xi32>
            %mul3A_241 = arith.constant 16 : i32
            %mul3A_242 = arith.muli %scan3A_65, %mul3A_241 : i32
            %add3A_243 = arith.constant 12 : i32
            %add3A_244 = arith.addi %mul3A_242, %add3A_243 : i32
            %dma_start3A_245 = arith.constant 0 : i32
            %dma_start3A_246 = tpu.memref_slice %arg6[%add3A_244, %dma_start3A_245] : memref<256x64xf32, #tpu.memory_space<vmem>> -> memref<1x64xf32, #tpu.memory_space<vmem>>
            %dma_start3A_247 = arith.constant 0 : i32
            %dma_start3A_248 = tpu.memref_slice %arg3[%squeeze3A_240, %dma_start3A_247] : memref<1000000x64xf32, #tpu.memory_space<hbm>> -> memref<1x64xf32, #tpu.memory_space<hbm>>
            %dma_start3A_249 = arith.constant 0 : i32
            %dma_start3A_250 = tpu.memref_slice %arg6[%add3A_244, %dma_start3A_249] : memref<256x64xf32, #tpu.memory_space<vmem>> -> memref<1x64xf32, #tpu.memory_space<vmem>>
            %dma_start3A_251 = arith.constant 0 : i32
            %dma_start3A_252 = tpu.memref_slice %arg3[%squeeze3A_240, %dma_start3A_251] : memref<1000000x64xf32, #tpu.memory_space<hbm>> -> memref<1x64xf32, #tpu.memory_space<hbm>>
            tpu.enqueue_dma source(%dma_start3A_252 : memref<1x64xf32, #tpu.memory_space<hbm>>) target(%dma_start3A_250 : memref<1x64xf32, #tpu.memory_space<vmem>>) target_semaphore(%arg8 : memref<!tpu.dma_semaphore, #tpu.memory_space<semaphore_mem>>)
            %slice3A_253 = vector.extract_strided_slice %get3A_72 {offsets = [13], sizes = [1], strides = [1]} : vector<16xi32> to vector<1xi32>
            %squeeze3A_254 = vector.extract %slice3A_253[0] : i32 from vector<1xi32>
            %mul3A_255 = arith.constant 16 : i32
            %mul3A_256 = arith.muli %scan3A_65, %mul3A_255 : i32
            %add3A_257 = arith.constant 13 : i32
            %add3A_258 = arith.addi %mul3A_256, %add3A_257 : i32
            %dma_start3A_259 = arith.constant 0 : i32
            %dma_start3A_260 = tpu.memref_slice %arg6[%add3A_258, %dma_start3A_259] : memref<256x64xf32, #tpu.memory_space<vmem>> -> memref<1x64xf32, #tpu.memory_space<vmem>>
            %dma_start3A_261 = arith.constant 0 : i32
            %dma_start3A_262 = tpu.memref_slice %arg3[%squeeze3A_254, %dma_start3A_261] : memref<1000000x64xf32, #tpu.memory_space<hbm>> -> memref<1x64xf32, #tpu.memory_space<hbm>>
            %dma_start3A_263 = arith.constant 0 : i32
            %dma_start3A_264 = tpu.memref_slice %arg6[%add3A_258, %dma_start3A_263] : memref<256x64xf32, #tpu.memory_space<vmem>> -> memref<1x64xf32, #tpu.memory_space<vmem>>
            %dma_start3A_265 = arith.constant 0 : i32
            %dma_start3A_266 = tpu.memref_slice %arg3[%squeeze3A_254, %dma_start3A_265] : memref<1000000x64xf32, #tpu.memory_space<hbm>> -> memref<1x64xf32, #tpu.memory_space<hbm>>
            tpu.enqueue_dma source(%dma_start3A_266 : memref<1x64xf32, #tpu.memory_space<hbm>>) target(%dma_start3A_264 : memref<1x64xf32, #tpu.memory_space<vmem>>) target_semaphore(%arg8 : memref<!tpu.dma_semaphore, #tpu.memory_space<semaphore_mem>>)
            %slice3A_267 = vector.extract_strided_slice %get3A_72 {offsets = [14], sizes = [1], strides = [1]} : vector<16xi32> to vector<1xi32>
            %squeeze3A_268 = vector.extract %slice3A_267[0] : i32 from vector<1xi32>
            %mul3A_269 = arith.constant 16 : i32
            %mul3A_270 = arith.muli %scan3A_65, %mul3A_269 : i32
            %add3A_271 = arith.constant 14 : i32
            %add3A_272 = arith.addi %mul3A_270, %add3A_271 : i32
            %dma_start3A_273 = arith.constant 0 : i32
            %dma_start3A_274 = tpu.memref_slice %arg6[%add3A_272, %dma_start3A_273] : memref<256x64xf32, #tpu.memory_space<vmem>> -> memref<1x64xf32, #tpu.memory_space<vmem>>
            %dma_start3A_275 = arith.constant 0 : i32
            %dma_start3A_276 = tpu.memref_slice %arg3[%squeeze3A_268, %dma_start3A_275] : memref<1000000x64xf32, #tpu.memory_space<hbm>> -> memref<1x64xf32, #tpu.memory_space<hbm>>
            %dma_start3A_277 = arith.constant 0 : i32
            %dma_start3A_278 = tpu.memref_slice %arg6[%add3A_272, %dma_start3A_277] : memref<256x64xf32, #tpu.memory_space<vmem>> -> memref<1x64xf32, #tpu.memory_space<vmem>>
            %dma_start3A_279 = arith.constant 0 : i32
            %dma_start3A_280 = tpu.memref_slice %arg3[%squeeze3A_268, %dma_start3A_279] : memref<1000000x64xf32, #tpu.memory_space<hbm>> -> memref<1x64xf32, #tpu.memory_space<hbm>>
            tpu.enqueue_dma source(%dma_start3A_280 : memref<1x64xf32, #tpu.memory_space<hbm>>) target(%dma_start3A_278 : memref<1x64xf32, #tpu.memory_space<vmem>>) target_semaphore(%arg8 : memref<!tpu.dma_semaphore, #tpu.memory_space<semaphore_mem>>)
            %slice3A_281 = vector.extract_strided_slice %get3A_72 {offsets = [15], sizes = [1], strides = [1]} : vector<16xi32> to vector<1xi32>
            %squeeze3A_282 = vector.extract %slice3A_281[0] : i32 from vector<1xi32>
            %mul3A_283 = arith.constant 16 : i32
            %mul3A_284 = arith.muli %scan3A_65, %mul3A_283 : i32
            %add3A_285 = arith.constant 15 : i32
            %add3A_286 = arith.addi %mul3A_284, %add3A_285 : i32
            %dma_start3A_287 = arith.constant 0 : i32
            %dma_start3A_288 = tpu.memref_slice %arg6[%add3A_286, %dma_start3A_287] : memref<256x64xf32, #tpu.memory_space<vmem>> -> memref<1x64xf32, #tpu.memory_space<vmem>>
            %dma_start3A_289 = arith.constant 0 : i32
            %dma_start3A_290 = tpu.memref_slice %arg3[%squeeze3A_282, %dma_start3A_289] : memref<1000000x64xf32, #tpu.memory_space<hbm>> -> memref<1x64xf32, #tpu.memory_space<hbm>>
            %dma_start3A_291 = arith.constant 0 : i32
            %dma_start3A_292 = tpu.memref_slice %arg6[%add3A_286, %dma_start3A_291] : memref<256x64xf32, #tpu.memory_space<vmem>> -> memref<1x64xf32, #tpu.memory_space<vmem>>
            %dma_start3A_293 = arith.constant 0 : i32
            %dma_start3A_294 = tpu.memref_slice %arg3[%squeeze3A_282, %dma_start3A_293] : memref<1000000x64xf32, #tpu.memory_space<hbm>> -> memref<1x64xf32, #tpu.memory_space<hbm>>
            tpu.enqueue_dma source(%dma_start3A_294 : memref<1x64xf32, #tpu.memory_space<hbm>>) target(%dma_start3A_292 : memref<1x64xf32, #tpu.memory_space<vmem>>) target_semaphore(%arg8 : memref<!tpu.dma_semaphore, #tpu.memory_space<semaphore_mem>>)
            %scan3A_295 = arith.constant 1 : i32
            %scan3A_296 = arith.addi %scan3A_65, %scan3A_295 : i32
            %mul3A_297 = arith.constant 256 : i32
            %mul3A_298 = arith.muli %add3A_58, %mul3A_297 : i32
            %mul3A_299 = arith.constant 16 : i32
            %mul3A_300 = arith.muli %scan3A_296, %mul3A_299 : i32
            %add3A_301 = arith.addi %mul3A_298, %mul3A_300 : i32
            %get3A_302 = arith.index_cast %add3A_301 : i32 to index
            %get3A_303 = tpu.vector_load %arg5[%get3A_302] {strides = array<i32>} : memref<6400xi32, #tpu.memory_space<vmem>>, vector<16xi32>,
            %get3A_304 = vector.shape_cast %get3A_303 : vector<16xi32> to vector<16xi32>
            %slice3A_305 = vector.extract_strided_slice %get3A_304 {offsets = [0], sizes = [1], strides = [1]} : vector<16xi32> to vector<1xi32>
            %squeeze3A_306 = vector.extract %slice3A_305[0] : i32 from vector<1xi32>
            %mul3A_307 = arith.constant 16 : i32
            %mul3A_308 = arith.muli %scan3A_296, %mul3A_307 : i32
            %add3A_309 = arith.constant 0 : i32
            %add3A_310 = arith.addi %mul3A_308, %add3A_309 : i32
            %dma_start3A_311 = arith.constant 0 : i32
            %dma_start3A_312 = tpu.memref_slice %arg6[%add3A_310, %dma_start3A_311] : memref<256x64xf32, #tpu.memory_space<vmem>> -> memref<1x64xf32, #tpu.memory_space<vmem>>
            %dma_start3A_313 = arith.constant 0 : i32
            %dma_start3A_314 = tpu.memref_slice %arg3[%squeeze3A_306, %dma_start3A_313] : memref<1000000x64xf32, #tpu.memory_space<hbm>> -> memref<1x64xf32, #tpu.memory_space<hbm>>
            %dma_start3A_315 = arith.constant 0 : i32
            %dma_start3A_316 = tpu.memref_slice %arg6[%add3A_310, %dma_start3A_315] : memref<256x64xf32, #tpu.memory_space<vmem>> -> memref<1x64xf32, #tpu.memory_space<vmem>>
            %dma_start3A_317 = arith.constant 0 : i32
            %dma_start3A_318 = tpu.memref_slice %arg3[%squeeze3A_306, %dma_start3A_317] : memref<1000000x64xf32, #tpu.memory_space<hbm>> -> memref<1x64xf32, #tpu.memory_space<hbm>>
            tpu.enqueue_dma source(%dma_start3A_318 : memref<1x64xf32, #tpu.memory_space<hbm>>) target(%dma_start3A_316 : memref<1x64xf32, #tpu.memory_space<vmem>>) target_semaphore(%arg8 : memref<!tpu.dma_semaphore, #tpu.memory_space<semaphore_mem>>)
            %slice3A_319 = vector.extract_strided_slice %get3A_304 {offsets = [1], sizes = [1], strides = [1]} : vector<16xi32> to vector<1xi32>
            %squeeze3A_320 = vector.extract %slice3A_319[0] : i32 from vector<1xi32>
            %mul3A_321 = arith.constant 16 : i32
            %mul3A_322 = arith.muli %scan3A_296, %mul3A_321 : i32
            %add3A_323 = arith.constant 1 : i32
            %add3A_324 = arith.addi %mul3A_322, %add3A_323 : i32
            %dma_start3A_325 = arith.constant 0 : i32
            %dma_start3A_326 = tpu.memref_slice %arg6[%add3A_324, %dma_start3A_325] : memref<256x64xf32, #tpu.memory_space<vmem>> -> memref<1x64xf32, #tpu.memory_space<vmem>>
            %dma_start3A_327 = arith.constant 0 : i32
            %dma_start3A_328 = tpu.memref_slice %arg3[%squeeze3A_320, %dma_start3A_327] : memref<1000000x64xf32, #tpu.memory_space<hbm>> -> memref<1x64xf32, #tpu.memory_space<hbm>>
            %dma_start3A_329 = arith.constant 0 : i32
            %dma_start3A_330 = tpu.memref_slice %arg6[%add3A_324, %dma_start3A_329] : memref<256x64xf32, #tpu.memory_space<vmem>> -> memref<1x64xf32, #tpu.memory_space<vmem>>
            %dma_start3A_331 = arith.constant 0 : i32
            %dma_start3A_332 = tpu.memref_slice %arg3[%squeeze3A_320, %dma_start3A_331] : memref<1000000x64xf32, #tpu.memory_space<hbm>> -> memref<1x64xf32, #tpu.memory_space<hbm>>
            tpu.enqueue_dma source(%dma_start3A_332 : memref<1x64xf32, #tpu.memory_space<hbm>>) target(%dma_start3A_330 : memref<1x64xf32, #tpu.memory_space<vmem>>) target_semaphore(%arg8 : memref<!tpu.dma_semaphore, #tpu.memory_space<semaphore_mem>>)
            %slice3A_333 = vector.extract_strided_slice %get3A_304 {offsets = [2], sizes = [1], strides = [1]} : vector<16xi32> to vector<1xi32>
            %squeeze3A_334 = vector.extract %slice3A_333[0] : i32 from vector<1xi32>
            %mul3A_335 = arith.constant 16 : i32
            %mul3A_336 = arith.muli %scan3A_296, %mul3A_335 : i32
            %add3A_337 = arith.constant 2 : i32
            %add3A_338 = arith.addi %mul3A_336, %add3A_337 : i32
            %dma_start3A_339 = arith.constant 0 : i32
            %dma_start3A_340 = tpu.memref_slice %arg6[%add3A_338, %dma_start3A_339] : memref<256x64xf32, #tpu.memory_space<vmem>> -> memref<1x64xf32, #tpu.memory_space<vmem>>
            %dma_start3A_341 = arith.constant 0 : i32
            %dma_start3A_342 = tpu.memref_slice %arg3[%squeeze3A_334, %dma_start3A_341] : memref<1000000x64xf32, #tpu.memory_space<hbm>> -> memref<1x64xf32, #tpu.memory_space<hbm>>
            %dma_start3A_343 = arith.constant 0 : i32
            %dma_start3A_344 = tpu.memref_slice %arg6[%add3A_338, %dma_start3A_343] : memref<256x64xf32, #tpu.memory_space<vmem>> -> memref<1x64xf32, #tpu.memory_space<vmem>>
            %dma_start3A_345 = arith.constant 0 : i32
            %dma_start3A_346 = tpu.memref_slice %arg3[%squeeze3A_334, %dma_start3A_345] : memref<1000000x64xf32, #tpu.memory_space<hbm>> -> memref<1x64xf32, #tpu.memory_space<hbm>>
            tpu.enqueue_dma source(%dma_start3A_346 : memref<1x64xf32, #tpu.memory_space<hbm>>) target(%dma_start3A_344 : memref<1x64xf32, #tpu.memory_space<vmem>>) target_semaphore(%arg8 : memref<!tpu.dma_semaphore, #tpu.memory_space<semaphore_mem>>)
            %slice3A_347 = vector.extract_strided_slice %get3A_304 {offsets = [3], sizes = [1], strides = [1]} : vector<16xi32> to vector<1xi32>
            %squeeze3A_348 = vector.extract %slice3A_347[0] : i32 from vector<1xi32>
            %mul3A_349 = arith.constant 16 : i32
            %mul3A_350 = arith.muli %scan3A_296, %mul3A_349 : i32
            %add3A_351 = arith.constant 3 : i32
            %add3A_352 = arith.addi %mul3A_350, %add3A_351 : i32
            %dma_start3A_353 = arith.constant 0 : i32
            %dma_start3A_354 = tpu.memref_slice %arg6[%add3A_352, %dma_start3A_353] : memref<256x64xf32, #tpu.memory_space<vmem>> -> memref<1x64xf32, #tpu.memory_space<vmem>>
            %dma_start3A_355 = arith.constant 0 : i32
            %dma_start3A_356 = tpu.memref_slice %arg3[%squeeze3A_348, %dma_start3A_355] : memref<1000000x64xf32, #tpu.memory_space<hbm>> -> memref<1x64xf32, #tpu.memory_space<hbm>>
            %dma_start3A_357 = arith.constant 0 : i32
            %dma_start3A_358 = tpu.memref_slice %arg6[%add3A_352, %dma_start3A_357] : memref<256x64xf32, #tpu.memory_space<vmem>> -> memref<1x64xf32, #tpu.memory_space<vmem>>
            %dma_start3A_359 = arith.constant 0 : i32
            %dma_start3A_360 = tpu.memref_slice %arg3[%squeeze3A_348, %dma_start3A_359] : memref<1000000x64xf32, #tpu.memory_space<hbm>> -> memref<1x64xf32, #tpu.memory_space<hbm>>
            tpu.enqueue_dma source(%dma_start3A_360 : memref<1x64xf32, #tpu.memory_space<hbm>>) target(%dma_start3A_358 : memref<1x64xf32, #tpu.memory_space<vmem>>) target_semaphore(%arg8 : memref<!tpu.dma_semaphore, #tpu.memory_space<semaphore_mem>>)
            %slice3A_361 = vector.extract_strided_slice %get3A_304 {offsets = [4], sizes = [1], strides = [1]} : vector<16xi32> to vector<1xi32>
            %squeeze3A_362 = vector.extract %slice3A_361[0] : i32 from vector<1xi32>
            %mul3A_363 = arith.constant 16 : i32
            %mul3A_364 = arith.muli %scan3A_296, %mul3A_363 : i32
            %add3A_365 = arith.constant 4 : i32
            %add3A_366 = arith.addi %mul3A_364, %add3A_365 : i32
            %dma_start3A_367 = arith.constant 0 : i32
            %dma_start3A_368 = tpu.memref_slice %arg6[%add3A_366, %dma_start3A_367] : memref<256x64xf32, #tpu.memory_space<vmem>> -> memref<1x64xf32, #tpu.memory_space<vmem>>
            %dma_start3A_369 = arith.constant 0 : i32
            %dma_start3A_370 = tpu.memref_slice %arg3[%squeeze3A_362, %dma_start3A_369] : memref<1000000x64xf32, #tpu.memory_space<hbm>> -> memref<1x64xf32, #tpu.memory_space<hbm>>
            %dma_start3A_371 = arith.constant 0 : i32
            %dma_start3A_372 = tpu.memref_slice %arg6[%add3A_366, %dma_start3A_371] : memref<256x64xf32, #tpu.memory_space<vmem>> -> memref<1x64xf32, #tpu.memory_space<vmem>>
            %dma_start3A_373 = arith.constant 0 : i32
            %dma_start3A_374 = tpu.memref_slice %arg3[%squeeze3A_362, %dma_start3A_373] : memref<1000000x64xf32, #tpu.memory_space<hbm>> -> memref<1x64xf32, #tpu.memory_space<hbm>>
            tpu.enqueue_dma source(%dma_start3A_374 : memref<1x64xf32, #tpu.memory_space<hbm>>) target(%dma_start3A_372 : memref<1x64xf32, #tpu.memory_space<vmem>>) target_semaphore(%arg8 : memref<!tpu.dma_semaphore, #tpu.memory_space<semaphore_mem>>)
            %slice3A_375 = vector.extract_strided_slice %get3A_304 {offsets = [5], sizes = [1], strides = [1]} : vector<16xi32> to vector<1xi32>
            %squeeze3A_376 = vector.extract %slice3A_375[0] : i32 from vector<1xi32>
            %mul3A_377 = arith.constant 16 : i32
            %mul3A_378 = arith.muli %scan3A_296, %mul3A_377 : i32
            %add3A_379 = arith.constant 5 : i32
            %add3A_380 = arith.addi %mul3A_378, %add3A_379 : i32
            %dma_start3A_381 = arith.constant 0 : i32
            %dma_start3A_382 = tpu.memref_slice %arg6[%add3A_380, %dma_start3A_381] : memref<256x64xf32, #tpu.memory_space<vmem>> -> memref<1x64xf32, #tpu.memory_space<vmem>>
            %dma_start3A_383 = arith.constant 0 : i32
            %dma_start3A_384 = tpu.memref_slice %arg3[%squeeze3A_376, %dma_start3A_383] : memref<1000000x64xf32, #tpu.memory_space<hbm>> -> memref<1x64xf32, #tpu.memory_space<hbm>>
            %dma_start3A_385 = arith.constant 0 : i32
            %dma_start3A_386 = tpu.memref_slice %arg6[%add3A_380, %dma_start3A_385] : memref<256x64xf32, #tpu.memory_space<vmem>> -> memref<1x64xf32, #tpu.memory_space<vmem>>
            %dma_start3A_387 = arith.constant 0 : i32
            %dma_start3A_388 = tpu.memref_slice %arg3[%squeeze3A_376, %dma_start3A_387] : memref<1000000x64xf32, #tpu.memory_space<hbm>> -> memref<1x64xf32, #tpu.memory_space<hbm>>
            tpu.enqueue_dma source(%dma_start3A_388 : memref<1x64xf32, #tpu.memory_space<hbm>>) target(%dma_start3A_386 : memref<1x64xf32, #tpu.memory_space<vmem>>) target_semaphore(%arg8 : memref<!tpu.dma_semaphore, #tpu.memory_space<semaphore_mem>>)
            %slice3A_389 = vector.extract_strided_slice %get3A_304 {offsets = [6], sizes = [1], strides = [1]} : vector<16xi32> to vector<1xi32>
            %squeeze3A_390 = vector.extract %slice3A_389[0] : i32 from vector<1xi32>
            %mul3A_391 = arith.constant 16 : i32
            %mul3A_392 = arith.muli %scan3A_296, %mul3A_391 : i32
            %add3A_393 = arith.constant 6 : i32
            %add3A_394 = arith.addi %mul3A_392, %add3A_393 : i32
            %dma_start3A_395 = arith.constant 0 : i32
            %dma_start3A_396 = tpu.memref_slice %arg6[%add3A_394, %dma_start3A_395] : memref<256x64xf32, #tpu.memory_space<vmem>> -> memref<1x64xf32, #tpu.memory_space<vmem>>
            %dma_start3A_397 = arith.constant 0 : i32
            %dma_start3A_398 = tpu.memref_slice %arg3[%squeeze3A_390, %dma_start3A_397] : memref<1000000x64xf32, #tpu.memory_space<hbm>> -> memref<1x64xf32, #tpu.memory_space<hbm>>
            %dma_start3A_399 = arith.constant 0 : i32
            %dma_start3A_400 = tpu.memref_slice %arg6[%add3A_394, %dma_start3A_399] : memref<256x64xf32, #tpu.memory_space<vmem>> -> memref<1x64xf32, #tpu.memory_space<vmem>>
            %dma_start3A_401 = arith.constant 0 : i32
            %dma_start3A_402 = tpu.memref_slice %arg3[%squeeze3A_390, %dma_start3A_401] : memref<1000000x64xf32, #tpu.memory_space<hbm>> -> memref<1x64xf32, #tpu.memory_space<hbm>>
            tpu.enqueue_dma source(%dma_start3A_402 : memref<1x64xf32, #tpu.memory_space<hbm>>) target(%dma_start3A_400 : memref<1x64xf32, #tpu.memory_space<vmem>>) target_semaphore(%arg8 : memref<!tpu.dma_semaphore, #tpu.memory_space<semaphore_mem>>)
            %slice3A_403 = vector.extract_strided_slice %get3A_304 {offsets = [7], sizes = [1], strides = [1]} : vector<16xi32> to vector<1xi32>
            %squeeze3A_404 = vector.extract %slice3A_403[0] : i32 from vector<1xi32>
            %mul3A_405 = arith.constant 16 : i32
            %mul3A_406 = arith.muli %scan3A_296, %mul3A_405 : i32
            %add3A_407 = arith.constant 7 : i32
            %add3A_408 = arith.addi %mul3A_406, %add3A_407 : i32
            %dma_start3A_409 = arith.constant 0 : i32
            %dma_start3A_410 = tpu.memref_slice %arg6[%add3A_408, %dma_start3A_409] : memref<256x64xf32, #tpu.memory_space<vmem>> -> memref<1x64xf32, #tpu.memory_space<vmem>>
            %dma_start3A_411 = arith.constant 0 : i32
            %dma_start3A_412 = tpu.memref_slice %arg3[%squeeze3A_404, %dma_start3A_411] : memref<1000000x64xf32, #tpu.memory_space<hbm>> -> memref<1x64xf32, #tpu.memory_space<hbm>>
            %dma_start3A_413 = arith.constant 0 : i32
            %dma_start3A_414 = tpu.memref_slice %arg6[%add3A_408, %dma_start3A_413] : memref<256x64xf32, #tpu.memory_space<vmem>> -> memref<1x64xf32, #tpu.memory_space<vmem>>
            %dma_start3A_415 = arith.constant 0 : i32
            %dma_start3A_416 = tpu.memref_slice %arg3[%squeeze3A_404, %dma_start3A_415] : memref<1000000x64xf32, #tpu.memory_space<hbm>> -> memref<1x64xf32, #tpu.memory_space<hbm>>
            tpu.enqueue_dma source(%dma_start3A_416 : memref<1x64xf32, #tpu.memory_space<hbm>>) target(%dma_start3A_414 : memref<1x64xf32, #tpu.memory_space<vmem>>) target_semaphore(%arg8 : memref<!tpu.dma_semaphore, #tpu.memory_space<semaphore_mem>>)
            %slice3A_417 = vector.extract_strided_slice %get3A_304 {offsets = [8], sizes = [1], strides = [1]} : vector<16xi32> to vector<1xi32>
            %squeeze3A_418 = vector.extract %slice3A_417[0] : i32 from vector<1xi32>
            %mul3A_419 = arith.constant 16 : i32
            %mul3A_420 = arith.muli %scan3A_296, %mul3A_419 : i32
            %add3A_421 = arith.constant 8 : i32
            %add3A_422 = arith.addi %mul3A_420, %add3A_421 : i32
            %dma_start3A_423 = arith.constant 0 : i32
            %dma_start3A_424 = tpu.memref_slice %arg6[%add3A_422, %dma_start3A_423] : memref<256x64xf32, #tpu.memory_space<vmem>> -> memref<1x64xf32, #tpu.memory_space<vmem>>
            %dma_start3A_425 = arith.constant 0 : i32
            %dma_start3A_426 = tpu.memref_slice %arg3[%squeeze3A_418, %dma_start3A_425] : memref<1000000x64xf32, #tpu.memory_space<hbm>> -> memref<1x64xf32, #tpu.memory_space<hbm>>
            %dma_start3A_427 = arith.constant 0 : i32
            %dma_start3A_428 = tpu.memref_slice %arg6[%add3A_422, %dma_start3A_427] : memref<256x64xf32, #tpu.memory_space<vmem>> -> memref<1x64xf32, #tpu.memory_space<vmem>>
            %dma_start3A_429 = arith.constant 0 : i32
            %dma_start3A_430 = tpu.memref_slice %arg3[%squeeze3A_418, %dma_start3A_429] : memref<1000000x64xf32, #tpu.memory_space<hbm>> -> memref<1x64xf32, #tpu.memory_space<hbm>>
            tpu.enqueue_dma source(%dma_start3A_430 : memref<1x64xf32, #tpu.memory_space<hbm>>) target(%dma_start3A_428 : memref<1x64xf32, #tpu.memory_space<vmem>>) target_semaphore(%arg8 : memref<!tpu.dma_semaphore, #tpu.memory_space<semaphore_mem>>)
            %slice3A_431 = vector.extract_strided_slice %get3A_304 {offsets = [9], sizes = [1], strides = [1]} : vector<16xi32> to vector<1xi32>
            %squeeze3A_432 = vector.extract %slice3A_431[0] : i32 from vector<1xi32>
            %mul3A_433 = arith.constant 16 : i32
            %mul3A_434 = arith.muli %scan3A_296, %mul3A_433 : i32
            %add3A_435 = arith.constant 9 : i32
            %add3A_436 = arith.addi %mul3A_434, %add3A_435 : i32
            %dma_start3A_437 = arith.constant 0 : i32
            %dma_start3A_438 = tpu.memref_slice %arg6[%add3A_436, %dma_start3A_437] : memref<256x64xf32, #tpu.memory_space<vmem>> -> memref<1x64xf32, #tpu.memory_space<vmem>>
            %dma_start3A_439 = arith.constant 0 : i32
            %dma_start3A_440 = tpu.memref_slice %arg3[%squeeze3A_432, %dma_start3A_439] : memref<1000000x64xf32, #tpu.memory_space<hbm>> -> memref<1x64xf32, #tpu.memory_space<hbm>>
            %dma_start3A_441 = arith.constant 0 : i32
            %dma_start3A_442 = tpu.memref_slice %arg6[%add3A_436, %dma_start3A_441] : memref<256x64xf32, #tpu.memory_space<vmem>> -> memref<1x64xf32, #tpu.memory_space<vmem>>
            %dma_start3A_443 = arith.constant 0 : i32
            %dma_start3A_444 = tpu.memref_slice %arg3[%squeeze3A_432, %dma_start3A_443] : memref<1000000x64xf32, #tpu.memory_space<hbm>> -> memref<1x64xf32, #tpu.memory_space<hbm>>
            tpu.enqueue_dma source(%dma_start3A_444 : memref<1x64xf32, #tpu.memory_space<hbm>>) target(%dma_start3A_442 : memref<1x64xf32, #tpu.memory_space<vmem>>) target_semaphore(%arg8 : memref<!tpu.dma_semaphore, #tpu.memory_space<semaphore_mem>>)
            %slice3A_445 = vector.extract_strided_slice %get3A_304 {offsets = [10], sizes = [1], strides = [1]} : vector<16xi32> to vector<1xi32>
            %squeeze3A_446 = vector.extract %slice3A_445[0] : i32 from vector<1xi32>
            %mul3A_447 = arith.constant 16 : i32
            %mul3A_448 = arith.muli %scan3A_296, %mul3A_447 : i32
            %add3A_449 = arith.constant 10 : i32
            %add3A_450 = arith.addi %mul3A_448, %add3A_449 : i32
            %dma_start3A_451 = arith.constant 0 : i32
            %dma_start3A_452 = tpu.memref_slice %arg6[%add3A_450, %dma_start3A_451] : memref<256x64xf32, #tpu.memory_space<vmem>> -> memref<1x64xf32, #tpu.memory_space<vmem>>
            %dma_start3A_453 = arith.constant 0 : i32
            %dma_start3A_454 = tpu.memref_slice %arg3[%squeeze3A_446, %dma_start3A_453] : memref<1000000x64xf32, #tpu.memory_space<hbm>> -> memref<1x64xf32, #tpu.memory_space<hbm>>
            %dma_start3A_455 = arith.constant 0 : i32
            %dma_start3A_456 = tpu.memref_slice %arg6[%add3A_450, %dma_start3A_455] : memref<256x64xf32, #tpu.memory_space<vmem>> -> memref<1x64xf32, #tpu.memory_space<vmem>>
            %dma_start3A_457 = arith.constant 0 : i32
            %dma_start3A_458 = tpu.memref_slice %arg3[%squeeze3A_446, %dma_start3A_457] : memref<1000000x64xf32, #tpu.memory_space<hbm>> -> memref<1x64xf32, #tpu.memory_space<hbm>>
            tpu.enqueue_dma source(%dma_start3A_458 : memref<1x64xf32, #tpu.memory_space<hbm>>) target(%dma_start3A_456 : memref<1x64xf32, #tpu.memory_space<vmem>>) target_semaphore(%arg8 : memref<!tpu.dma_semaphore, #tpu.memory_space<semaphore_mem>>)
            %slice3A_459 = vector.extract_strided_slice %get3A_304 {offsets = [11], sizes = [1], strides = [1]} : vector<16xi32> to vector<1xi32>
            %squeeze3A_460 = vector.extract %slice3A_459[0] : i32 from vector<1xi32>
            %mul3A_461 = arith.constant 16 : i32
            %mul3A_462 = arith.muli %scan3A_296, %mul3A_461 : i32
            %add3A_463 = arith.constant 11 : i32
            %add3A_464 = arith.addi %mul3A_462, %add3A_463 : i32
            %dma_start3A_465 = arith.constant 0 : i32
            %dma_start3A_466 = tpu.memref_slice %arg6[%add3A_464, %dma_start3A_465] : memref<256x64xf32, #tpu.memory_space<vmem>> -> memref<1x64xf32, #tpu.memory_space<vmem>>
            %dma_start3A_467 = arith.constant 0 : i32
            %dma_start3A_468 = tpu.memref_slice %arg3[%squeeze3A_460, %dma_start3A_467] : memref<1000000x64xf32, #tpu.memory_space<hbm>> -> memref<1x64xf32, #tpu.memory_space<hbm>>
            %dma_start3A_469 = arith.constant 0 : i32
            %dma_start3A_470 = tpu.memref_slice %arg6[%add3A_464, %dma_start3A_469] : memref<256x64xf32, #tpu.memory_space<vmem>> -> memref<1x64xf32, #tpu.memory_space<vmem>>
            %dma_start3A_471 = arith.constant 0 : i32
            %dma_start3A_472 = tpu.memref_slice %arg3[%squeeze3A_460, %dma_start3A_471] : memref<1000000x64xf32, #tpu.memory_space<hbm>> -> memref<1x64xf32, #tpu.memory_space<hbm>>
            tpu.enqueue_dma source(%dma_start3A_472 : memref<1x64xf32, #tpu.memory_space<hbm>>) target(%dma_start3A_470 : memref<1x64xf32, #tpu.memory_space<vmem>>) target_semaphore(%arg8 : memref<!tpu.dma_semaphore, #tpu.memory_space<semaphore_mem>>)
            %slice3A_473 = vector.extract_strided_slice %get3A_304 {offsets = [12], sizes = [1], strides = [1]} : vector<16xi32> to vector<1xi32>
            %squeeze3A_474 = vector.extract %slice3A_473[0] : i32 from vector<1xi32>
            %mul3A_475 = arith.constant 16 : i32
            %mul3A_476 = arith.muli %scan3A_296, %mul3A_475 : i32
            %add3A_477 = arith.constant 12 : i32
            %add3A_478 = arith.addi %mul3A_476, %add3A_477 : i32
            %dma_start3A_479 = arith.constant 0 : i32
            %dma_start3A_480 = tpu.memref_slice %arg6[%add3A_478, %dma_start3A_479] : memref<256x64xf32, #tpu.memory_space<vmem>> -> memref<1x64xf32, #tpu.memory_space<vmem>>
            %dma_start3A_481 = arith.constant 0 : i32
            %dma_start3A_482 = tpu.memref_slice %arg3[%squeeze3A_474, %dma_start3A_481] : memref<1000000x64xf32, #tpu.memory_space<hbm>> -> memref<1x64xf32, #tpu.memory_space<hbm>>
            %dma_start3A_483 = arith.constant 0 : i32
            %dma_start3A_484 = tpu.memref_slice %arg6[%add3A_478, %dma_start3A_483] : memref<256x64xf32, #tpu.memory_space<vmem>> -> memref<1x64xf32, #tpu.memory_space<vmem>>
            %dma_start3A_485 = arith.constant 0 : i32
            %dma_start3A_486 = tpu.memref_slice %arg3[%squeeze3A_474, %dma_start3A_485] : memref<1000000x64xf32, #tpu.memory_space<hbm>> -> memref<1x64xf32, #tpu.memory_space<hbm>>
            tpu.enqueue_dma source(%dma_start3A_486 : memref<1x64xf32, #tpu.memory_space<hbm>>) target(%dma_start3A_484 : memref<1x64xf32, #tpu.memory_space<vmem>>) target_semaphore(%arg8 : memref<!tpu.dma_semaphore, #tpu.memory_space<semaphore_mem>>)
            %slice3A_487 = vector.extract_strided_slice %get3A_304 {offsets = [13], sizes = [1], strides = [1]} : vector<16xi32> to vector<1xi32>
            %squeeze3A_488 = vector.extract %slice3A_487[0] : i32 from vector<1xi32>
            %mul3A_489 = arith.constant 16 : i32
            %mul3A_490 = arith.muli %scan3A_296, %mul3A_489 : i32
            %add3A_491 = arith.constant 13 : i32
            %add3A_492 = arith.addi %mul3A_490, %add3A_491 : i32
            %dma_start3A_493 = arith.constant 0 : i32
            %dma_start3A_494 = tpu.memref_slice %arg6[%add3A_492, %dma_start3A_493] : memref<256x64xf32, #tpu.memory_space<vmem>> -> memref<1x64xf32, #tpu.memory_space<vmem>>
            %dma_start3A_495 = arith.constant 0 : i32
            %dma_start3A_496 = tpu.memref_slice %arg3[%squeeze3A_488, %dma_start3A_495] : memref<1000000x64xf32, #tpu.memory_space<hbm>> -> memref<1x64xf32, #tpu.memory_space<hbm>>
            %dma_start3A_497 = arith.constant 0 : i32
            %dma_start3A_498 = tpu.memref_slice %arg6[%add3A_492, %dma_start3A_497] : memref<256x64xf32, #tpu.memory_space<vmem>> -> memref<1x64xf32, #tpu.memory_space<vmem>>
            %dma_start3A_499 = arith.constant 0 : i32
            %dma_start3A_500 = tpu.memref_slice %arg3[%squeeze3A_488, %dma_start3A_499] : memref<1000000x64xf32, #tpu.memory_space<hbm>> -> memref<1x64xf32, #tpu.memory_space<hbm>>
            tpu.enqueue_dma source(%dma_start3A_500 : memref<1x64xf32, #tpu.memory_space<hbm>>) target(%dma_start3A_498 : memref<1x64xf32, #tpu.memory_space<vmem>>) target_semaphore(%arg8 : memref<!tpu.dma_semaphore, #tpu.memory_space<semaphore_mem>>)
            %slice3A_501 = vector.extract_strided_slice %get3A_304 {offsets = [14], sizes = [1], strides = [1]} : vector<16xi32> to vector<1xi32>
            %squeeze3A_502 = vector.extract %slice3A_501[0] : i32 from vector<1xi32>
            %mul3A_503 = arith.constant 16 : i32
            %mul3A_504 = arith.muli %scan3A_296, %mul3A_503 : i32
            %add3A_505 = arith.constant 14 : i32
            %add3A_506 = arith.addi %mul3A_504, %add3A_505 : i32
            %dma_start3A_507 = arith.constant 0 : i32
            %dma_start3A_508 = tpu.memref_slice %arg6[%add3A_506, %dma_start3A_507] : memref<256x64xf32, #tpu.memory_space<vmem>> -> memref<1x64xf32, #tpu.memory_space<vmem>>
            %dma_start3A_509 = arith.constant 0 : i32
            %dma_start3A_510 = tpu.memref_slice %arg3[%squeeze3A_502, %dma_start3A_509] : memref<1000000x64xf32, #tpu.memory_space<hbm>> -> memref<1x64xf32, #tpu.memory_space<hbm>>
            %dma_start3A_511 = arith.constant 0 : i32
            %dma_start3A_512 = tpu.memref_slice %arg6[%add3A_506, %dma_start3A_511] : memref<256x64xf32, #tpu.memory_space<vmem>> -> memref<1x64xf32, #tpu.memory_space<vmem>>
            %dma_start3A_513 = arith.constant 0 : i32
            %dma_start3A_514 = tpu.memref_slice %arg3[%squeeze3A_502, %dma_start3A_513] : memref<1000000x64xf32, #tpu.memory_space<hbm>> -> memref<1x64xf32, #tpu.memory_space<hbm>>
            tpu.enqueue_dma source(%dma_start3A_514 : memref<1x64xf32, #tpu.memory_space<hbm>>) target(%dma_start3A_512 : memref<1x64xf32, #tpu.memory_space<vmem>>) target_semaphore(%arg8 : memref<!tpu.dma_semaphore, #tpu.memory_space<semaphore_mem>>)
            %slice3A_515 = vector.extract_strided_slice %get3A_304 {offsets = [15], sizes = [1], strides = [1]} : vector<16xi32> to vector<1xi32>
            %squeeze3A_516 = vector.extract %slice3A_515[0] : i32 from vector<1xi32>
            %mul3A_517 = arith.constant 16 : i32
            %mul3A_518 = arith.muli %scan3A_296, %mul3A_517 : i32
            %add3A_519 = arith.constant 15 : i32
            %add3A_520 = arith.addi %mul3A_518, %add3A_519 : i32
            %dma_start3A_521 = arith.constant 0 : i32
            %dma_start3A_522 = tpu.memref_slice %arg6[%add3A_520, %dma_start3A_521] : memref<256x64xf32, #tpu.memory_space<vmem>> -> memref<1x64xf32, #tpu.memory_space<vmem>>
            %dma_start3A_523 = arith.constant 0 : i32
            %dma_start3A_524 = tpu.memref_slice %arg3[%squeeze3A_516, %dma_start3A_523] : memref<1000000x64xf32, #tpu.memory_space<hbm>> -> memref<1x64xf32, #tpu.memory_space<hbm>>
            %dma_start3A_525 = arith.constant 0 : i32
            %dma_start3A_526 = tpu.memref_slice %arg6[%add3A_520, %dma_start3A_525] : memref<256x64xf32, #tpu.memory_space<vmem>> -> memref<1x64xf32, #tpu.memory_space<vmem>>
            %dma_start3A_527 = arith.constant 0 : i32
            %dma_start3A_528 = tpu.memref_slice %arg3[%squeeze3A_516, %dma_start3A_527] : memref<1000000x64xf32, #tpu.memory_space<hbm>> -> memref<1x64xf32, #tpu.memory_space<hbm>>
            tpu.enqueue_dma source(%dma_start3A_528 : memref<1x64xf32, #tpu.memory_space<hbm>>) target(%dma_start3A_526 : memref<1x64xf32, #tpu.memory_space<vmem>>) target_semaphore(%arg8 : memref<!tpu.dma_semaphore, #tpu.memory_space<semaphore_mem>>)
          }
          %scan3A_64 = arith.constant 16 : i32
        } else {
        }
        %dma_wait3A_35 = arith.constant 0 : i32
        %dma_wait3A_36 = arith.constant 0 : i32
        %dma_wait3A_37 = tpu.memref_slice %arg3[%dma_wait3A_35, %dma_wait3A_36] : memref<1000000x64xf32, #tpu.memory_space<hbm>> -> memref<256x64xf32, #tpu.memory_space<hbm>>
        %dma_wait3A_38 = arith.constant 0 : i32
        %dma_wait3A_39 = arith.constant 0 : i32
        %dma_wait3A_40 = tpu.memref_slice %arg3[%dma_wait3A_38, %dma_wait3A_39] : memref<1000000x64xf32, #tpu.memory_space<hbm>> -> memref<256x64xf32, #tpu.memory_space<hbm>>
        tpu.wait_dma2 semaphore(%arg9 : memref<!tpu.dma_semaphore, #tpu.memory_space<semaphore_mem>>) src(%dma_wait3A_40 : memref<256x64xf32, #tpu.memory_space<hbm>>) dst(%arg7 : memref<256x64xf32, #tpu.memory_space<vmem>>)
        %scan3A_41 = arith.constant 0 : i32
        %scan3A_42 = arith.constant 0 : i32
        %scan3A_43 = arith.constant 256 : i32
        %scan3A_44 = arith.addi %scan3A_42, %scan3A_43 : i32
        %scan3A_45 = arith.constant 4 : i32
        scf.for %scan3A_53 = %scan3A_42 to %scan3A_44 step %scan3A_45  : i32 {
          %get3A = arith.index_cast %scan3A_53 : i32 to index
          %get3A_54 = arith.constant 0 : index
          %get3A_55 = tpu.vector_load %arg7[%get3A, %get3A_54] {strides = array<i32>} : memref<256x64xf32, #tpu.memory_space<vmem>>, vector<1x16xf32>,
          %get3A_56 = vector.shape_cast %get3A_55 : vector<1x16xf32> to vector<16xf32>
          %mul3A_57 = arith.constant 8.000000e+00 : f32
          %mul3A_58 = vector.broadcast %mul3A_57 : f32 to vector<16xf32>
          %mul3A_59 = arith.mulf %get3A_56, %mul3A_58 : vector<16xf32>
          %swap3A = arith.index_cast %scan3A_53 : i32 to index
          %swap3A_60 = arith.constant 0 : index
          %swap3A_61 = tpu.vector_load %arg7[%swap3A, %swap3A_60] {strides = array<i32>} : memref<256x64xf32, #tpu.memory_space<vmem>>, vector<1x16xf32>,
          %swap3A_62 = vector.shape_cast %swap3A_61 : vector<1x16xf32> to vector<16xf32>
          %swap3A_63 = vector.shape_cast %mul3A_59 : vector<16xf32> to vector<1x16xf32>
          tpu.vector_store %arg7[%swap3A, %swap3A_60], %swap3A_63 {strides = array<i32>} : memref<256x64xf32, #tpu.memory_space<vmem>>, vector<1x16xf32>,
          %get3A_64 = arith.index_cast %scan3A_53 : i32 to index
          %get3A_65 = arith.constant 16 : index
          %get3A_66 = tpu.vector_load %arg7[%get3A_64, %get3A_65] {strides = array<i32>} : memref<256x64xf32, #tpu.memory_space<vmem>>, vector<1x16xf32>,
          %get3A_67 = vector.shape_cast %get3A_66 : vector<1x16xf32> to vector<16xf32>
          %mul3A_68 = arith.constant 8.000000e+00 : f32
          %mul3A_69 = vector.broadcast %mul3A_68 : f32 to vector<16xf32>
          %mul3A_70 = arith.mulf %get3A_67, %mul3A_69 : vector<16xf32>
          %swap3A_71 = arith.index_cast %scan3A_53 : i32 to index
          %swap3A_72 = arith.constant 16 : index
          %swap3A_73 = tpu.vector_load %arg7[%swap3A_71, %swap3A_72] {strides = array<i32>} : memref<256x64xf32, #tpu.memory_space<vmem>>, vector<1x16xf32>,
          %swap3A_74 = vector.shape_cast %swap3A_73 : vector<1x16xf32> to vector<16xf32>
          %swap3A_75 = vector.shape_cast %mul3A_70 : vector<16xf32> to vector<1x16xf32>
          tpu.vector_store %arg7[%swap3A_71, %swap3A_72], %swap3A_75 {strides = array<i32>} : memref<256x64xf32, #tpu.memory_space<vmem>>, vector<1x16xf32>,
          %get3A_76 = arith.index_cast %scan3A_53 : i32 to index
          %get3A_77 = arith.constant 32 : index
          %get3A_78 = tpu.vector_load %arg7[%get3A_76, %get3A_77] {strides = array<i32>} : memref<256x64xf32, #tpu.memory_space<vmem>>, vector<1x16xf32>,
          %get3A_79 = vector.shape_cast %get3A_78 : vector<1x16xf32> to vector<16xf32>
          %mul3A_80 = arith.constant 8.000000e+00 : f32
          %mul3A_81 = vector.broadcast %mul3A_80 : f32 to vector<16xf32>
          %mul3A_82 = arith.mulf %get3A_79, %mul3A_81 : vector<16xf32>
          %swap3A_83 = arith.index_cast %scan3A_53 : i32 to index
          %swap3A_84 = arith.constant 32 : index
          %swap3A_85 = tpu.vector_load %arg7[%swap3A_83, %swap3A_84] {strides = array<i32>} : memref<256x64xf32, #tpu.memory_space<vmem>>, vector<1x16xf32>,
          %swap3A_86 = vector.shape_cast %swap3A_85 : vector<1x16xf32> to vector<16xf32>
          %swap3A_87 = vector.shape_cast %mul3A_82 : vector<16xf32> to vector<1x16xf32>
          tpu.vector_store %arg7[%swap3A_83, %swap3A_84], %swap3A_87 {strides = array<i32>} : memref<256x64xf32, #tpu.memory_space<vmem>>, vector<1x16xf32>,
          %get3A_88 = arith.index_cast %scan3A_53 : i32 to index
          %get3A_89 = arith.constant 48 : index
          %get3A_90 = tpu.vector_load %arg7[%get3A_88, %get3A_89] {strides = array<i32>} : memref<256x64xf32, #tpu.memory_space<vmem>>, vector<1x16xf32>,
          %get3A_91 = vector.shape_cast %get3A_90 : vector<1x16xf32> to vector<16xf32>
          %mul3A_92 = arith.constant 8.000000e+00 : f32
          %mul3A_93 = vector.broadcast %mul3A_92 : f32 to vector<16xf32>
          %mul3A_94 = arith.mulf %get3A_91, %mul3A_93 : vector<16xf32>
          %swap3A_95 = arith.index_cast %scan3A_53 : i32 to index
          %swap3A_96 = arith.constant 48 : index
          %swap3A_97 = tpu.vector_load %arg7[%swap3A_95, %swap3A_96] {strides = array<i32>} : memref<256x64xf32, #tpu.memory_space<vmem>>, vector<1x16xf32>,
          %swap3A_98 = vector.shape_cast %swap3A_97 : vector<1x16xf32> to vector<16xf32>
          %swap3A_99 = vector.shape_cast %mul3A_94 : vector<16xf32> to vector<1x16xf32>
          tpu.vector_store %arg7[%swap3A_95, %swap3A_96], %swap3A_99 {strides = array<i32>} : memref<256x64xf32, #tpu.memory_space<vmem>>, vector<1x16xf32>,
          %scan3A_100 = arith.constant 1 : i32
          %scan3A_101 = arith.addi %scan3A_53, %scan3A_100 : i32
          %get3A_102 = arith.index_cast %scan3A_101 : i32 to index
          %get3A_103 = arith.constant 0 : index
          %get3A_104 = tpu.vector_load %arg7[%get3A_102, %get3A_103] {strides = array<i32>} : memref<256x64xf32, #tpu.memory_space<vmem>>, vector<1x16xf32>,
          %get3A_105 = vector.shape_cast %get3A_104 : vector<1x16xf32> to vector<16xf32>
          %mul3A_106 = arith.constant 8.000000e+00 : f32
          %mul3A_107 = vector.broadcast %mul3A_106 : f32 to vector<16xf32>
          %mul3A_108 = arith.mulf %get3A_105, %mul3A_107 : vector<16xf32>
          %swap3A_109 = arith.index_cast %scan3A_101 : i32 to index
          %swap3A_110 = arith.constant 0 : index
          %swap3A_111 = tpu.vector_load %arg7[%swap3A_109, %swap3A_110] {strides = array<i32>} : memref<256x64xf32, #tpu.memory_space<vmem>>, vector<1x16xf32>,
          %swap3A_112 = vector.shape_cast %swap3A_111 : vector<1x16xf32> to vector<16xf32>
          %swap3A_113 = vector.shape_cast %mul3A_108 : vector<16xf32> to vector<1x16xf32>
          tpu.vector_store %arg7[%swap3A_109, %swap3A_110], %swap3A_113 {strides = array<i32>} : memref<256x64xf32, #tpu.memory_space<vmem>>, vector<1x16xf32>,
          %get3A_114 = arith.index_cast %scan3A_101 : i32 to index
          %get3A_115 = arith.constant 16 : index
          %get3A_116 = tpu.vector_load %arg7[%get3A_114, %get3A_115] {strides = array<i32>} : memref<256x64xf32, #tpu.memory_space<vmem>>, vector<1x16xf32>,
          %get3A_117 = vector.shape_cast %get3A_116 : vector<1x16xf32> to vector<16xf32>
          %mul3A_118 = arith.constant 8.000000e+00 : f32
          %mul3A_119 = vector.broadcast %mul3A_118 : f32 to vector<16xf32>
          %mul3A_120 = arith.mulf %get3A_117, %mul3A_119 : vector<16xf32>
          %swap3A_121 = arith.index_cast %scan3A_101 : i32 to index
          %swap3A_122 = arith.constant 16 : index
          %swap3A_123 = tpu.vector_load %arg7[%swap3A_121, %swap3A_122] {strides = array<i32>} : memref<256x64xf32, #tpu.memory_space<vmem>>, vector<1x16xf32>,
          %swap3A_124 = vector.shape_cast %swap3A_123 : vector<1x16xf32> to vector<16xf32>
          %swap3A_125 = vector.shape_cast %mul3A_120 : vector<16xf32> to vector<1x16xf32>
          tpu.vector_store %arg7[%swap3A_121, %swap3A_122], %swap3A_125 {strides = array<i32>} : memref<256x64xf32, #tpu.memory_space<vmem>>, vector<1x16xf32>,
          %get3A_126 = arith.index_cast %scan3A_101 : i32 to index
          %get3A_127 = arith.constant 32 : index
          %get3A_128 = tpu.vector_load %arg7[%get3A_126, %get3A_127] {strides = array<i32>} : memref<256x64xf32, #tpu.memory_space<vmem>>, vector<1x16xf32>,
          %get3A_129 = vector.shape_cast %get3A_128 : vector<1x16xf32> to vector<16xf32>
          %mul3A_130 = arith.constant 8.000000e+00 : f32
          %mul3A_131 = vector.broadcast %mul3A_130 : f32 to vector<16xf32>
          %mul3A_132 = arith.mulf %get3A_129, %mul3A_131 : vector<16xf32>
          %swap3A_133 = arith.index_cast %scan3A_101 : i32 to index
          %swap3A_134 = arith.constant 32 : index
          %swap3A_135 = tpu.vector_load %arg7[%swap3A_133, %swap3A_134] {strides = array<i32>} : memref<256x64xf32, #tpu.memory_space<vmem>>, vector<1x16xf32>,
          %swap3A_136 = vector.shape_cast %swap3A_135 : vector<1x16xf32> to vector<16xf32>
          %swap3A_137 = vector.shape_cast %mul3A_132 : vector<16xf32> to vector<1x16xf32>
          tpu.vector_store %arg7[%swap3A_133, %swap3A_134], %swap3A_137 {strides = array<i32>} : memref<256x64xf32, #tpu.memory_space<vmem>>, vector<1x16xf32>,
          %get3A_138 = arith.index_cast %scan3A_101 : i32 to index
          %get3A_139 = arith.constant 48 : index
          %get3A_140 = tpu.vector_load %arg7[%get3A_138, %get3A_139] {strides = array<i32>} : memref<256x64xf32, #tpu.memory_space<vmem>>, vector<1x16xf32>,
          %get3A_141 = vector.shape_cast %get3A_140 : vector<1x16xf32> to vector<16xf32>
          %mul3A_142 = arith.constant 8.000000e+00 : f32
          %mul3A_143 = vector.broadcast %mul3A_142 : f32 to vector<16xf32>
          %mul3A_144 = arith.mulf %get3A_141, %mul3A_143 : vector<16xf32>
          %swap3A_145 = arith.index_cast %scan3A_101 : i32 to index
          %swap3A_146 = arith.constant 48 : index
          %swap3A_147 = tpu.vector_load %arg7[%swap3A_145, %swap3A_146] {strides = array<i32>} : memref<256x64xf32, #tpu.memory_space<vmem>>, vector<1x16xf32>,
          %swap3A_148 = vector.shape_cast %swap3A_147 : vector<1x16xf32> to vector<16xf32>
          %swap3A_149 = vector.shape_cast %mul3A_144 : vector<16xf32> to vector<1x16xf32>
          tpu.vector_store %arg7[%swap3A_145, %swap3A_146], %swap3A_149 {strides = array<i32>} : memref<256x64xf32, #tpu.memory_space<vmem>>, vector<1x16xf32>,
          %scan3A_150 = arith.constant 2 : i32
          %scan3A_151 = arith.addi %scan3A_53, %scan3A_150 : i32
          %get3A_152 = arith.index_cast %scan3A_151 : i32 to index
          %get3A_153 = arith.constant 0 : index
          %get3A_154 = tpu.vector_load %arg7[%get3A_152, %get3A_153] {strides = array<i32>} : memref<256x64xf32, #tpu.memory_space<vmem>>, vector<1x16xf32>,
          %get3A_155 = vector.shape_cast %get3A_154 : vector<1x16xf32> to vector<16xf32>
          %mul3A_156 = arith.constant 8.000000e+00 : f32
          %mul3A_157 = vector.broadcast %mul3A_156 : f32 to vector<16xf32>
          %mul3A_158 = arith.mulf %get3A_155, %mul3A_157 : vector<16xf32>
          %swap3A_159 = arith.index_cast %scan3A_151 : i32 to index
          %swap3A_160 = arith.constant 0 : index
          %swap3A_161 = tpu.vector_load %arg7[%swap3A_159, %swap3A_160] {strides = array<i32>} : memref<256x64xf32, #tpu.memory_space<vmem>>, vector<1x16xf32>,
          %swap3A_162 = vector.shape_cast %swap3A_161 : vector<1x16xf32> to vector<16xf32>
          %swap3A_163 = vector.shape_cast %mul3A_158 : vector<16xf32> to vector<1x16xf32>
          tpu.vector_store %arg7[%swap3A_159, %swap3A_160], %swap3A_163 {strides = array<i32>} : memref<256x64xf32, #tpu.memory_space<vmem>>, vector<1x16xf32>,
          %get3A_164 = arith.index_cast %scan3A_151 : i32 to index
          %get3A_165 = arith.constant 16 : index
          %get3A_166 = tpu.vector_load %arg7[%get3A_164, %get3A_165] {strides = array<i32>} : memref<256x64xf32, #tpu.memory_space<vmem>>, vector<1x16xf32>,
          %get3A_167 = vector.shape_cast %get3A_166 : vector<1x16xf32> to vector<16xf32>
          %mul3A_168 = arith.constant 8.000000e+00 : f32
          %mul3A_169 = vector.broadcast %mul3A_168 : f32 to vector<16xf32>
          %mul3A_170 = arith.mulf %get3A_167, %mul3A_169 : vector<16xf32>
          %swap3A_171 = arith.index_cast %scan3A_151 : i32 to index
          %swap3A_172 = arith.constant 16 : index
          %swap3A_173 = tpu.vector_load %arg7[%swap3A_171, %swap3A_172] {strides = array<i32>} : memref<256x64xf32, #tpu.memory_space<vmem>>, vector<1x16xf32>,
          %swap3A_174 = vector.shape_cast %swap3A_173 : vector<1x16xf32> to vector<16xf32>
          %swap3A_175 = vector.shape_cast %mul3A_170 : vector<16xf32> to vector<1x16xf32>
          tpu.vector_store %arg7[%swap3A_171, %swap3A_172], %swap3A_175 {strides = array<i32>} : memref<256x64xf32, #tpu.memory_space<vmem>>, vector<1x16xf32>,
          %get3A_176 = arith.index_cast %scan3A_151 : i32 to index
          %get3A_177 = arith.constant 32 : index
          %get3A_178 = tpu.vector_load %arg7[%get3A_176, %get3A_177] {strides = array<i32>} : memref<256x64xf32, #tpu.memory_space<vmem>>, vector<1x16xf32>,
          %get3A_179 = vector.shape_cast %get3A_178 : vector<1x16xf32> to vector<16xf32>
          %mul3A_180 = arith.constant 8.000000e+00 : f32
          %mul3A_181 = vector.broadcast %mul3A_180 : f32 to vector<16xf32>
          %mul3A_182 = arith.mulf %get3A_179, %mul3A_181 : vector<16xf32>
          %swap3A_183 = arith.index_cast %scan3A_151 : i32 to index
          %swap3A_184 = arith.constant 32 : index
          %swap3A_185 = tpu.vector_load %arg7[%swap3A_183, %swap3A_184] {strides = array<i32>} : memref<256x64xf32, #tpu.memory_space<vmem>>, vector<1x16xf32>,
          %swap3A_186 = vector.shape_cast %swap3A_185 : vector<1x16xf32> to vector<16xf32>
          %swap3A_187 = vector.shape_cast %mul3A_182 : vector<16xf32> to vector<1x16xf32>
          tpu.vector_store %arg7[%swap3A_183, %swap3A_184], %swap3A_187 {strides = array<i32>} : memref<256x64xf32, #tpu.memory_space<vmem>>, vector<1x16xf32>,
          %get3A_188 = arith.index_cast %scan3A_151 : i32 to index
          %get3A_189 = arith.constant 48 : index
          %get3A_190 = tpu.vector_load %arg7[%get3A_188, %get3A_189] {strides = array<i32>} : memref<256x64xf32, #tpu.memory_space<vmem>>, vector<1x16xf32>,
          %get3A_191 = vector.shape_cast %get3A_190 : vector<1x16xf32> to vector<16xf32>
          %mul3A_192 = arith.constant 8.000000e+00 : f32
          %mul3A_193 = vector.broadcast %mul3A_192 : f32 to vector<16xf32>
          %mul3A_194 = arith.mulf %get3A_191, %mul3A_193 : vector<16xf32>
          %swap3A_195 = arith.index_cast %scan3A_151 : i32 to index
          %swap3A_196 = arith.constant 48 : index
          %swap3A_197 = tpu.vector_load %arg7[%swap3A_195, %swap3A_196] {strides = array<i32>} : memref<256x64xf32, #tpu.memory_space<vmem>>, vector<1x16xf32>,
          %swap3A_198 = vector.shape_cast %swap3A_197 : vector<1x16xf32> to vector<16xf32>
          %swap3A_199 = vector.shape_cast %mul3A_194 : vector<16xf32> to vector<1x16xf32>
          tpu.vector_store %arg7[%swap3A_195, %swap3A_196], %swap3A_199 {strides = array<i32>} : memref<256x64xf32, #tpu.memory_space<vmem>>, vector<1x16xf32>,
          %scan3A_200 = arith.constant 3 : i32
          %scan3A_201 = arith.addi %scan3A_53, %scan3A_200 : i32
          %get3A_202 = arith.index_cast %scan3A_201 : i32 to index
          %get3A_203 = arith.constant 0 : index
          %get3A_204 = tpu.vector_load %arg7[%get3A_202, %get3A_203] {strides = array<i32>} : memref<256x64xf32, #tpu.memory_space<vmem>>, vector<1x16xf32>,
          %get3A_205 = vector.shape_cast %get3A_204 : vector<1x16xf32> to vector<16xf32>
          %mul3A_206 = arith.constant 8.000000e+00 : f32
          %mul3A_207 = vector.broadcast %mul3A_206 : f32 to vector<16xf32>
          %mul3A_208 = arith.mulf %get3A_205, %mul3A_207 : vector<16xf32>
          %swap3A_209 = arith.index_cast %scan3A_201 : i32 to index
          %swap3A_210 = arith.constant 0 : index
          %swap3A_211 = tpu.vector_load %arg7[%swap3A_209, %swap3A_210] {strides = array<i32>} : memref<256x64xf32, #tpu.memory_space<vmem>>, vector<1x16xf32>,
          %swap3A_212 = vector.shape_cast %swap3A_211 : vector<1x16xf32> to vector<16xf32>
          %swap3A_213 = vector.shape_cast %mul3A_208 : vector<16xf32> to vector<1x16xf32>
          tpu.vector_store %arg7[%swap3A_209, %swap3A_210], %swap3A_213 {strides = array<i32>} : memref<256x64xf32, #tpu.memory_space<vmem>>, vector<1x16xf32>,
          %get3A_214 = arith.index_cast %scan3A_201 : i32 to index
          %get3A_215 = arith.constant 16 : index
          %get3A_216 = tpu.vector_load %arg7[%get3A_214, %get3A_215] {strides = array<i32>} : memref<256x64xf32, #tpu.memory_space<vmem>>, vector<1x16xf32>,
          %get3A_217 = vector.shape_cast %get3A_216 : vector<1x16xf32> to vector<16xf32>
          %mul3A_218 = arith.constant 8.000000e+00 : f32
          %mul3A_219 = vector.broadcast %mul3A_218 : f32 to vector<16xf32>
          %mul3A_220 = arith.mulf %get3A_217, %mul3A_219 : vector<16xf32>
          %swap3A_221 = arith.index_cast %scan3A_201 : i32 to index
          %swap3A_222 = arith.constant 16 : index
          %swap3A_223 = tpu.vector_load %arg7[%swap3A_221, %swap3A_222] {strides = array<i32>} : memref<256x64xf32, #tpu.memory_space<vmem>>, vector<1x16xf32>,
          %swap3A_224 = vector.shape_cast %swap3A_223 : vector<1x16xf32> to vector<16xf32>
          %swap3A_225 = vector.shape_cast %mul3A_220 : vector<16xf32> to vector<1x16xf32>
          tpu.vector_store %arg7[%swap3A_221, %swap3A_222], %swap3A_225 {strides = array<i32>} : memref<256x64xf32, #tpu.memory_space<vmem>>, vector<1x16xf32>,
          %get3A_226 = arith.index_cast %scan3A_201 : i32 to index
          %get3A_227 = arith.constant 32 : index
          %get3A_228 = tpu.vector_load %arg7[%get3A_226, %get3A_227] {strides = array<i32>} : memref<256x64xf32, #tpu.memory_space<vmem>>, vector<1x16xf32>,
          %get3A_229 = vector.shape_cast %get3A_228 : vector<1x16xf32> to vector<16xf32>
          %mul3A_230 = arith.constant 8.000000e+00 : f32
          %mul3A_231 = vector.broadcast %mul3A_230 : f32 to vector<16xf32>
          %mul3A_232 = arith.mulf %get3A_229, %mul3A_231 : vector<16xf32>
          %swap3A_233 = arith.index_cast %scan3A_201 : i32 to index
          %swap3A_234 = arith.constant 32 : index
          %swap3A_235 = tpu.vector_load %arg7[%swap3A_233, %swap3A_234] {strides = array<i32>} : memref<256x64xf32, #tpu.memory_space<vmem>>, vector<1x16xf32>,
          %swap3A_236 = vector.shape_cast %swap3A_235 : vector<1x16xf32> to vector<16xf32>
          %swap3A_237 = vector.shape_cast %mul3A_232 : vector<16xf32> to vector<1x16xf32>
          tpu.vector_store %arg7[%swap3A_233, %swap3A_234], %swap3A_237 {strides = array<i32>} : memref<256x64xf32, #tpu.memory_space<vmem>>, vector<1x16xf32>,
          %get3A_238 = arith.index_cast %scan3A_201 : i32 to index
          %get3A_239 = arith.constant 48 : index
          %get3A_240 = tpu.vector_load %arg7[%get3A_238, %get3A_239] {strides = array<i32>} : memref<256x64xf32, #tpu.memory_space<vmem>>, vector<1x16xf32>,
          %get3A_241 = vector.shape_cast %get3A_240 : vector<1x16xf32> to vector<16xf32>
          %mul3A_242 = arith.constant 8.000000e+00 : f32
          %mul3A_243 = vector.broadcast %mul3A_242 : f32 to vector<16xf32>
          %mul3A_244 = arith.mulf %get3A_241, %mul3A_243 : vector<16xf32>
          %swap3A_245 = arith.index_cast %scan3A_201 : i32 to index
          %swap3A_246 = arith.constant 48 : index
          %swap3A_247 = tpu.vector_load %arg7[%swap3A_245, %swap3A_246] {strides = array<i32>} : memref<256x64xf32, #tpu.memory_space<vmem>>, vector<1x16xf32>,
          %swap3A_248 = vector.shape_cast %swap3A_247 : vector<1x16xf32> to vector<16xf32>
          %swap3A_249 = vector.shape_cast %mul3A_244 : vector<16xf32> to vector<1x16xf32>
          tpu.vector_store %arg7[%swap3A_245, %swap3A_246], %swap3A_249 {strides = array<i32>} : memref<256x64xf32, #tpu.memory_space<vmem>>, vector<1x16xf32>,
        }
        %scan3A_46 = arith.constant 256 : i32
        %mul3A_47 = arith.constant 256 : i32
        %mul3A_48 = arith.muli %scan3A_25, %mul3A_47 : i32
        %add3A_49 = arith.addi %mul3A_2, %mul3A_48 : i32
        %dma_start3A = arith.constant 0 : i32
        %dma_start3A_50 = tpu.memref_slice %arg4[%add3A_49, %dma_start3A] : memref<204800x64xf32, #tpu.memory_space<hbm>> -> memref<256x64xf32, #tpu.memory_space<hbm>>
        %dma_start3A_51 = arith.constant 0 : i32
        %dma_start3A_52 = tpu.memref_slice %arg4[%add3A_49, %dma_start3A_51] : memref<204800x64xf32, #tpu.memory_space<hbm>> -> memref<256x64xf32, #tpu.memory_space<hbm>>
        tpu.enqueue_dma source(%arg7 : memref<256x64xf32, #tpu.memory_space<vmem>>) target(%dma_start3A_52 : memref<256x64xf32, #tpu.memory_space<hbm>>) target_semaphore(%arg11 : memref<!tpu.dma_semaphore, #tpu.memory_space<semaphore_mem>>)
      }
    }
    %scan3A_13 = arith.constant 25 : i32
    %dma_wait3A = arith.constant 0 : i32
    %dma_wait3A_14 = arith.constant 0 : i32
    %dma_wait3A_15 = tpu.memref_slice %arg4[%dma_wait3A, %dma_wait3A_14] : memref<204800x64xf32, #tpu.memory_space<hbm>> -> memref<256x64xf32, #tpu.memory_space<hbm>>
    %dma_wait3A_16 = arith.constant 0 : i32
    %dma_wait3A_17 = arith.constant 0 : i32
    %dma_wait3A_18 = tpu.memref_slice %arg4[%dma_wait3A_16, %dma_wait3A_17] : memref<204800x64xf32, #tpu.memory_space<hbm>> -> memref<256x64xf32, #tpu.memory_space<hbm>>
    tpu.wait_dma2 semaphore(%arg10 : memref<!tpu.dma_semaphore, #tpu.memory_space<semaphore_mem>>) src(%arg6 : memref<256x64xf32, #tpu.memory_space<vmem>>) dst(%dma_wait3A_18 : memref<256x64xf32, #tpu.memory_space<hbm>>)
    %dma_wait3A_19 = arith.constant 0 : i32
    %dma_wait3A_20 = arith.constant 0 : i32
    %dma_wait3A_21 = tpu.memref_slice %arg4[%dma_wait3A_19, %dma_wait3A_20] : memref<204800x64xf32, #tpu.memory_space<hbm>> -> memref<256x64xf32, #tpu.memory_space<hbm>>
    %dma_wait3A_22 = arith.constant 0 : i32
    %dma_wait3A_23 = arith.constant 0 : i32
    %dma_wait3A_24 = tpu.memref_slice %arg4[%dma_wait3A_22, %dma_wait3A_23] : memref<204800x64xf32, #tpu.memory_space<hbm>> -> memref<256x64xf32, #tpu.memory_space<hbm>>
    tpu.wait_dma2 semaphore(%arg11 : memref<!tpu.dma_semaphore, #tpu.memory_space<semaphore_mem>>) src(%arg7 : memref<256x64xf32, #tpu.memory_space<vmem>>) dst(%dma_wait3A_24 : memref<256x64xf32, #tpu.memory_space<hbm>>)
    return
  }
}

</mosaic_0001>

<sc_bundles>
// kernel: kernel.3.cloned.1.call-start
scs
__scs_entry_jumppad:
0x0: {  	(pc) =	sbr.rel $0x88, $3  }
0x1: {  	(tag) =	ssettag $0x0;
	lr =	simm.s32 $0x1  }
0x2: {  	[smem:$0x3F9F] =	sst lr;
	_ =	strace $0xD0000000  }
0x3: {  	_ = 	snop  }
0x4: {  	_ = 	snop  }
0x5: {  	_ = 	snop  }
0x6: {  	_ = 	snop  }
0x7: {  	_ = 	snop  }
__scs_overlays_trampoline_lowered:
0x8: {  	[smem:$0x3FAE] =	sst s0  }
0x9: {  	[smem:$0x3FAF] =	sst s1  }
0xa: {  	[smem:$0x3FB0] =	sst s2  }
0xb: {  	[smem:$0x3FB1] =	sst s3  }
0xc: {  	[smem:$0x3FB2] =	sst s4  }
0xd: {  	[smem:$0x3FB3] =	sst s5  }
0xe: {  	[smem:$0x3FB4] =	sst s6  }
0xf: {  	[smem:$0x3FB5] =	sst s7  }
0x10: {  	[smem:$0x3FB6] =	sst s8  }
0x11: {  	[smem:$0x3FB7] =	sst s9;
	s0 =	simm.s32 @!p0 $0x0  }
0x12: {  	s1 =	sld [smem:$0x3F9D];
	s0 =	simm.s32 @p0 $0x1  }
0x13: {  	[smem:$0x3FB8] =	sst s0;
	s0 =	simm.s32 @!p1 $0x0  }
0x14: {  	s2 =	sld [smem:$0x3F9C];
	s0 =	simm.s32 @p1 $0x1  }
0x15: {  	[smem:$0x3FB9] =	sst s0;
	s0 =	simm.s32 @!p2 $0x0  }
0x16: {  	s3 =	sld [smem:$0x3FDB];
	s0 =	simm.s32 @p2 $0x1  }
0x17: {  	s4 =	simm.s32 $0x1BF5;
	[smem:$0x3FBB] =	sst s0  }
0x18: {  	s0 =	sld [smem:$0x3F9E];
	_ =	swait.ge [sflag:s4], $0x0  }
0x19: {  	s7 =	sld [smem:$0x3F9F]  }
0x1a: {  	s8 =	sadd.s32 $0xFFFFE003, lr  }
0x1b: {  	s9 =	sadd.s32 $0xFFFFFEF7, lr;
	s5 =	simm.s32 $0xFFFFFFFF;
	p2 =	slt.u32 s8, $0xFFFFF086  }
0x1c: {  	p1 =	slt.u32 s9, $0xF7A;
	s5 =	simm.s32 @!p2 $0x0  }
0x1d: {  	s5 =	simm.s32 @p1 $0x1;
	p0 =	seq.s32 s7, s2  }
0x1e: {  	s7 =	smul.u32 @!p0 $0xF7A, s2;
	p2 =	seq.s32 @!p0 s5, $0x0  }
0x1f: {  	s9 =	smul.u32 $0xF7A, s1;
	s8 =	simm.s32 @!p0 $0x1BF5;
	p2 =	por !p2, p0  }
0x20: {  	[sflag:s8] =	ssyncset.s32 @!p0 $0xFFFFF086;
	s6 =	sadd.s32 @!p0 s3, s7;
	s7 =	simm.s32 @!p0 $0x108  }
0x21: {  	s3 =	sadd.s32 s3, s9;
	s6 =	sadd.s32 @!p0 $0x88, s6;
	s7 =	simm.s32 @p2 $0x1082  }
0x22: {  	[simem:s7], [sflag:s8] =	dma.local @!p0 [hbm:s6], $0xF7A  }
0x23: {  	s9 =	sor.u32 $0xD0000000, s2;
	s6 =	simm.s32 $0x108;
	_ =	swait.ge @!p0 [sflag:s8], $0x0  }
0x24: {  	s3 =	sadd.s32 $0x88, s3;
	s6 =	simm.s32 @!p1 $0x1082;
	[sflag:s4] =	ssyncset.s32 $0xFFFFF086  }
0x25: {  	[simem:s6], [sflag:s4] =	dma.local [hbm:s3], $0xF7A  }
0x26: {  	[smem:$0x3F9F] =	sst s1;
	(tag) =	ssettag s2;
	_ =	strace s9  }
0x27: {  	s1 =	sld [smem:$0x3FAF]  }
0x28: {  	s2 =	sld [smem:$0x3FB0]  }
0x29: {  	s4 =	sld [smem:$0x3FB2]  }
0x2a: {  	p0 =	seq.s32 s5, $0x0;
	s5 =	sld [smem:$0x3FB3]  }
0x2b: {  	s6 =	sld [smem:$0x3FB4]  }
0x2c: {  	s7 =	sld [smem:$0x3FB5]  }
0x2d: {  	s3 =	simm.s32 $0x108;
	s8 =	sld [smem:$0x3FB6]  }
0x2e: {  	s3 =	simm.s32 @!p0 $0x1082;
	s9 =	sld [smem:$0x3FB7]  }
0x2f: {  	lr =	sadd.s32 s0, s3;
	s0 =	sld [smem:$0x3FAE]  }
0x30: {  	s3 =	sld [smem:$0x3FB1]  }
0x31: {  	[smem:$0x3FBA] =	sst s10  }
0x32: {  	s10 =	sld [smem:$0x3FB8];
	_ =	sdelay $0x3  }
0x33: {  	p0 =	seq.s32 s10, $0x1;
	s10 =	sld [smem:$0x3FBA];
	_ =	sdelay $0x3  }
0x34: {  	[smem:$0x3FBA] =	sst s10  }
0x35: {  	s10 =	sld [smem:$0x3FB9];
	_ =	sdelay $0x3  }
0x36: {  	p1 =	seq.s32 s10, $0x1;
	s10 =	sld [smem:$0x3FBA];
	_ =	sdelay $0x3  }
0x37: {  	[smem:$0x3FBA] =	sst s10  }
0x38: {  	s10 =	sld [smem:$0x3FBB]  }
0x39: {  	_ = 	snop;
	(pc) =	sbr.ind lr, $3  }
0x3a: {  	_ = 	snop  }
0x3b: {  	_ = 	snop  }
0x3c: {  	p2 =	seq.s32 s10, $0x1;
	s10 =	sld [smem:$0x3FBA]  }
0x3d: {  	_ =	shalt  }
0x3e: {  	_ =	shalt  }
0x3f: {  	_ =	shalt  }
0x40: {  	_ =	shalt  }
0x41: {  	_ =	shalt  }
0x42: {  	_ =	shalt  }
0x43: {  	_ =	shalt  }
0x44: {  	_ =	shalt  }
0x45: {  	_ =	shalt  }
0x46: {  	_ =	shalt  }
0x47: {  	_ =	shalt  }
0x48: {  	_ =	shalt  }
0x49: {  	_ =	shalt  }
0x4a: {  	_ =	shalt  }
0x4b: {  	_ =	shalt  }
0x4c: {  	_ =	shalt  }
0x4d: {  	_ =	shalt  }
0x4e: {  	_ =	shalt  }
0x4f: {  	_ =	shalt  }
0x50: {  	_ =	shalt  }
0x51: {  	_ =	shalt  }
0x52: {  	_ =	shalt  }
0x53: {  	_ =	shalt  }
0x54: {  	_ =	shalt  }
0x55: {  	_ =	shalt  }
0x56: {  	_ =	shalt  }
0x57: {  	_ =	shalt  }
0x58: {  	_ =	shalt  }
0x59: {  	_ =	shalt  }
0x5a: {  	_ =	shalt  }
0x5b: {  	_ =	shalt  }
0x5c: {  	_ =	shalt  }
0x5d: {  	_ =	shalt  }
0x5e: {  	_ =	shalt  }
0x5f: {  	_ =	shalt  }
0x60: {  	_ =	shalt  }
0x61: {  	_ =	shalt  }
0x62: {  	_ =	shalt  }
0x63: {  	_ =	shalt  }
0x64: {  	_ =	shalt  }
0x65: {  	_ =	shalt  }
0x66: {  	_ =	shalt  }
0x67: {  	_ =	shalt  }
0x68: {  	_ =	shalt  }
0x69: {  	_ =	shalt  }
0x6a: {  	_ =	shalt  }
0x6b: {  	_ =	shalt  }
0x6c: {  	_ =	shalt  }
0x6d: {  	_ =	shalt  }
0x6e: {  	_ =	shalt  }
0x6f: {  	_ =	shalt  }
0x70: {  	_ =	shalt  }
0x71: {  	_ =	shalt  }
0x72: {  	_ =	shalt  }
0x73: {  	_ =	shalt  }
0x74: {  	_ =	shalt  }
0x75: {  	_ =	shalt  }
0x76: {  	_ =	shalt  }
0x77: {  	_ =	shalt  }
0x78: {  	_ =	shalt  }
0x79: {  	_ =	shalt  }
0x7a: {  	_ =	shalt  }
0x7b: {  	_ =	shalt  }
0x7c: {  	_ =	shalt  }
0x7d: {  	_ =	shalt  }
0x7e: {  	_ =	shalt  }
0x7f: {  	_ =	shalt  }
0x80: {  	_ =	shalt  }
0x81: {  	_ =	shalt  }
0x82: {  	_ =	shalt  }
0x83: {  	_ =	shalt  }
0x84: {  	_ =	shalt  }
0x85: {  	_ =	shalt  }
0x86: {  	_ =	shalt  }
0x87: {  	_ =	shalt  }
.Lfunc_end0:
.L_simem_size_0:
called_computation.1_lowered:
.L_overlay_start_0:
0x88: {  	s2 =	sld [smem:$0x3FD9]  }
0x89: {  	s3 =	sld [smem:$0x3FFE];
	_ =	sdelay $0x1  }
0x8a: {  	s1 =	srdreg.scid  }
0x8b: {  	s0 =	sand.u32 $0x1, s1  }
0x8c: {  	s17 =	sshll.u32 s0, $0xA;
	s2 =	sadd.s32 s3, s2  }
0x8d: {  	s2 =	sadd.s32 s2, s17  }
0x8e: {  	[smem:$0x3FC6] =	sst s2  }
0x8f: {  	_ = 	snop  }
0x90: {  	s2 =	sld [smem:$0x3FD0];
	(tm) =	ssettm $0x1  }
0x91: {  	s18 =	sld [smem:$0x3FFB];
	_ =	sdelay $0x3  }
0x92: {  	_ =	strace s18  }
0x93: {  	s3 =	sld [smem:$0x3FFC];
	_ =	sdelay $0x3  }
0x94: {  	_ =	strace s3  }
0x95: {  	s3 =	sld [smem:$0x3FFD];
	_ =	sdelay $0x3  }
0x96: {  	_ =	strace s3  }
0x97: {  	_ =	strace $0x8FFFFFFF  }
0x98: {  	s19 =	sld [smem:$0x3FDB];
	_ =	sdelay $0x1  }
0x99: {  	s4 =	simm.s32 $_scs_section_size  }
0x9a: {  	s5 =	simm.s32 $_size__tile_overlayer_lowered;
	s6 =	simm.s32 $_tile_overlayer_lowered  }
0x9b: {  	s22 =	simm.s32 $0x1BFF;
	s21 =	sshll.u32 s6, $0x1;
	s3 =	sadd.s32 s4, s19  }
0x9c: {  	s7 =	simm.s32 $0x0;
	s20 =	sshll.u32 s5, $0x1;
	s5 =	sadd.s32 s21, s3  }
0x9d: {  	[timem:s7], [sflag:s22] =	dma.local [hbm:s5], s20  }
0x9e: {  	_ =	swait.ge [sflag:s22], s20  }
0x9f: {  	s4 =	ssub.s32 $0x0, s20;
	[sflag:s22] =	ssyncset.done $0x0  }
0xa0: {  	[sflag:s22] =	ssyncadd.s32 s4;
	_ =	sdelay $0x1  }
0xa1: {  	s23 =	simm.s32 $0x1B8B  }
0xa2: {  	_ =	swait.ge [sflag:s23], $0x1  }
0xa3: {  	[sflag:s23] =	ssyncset.done $0x0  }
0xa4: {  	s25 =	simm.s32 $0x1B8E;
	s24 =	sld [smem:$0x3FFE];
	[sflag:s23] =	ssyncadd.s32 $0xFFFFFFFF  }
0xa5: {  	s26 =	simm.s32 $execute0_lowered;
	[smem:$0x3FD2] =	sst s25  }
0xa6: {  	s5 =	sshll.u32 s26, $0x1;
	_ =	strace $0x80000046;
	[dreg:$0x1] =	wrdreg $0xFFFFFFFF  }
0xa7: {  	s28 =	simm.s32 $_size_execute0_lowered;
	s3 =	sadd.s32 s3, s5;
	[dreg:$0x0] =	wrdreg $0x0  }
0xa8: {  	s5 =	sshll.u32 s28, $0x1;
	[dreg:$0x2] =	wrdreg s3  }
0xa9: {  	[dreg:$0x3] =	wrdreg s5  }
0xaa: {  	[dreg:$0x4] =	wrdreg $0xC0  }
0xab: {  	_ =	task [dreg:s7], $0x5FFFF  }
0xac: {  	[dreg:$0x1] =	wrdreg $0xFFFFFFFF  }
0xad: {  	[dreg:$0x0] =	wrdreg $0x60  }
0xae: {  	[dreg:$0x2] =	wrdreg s2  }
0xaf: {  	[dreg:$0x3] =	wrdreg s24  }
0xb0: {  	[dreg:$0x4] =	wrdreg $0x9  }
0xb1: {  	_ =	task.clear_ibuf [dreg:s7], $0x5FFFF;
	_ =	strace $0x90000046  }
0xb2: {  	s29 =	simm.s32 $0x9;
	_ =	strace $0x80000048  }
0xb3: {  	_ =	swait.ge [sflag:s29], $0x1  }
0xb4: {  	[sflag:s29] =	ssyncadd.s32 $0xFFFFFFFF  }
0xb5: {  	_ =	strace $0x90000048  }
0xb6: {  	_ =	sfence  }
0xb7: {  	s30 =	sld [smem:$0x0];
	_ =	sdelay $0x2  }
0xb8: {  	s31 =	sshll.u32 s1, $0xD;
	s1 =	sshrl.u32 s1, $0x2  }
0xb9: {  	s3 =	sand.u32 $0x4000, s31;
	s1 =	sadd.s32 s1, s30  }
0xba: {  	s0 =	sor.u32 s3, s0;
	s1 =	sshll.u32 s1, $0x11  }
0xbb: {  	s0 =	sor.u32 s1, s0  }
0xbc: {  	s0 =	sadd.s32 $0x8F2B, s0  }
0xbd: {  	[sflag:s0] =	ssyncadd.remote.s32 $0x1  }
0xbe: {  	_ =	sfence.sel $0xFFFF  }
0xbf: {  	[dreg:$0x0] =	wrdreg $0xFFFFFFFF;
	(pc) =	sbr.abs _section_cstart, $3  }
0xc0: {  	[dreg:$0x1] =	wrdreg $0xFFFFFFFF  }
0xc1: {  	_ =	task.clear_ibuf [dreg:s7], $0x2FFFF;
	_ =	strace $0x9FFFFFFF  }
0xc2: {  	(tm) =	ssettm $0x7FFFFFFF  }
0xc3: {  	_ =	shalt  }
tec
execute0_lowered:
.L_overlay_start_1:
0x0: {  	(tag) =	ssettag $0x1  }
0x1: {  	s3 =	srdreg.scid;
	s4 =	stileid.u32  }
0x2: {  	s3 =	sand.u32 $0x1, s3;
	s4 =	sshll.u32 s4, $0x1  }
0x3: {  	s0 =	rddreg [dreg:$0x0];
	s5 =	sor.u32 s3, s4  }
0x4: {  	s1 =	rddreg [dreg:$0x1];
	s7 =	smul.u32 $0x320, s5  }
.Ltmp0:
0x5: {  	s2 =	simm.s32 $0x0;
	s6 =	ssub.s32 $0x2, s3;
	(pc) =	sbr.rel .LBB2_1-.Ltmp0, $4  }
0x6: {  	[smem:$0x7FF] =	sst s2;
	s3 =	sadd.s32 $0x800, s1;
	s30 =	sshrl.u32 s6, $0x1  }
0x7: {  	s4 =	sadd.s32 $0xF42C00, s1;
	s1 =	ssub.s32 s6, s30;
	s0 =	sadd.s32 s0, s7  }
0x8: {  	_ =	strace $0x80000047;
	s31 =	smax.u32 s1, $0x1;
	[dreg:$0x5] =	wrdreg s0  }
0x9: {  	s6 =	smul.u32 $0xC8000, s5;
	s5 =	simm.s32 $0x0;
	[dreg:$0x6] =	wrdreg s31  }
.LBB2_18:
0xa: {  	s0 =	simm.s32 $0x3  }
0xb: {  	_ =	swait.ge [sflag:s0], $0x8000  }
0xc: {  	[sflag:s0] =	ssyncset.done $0x0  }
0xd: {  	s1 =	simm.s32 $0x4;
	[sflag:s0] =	ssyncadd.s32 $0xFFFF8000  }
0xe: {  	_ =	swait.ge [sflag:s1], $0x8000  }
0xf: {  	s5 =	rddreg [dreg:$0x7]  }
0x10: {  	s31 =	rddreg [dreg:$0x6];
	s5 =	sadd.s32 $0x1, s5  }
0x11: {  	p0 =	sne.s32 s5, s31  }
.Ltmp1:
0x12: {  	_ = 	snop;
	(pc) =	sbr.rel @!p0 .LBB2_19-.Ltmp1, $3  }
0x13: {  	_ =	sdelay $0x1  }
0x14: {  	[sflag:s1] =	ssyncset.done $0x0  }
0x15: {  	[sflag:s1] =	ssyncadd.s32 $0xFFFF8000  }
.LBB2_1:
0x16: {  	[dreg:$0x7] =	wrdreg s5  }
0x17: {  	s0 =	rddreg [dreg:$0x5];
	s11 =	simm.s32 $0x5  }
0x18: {  	[tilespmem:s2], [sflag:$0x5] =	stream.linear.gather [hbm4b:s0+s2], $0x1900, $0x38;
	[tilespmem:$0x11900] =	vst v63  }
0x19: {  	_ =	swait.ge [sflag:s11], $0x1900  }
0x1a: {  	[sflag:s11] =	ssyncset.done $0x0  }
0x1b: {  	s16 =	simm.s32 $0x10;
	[sflag:s11] =	ssyncadd.s32 $0xFFFFE700  }
0x1c: {  	v0 =	vld [tilespmem:s16+$0xFFFFFFF0];
	_ =	sdelay $0x4  }
0x1d: {  	v0 =	vshll.u32 v0, $0x4  }
0x1e: {  	(v2sf) =	vpush v0, $0x0  }
0x1f: {  	(v2sf) =	vpush v0, $0x1  }
0x20: {  	(v2sf) =	vpush v0, $0x2;
	_ =	sdelay $0x1  }
0x21: {  	(v2sf) =	vpush v0, $0x3;
	_ =	sdelay $0x1  }
0x22: {  	(v2sf) =	vpush v0, $0x4;
	_ =	sdelay $0x1  }
0x23: {  	(v2sf) =	vpush v0, $0x5;
	_ =	sdelay $0x1  }
0x24: {  	(v2sf) =	vpush v0, $0x6  }
0x25: {  	s18 =	simm.s32 $0x1F00;
	s17 =	simm.s32 $0x1F80  }
0x26: {  	s5 =	simm.s32 $0x1D00;
	s19 =	simm.s32 $0x1D80;
	s1 =	simm.s32 $0x1E00;
	(v2sf) =	vpush v0, $0x7  }
0x27: {  	s20 =	simm.s32 $0x1B80;
	s21 =	simm.s32 $0x1C00;
	s22 =	simm.s32 $0x1C80  }
0x28: {  	s23 =	simm.s32 $0x1A00;
	s24 =	simm.s32 $0x1A80;
	s25 =	simm.s32 $0x1B00;
	(v2sf) =	vpush v0, $0x8  }
0x29: {  	s26 =	simm.s32 $0x1980;
	s29 =	simm.s32 $0x1900;
	s28 =	spop (v2sf)  }
0x2a: {  	s0 =	simm.s32 $0x1E80;
	s28 =	sand.u32 $0x1FFFFFF0, s28;
	s30 =	spop (v2sf);
	(v2sf) =	vpush v0, $0x9  }
0x2b: {  	s28 =	sadd.s32 s3, s28;
	s30 =	sand.u32 $0x1FFFFFF0, s30;
	s31 =	spop (v2sf)  }
0x2c: {  	(v2sf) =	vpush v0, $0xA;
	[tilespmem:s29], [sflag:$0x1] =	stream.linear.gather [hbm4b:s28+s2], $0x80, $0x38;
	[tilespmem:$0x11900] =	vst v63  }
0x2d: {  	s12 =	sadd.s32 s3, s30;
	s13 =	sand.u32 $0x1FFFFFF0, s31;
	s14 =	spop (v2sf)  }
0x2e: {  	(v2sf) =	vpush v0, $0xB;
	[tilespmem:s26], [sflag:$0x1] =	stream.linear.gather [hbm4b:s12+s2], $0x80, $0x38;
	[tilespmem:$0x11900] =	vst v63  }
0x2f: {  	s15 =	sadd.s32 s3, s13;
	s30 =	sand.u32 $0x1FFFFFF0, s14;
	s31 =	spop (v2sf)  }
0x30: {  	(v2sf) =	vpush v0, $0xC;
	[tilespmem:s23], [sflag:$0x1] =	stream.linear.gather [hbm4b:s15+s2], $0x80, $0x38;
	[tilespmem:$0x11900] =	vst v63  }
0x31: {  	s7 =	sadd.s32 s3, s30;
	s8 =	sand.u32 $0x1FFFFFF0, s31;
	s9 =	spop (v2sf)  }
0x32: {  	(v2sf) =	vpush v0, $0xD;
	[tilespmem:s24], [sflag:$0x1] =	stream.linear.gather [hbm4b:s7+s2], $0x80, $0x38;
	[tilespmem:$0x11900] =	vst v63  }
0x33: {  	s10 =	sadd.s32 s3, s8;
	s11 =	sand.u32 $0x1FFFFFF0, s9;
	s12 =	spop (v2sf)  }
0x34: {  	(v2sf) =	vpush v0, $0xE;
	[tilespmem:s25], [sflag:$0x1] =	stream.linear.gather [hbm4b:s10+s2], $0x80, $0x38;
	[tilespmem:$0x11900] =	vst v63  }
0x35: {  	s13 =	sadd.s32 s3, s11;
	s14 =	sand.u32 $0x1FFFFFF0, s12;
	s15 =	spop (v2sf)  }
0x36: {  	(v2sf) =	vpush v0, $0xF;
	[tilespmem:s20], [sflag:$0x1] =	stream.linear.gather [hbm4b:s13+s2], $0x80, $0x38;
	[tilespmem:$0x11900] =	vst v63  }
0x37: {  	s26 =	sand.u32 $0x1FFFFFF0, s15;
	s28 =	spop (v2sf);
	s24 =	sadd.s32 s3, s14  }
0x38: {  	[tilespmem:s21], [sflag:$0x1] =	stream.linear.gather [hbm4b:s24+s2], $0x80, $0x38;
	[tilespmem:$0x11900] =	vst v63  }
0x39: {  	s29 =	sadd.s32 s3, s26;
	s30 =	sand.u32 $0x1FFFFFF0, s28;
	s31 =	spop (v2sf)  }
0x3a: {  	[tilespmem:s22], [sflag:$0x1] =	stream.linear.gather [hbm4b:s29+s2], $0x80, $0x38;
	[tilespmem:$0x11900] =	vst v63  }
0x3b: {  	s7 =	sadd.s32 s3, s30;
	s8 =	sand.u32 $0x1FFFFFF0, s31;
	s9 =	spop (v2sf)  }
0x3c: {  	[tilespmem:s5], [sflag:$0x1] =	stream.linear.gather [hbm4b:s7+s2], $0x80, $0x38;
	[tilespmem:$0x11900] =	vst v63  }
0x3d: {  	s10 =	sadd.s32 s3, s8;
	s11 =	sand.u32 $0x1FFFFFF0, s9;
	s12 =	spop (v2sf)  }
0x3e: {  	[tilespmem:s19], [sflag:$0x1] =	stream.linear.gather [hbm4b:s10+s2], $0x80, $0x38;
	[tilespmem:$0x11900] =	vst v63  }
0x3f: {  	s13 =	sadd.s32 s3, s11;
	s14 =	sand.u32 $0x1FFFFFF0, s12;
	s15 =	spop (v2sf)  }
0x40: {  	[tilespmem:s1], [sflag:$0x1] =	stream.linear.gather [hbm4b:s13+s2], $0x80, $0x38;
	[tilespmem:$0x11900] =	vst v63  }
0x41: {  	s21 =	sadd.s32 s3, s14;
	s22 =	sand.u32 $0x1FFFFFF0, s15;
	s23 =	spop (v2sf)  }
0x42: {  	[tilespmem:s0], [sflag:$0x1] =	stream.linear.gather [hbm4b:s21+s2], $0x80, $0x38;
	[tilespmem:$0x11900] =	vst v63  }
0x43: {  	s24 =	sadd.s32 s3, s22;
	s25 =	sand.u32 $0x1FFFFFF0, s23;
	s26 =	spop (v2sf)  }
0x44: {  	[tilespmem:s18], [sflag:$0x1] =	stream.linear.gather [hbm4b:s24+s2], $0x80, $0x38;
	[tilespmem:$0x11900] =	vst v63  }
0x45: {  	s28 =	sadd.s32 s3, s25;
	s29 =	sand.u32 $0x1FFFFFF0, s26;
	s30 =	spop (v2sf)  }
0x46: {  	[tilespmem:s17], [sflag:$0x1] =	stream.linear.gather [hbm4b:s28+s2], $0x80, $0x38;
	[tilespmem:$0x11900] =	vst v63  }
0x47: {  	s31 =	simm.s32 $0x2000;
	s1 =	sadd.s32 s3, s29;
	s5 =	sand.u32 $0x1FFFFFF0, s30  }
0x48: {  	[tilespmem:s31], [sflag:$0x1] =	stream.linear.gather [hbm4b:s1+s2], $0x80, $0x38;
	[tilespmem:$0x11900] =	vst v63  }
0x49: {  	s5 =	sadd.s32 s3, s5;
	s1 =	simm.s32 $0x2080  }
0x4a: {  	[tilespmem:s1], [sflag:$0x1] =	stream.linear.gather [hbm4b:s5+s2], $0x80, $0x38;
	[tilespmem:$0x11900] =	vst v63  }
0x4b: {  	v63 =	vld [tilespmem:s16+$0x0];
	_ =	sdelay $0x4  }
0x4c: {  	v0 =	vshll.u32 v63, $0x4  }
0x4d: {  	(v2sf) =	vpush v0, $0x0  }
0x4e: {  	(v2sf) =	vpush v0, $0x1  }
0x4f: {  	(v2sf) =	vpush v0, $0x2;
	_ =	sdelay $0x1  }
0x50: {  	(v2sf) =	vpush v0, $0x3;
	_ =	sdelay $0x1  }
0x51: {  	(v2sf) =	vpush v0, $0x4;
	_ =	sdelay $0x1  }
0x52: {  	(v2sf) =	vpush v0, $0x5;
	_ =	sdelay $0x1  }
0x53: {  	(v2sf) =	vpush v0, $0x6  }
0x54: {  	s20 =	simm.s32 $0x2580;
	s8 =	simm.s32 $0x2200  }
0x55: {  	s7 =	simm.s32 $0x2100;
	s19 =	simm.s32 $0x2500;
	s22 =	simm.s32 $0x2380;
	(v2sf) =	vpush v0, $0x7  }
0x56: {  	s23 =	simm.s32 $0x2400;
	s10 =	simm.s32 $0x2180;
	s25 =	simm.s32 $0x2280  }
0x57: {  	s0 =	simm.s32 $0x2700;
	s21 =	simm.s32 $0x2300;
	s18 =	simm.s32 $0x2480;
	(v2sf) =	vpush v0, $0x8  }
0x58: {  	s17 =	simm.s32 $0x0;
	s1 =	simm.s32 $0x2600;
	s9 =	spop (v2sf)  }
0x59: {  	s16 =	simm.s32 $0x2680;
	(v2sf) =	vpush v0, $0x9;
	s26 =	sand.u32 $0x1FFFFFF0, s9;
	s11 =	spop (v2sf)  }
0x5a: {  	(v2sf) =	vpush v0, $0xA;
	s26 =	sadd.s32 s3, s26;
	s29 =	sand.u32 $0x1FFFFFF0, s11;
	s12 =	spop (v2sf)  }
0x5b: {  	[tilespmem:s7], [sflag:$0x1] =	stream.linear.gather [hbm4b:s26+s2], $0x80, $0x38;
	[tilespmem:$0x11900] =	vst v63  }
0x5c: {  	(v2sf) =	vpush v0, $0xB;
	s13 =	sadd.s32 s3, s29;
	s14 =	sand.u32 $0x1FFFFFF0, s12;
	s15 =	spop (v2sf)  }
0x5d: {  	(v2sf) =	vpush v0, $0xC;
	[tilespmem:s10], [sflag:$0x1] =	stream.linear.gather [hbm4b:s13+s2], $0x80, $0x38;
	[tilespmem:$0x11900] =	vst v63  }
0x5e: {  	s26 =	sadd.s32 s3, s14;
	s30 =	sand.u32 $0x1FFFFFF0, s15;
	s31 =	spop (v2sf)  }
0x5f: {  	(v2sf) =	vpush v0, $0xD;
	[tilespmem:s8], [sflag:$0x1] =	stream.linear.gather [hbm4b:s26+s2], $0x80, $0x38;
	[tilespmem:$0x11900] =	vst v63  }
0x60: {  	s7 =	sadd.s32 s3, s30;
	s9 =	spop (v2sf);
	s8 =	sand.u32 $0x1FFFFFF0, s31  }
0x61: {  	(v2sf) =	vpush v0, $0xE;
	[tilespmem:s25], [sflag:$0x1] =	stream.linear.gather [hbm4b:s7+s2], $0x80, $0x38;
	[tilespmem:$0x11900] =	vst v63  }
0x62: {  	s11 =	sand.u32 $0x1FFFFFF0, s9;
	s12 =	spop (v2sf);
	s10 =	sadd.s32 s3, s8  }
0x63: {  	(v2sf) =	vpush v0, $0xF;
	[tilespmem:s21], [sflag:$0x1] =	stream.linear.gather [hbm4b:s10+s2], $0x80, $0x38;
	[tilespmem:$0x11900] =	vst v63  }
0x64: {  	s13 =	sadd.s32 s3, s11;
	s14 =	sand.u32 $0x1FFFFFF0, s12;
	s15 =	spop (v2sf)  }
0x65: {  	[tilespmem:s22], [sflag:$0x1] =	stream.linear.gather [hbm4b:s13+s2], $0x80, $0x38;
	[tilespmem:$0x11900] =	vst v63  }
0x66: {  	s26 =	sand.u32 $0x1FFFFFF0, s15;
	s28 =	spop (v2sf);
	s25 =	sadd.s32 s3, s14  }
0x67: {  	[tilespmem:s23], [sflag:$0x1] =	stream.linear.gather [hbm4b:s25+s2], $0x80, $0x38;
	[tilespmem:$0x11900] =	vst v63  }
0x68: {  	s29 =	sadd.s32 s3, s26;
	s30 =	sand.u32 $0x1FFFFFF0, s28;
	s31 =	spop (v2sf)  }
0x69: {  	s7 =	sadd.s32 s3, s30;
	s30 =	simm.s32 $0x2800;
	s9 =	spop (v2sf)  }
0x6a: {  	[tilespmem:s18], [sflag:$0x1] =	stream.linear.gather [hbm4b:s29+s2], $0x80, $0x38;
	[tilespmem:$0x11900] =	vst v63  }
0x6b: {  	s25 =	simm.s32 $0x2780;
	s8 =	sand.u32 $0x1FFFFFF0, s31;
	s12 =	spop (v2sf)  }
0x6c: {  	s10 =	sadd.s32 s3, s8;
	s11 =	sand.u32 $0x1FFFFFF0, s9;
	s15 =	spop (v2sf)  }
0x6d: {  	[tilespmem:s19], [sflag:$0x1] =	stream.linear.gather [hbm4b:s7+s2], $0x80, $0x38;
	[tilespmem:$0x11900] =	vst v63  }
0x6e: {  	s13 =	sadd.s32 s3, s11;
	s14 =	sand.u32 $0x1FFFFFF0, s12;
	s21 =	spop (v2sf)  }
0x6f: {  	[tilespmem:s20], [sflag:$0x1] =	stream.linear.gather [hbm4b:s10+s2], $0x80, $0x38;
	[tilespmem:$0x11900] =	vst v63  }
0x70: {  	s18 =	sadd.s32 s3, s14;
	s19 =	simm.s32 $0x3100;
	s24 =	spop (v2sf)  }
0x71: {  	[tilespmem:s1], [sflag:$0x1] =	stream.linear.gather [hbm4b:s13+s2], $0x80, $0x38;
	[tilespmem:$0x11900] =	vst v63  }
0x72: {  	s23 =	sand.u32 $0x1FFFFFF0, s21;
	s20 =	sand.u32 $0x1FFFFFF0, s15;
	s29 =	spop (v2sf)  }
0x73: {  	[tilespmem:s16], [sflag:$0x1] =	stream.linear.gather [hbm4b:s18+s2], $0x80, $0x38;
	[tilespmem:$0x11900] =	vst v63  }
0x74: {  	s28 =	sand.u32 $0x1FFFFFF0, s24;
	s22 =	sadd.s32 s3, s20;
	s31 =	sand.u32 $0x1FFFFFF0, s29  }
0x75: {  	[tilespmem:s0], [sflag:$0x1] =	stream.linear.gather [hbm4b:s22+s2], $0x80, $0x38;
	[tilespmem:$0x11900] =	vst v63  }
0x76: {  	s26 =	sadd.s32 s3, s23;
	s5 =	sadd.s32 s3, s28;
	s1 =	sadd.s32 s3, s31  }
0x77: {  	[tilespmem:s25], [sflag:$0x1] =	stream.linear.gather [hbm4b:s26+s2], $0x80, $0x38;
	[tilespmem:$0x11900] =	vst v63  }
0x78: {  	s18 =	simm.s32 $0x30;
	s16 =	simm.s32 $0x0;
	s0 =	simm.s32 $0x2880  }
0x79: {  	[tilespmem:s30], [sflag:$0x1] =	stream.linear.gather [hbm4b:s5+s2], $0x80, $0x38;
	[tilespmem:$0x11900] =	vst v63  }
.LBB2_2:
0x7a: {  	[tilespmem:s0], [sflag:$0x1] =	stream.linear.gather [hbm4b:s1+s16], $0x80, $0x38;
	[tilespmem:$0x11900] =	vst v63  }
0x7b: {  	s17 =	sadd.s32 $0x2, s17  }
0x7c: {  	p0 =	slt.u32 s17, $0xE;
	v0 =	vld [tilespmem:s18+$0xFFFFFFF0];
	_ =	sdelay $0x4  }
0x7d: {  	v0 =	vshll.u32 v0, $0x4  }
0x7e: {  	(v2sf) =	vpush v0, $0x0  }
0x7f: {  	(v2sf) =	vpush v0, $0x1  }
0x80: {  	(v2sf) =	vpush v0, $0x2;
	_ =	sdelay $0x1  }
0x81: {  	(v2sf) =	vpush v0, $0x3;
	_ =	sdelay $0x1  }
0x82: {  	(v2sf) =	vpush v0, $0x4;
	_ =	sdelay $0x1  }
0x83: {  	(v2sf) =	vpush v0, $0x5;
	_ =	sdelay $0x1  }
0x84: {  	(v2sf) =	vpush v0, $0x6  }
0x85: {  	s22 =	sadd.s32 $0xFFFFFD80, s19;
	s21 =	sadd.s32 $0xFFFFFE00, s19;
	s20 =	sadd.s32 $0xFFFFFE80, s19  }
0x86: {  	s25 =	sadd.s32 $0xFFFFFC00, s19;
	s24 =	sadd.s32 $0xFFFFFC80, s19;
	s23 =	sadd.s32 $0xFFFFFD00, s19;
	(v2sf) =	vpush v0, $0x7  }
0x87: {  	s5 =	sadd.s32 $0xFFFFFA80, s19;
	s1 =	sadd.s32 $0xFFFFFB00, s19;
	s0 =	sadd.s32 $0xFFFFFB80, s19  }
0x88: {  	s26 =	sadd.s32 $0xFFFFF900, s19;
	s28 =	sadd.s32 $0xFFFFF980, s19;
	s29 =	sadd.s32 $0xFFFFFA00, s19;
	(v2sf) =	vpush v0, $0x8  }
0x89: {  	s16 =	simm.s32 $0x0;
	s30 =	sadd.s32 $0xFFFFF880, s19;
	s31 =	spop (v2sf)  }
0x8a: {  	s7 =	sadd.s32 $0xFFFFF800, s19;
	s31 =	sand.u32 $0x1FFFFFF0, s31;
	s8 =	spop (v2sf);
	(v2sf) =	vpush v0, $0x9  }
0x8b: {  	s31 =	sadd.s32 s3, s31;
	s8 =	sand.u32 $0x1FFFFFF0, s8;
	s12 =	spop (v2sf)  }
0x8c: {  	[tilespmem:s7], [sflag:$0x1] =	stream.linear.gather [hbm4b:s31+s16], $0x80, $0x38;
	(v2sf) =	vpush v0, $0xA;
	[tilespmem:$0x11900] =	vst v63  }
0x8d: {  	s7 =	sadd.s32 s3, s8;
	s8 =	sand.u32 $0x1FFFFFF0, s12;
	s12 =	spop (v2sf)  }
0x8e: {  	[tilespmem:s30], [sflag:$0x1] =	stream.linear.gather [hbm4b:s7+s16], $0x80, $0x38;
	(v2sf) =	vpush v0, $0xB;
	[tilespmem:$0x11900] =	vst v63  }
0x8f: {  	s7 =	sadd.s32 s3, s8;
	s8 =	sand.u32 $0x1FFFFFF0, s12;
	s12 =	spop (v2sf)  }
0x90: {  	[tilespmem:s26], [sflag:$0x1] =	stream.linear.gather [hbm4b:s7+s16], $0x80, $0x38;
	(v2sf) =	vpush v0, $0xC;
	[tilespmem:$0x11900] =	vst v63  }
0x91: {  	s7 =	sadd.s32 s3, s8;
	s8 =	sand.u32 $0x1FFFFFF0, s12;
	s12 =	spop (v2sf)  }
0x92: {  	[tilespmem:s28], [sflag:$0x1] =	stream.linear.gather [hbm4b:s7+s16], $0x80, $0x38;
	(v2sf) =	vpush v0, $0xD;
	[tilespmem:$0x11900] =	vst v63  }
0x93: {  	s7 =	sadd.s32 s3, s8;
	s8 =	sand.u32 $0x1FFFFFF0, s12;
	s12 =	spop (v2sf)  }
0x94: {  	[tilespmem:s29], [sflag:$0x1] =	stream.linear.gather [hbm4b:s7+s16], $0x80, $0x38;
	(v2sf) =	vpush v0, $0xE;
	[tilespmem:$0x11900] =	vst v63  }
0x95: {  	s7 =	sadd.s32 s3, s8;
	s8 =	sand.u32 $0x1FFFFFF0, s12;
	s12 =	spop (v2sf)  }
0x96: {  	[tilespmem:s5], [sflag:$0x1] =	stream.linear.gather [hbm4b:s7+s16], $0x80, $0x38;
	(v2sf) =	vpush v0, $0xF;
	[tilespmem:$0x11900] =	vst v63  }
0x97: {  	s5 =	sadd.s32 s3, s8;
	s7 =	sand.u32 $0x1FFFFFF0, s12;
	s8 =	spop (v2sf)  }
0x98: {  	[tilespmem:s1], [sflag:$0x1] =	stream.linear.gather [hbm4b:s5+s16], $0x80, $0x38;
	[tilespmem:$0x11900] =	vst v63  }
0x99: {  	s1 =	sadd.s32 s3, s7;
	s5 =	sand.u32 $0x1FFFFFF0, s8;
	s7 =	spop (v2sf)  }
0x9a: {  	[tilespmem:s0], [sflag:$0x1] =	stream.linear.gather [hbm4b:s1+s16], $0x80, $0x38;
	[tilespmem:$0x11900] =	vst v63  }
0x9b: {  	s0 =	sadd.s32 s3, s5;
	s1 =	sand.u32 $0x1FFFFFF0, s7;
	s5 =	spop (v2sf)  }
0x9c: {  	[tilespmem:s25], [sflag:$0x1] =	stream.linear.gather [hbm4b:s0+s16], $0x80, $0x38;
	[tilespmem:$0x11900] =	vst v63  }
0x9d: {  	s0 =	sadd.s32 s3, s1;
	s1 =	sand.u32 $0x1FFFFFF0, s5;
	s5 =	spop (v2sf)  }
0x9e: {  	[tilespmem:s24], [sflag:$0x1] =	stream.linear.gather [hbm4b:s0+s16], $0x80, $0x38;
	[tilespmem:$0x11900] =	vst v63  }
0x9f: {  	s0 =	sadd.s32 s3, s1;
	s1 =	sand.u32 $0x1FFFFFF0, s5;
	s5 =	spop (v2sf)  }
0xa0: {  	[tilespmem:s23], [sflag:$0x1] =	stream.linear.gather [hbm4b:s0+s16], $0x80, $0x38;
	[tilespmem:$0x11900] =	vst v63  }
0xa1: {  	s0 =	sadd.s32 s3, s1;
	s1 =	sand.u32 $0x1FFFFFF0, s5;
	s5 =	spop (v2sf)  }
0xa2: {  	[tilespmem:s22], [sflag:$0x1] =	stream.linear.gather [hbm4b:s0+s16], $0x80, $0x38;
	[tilespmem:$0x11900] =	vst v63  }
0xa3: {  	s0 =	sadd.s32 s3, s1;
	s1 =	sand.u32 $0x1FFFFFF0, s5;
	s5 =	spop (v2sf)  }
0xa4: {  	[tilespmem:s21], [sflag:$0x1] =	stream.linear.gather [hbm4b:s0+s16], $0x80, $0x38;
	[tilespmem:$0x11900] =	vst v63  }
0xa5: {  	s0 =	sadd.s32 s3, s1;
	s1 =	sand.u32 $0x1FFFFFF0, s5;
	s5 =	spop (v2sf)  }
0xa6: {  	[tilespmem:s20], [sflag:$0x1] =	stream.linear.gather [hbm4b:s0+s16], $0x80, $0x38;
	[tilespmem:$0x11900] =	vst v63  }
0xa7: {  	s1 =	sadd.s32 s3, s1;
	s0 =	sadd.s32 $0xFFFFFF00, s19;
	s5 =	sand.u32 $0x1FFFFFF0, s5  }
0xa8: {  	[tilespmem:s0], [sflag:$0x1] =	stream.linear.gather [hbm4b:s1+s16], $0x80, $0x38;
	[tilespmem:$0x11900] =	vst v63  }
0xa9: {  	s0 =	sadd.s32 $0xFFFFFF80, s19;
	s1 =	sadd.s32 s3, s5  }
0xaa: {  	[tilespmem:s0], [sflag:$0x1] =	stream.linear.gather [hbm4b:s1+s16], $0x80, $0x38;
	[tilespmem:$0x11900] =	vst v63  }
0xab: {  	v0 =	vld [tilespmem:s18+$0x0];
	_ =	sdelay $0x4  }
0xac: {  	v0 =	vshll.u32 v0, $0x4  }
0xad: {  	(v2sf) =	vpush v0, $0x0  }
0xae: {  	(v2sf) =	vpush v0, $0x1  }
0xaf: {  	(v2sf) =	vpush v0, $0x2;
	_ =	sdelay $0x1  }
0xb0: {  	(v2sf) =	vpush v0, $0x3;
	_ =	sdelay $0x1  }
0xb1: {  	(v2sf) =	vpush v0, $0x4;
	_ =	sdelay $0x1  }
0xb2: {  	(v2sf) =	vpush v0, $0x5;
	_ =	sdelay $0x1  }
0xb3: {  	(v2sf) =	vpush v0, $0x6  }
0xb4: {  	s20 =	sadd.s32 $0x680, s19;
	s18 =	sadd.s32 $0x20, s18  }
0xb5: {  	s23 =	sadd.s32 $0x500, s19;
	s22 =	sadd.s32 $0x580, s19;
	s21 =	sadd.s32 $0x600, s19;
	(v2sf) =	vpush v0, $0x7  }
0xb6: {  	s25 =	sadd.s32 $0x400, s19;
	s24 =	sadd.s32 $0x480, s19;
	s0 =	sadd.s32 $0x380, s19  }
0xb7: {  	s7 =	sadd.s32 $0x300, s19;
	s5 =	sadd.s32 $0x280, s19;
	s1 =	sadd.s32 $0x200, s19;
	(v2sf) =	vpush v0, $0x8  }
0xb8: {  	s12 =	sadd.s32 $0x180, s19;
	s8 =	sadd.s32 $0x100, s19;
	s26 =	spop (v2sf)  }
0xb9: {  	s28 =	sadd.s32 $0x80, s19;
	s26 =	sand.u32 $0x1FFFFFF0, s26;
	s29 =	spop (v2sf);
	(v2sf) =	vpush v0, $0x9  }
0xba: {  	s26 =	sadd.s32 s3, s26;
	s29 =	sand.u32 $0x1FFFFFF0, s29;
	s30 =	spop (v2sf)  }
0xbb: {  	[tilespmem:s19], [sflag:$0x1] =	stream.linear.gather [hbm4b:s26+s16], $0x80, $0x38;
	(v2sf) =	vpush v0, $0xA;
	[tilespmem:$0x11900] =	vst v63  }
0xbc: {  	s26 =	sadd.s32 s3, s29;
	s29 =	sand.u32 $0x1FFFFFF0, s30;
	s30 =	spop (v2sf)  }
0xbd: {  	[tilespmem:s28], [sflag:$0x1] =	stream.linear.gather [hbm4b:s26+s16], $0x80, $0x38;
	(v2sf) =	vpush v0, $0xB;
	[tilespmem:$0x11900] =	vst v63  }
0xbe: {  	s26 =	sadd.s32 s3, s29;
	s28 =	sand.u32 $0x1FFFFFF0, s30;
	s29 =	spop (v2sf)  }
0xbf: {  	[tilespmem:s8], [sflag:$0x1] =	stream.linear.gather [hbm4b:s26+s16], $0x80, $0x38;
	(v2sf) =	vpush v0, $0xC;
	[tilespmem:$0x11900] =	vst v63  }
0xc0: {  	s8 =	sadd.s32 s3, s28;
	s26 =	sand.u32 $0x1FFFFFF0, s29;
	s28 =	spop (v2sf)  }
0xc1: {  	[tilespmem:s12], [sflag:$0x1] =	stream.linear.gather [hbm4b:s8+s16], $0x80, $0x38;
	(v2sf) =	vpush v0, $0xD;
	[tilespmem:$0x11900] =	vst v63  }
0xc2: {  	s8 =	sadd.s32 s3, s26;
	s12 =	sand.u32 $0x1FFFFFF0, s28;
	s26 =	spop (v2sf)  }
0xc3: {  	[tilespmem:s1], [sflag:$0x1] =	stream.linear.gather [hbm4b:s8+s16], $0x80, $0x38;
	(v2sf) =	vpush v0, $0xE;
	[tilespmem:$0x11900] =	vst v63  }
0xc4: {  	s1 =	sadd.s32 s3, s12;
	s8 =	sand.u32 $0x1FFFFFF0, s26;
	s12 =	spop (v2sf)  }
0xc5: {  	[tilespmem:s5], [sflag:$0x1] =	stream.linear.gather [hbm4b:s1+s16], $0x80, $0x38;
	(v2sf) =	vpush v0, $0xF;
	[tilespmem:$0x11900] =	vst v63  }
0xc6: {  	s1 =	sadd.s32 s3, s8;
	s5 =	sand.u32 $0x1FFFFFF0, s12;
	s8 =	spop (v2sf)  }
0xc7: {  	[tilespmem:s7], [sflag:$0x1] =	stream.linear.gather [hbm4b:s1+s16], $0x80, $0x38;
	[tilespmem:$0x11900] =	vst v63  }
0xc8: {  	s1 =	sadd.s32 s3, s5;
	s5 =	sand.u32 $0x1FFFFFF0, s8;
	s7 =	spop (v2sf)  }
0xc9: {  	[tilespmem:s0], [sflag:$0x1] =	stream.linear.gather [hbm4b:s1+s16], $0x80, $0x38;
	[tilespmem:$0x11900] =	vst v63  }
0xca: {  	s0 =	sadd.s32 s3, s5;
	s1 =	sand.u32 $0x1FFFFFF0, s7;
	s5 =	spop (v2sf)  }
0xcb: {  	[tilespmem:s25], [sflag:$0x1] =	stream.linear.gather [hbm4b:s0+s16], $0x80, $0x38;
	[tilespmem:$0x11900] =	vst v63  }
0xcc: {  	s0 =	sadd.s32 s3, s1;
	s1 =	sand.u32 $0x1FFFFFF0, s5;
	s5 =	spop (v2sf)  }
0xcd: {  	[tilespmem:s24], [sflag:$0x1] =	stream.linear.gather [hbm4b:s0+s16], $0x80, $0x38;
	[tilespmem:$0x11900] =	vst v63  }
0xce: {  	s0 =	sadd.s32 s3, s1;
	s1 =	sand.u32 $0x1FFFFFF0, s5;
	s5 =	spop (v2sf)  }
0xcf: {  	[tilespmem:s23], [sflag:$0x1] =	stream.linear.gather [hbm4b:s0+s16], $0x80, $0x38;
	[tilespmem:$0x11900] =	vst v63  }
0xd0: {  	s0 =	sadd.s32 s3, s1;
	s1 =	sand.u32 $0x1FFFFFF0, s5;
	s5 =	spop (v2sf)  }
0xd1: {  	[tilespmem:s22], [sflag:$0x1] =	stream.linear.gather [hbm4b:s0+s16], $0x80, $0x38;
	[tilespmem:$0x11900] =	vst v63  }
0xd2: {  	s0 =	sadd.s32 s3, s1;
	s1 =	sand.u32 $0x1FFFFFF0, s5;
	s5 =	spop (v2sf)  }
0xd3: {  	[tilespmem:s21], [sflag:$0x1] =	stream.linear.gather [hbm4b:s0+s16], $0x80, $0x38;
	[tilespmem:$0x11900] =	vst v63  }
0xd4: {  	s0 =	sadd.s32 s3, s1  }
.Ltmp2:
0xd5: {  	s1 =	sand.u32 $0x1FFFFFF0, s5;
	s5 =	spop (v2sf);
	(pc) =	sbr.rel @p0 .LBB2_2-.Ltmp2, $4  }
0xd6: {  	[tilespmem:s20], [sflag:$0x1] =	stream.linear.gather [hbm4b:s0+s16], $0x80, $0x38;
	[tilespmem:$0x11900] =	vst v63  }
0xd7: {  	s1 =	sadd.s32 s3, s1;
	s0 =	sadd.s32 $0x700, s19;
	s5 =	sand.u32 $0x1FFFFFF0, s5  }
0xd8: {  	[tilespmem:s0], [sflag:$0x1] =	stream.linear.gather [hbm4b:s1+s16], $0x80, $0x38;
	[tilespmem:$0x11900] =	vst v63  }
0xd9: {  	s0 =	sadd.s32 $0x780, s19;
	s1 =	sadd.s32 s3, s5;
	s19 =	sadd.s32 $0x1000, s19  }
.Ltmp3:
0xda: {  	(pc) =	sbr.rel .LBB2_4-.Ltmp3, $2  }
0xdb: {  	_ =	sdelay $0x2  }
0xdc: {  	[tilespmem:s0], [sflag:$0x1] =	stream.linear.gather [hbm4b:s1+s16], $0x80, $0x38;
	[tilespmem:$0x11900] =	vst v63  }
.LBB2_16:
0xdd: {  	[tilespmem:s17+$0xFFFFFF00] =	vst v8  }
0xde: {  	[tilespmem:s17+$0xFFFFFF90] =	vst v9  }
0xdf: {  	v6 =	vmul.f32 $8.000000000e+00, v6;
	[tilespmem:s17+$0xFFFFFF10] =	vst v1  }
0xe0: {  	v3 =	vmul.f32 $8.000000000e+00, v3;
	[tilespmem:s17+$0x30] =	vst v2  }
0xe1: {  	v0 =	vmul.f32 $8.000000000e+00, v0;
	[tilespmem:s17+$0xB0] =	vst v6  }
0xe2: {  	v61 =	vmul.f32 $8.000000000e+00, v7;
	[tilespmem:s17+$0x0] =	vst v3  }
0xe3: {  	v62 =	vmul.f32 $8.000000000e+00, v4;
	s0 =	sshll.u32 s16, $0xF;
	[tilespmem:s17+$0x10] =	vst v0  }
0xe4: {  	v63 =	vmul.f32 $8.000000000e+00, v5;
	s0 =	sadd.s32 s6, s0;
	[tilespmem:s17+$0xFFFFFF30] =	vst v61  }
0xe5: {  	[tilespmem:s17+$0xFFFFFFB0] =	vst v62;
	s0 =	sshrl.u32 s0, $0x3  }
0xe6: {  	s1 =	simm.s32 $0x9900;
	[tilespmem:s17+$0xFFFFFFA0] =	vst v63;
	s0 =	sadd.s32 s4, s0  }
0xe7: {  	[hbm4b:s0+s2] =	stream.linear.scatter [tilespmem:s1], [sflag:$0x4], $0x8000, $0x38;
	[tilespmem:$0x11900] =	vst v63  }
.LBB2_17:
0xe8: {  	s16 =	sadd.s32 $0x1, s16  }
0xe9: {  	p0 =	sne.s32 s16, $0x19  }
.Ltmp4:
0xea: {  	_ = 	snop;
	(pc) =	sbr.rel @!p0 .LBB2_18-.Ltmp4, $1  }
0xeb: {  	_ =	sdelay $0x3  }
.LBB2_4:
0xec: {  	s0 =	sand.u32 $0x1, s16  }
0xed: {  	p0 =	seq.s32 s0, $0x1  }
.Ltmp5:
0xee: {  	_ = 	snop;
	(pc) =	sbr.rel @p0 .LBB2_12-.Ltmp5, $1  }
0xef: {  	_ =	sdelay $0x3  }
0xf0: {  	s0 =	sor.u32 $0x1, s16  }
0xf1: {  	p0 =	sgt.u32 s0, $0x18  }
.Ltmp6:
0xf2: {  	_ = 	snop;
	(pc) =	sbr.rel @p0 .LBB2_9-.Ltmp6, $1  }
0xf3: {  	_ =	sdelay $0x3  }
0xf4: {  	p0 =	seq.s32 s16, $0x0;
	s0 =	sshll.u32 s0, $0x8  }
0xf5: {  	s1 =	simm.s32 @!p0 $0x4;
	s0 =	sand.u32 $0x3FFFFF00, s0  }
0xf6: {  	s5 =	simm.s32 $0x0;
	_ =	swait.ge @!p0 [sflag:s1], $0x8000;
	[dreg:$0x4] =	wrdreg s0  }
0xf7: {  	s7 =	sand.u32 $0x80, s5;
	s0 =	rddreg [dreg:$0x4]  }
0xf8: {  	s5 =	sand.u32 $0x60, s5;
	[sflag:s1] =	ssyncset.done @!p0 $0x0;
	s17 =	sadd.s32 s7, s0  }
0xf9: {  	[sflag:s1] =	ssyncadd.s32 @!p0 $0xFFFF8000;
	s0 =	sadd.s32 s5, s17  }
0xfa: {  	v0 =	vld [tilespmem:s0+$0x0];
	_ =	sdelay $0x4  }
0xfb: {  	v0 =	vshll.u32 v0, $0x4  }
0xfc: {  	(v2sf) =	vpush v0, $0x0;
	_ =	sdelay $0x1  }
0xfd: {  	(v2sf) =	vpush v0, $0x1  }
0xfe: {  	(v2sf) =	vpush v0, $0x2;
	_ =	sdelay $0x1  }
0xff: {  	(v2sf) =	vpush v0, $0x3;
	_ =	sdelay $0x1  }
0x100: {  	(v2sf) =	vpush v0, $0x4;
	_ =	sdelay $0x1  }
0x101: {  	(v2sf) =	vpush v0, $0x5;
	_ =	sdelay $0x1  }
0x102: {  	(v2sf) =	vpush v0, $0x6  }
0x103: {  	s9 =	simm.s32 $0x10  }
0x104: {  	s20 =	simm.s32 $0x9F00;
	s19 =	simm.s32 $0x9F80;
	s8 =	simm.s32 $0x9C00  }
0x105: {  	s12 =	simm.s32 $0x9900;
	s11 =	simm.s32 $0x9980;
	s15 =	simm.s32 $0x9A00  }
0x106: {  	s24 =	simm.s32 $0x9A80;
	s26 =	simm.s32 $0x9B00;
	s10 =	spop (v2sf);
	(v2sf) =	vpush v0, $0x7  }
0x107: {  	s30 =	simm.s32 $0x9B80;
	s18 =	sand.u32 $0x70, s9;
	s1 =	simm.s32 $0x9E00  }
0x108: {  	s5 =	simm.s32 $0x9D80;
	s7 =	sand.u32 $0x1FFFFFF0, s10;
	s21 =	spop (v2sf);
	(v2sf) =	vpush v0, $0x8  }
0x109: {  	s7 =	sadd.s32 s3, s7;
	(v2sf) =	vpush v0, $0x9;
	s13 =	sand.u32 $0x1FFFFFF0, s21;
	s14 =	spop (v2sf)  }
0x10a: {  	[tilespmem:s12], [sflag:$0x2] =	stream.linear.gather [hbm4b:s7+s2], $0x80, $0x38;
	[tilespmem:$0x11900] =	vst v63  }
0x10b: {  	s12 =	sadd.s32 s3, s13;
	s21 =	sand.u32 $0x1FFFFFF0, s14;
	s22 =	spop (v2sf);
	(v2sf) =	vpush v0, $0xA  }
0x10c: {  	[tilespmem:s11], [sflag:$0x2] =	stream.linear.gather [hbm4b:s12+s2], $0x80, $0x38;
	[tilespmem:$0x11900] =	vst v63  }
0x10d: {  	s21 =	sadd.s32 s3, s21;
	s23 =	sand.u32 $0x1FFFFFF0, s22;
	(v2sf) =	vpush v0, $0xB;
	s25 =	spop (v2sf)  }
0x10e: {  	[tilespmem:s15], [sflag:$0x2] =	stream.linear.gather [hbm4b:s21+s2], $0x80, $0x38;
	[tilespmem:$0x11900] =	vst v63  }
0x10f: {  	(v2sf) =	vpush v0, $0xC;
	s12 =	sand.u32 $0x1FFFFFF0, s25;
	s28 =	spop (v2sf);
	s21 =	sadd.s32 s3, s23  }
0x110: {  	[tilespmem:s24], [sflag:$0x2] =	stream.linear.gather [hbm4b:s21+s2], $0x80, $0x38;
	[tilespmem:$0x11900] =	vst v63  }
0x111: {  	(v2sf) =	vpush v0, $0xD;
	s12 =	sadd.s32 s3, s12;
	s29 =	spop (v2sf);
	s21 =	sand.u32 $0x1FFFFFF0, s28  }
0x112: {  	[tilespmem:s26], [sflag:$0x2] =	stream.linear.gather [hbm4b:s12+s2], $0x80, $0x38;
	[tilespmem:$0x11900] =	vst v63  }
0x113: {  	s0 =	simm.s32 $0x9E80;
	(v2sf) =	vpush v0, $0xE;
	s9 =	sand.u32 $0x1FFFFFF0, s29;
	s31 =	sadd.s32 s3, s21  }
0x114: {  	[tilespmem:s30], [sflag:$0x2] =	stream.linear.gather [hbm4b:s31+s2], $0x80, $0x38;
	[tilespmem:$0x11900] =	vst v63  }
0x115: {  	s10 =	simm.s32 $0x9C80;
	s21 =	sadd.s32 s3, s9;
	s11 =	spop (v2sf);
	(v2sf) =	vpush v0, $0xF  }
0x116: {  	[tilespmem:s8], [sflag:$0x2] =	stream.linear.gather [hbm4b:s21+s2], $0x80, $0x38;
	[tilespmem:$0x11900] =	vst v63  }
0x117: {  	s13 =	simm.s32 $0x9D00;
	s12 =	sand.u32 $0x1FFFFFF0, s11;
	s14 =	spop (v2sf)  }
0x118: {  	s12 =	sadd.s32 s3, s12;
	s21 =	sand.u32 $0x1FFFFFF0, s14;
	s15 =	spop (v2sf)  }
0x119: {  	[tilespmem:s10], [sflag:$0x2] =	stream.linear.gather [hbm4b:s12+s2], $0x80, $0x38;
	[tilespmem:$0x11900] =	vst v63  }
0x11a: {  	s21 =	sadd.s32 s3, s21;
	s23 =	sand.u32 $0x1FFFFFF0, s15;
	s24 =	spop (v2sf)  }
0x11b: {  	[tilespmem:s13], [sflag:$0x2] =	stream.linear.gather [hbm4b:s21+s2], $0x80, $0x38;
	[tilespmem:$0x11900] =	vst v63  }
0x11c: {  	s25 =	sadd.s32 s3, s23;
	s26 =	sand.u32 $0x1FFFFFF0, s24;
	s28 =	spop (v2sf)  }
0x11d: {  	[tilespmem:s5], [sflag:$0x2] =	stream.linear.gather [hbm4b:s25+s2], $0x80, $0x38;
	[tilespmem:$0x11900] =	vst v63  }
0x11e: {  	s29 =	sadd.s32 s3, s26;
	s30 =	sand.u32 $0x1FFFFFF0, s28;
	s31 =	spop (v2sf)  }
0x11f: {  	[tilespmem:s1], [sflag:$0x2] =	stream.linear.gather [hbm4b:s29+s2], $0x80, $0x38;
	[tilespmem:$0x11900] =	vst v63  }
0x120: {  	s7 =	sadd.s32 s3, s30;
	s8 =	sand.u32 $0x1FFFFFF0, s31;
	s9 =	spop (v2sf)  }
0x121: {  	[tilespmem:s0], [sflag:$0x2] =	stream.linear.gather [hbm4b:s7+s2], $0x80, $0x38;
	[tilespmem:$0x11900] =	vst v63  }
0x122: {  	s10 =	sadd.s32 s3, s8;
	s11 =	sand.u32 $0x1FFFFFF0, s9;
	s12 =	spop (v2sf)  }
0x123: {  	[tilespmem:s20], [sflag:$0x2] =	stream.linear.gather [hbm4b:s10+s2], $0x80, $0x38;
	[tilespmem:$0x11900] =	vst v63  }
0x124: {  	s13 =	sadd.s32 s3, s11;
	s14 =	sand.u32 $0x1FFFFFF0, s12;
	s15 =	spop (v2sf)  }
0x125: {  	[tilespmem:s19], [sflag:$0x2] =	stream.linear.gather [hbm4b:s13+s2], $0x80, $0x38;
	[tilespmem:$0x11900] =	vst v63  }
0x126: {  	s1 =	sadd.s32 s3, s14;
	s19 =	simm.s32 $0xA000;
	s5 =	sand.u32 $0x1FFFFFF0, s15  }
0x127: {  	[tilespmem:s19], [sflag:$0x2] =	stream.linear.gather [hbm4b:s1+s2], $0x80, $0x38;
	[tilespmem:$0x11900] =	vst v63  }
0x128: {  	s22 =	sadd.s32 s18, s17;
	s20 =	simm.s32 $0xA080;
	s21 =	sadd.s32 s3, s5  }
0x129: {  	[tilespmem:s20], [sflag:$0x2] =	stream.linear.gather [hbm4b:s21+s2], $0x80, $0x38;
	[tilespmem:$0x11900] =	vst v63  }
0x12a: {  	v63 =	vld [tilespmem:s22+$0x0];
	_ =	sdelay $0x4  }
0x12b: {  	v0 =	vshll.u32 v63, $0x4  }
0x12c: {  	(v2sf) =	vpush v0, $0x0  }
0x12d: {  	(v2sf) =	vpush v0, $0x1  }
0x12e: {  	(v2sf) =	vpush v0, $0x2;
	_ =	sdelay $0x2  }
0x12f: {  	(v2sf) =	vpush v0, $0x3;
	_ =	sdelay $0x1  }
0x130: {  	(v2sf) =	vpush v0, $0x4;
	_ =	sdelay $0x1  }
0x131: {  	(v2sf) =	vpush v0, $0x5;
	_ =	sdelay $0x1  }
0x132: {  	s17 =	simm.s32 $0xB880;
	(v2sf) =	vpush v0, $0x6  }
0x133: {  	s18 =	simm.s32 $0xB800;
	s24 =	simm.s32 $0xA780;
	s28 =	simm.s32 $0xA180  }
0x134: {  	s25 =	simm.s32 $0xA100;
	s12 =	simm.s32 $0xA300;
	s0 =	simm.s32 $0xA600;
	(v2sf) =	vpush v0, $0x7  }
0x135: {  	s10 =	simm.s32 $0xA280;
	s15 =	simm.s32 $0xA380;
	s19 =	simm.s32 $0xA880  }
0x136: {  	s20 =	simm.s32 $0x2;
	s21 =	simm.s32 $0xC880;
	s23 =	spop (v2sf)  }
0x137: {  	s22 =	simm.s32 $0xA800;
	s1 =	sand.u32 $0x1FFFFFF0, s23;
	s26 =	spop (v2sf)  }
0x138: {  	(v2sf) =	vpush v0, $0x8;
	s1 =	sadd.s32 s3, s1;
	s29 =	sand.u32 $0x1FFFFFF0, s26;
	s30 =	spop (v2sf)  }
0x139: {  	(v2sf) =	vpush v0, $0x9;
	[tilespmem:s25], [sflag:$0x2] =	stream.linear.gather [hbm4b:s1+s2], $0x80, $0x38;
	[tilespmem:$0x11900] =	vst v63  }
0x13a: {  	s26 =	simm.s32 $0xA400;
	s5 =	sadd.s32 s3, s29;
	s7 =	sand.u32 $0x1FFFFFF0, s30  }
0x13b: {  	(v2sf) =	vpush v0, $0xA;
	s31 =	spop (v2sf);
	s29 =	simm.s32 $0xA480;
	s7 =	sadd.s32 s3, s7  }
0x13c: {  	[tilespmem:s28], [sflag:$0x2] =	stream.linear.gather [hbm4b:s5+s2], $0x80, $0x38;
	[tilespmem:$0x11900] =	vst v63  }
0x13d: {  	(v2sf) =	vpush v0, $0xB;
	s9 =	sand.u32 $0x1FFFFFF0, s31;
	s11 =	spop (v2sf);
	s5 =	simm.s32 $0xA200  }
0x13e: {  	(v2sf) =	vpush v0, $0xC;
	[tilespmem:s5], [sflag:$0x2] =	stream.linear.gather [hbm4b:s7+s2], $0x80, $0x38;
	[tilespmem:$0x11900] =	vst v63  }
0x13f: {  	s13 =	spop (v2sf);
	s7 =	sadd.s32 s3, s9;
	s5 =	sand.u32 $0x1FFFFFF0, s11  }
0x140: {  	(v2sf) =	vpush v0, $0xD;
	[tilespmem:s10], [sflag:$0x2] =	stream.linear.gather [hbm4b:s7+s2], $0x80, $0x38;
	[tilespmem:$0x11900] =	vst v63  }
0x141: {  	s14 =	spop (v2sf);
	s5 =	sadd.s32 s3, s5;
	s7 =	sand.u32 $0x1FFFFFF0, s13  }
0x142: {  	[tilespmem:s12], [sflag:$0x2] =	stream.linear.gather [hbm4b:s5+s2], $0x80, $0x38;
	[tilespmem:$0x11900] =	vst v63  }
0x143: {  	s25 =	sand.u32 $0x1FFFFFF0, s14;
	s28 =	spop (v2sf);
	s23 =	sadd.s32 s3, s7  }
0x144: {  	(v2sf) =	vpush v0, $0xE;
	[tilespmem:s15], [sflag:$0x2] =	stream.linear.gather [hbm4b:s23+s2], $0x80, $0x38;
	[tilespmem:$0x11900] =	vst v63  }
0x145: {  	s10 =	simm.s32 $0xA580;
	s7 =	sadd.s32 s3, s25;
	s5 =	sand.u32 $0x1FFFFFF0, s28  }
0x146: {  	[tilespmem:s26], [sflag:$0x2] =	stream.linear.gather [hbm4b:s7+s2], $0x80, $0x38;
	[tilespmem:$0x11900] =	vst v63  }
0x147: {  	s12 =	simm.s32 $0xA680;
	s5 =	sadd.s32 s3, s5;
	s30 =	spop (v2sf)  }
0x148: {  	(v2sf) =	vpush v0, $0xF;
	s26 =	simm.s32 $0xA700;
	s7 =	sand.u32 $0x1FFFFFF0, s30;
	s31 =	spop (v2sf)  }
0x149: {  	[tilespmem:s29], [sflag:$0x2] =	stream.linear.gather [hbm4b:s5+s2], $0x80, $0x38;
	[tilespmem:$0x11900] =	vst v63  }
0x14a: {  	s5 =	simm.s32 $0xA500;
	s7 =	sadd.s32 s3, s7;
	s11 =	spop (v2sf)  }
0x14b: {  	[tilespmem:s5], [sflag:$0x2] =	stream.linear.gather [hbm4b:s7+s2], $0x80, $0x38;
	[tilespmem:$0x11900] =	vst v63  }
0x14c: {  	s9 =	sand.u32 $0x1FFFFFF0, s31;
	s13 =	spop (v2sf);
	s5 =	sand.u32 $0x1FFFFFF0, s11  }
0x14d: {  	s7 =	sadd.s32 s3, s9;
	s14 =	spop (v2sf);
	s5 =	sadd.s32 s3, s5  }
0x14e: {  	[tilespmem:s10], [sflag:$0x2] =	stream.linear.gather [hbm4b:s7+s2], $0x80, $0x38;
	[tilespmem:$0x11900] =	vst v63  }
0x14f: {  	s23 =	sand.u32 $0x1FFFFFF0, s14;
	s25 =	spop (v2sf);
	s7 =	sand.u32 $0x1FFFFFF0, s13  }
0x150: {  	[tilespmem:s0], [sflag:$0x2] =	stream.linear.gather [hbm4b:s5+s2], $0x80, $0x38;
	[tilespmem:$0x11900] =	vst v63  }
0x151: {  	s28 =	sadd.s32 s3, s23;
	s29 =	sand.u32 $0x1FFFFFF0, s25;
	s15 =	sadd.s32 s3, s7  }
0x152: {  	[tilespmem:s12], [sflag:$0x2] =	stream.linear.gather [hbm4b:s15+s2], $0x80, $0x38;
	[tilespmem:$0x11900] =	vst v63  }
0x153: {  	s23 =	simm.s32 $0x30;
	s25 =	simm.s32 $0x20;
	s30 =	spop (v2sf)  }
0x154: {  	[tilespmem:s26], [sflag:$0x2] =	stream.linear.gather [hbm4b:s28+s2], $0x80, $0x38;
	[tilespmem:$0x11900] =	vst v63  }
0x155: {  	s31 =	sadd.s32 s3, s29;
	s0 =	rddreg [dreg:$0x4];
	s1 =	sand.u32 $0x1FFFFFF0, s30  }
0x156: {  	[tilespmem:s24], [sflag:$0x2] =	stream.linear.gather [hbm4b:s31+s2], $0x80, $0x38;
	[tilespmem:$0x11900] =	vst v63  }
0x157: {  	s5 =	sand.u32 $0x80, s25;
	s1 =	sadd.s32 s3, s1;
	s26 =	spop (v2sf)  }
.LBB2_7:
0x158: {  	s7 =	sand.u32 $0x60, s25;
	s24 =	sadd.s32 s5, s0;
	s11 =	sand.u32 $0x1FFFFFF0, s26  }
0x159: {  	[tilespmem:s22], [sflag:$0x2] =	stream.linear.gather [hbm4b:s1+s2], $0x80, $0x38;
	[tilespmem:$0x11900] =	vst v63  }
0x15a: {  	s12 =	sadd.s32 s7, s24;
	s0 =	sadd.s32 s3, s11  }
0x15b: {  	[tilespmem:s19], [sflag:$0x2] =	stream.linear.gather [hbm4b:s0+s2], $0x80, $0x38;
	[tilespmem:$0x11900] =	vst v63  }
0x15c: {  	v0 =	vld [tilespmem:s12+$0x0];
	_ =	sdelay $0x4  }
0x15d: {  	v0 =	vshll.u32 v0, $0x4  }
0x15e: {  	(v2sf) =	vpush v0, $0x0  }
0x15f: {  	(v2sf) =	vpush v0, $0x1  }
0x160: {  	(v2sf) =	vpush v0, $0x2;
	_ =	sdelay $0x1  }
0x161: {  	(v2sf) =	vpush v0, $0x3;
	_ =	sdelay $0x1  }
0x162: {  	(v2sf) =	vpush v0, $0x4;
	_ =	sdelay $0x1  }
0x163: {  	(v2sf) =	vpush v0, $0x5;
	_ =	sdelay $0x1  }
0x164: {  	s19 =	smov.u32 s17;
	(v2sf) =	vpush v0, $0x6  }
0x165: {  	s25 =	sand.u32 $0x70, s23;
	s28 =	sadd.s32 $0xFFFFF680, s19;
	s26 =	sadd.s32 $0xFFFFF700, s19  }
0x166: {  	s31 =	sadd.s32 $0xFFFFF500, s19;
	s30 =	sadd.s32 $0xFFFFF580, s19;
	s29 =	sadd.s32 $0xFFFFF600, s19;
	(v2sf) =	vpush v0, $0x7  }
0x167: {  	s5 =	sadd.s32 $0xFFFFF380, s19;
	s1 =	sadd.s32 $0xFFFFF400, s19;
	s0 =	sadd.s32 $0xFFFFF480, s19  }
0x168: {  	s7 =	sadd.s32 $0xFFFFF200, s19;
	s8 =	sadd.s32 $0xFFFFF280, s19;
	s12 =	sadd.s32 $0xFFFFF300, s19;
	(v2sf) =	vpush v0, $0x8  }
0x169: {  	s15 =	sadd.s32 $0xFFFFF100, s19;
	s10 =	sadd.s32 $0xFFFFF180, s19;
	s14 =	spop (v2sf)  }
0x16a: {  	s9 =	sadd.s32 $0xFFFFF080, s19;
	s14 =	sand.u32 $0x1FFFFFF0, s14;
	s13 =	spop (v2sf);
	(v2sf) =	vpush v0, $0x9  }
0x16b: {  	s14 =	sadd.s32 s3, s14;
	s13 =	sand.u32 $0x1FFFFFF0, s13;
	s11 =	spop (v2sf)  }
0x16c: {  	(v2sf) =	vpush v0, $0xA;
	[tilespmem:s9], [sflag:$0x2] =	stream.linear.gather [hbm4b:s14+s2], $0x80, $0x38;
	[tilespmem:$0x11900] =	vst v63  }
0x16d: {  	s13 =	sadd.s32 s3, s13;
	s11 =	sand.u32 $0x1FFFFFF0, s11;
	s14 =	spop (v2sf)  }
0x16e: {  	(v2sf) =	vpush v0, $0xB;
	[tilespmem:s15], [sflag:$0x2] =	stream.linear.gather [hbm4b:s13+s2], $0x80, $0x38;
	[tilespmem:$0x11900] =	vst v63  }
0x16f: {  	s11 =	sadd.s32 s3, s11;
	s14 =	sand.u32 $0x1FFFFFF0, s14;
	s15 =	spop (v2sf)  }
0x170: {  	(v2sf) =	vpush v0, $0xC;
	[tilespmem:s10], [sflag:$0x2] =	stream.linear.gather [hbm4b:s11+s2], $0x80, $0x38;
	[tilespmem:$0x11900] =	vst v63  }
0x171: {  	s11 =	sadd.s32 s3, s14;
	s14 =	sand.u32 $0x1FFFFFF0, s15;
	s15 =	spop (v2sf)  }
0x172: {  	(v2sf) =	vpush v0, $0xD;
	[tilespmem:s7], [sflag:$0x2] =	stream.linear.gather [hbm4b:s11+s2], $0x80, $0x38;
	[tilespmem:$0x11900] =	vst v63  }
0x173: {  	s13 =	sadd.s32 s3, s14;
	s14 =	sand.u32 $0x1FFFFFF0, s15;
	s15 =	spop (v2sf)  }
0x174: {  	(v2sf) =	vpush v0, $0xE;
	[tilespmem:s8], [sflag:$0x2] =	stream.linear.gather [hbm4b:s13+s2], $0x80, $0x38;
	[tilespmem:$0x11900] =	vst v63  }
0x175: {  	s9 =	sadd.s32 s3, s14;
	s10 =	sand.u32 $0x1FFFFFF0, s15;
	s11 =	spop (v2sf)  }
0x176: {  	(v2sf) =	vpush v0, $0xF;
	[tilespmem:s12], [sflag:$0x2] =	stream.linear.gather [hbm4b:s9+s2], $0x80, $0x38;
	[tilespmem:$0x11900] =	vst v63  }
0x177: {  	s14 =	sand.u32 $0x1FFFFFF0, s11;
	s15 =	spop (v2sf);
	s13 =	sadd.s32 s3, s10  }
0x178: {  	[tilespmem:s5], [sflag:$0x2] =	stream.linear.gather [hbm4b:s13+s2], $0x80, $0x38;
	[tilespmem:$0x11900] =	vst v63  }
0x179: {  	s10 =	sadd.s32 s3, s14;
	s11 =	sand.u32 $0x1FFFFFF0, s15;
	s12 =	spop (v2sf)  }
0x17a: {  	[tilespmem:s1], [sflag:$0x2] =	stream.linear.gather [hbm4b:s10+s2], $0x80, $0x38;
	[tilespmem:$0x11900] =	vst v63  }
0x17b: {  	s13 =	sadd.s32 s3, s11;
	s14 =	sand.u32 $0x1FFFFFF0, s12;
	s15 =	spop (v2sf)  }
0x17c: {  	[tilespmem:s0], [sflag:$0x2] =	stream.linear.gather [hbm4b:s13+s2], $0x80, $0x38;
	[tilespmem:$0x11900] =	vst v63  }
0x17d: {  	s5 =	sadd.s32 s3, s14;
	s8 =	sand.u32 $0x1FFFFFF0, s15;
	s9 =	spop (v2sf)  }
0x17e: {  	[tilespmem:s31], [sflag:$0x2] =	stream.linear.gather [hbm4b:s5+s2], $0x80, $0x38;
	[tilespmem:$0x11900] =	vst v63  }
0x17f: {  	s10 =	sadd.s32 s3, s8;
	s11 =	sand.u32 $0x1FFFFFF0, s9;
	s12 =	spop (v2sf)  }
0x180: {  	[tilespmem:s30], [sflag:$0x2] =	stream.linear.gather [hbm4b:s10+s2], $0x80, $0x38;
	[tilespmem:$0x11900] =	vst v63  }
0x181: {  	s13 =	sadd.s32 s3, s11;
	s14 =	sand.u32 $0x1FFFFFF0, s12;
	s15 =	spop (v2sf)  }
0x182: {  	[tilespmem:s29], [sflag:$0x2] =	stream.linear.gather [hbm4b:s13+s2], $0x80, $0x38;
	[tilespmem:$0x11900] =	vst v63  }
0x183: {  	s30 =	sand.u32 $0x1FFFFFF0, s15;
	s31 =	spop (v2sf);
	s29 =	sadd.s32 s3, s14  }
0x184: {  	[tilespmem:s28], [sflag:$0x2] =	stream.linear.gather [hbm4b:s29+s2], $0x80, $0x38;
	[tilespmem:$0x11900] =	vst v63  }
0x185: {  	s1 =	sadd.s32 s3, s30;
	s7 =	sand.u32 $0x1FFFFFF0, s31;
	s8 =	spop (v2sf)  }
0x186: {  	[tilespmem:s26], [sflag:$0x2] =	stream.linear.gather [hbm4b:s1+s2], $0x80, $0x38;
	[tilespmem:$0x11900] =	vst v63  }
0x187: {  	s9 =	sadd.s32 $0xFFFFF780, s19;
	s5 =	sand.u32 $0x1FFFFFF0, s8;
	s1 =	sadd.s32 s3, s7  }
0x188: {  	[tilespmem:s9], [sflag:$0x2] =	stream.linear.gather [hbm4b:s1+s2], $0x80, $0x38;
	[tilespmem:$0x11900] =	vst v63  }
0x189: {  	s12 =	sadd.s32 s25, s24;
	s10 =	sadd.s32 $0xFFFFF800, s19;
	s11 =	sadd.s32 s3, s5  }
0x18a: {  	[tilespmem:s10], [sflag:$0x2] =	stream.linear.gather [hbm4b:s11+s2], $0x80, $0x38;
	[tilespmem:$0x11900] =	vst v63  }
0x18b: {  	v63 =	vld [tilespmem:s12+$0x0];
	_ =	sdelay $0x4  }
0x18c: {  	v0 =	vshll.u32 v63, $0x4  }
0x18d: {  	(v2sf) =	vpush v0, $0x0  }
0x18e: {  	(v2sf) =	vpush v0, $0x1  }
0x18f: {  	(v2sf) =	vpush v0, $0x2;
	_ =	sdelay $0x1  }
0x190: {  	(v2sf) =	vpush v0, $0x3;
	_ =	sdelay $0x1  }
0x191: {  	(v2sf) =	vpush v0, $0x4;
	_ =	sdelay $0x1  }
0x192: {  	(v2sf) =	vpush v0, $0x5  }
0x193: {  	s20 =	sadd.s32 $0x2, s20;
	s22 =	smov.u32 s18  }
0x194: {  	s18 =	sadd.s32 $0xFFFFFF80, s21;
	s23 =	sadd.s32 $0x20, s23;
	p0 =	slt.u32 s20, $0xE;
	(v2sf) =	vpush v0, $0x6  }
0x195: {  	s17 =	smov.u32 s21;
	s21 =	sadd.s32 $0x1000, s21;
	s0 =	sadd.s32 $0xFFFFFC00, s19  }
0x196: {  	s24 =	sadd.s32 $0xFFFFFF00, s19;
	s25 =	sadd.s32 $0xFFFFFFF0, s23;
	s31 =	sadd.s32 $0xFFFFFC80, s19;
	(v2sf) =	vpush v0, $0x7  }
0x197: {  	s30 =	sadd.s32 $0xFFFFFD00, s19;
	s8 =	sadd.s32 $0xFFFFF900, s19;
	s5 =	sadd.s32 $0xFFFFFB00, s19  }
0x198: {  	s29 =	sadd.s32 $0xFFFFFD80, s19;
	s7 =	sadd.s32 $0xFFFFFB80, s19;
	s1 =	sadd.s32 $0xFFFFFA80, s19;
	(v2sf) =	vpush v0, $0x8  }
0x199: {  	s9 =	sadd.s32 $0xFFFFF980, s19;
	s10 =	sadd.s32 $0xFFFFFA00, s19;
	s13 =	spop (v2sf)  }
0x19a: {  	s11 =	sadd.s32 $0xFFFFF880, s19;
	s12 =	sand.u32 $0x1FFFFFF0, s13;
	s14 =	spop (v2sf);
	(v2sf) =	vpush v0, $0x9  }
0x19b: {  	s12 =	sadd.s32 s3, s12;
	s13 =	sand.u32 $0x1FFFFFF0, s14;
	s15 =	spop (v2sf)  }
0x19c: {  	(v2sf) =	vpush v0, $0xA;
	[tilespmem:s11], [sflag:$0x2] =	stream.linear.gather [hbm4b:s12+s2], $0x80, $0x38;
	[tilespmem:$0x11900] =	vst v63  }
0x19d: {  	s13 =	sadd.s32 s3, s13;
	s14 =	sand.u32 $0x1FFFFFF0, s15;
	s15 =	spop (v2sf);
	(v2sf) =	vpush v0, $0xB  }
0x19e: {  	[tilespmem:s8], [sflag:$0x2] =	stream.linear.gather [hbm4b:s13+s2], $0x80, $0x38;
	[tilespmem:$0x11900] =	vst v63  }
0x19f: {  	s12 =	sadd.s32 s3, s14;
	s14 =	sand.u32 $0x1FFFFFF0, s15;
	s15 =	spop (v2sf);
	(v2sf) =	vpush v0, $0xC  }
0x1a0: {  	[tilespmem:s9], [sflag:$0x2] =	stream.linear.gather [hbm4b:s12+s2], $0x80, $0x38;
	[tilespmem:$0x11900] =	vst v63  }
0x1a1: {  	s13 =	sadd.s32 s3, s14;
	s14 =	sand.u32 $0x1FFFFFF0, s15;
	s15 =	spop (v2sf);
	(v2sf) =	vpush v0, $0xD  }
0x1a2: {  	[tilespmem:s10], [sflag:$0x2] =	stream.linear.gather [hbm4b:s13+s2], $0x80, $0x38;
	[tilespmem:$0x11900] =	vst v63  }
0x1a3: {  	s11 =	sand.u32 $0x1FFFFFF0, s15;
	s12 =	spop (v2sf);
	(v2sf) =	vpush v0, $0xE;
	s10 =	sadd.s32 s3, s14  }
0x1a4: {  	[tilespmem:s1], [sflag:$0x2] =	stream.linear.gather [hbm4b:s10+s2], $0x80, $0x38;
	[tilespmem:$0x11900] =	vst v63  }
0x1a5: {  	s15 =	spop (v2sf);
	s13 =	sadd.s32 s3, s11;
	s14 =	sand.u32 $0x1FFFFFF0, s12  }
0x1a6: {  	[tilespmem:s5], [sflag:$0x2] =	stream.linear.gather [hbm4b:s13+s2], $0x80, $0x38;
	[tilespmem:$0x11900] =	vst v63  }
0x1a7: {  	s8 =	sand.u32 $0x1FFFFFF0, s15;
	s9 =	spop (v2sf);
	s5 =	sadd.s32 s3, s14  }
0x1a8: {  	[tilespmem:s7], [sflag:$0x2] =	stream.linear.gather [hbm4b:s5+s2], $0x80, $0x38;
	[tilespmem:$0x11900] =	vst v63  }
0x1a9: {  	s28 =	sadd.s32 $0xFFFFFE00, s19;
	(v2sf) =	vpush v0, $0xF;
	s10 =	sadd.s32 s3, s8;
	s12 =	spop (v2sf)  }
0x1aa: {  	[tilespmem:s0], [sflag:$0x2] =	stream.linear.gather [hbm4b:s10+s2], $0x80, $0x38;
	[tilespmem:$0x11900] =	vst v63  }
0x1ab: {  	s26 =	sadd.s32 $0xFFFFFE80, s19;
	s11 =	sand.u32 $0x1FFFFFF0, s9;
	s15 =	spop (v2sf)  }
0x1ac: {  	s13 =	sadd.s32 s3, s11;
	s14 =	sand.u32 $0x1FFFFFF0, s12;
	s9 =	spop (v2sf)  }
0x1ad: {  	[tilespmem:s31], [sflag:$0x2] =	stream.linear.gather [hbm4b:s13+s2], $0x80, $0x38;
	[tilespmem:$0x11900] =	vst v63  }
0x1ae: {  	s7 =	sadd.s32 s3, s14;
	s8 =	sand.u32 $0x1FFFFFF0, s15;
	s12 =	spop (v2sf)  }
0x1af: {  	[tilespmem:s30], [sflag:$0x2] =	stream.linear.gather [hbm4b:s7+s2], $0x80, $0x38;
	[tilespmem:$0x11900] =	vst v63  }
0x1b0: {  	s10 =	sadd.s32 s3, s8;
	s11 =	sand.u32 $0x1FFFFFF0, s9;
	s15 =	spop (v2sf)  }
0x1b1: {  	[tilespmem:s29], [sflag:$0x2] =	stream.linear.gather [hbm4b:s10+s2], $0x80, $0x38;
	[tilespmem:$0x11900] =	vst v63  }
0x1b2: {  	s13 =	sadd.s32 s3, s11;
	s14 =	sand.u32 $0x1FFFFFF0, s12;
	s30 =	spop (v2sf)  }
0x1b3: {  	[tilespmem:s28], [sflag:$0x2] =	stream.linear.gather [hbm4b:s13+s2], $0x80, $0x38;
	[tilespmem:$0x11900] =	vst v63  }
.Ltmp7:
0x1b4: {  	s29 =	sand.u32 $0x1FFFFFF0, s15;
	s28 =	sadd.s32 s3, s14;
	(pc) =	sbr.rel @p0 .LBB2_7-.Ltmp7, $4  }
0x1b5: {  	[tilespmem:s26], [sflag:$0x2] =	stream.linear.gather [hbm4b:s28+s2], $0x80, $0x38;
	[tilespmem:$0x11900] =	vst v63  }
0x1b6: {  	s5 =	sand.u32 $0x80, s25;
	s31 =	sand.u32 $0x1FFFFFF0, s30;
	s1 =	sadd.s32 s3, s29  }
0x1b7: {  	[tilespmem:s24], [sflag:$0x2] =	stream.linear.gather [hbm4b:s1+s2], $0x80, $0x38;
	[tilespmem:$0x11900] =	vst v63  }
0x1b8: {  	s0 =	rddreg [dreg:$0x4];
	s26 =	spop (v2sf);
	s1 =	sadd.s32 s3, s31  }
0x1b9: {  	s7 =	sand.u32 $0x60, s25;
	s20 =	sadd.s32 s5, s0;
	s24 =	sand.u32 $0x1FFFFFF0, s26  }
0x1ba: {  	[tilespmem:s22], [sflag:$0x2] =	stream.linear.gather [hbm4b:s1+s2], $0x80, $0x38;
	[tilespmem:$0x11900] =	vst v63  }
0x1bb: {  	s25 =	sadd.s32 s7, s20;
	s0 =	sadd.s32 s3, s24  }
0x1bc: {  	[tilespmem:s19], [sflag:$0x2] =	stream.linear.gather [hbm4b:s0+s2], $0x80, $0x38;
	[tilespmem:$0x11900] =	vst v63  }
0x1bd: {  	v0 =	vld [tilespmem:s25+$0x0];
	_ =	sdelay $0x4  }
0x1be: {  	v0 =	vshll.u32 v0, $0x4  }
0x1bf: {  	(v2sf) =	vpush v0, $0x0  }
0x1c0: {  	(v2sf) =	vpush v0, $0x1  }
0x1c1: {  	(v2sf) =	vpush v0, $0x2;
	_ =	sdelay $0x1  }
0x1c2: {  	(v2sf) =	vpush v0, $0x3;
	_ =	sdelay $0x1  }
0x1c3: {  	(v2sf) =	vpush v0, $0x4;
	_ =	sdelay $0x1  }
0x1c4: {  	(v2sf) =	vpush v0, $0x5;
	_ =	sdelay $0x1  }
0x1c5: {  	(v2sf) =	vpush v0, $0x6  }
0x1c6: {  	s22 =	sadd.s32 $0xFFFFF680, s17;
	s21 =	sadd.s32 $0xFFFFF700, s17;
	s5 =	sadd.s32 $0xFFFFF500, s17  }
0x1c7: {  	s1 =	sadd.s32 $0xFFFFF580, s17;
	s8 =	sadd.s32 $0xFFFFF400, s17;
	s9 =	sadd.s32 $0xFFFFF480, s17;
	(v2sf) =	vpush v0, $0x7  }
0x1c8: {  	s10 =	sadd.s32 $0xFFFFF200, s17;
	s11 =	sadd.s32 $0xFFFFF280, s17;
	s12 =	sadd.s32 $0xFFFFF300, s17  }
0x1c9: {  	s13 =	sadd.s32 $0xFFFFF100, s17;
	s14 =	sadd.s32 $0xFFFFF180, s17;
	s26 =	sadd.s32 $0xFFFFF080, s17;
	(v2sf) =	vpush v0, $0x8  }
0x1ca: {  	s7 =	sadd.s32 $0xFFFFF380, s17;
	s19 =	sand.u32 $0x70, s23;
	s15 =	spop (v2sf)  }
0x1cb: {  	s0 =	sadd.s32 $0xFFFFF600, s17;
	s15 =	sand.u32 $0x1FFFFFF0, s15;
	s24 =	spop (v2sf);
	(v2sf) =	vpush v0, $0x9  }
0x1cc: {  	s15 =	sadd.s32 s3, s15;
	s24 =	sand.u32 $0x1FFFFFF0, s24;
	s28 =	spop (v2sf)  }
0x1cd: {  	(v2sf) =	vpush v0, $0xA;
	[tilespmem:s26], [sflag:$0x2] =	stream.linear.gather [hbm4b:s15+s2], $0x80, $0x38;
	[tilespmem:$0x11900] =	vst v63  }
0x1ce: {  	s29 =	sadd.s32 s3, s24;
	s30 =	sand.u32 $0x1FFFFFF0, s28;
	s31 =	spop (v2sf)  }
0x1cf: {  	(v2sf) =	vpush v0, $0xB;
	[tilespmem:s13], [sflag:$0x2] =	stream.linear.gather [hbm4b:s29+s2], $0x80, $0x38;
	[tilespmem:$0x11900] =	vst v63  }
0x1d0: {  	s25 =	sadd.s32 s3, s30;
	s26 =	sand.u32 $0x1FFFFFF0, s31;
	s28 =	spop (v2sf)  }
0x1d1: {  	(v2sf) =	vpush v0, $0xC;
	[tilespmem:s14], [sflag:$0x2] =	stream.linear.gather [hbm4b:s25+s2], $0x80, $0x38;
	[tilespmem:$0x11900] =	vst v63  }
0x1d2: {  	s29 =	sadd.s32 s3, s26;
	s30 =	sand.u32 $0x1FFFFFF0, s28;
	s31 =	spop (v2sf)  }
0x1d3: {  	(v2sf) =	vpush v0, $0xD;
	[tilespmem:s10], [sflag:$0x2] =	stream.linear.gather [hbm4b:s29+s2], $0x80, $0x38;
	[tilespmem:$0x11900] =	vst v63  }
0x1d4: {  	s23 =	sand.u32 $0x1FFFFFF0, s31;
	s24 =	spop (v2sf);
	s14 =	sadd.s32 s3, s30  }
0x1d5: {  	(v2sf) =	vpush v0, $0xE;
	[tilespmem:s11], [sflag:$0x2] =	stream.linear.gather [hbm4b:s14+s2], $0x80, $0x38;
	[tilespmem:$0x11900] =	vst v63  }
0x1d6: {  	s25 =	sadd.s32 s3, s23;
	s26 =	sand.u32 $0x1FFFFFF0, s24;
	s28 =	spop (v2sf)  }
0x1d7: {  	(v2sf) =	vpush v0, $0xF;
	[tilespmem:s12], [sflag:$0x2] =	stream.linear.gather [hbm4b:s25+s2], $0x80, $0x38;
	[tilespmem:$0x11900] =	vst v63  }
0x1d8: {  	s30 =	sand.u32 $0x1FFFFFF0, s28;
	s31 =	spop (v2sf);
	s29 =	sadd.s32 s3, s26  }
0x1d9: {  	[tilespmem:s7], [sflag:$0x2] =	stream.linear.gather [hbm4b:s29+s2], $0x80, $0x38;
	[tilespmem:$0x11900] =	vst v63  }
0x1da: {  	s13 =	sand.u32 $0x1FFFFFF0, s31;
	s11 =	sadd.s32 s3, s30;
	s14 =	spop (v2sf)  }
0x1db: {  	[tilespmem:s8], [sflag:$0x2] =	stream.linear.gather [hbm4b:s11+s2], $0x80, $0x38;
	[tilespmem:$0x11900] =	vst v63  }
0x1dc: {  	s15 =	sadd.s32 s3, s13;
	s23 =	sand.u32 $0x1FFFFFF0, s14;
	s24 =	spop (v2sf)  }
0x1dd: {  	[tilespmem:s9], [sflag:$0x2] =	stream.linear.gather [hbm4b:s15+s2], $0x80, $0x38;
	[tilespmem:$0x11900] =	vst v63  }
0x1de: {  	s25 =	sadd.s32 s3, s23;
	s26 =	sand.u32 $0x1FFFFFF0, s24;
	s28 =	spop (v2sf)  }
0x1df: {  	[tilespmem:s5], [sflag:$0x2] =	stream.linear.gather [hbm4b:s25+s2], $0x80, $0x38;
	[tilespmem:$0x11900] =	vst v63  }
0x1e0: {  	s29 =	sadd.s32 s3, s26;
	s30 =	sand.u32 $0x1FFFFFF0, s28;
	s31 =	spop (v2sf)  }
0x1e1: {  	[tilespmem:s1], [sflag:$0x2] =	stream.linear.gather [hbm4b:s29+s2], $0x80, $0x38;
	[tilespmem:$0x11900] =	vst v63  }
0x1e2: {  	s7 =	sadd.s32 s3, s30;
	s8 =	sand.u32 $0x1FFFFFF0, s31;
	s9 =	spop (v2sf)  }
0x1e3: {  	[tilespmem:s0], [sflag:$0x2] =	stream.linear.gather [hbm4b:s7+s2], $0x80, $0x38;
	[tilespmem:$0x11900] =	vst v63  }
0x1e4: {  	s10 =	sadd.s32 s3, s8;
	s11 =	sand.u32 $0x1FFFFFF0, s9;
	s12 =	spop (v2sf)  }
0x1e5: {  	[tilespmem:s22], [sflag:$0x2] =	stream.linear.gather [hbm4b:s10+s2], $0x80, $0x38;
	[tilespmem:$0x11900] =	vst v63  }
0x1e6: {  	s13 =	sadd.s32 s3, s11;
	s14 =	sand.u32 $0x1FFFFFF0, s12;
	s15 =	spop (v2sf)  }
0x1e7: {  	[tilespmem:s21], [sflag:$0x2] =	stream.linear.gather [hbm4b:s13+s2], $0x80, $0x38;
	[tilespmem:$0x11900] =	vst v63  }
0x1e8: {  	s1 =	sadd.s32 s3, s14;
	s5 =	sand.u32 $0x1FFFFFF0, s15;
	s22 =	sadd.s32 $0xFFFFF780, s17  }
0x1e9: {  	[tilespmem:s22], [sflag:$0x2] =	stream.linear.gather [hbm4b:s1+s2], $0x80, $0x38;
	[tilespmem:$0x11900] =	vst v63  }
0x1ea: {  	s23 =	sadd.s32 $0xFFFFF800, s17;
	s25 =	sadd.s32 s19, s20;
	s24 =	sadd.s32 s3, s5  }
0x1eb: {  	[tilespmem:s23], [sflag:$0x2] =	stream.linear.gather [hbm4b:s24+s2], $0x80, $0x38;
	[tilespmem:$0x11900] =	vst v63  }
0x1ec: {  	v63 =	vld [tilespmem:s25+$0x0];
	_ =	sdelay $0x4  }
0x1ed: {  	v0 =	vshll.u32 v63, $0x4  }
0x1ee: {  	(v2sf) =	vpush v0, $0x0  }
0x1ef: {  	(v2sf) =	vpush v0, $0x1  }
0x1f0: {  	(v2sf) =	vpush v0, $0x2;
	_ =	sdelay $0x1  }
0x1f1: {  	(v2sf) =	vpush v0, $0x3  }
0x1f2: {  	(v2sf) =	vpush v0, $0x4;
	_ =	sdelay $0x1  }
0x1f3: {  	(v2sf) =	vpush v0, $0x5;
	_ =	sdelay $0x1  }
0x1f4: {  	(v2sf) =	vpush v0, $0x6;
	_ =	sdelay $0x1  }
0x1f5: {  	(v2sf) =	vpush v0, $0x7  }
0x1f6: {  	s26 =	sadd.s32 $0xFFFFF900, s17;
	s8 =	sadd.s32 $0xFFFFFD00, s17  }
0x1f7: {  	s9 =	sadd.s32 $0xFFFFFA80, s17;
	s11 =	sadd.s32 $0xFFFFFB80, s17;
	s14 =	sadd.s32 $0xFFFFFA00, s17;
	(v2sf) =	vpush v0, $0x8  }
0x1f8: {  	s29 =	sadd.s32 $0xFFFFF880, s17;
	s5 =	sadd.s32 $0xFFFFFC00, s17;
	s0 =	sadd.s32 $0xFFFFFE00, s17  }
0x1f9: {  	s7 =	sadd.s32 $0xFFFFFC80, s17;
	s10 =	sadd.s32 $0xFFFFFB00, s17;
	s28 =	spop (v2sf)  }
0x1fa: {  	s13 =	sadd.s32 $0xFFFFF980, s17;
	s15 =	sand.u32 $0x1FFFFFF0, s28;
	s30 =	spop (v2sf)  }
0x1fb: {  	s1 =	sadd.s32 $0xFFFFFD80, s17;
	(v2sf) =	vpush v0, $0x9;
	s15 =	sadd.s32 s3, s15;
	s31 =	spop (v2sf)  }
0x1fc: {  	[tilespmem:s29], [sflag:$0x2] =	stream.linear.gather [hbm4b:s15+s2], $0x80, $0x38;
	[tilespmem:$0x11900] =	vst v63  }
0x1fd: {  	(v2sf) =	vpush v0, $0xA;
	s20 =	sand.u32 $0x1FFFFFF0, s30;
	s23 =	sand.u32 $0x1FFFFFF0, s31;
	s24 =	spop (v2sf)  }
0x1fe: {  	s22 =	sadd.s32 s3, s20;
	s25 =	sadd.s32 s3, s23;
	s28 =	spop (v2sf)  }
0x1ff: {  	(v2sf) =	vpush v0, $0xB;
	[tilespmem:s26], [sflag:$0x2] =	stream.linear.gather [hbm4b:s22+s2], $0x80, $0x38;
	[tilespmem:$0x11900] =	vst v63  }
0x200: {  	s26 =	sand.u32 $0x1FFFFFF0, s24;
	s30 =	sand.u32 $0x1FFFFFF0, s28;
	s31 =	spop (v2sf)  }
0x201: {  	(v2sf) =	vpush v0, $0xC;
	[tilespmem:s13], [sflag:$0x2] =	stream.linear.gather [hbm4b:s25+s2], $0x80, $0x38;
	[tilespmem:$0x11900] =	vst v63  }
0x202: {  	s29 =	sadd.s32 s3, s26;
	s15 =	spop (v2sf);
	s13 =	sadd.s32 s3, s30  }
0x203: {  	(v2sf) =	vpush v0, $0xD;
	[tilespmem:s14], [sflag:$0x2] =	stream.linear.gather [hbm4b:s29+s2], $0x80, $0x38;
	[tilespmem:$0x11900] =	vst v63  }
0x204: {  	s20 =	sand.u32 $0x1FFFFFF0, s15;
	s21 =	spop (v2sf);
	s14 =	sand.u32 $0x1FFFFFF0, s31  }
0x205: {  	(v2sf) =	vpush v0, $0xE;
	[tilespmem:s9], [sflag:$0x2] =	stream.linear.gather [hbm4b:s13+s2], $0x80, $0x38;
	[tilespmem:$0x11900] =	vst v63  }
0x206: {  	s23 =	sand.u32 $0x1FFFFFF0, s21;
	s24 =	spop (v2sf);
	s19 =	sadd.s32 s3, s14  }
0x207: {  	(v2sf) =	vpush v0, $0xF;
	[tilespmem:s10], [sflag:$0x2] =	stream.linear.gather [hbm4b:s19+s2], $0x80, $0x38;
	[tilespmem:$0x11900] =	vst v63  }
0x208: {  	s22 =	sadd.s32 s3, s20;
	s25 =	sadd.s32 s3, s23;
	s26 =	sand.u32 $0x1FFFFFF0, s24  }
0x209: {  	[tilespmem:s11], [sflag:$0x2] =	stream.linear.gather [hbm4b:s22+s2], $0x80, $0x38;
	[tilespmem:$0x11900] =	vst v63  }
0x20a: {  	s23 =	sadd.s32 $0xFFFFFE80, s17;
	s29 =	sadd.s32 s3, s26;
	s28 =	spop (v2sf)  }
0x20b: {  	[tilespmem:s5], [sflag:$0x2] =	stream.linear.gather [hbm4b:s25+s2], $0x80, $0x38;
	[tilespmem:$0x11900] =	vst v63  }
0x20c: {  	s26 =	sadd.s32 $0xFFFFFF00, s17;
	s30 =	sand.u32 $0x1FFFFFF0, s28;
	s31 =	spop (v2sf)  }
0x20d: {  	[tilespmem:s7], [sflag:$0x2] =	stream.linear.gather [hbm4b:s29+s2], $0x80, $0x38;
	[tilespmem:$0x11900] =	vst v63  }
0x20e: {  	s11 =	sadd.s32 s3, s30;
	s12 =	sand.u32 $0x1FFFFFF0, s31;
	s13 =	spop (v2sf)  }
0x20f: {  	[tilespmem:s8], [sflag:$0x2] =	stream.linear.gather [hbm4b:s11+s2], $0x80, $0x38;
	[tilespmem:$0x11900] =	vst v63  }
0x210: {  	s14 =	sadd.s32 s3, s12;
	s15 =	sand.u32 $0x1FFFFFF0, s13;
	s19 =	spop (v2sf)  }
0x211: {  	[tilespmem:s1], [sflag:$0x2] =	stream.linear.gather [hbm4b:s14+s2], $0x80, $0x38;
	[tilespmem:$0x11900] =	vst v63  }
0x212: {  	s20 =	sadd.s32 s3, s15;
	s21 =	sand.u32 $0x1FFFFFF0, s19;
	s22 =	spop (v2sf)  }
0x213: {  	[tilespmem:s0], [sflag:$0x2] =	stream.linear.gather [hbm4b:s20+s2], $0x80, $0x38;
	[tilespmem:$0x11900] =	vst v63  }
0x214: {  	s24 =	sadd.s32 s3, s21;
	s25 =	sand.u32 $0x1FFFFFF0, s22;
	s28 =	spop (v2sf)  }
0x215: {  	[tilespmem:s23], [sflag:$0x2] =	stream.linear.gather [hbm4b:s24+s2], $0x80, $0x38;
	[tilespmem:$0x11900] =	vst v63  }
0x216: {  	s5 =	sadd.s32 s3, s25;
	s29 =	sand.u32 $0x1FFFFFF0, s28;
	s30 =	spop (v2sf)  }
0x217: {  	[tilespmem:s26], [sflag:$0x2] =	stream.linear.gather [hbm4b:s5+s2], $0x80, $0x38;
	[tilespmem:$0x11900] =	vst v63  }
0x218: {  	s1 =	sand.u32 $0x1FFFFFF0, s30;
	s0 =	sadd.s32 s3, s29  }
0x219: {  	[tilespmem:s18], [sflag:$0x2] =	stream.linear.gather [hbm4b:s0+s2], $0x80, $0x38;
	[tilespmem:$0x11900] =	vst v63  }
0x21a: {  	s31 =	sadd.s32 s3, s1  }
0x21b: {  	[tilespmem:s17], [sflag:$0x2] =	stream.linear.gather [hbm4b:s31+s2], $0x80, $0x38;
	[tilespmem:$0x11900] =	vst v63  }
.LBB2_9:
0x21c: {  	s0 =	simm.s32 $0x1  }
0x21d: {  	_ =	swait.ge [sflag:s0], $0x8000  }
0x21e: {  	[sflag:s0] =	ssyncset.done $0x0  }
0x21f: {  	s17 =	simm.s32 $0x1A00;
	[sflag:s0] =	ssyncadd.s32 $0xFFFF8000  }
0x220: {  	v1 =	vld [tilespmem:s17+$0x20]  }
0x221: {  	v2 =	vld [tilespmem:s17+$0xFFFFFF80]  }
0x222: {  	v3 =	vld [tilespmem:s17+$0xA0]  }
0x223: {  	v4 =	vld [tilespmem:s17+$0x90]  }
0x224: {  	v5 =	vld [tilespmem:s17+$0xFFFFFF20]  }
0x225: {  	v0 =	vld [tilespmem:s17+$0x10]  }
0x226: {  	v7 =	vld [tilespmem:s17+$0xFFFFFF10]  }
0x227: {  	v8 =	vld [tilespmem:s17+$0x80]  }
0x228: {  	v9 =	vld [tilespmem:s17+$0xFFFFFF00];
	v4 =	vmul.f32 $8.000000000e+00, v4  }
0x229: {  	v10 =	vld [tilespmem:s17+$0x30];
	v1 =	vmul.f32 $8.000000000e+00, v1  }
0x22a: {  	v11 =	vld [tilespmem:s17+$0xFFFFFF90];
	v2 =	vmul.f32 $8.000000000e+00, v2;
	[tilespmem:s17+$0x90] =	vst v4  }
0x22b: {  	v6 =	vld [tilespmem:s17+$0xB0];
	v4 =	vmul.f32 $8.000000000e+00, v3;
	[tilespmem:s17+$0x20] =	vst v1  }
0x22c: {  	v12 =	vmul.f32 $8.000000000e+00, v5;
	v3 =	vld [tilespmem:s17+$0x0];
	[tilespmem:s17+$0xFFFFFF80] =	vst v2  }
0x22d: {  	v2 =	vmul.f32 $8.000000000e+00, v8;
	[tilespmem:s17+$0xA0] =	vst v4;
	v4 =	vld [tilespmem:s17+$0xFFFFFFB0]  }
0x22e: {  	v5 =	vld [tilespmem:s17+$0xFFFFFFA0];
	v8 =	vmul.f32 $8.000000000e+00, v9;
	v1 =	vmul.f32 $8.000000000e+00, v7;
	[tilespmem:s17+$0xFFFFFF20] =	vst v12  }
0x22f: {  	s18 =	simm.s32 $0x0;
	s0 =	simm.s32 $0x1C00;
	v7 =	vld [tilespmem:s17+$0xFFFFFF30];
	v9 =	vmul.f32 $8.000000000e+00, v11;
	[tilespmem:s17+$0x80] =	vst v2;
	v2 =	vmul.f32 $8.000000000e+00, v10  }
.LBB2_10:
0x230: {  	v10 =	vld [tilespmem:s0+$0x20];
	s18 =	sadd.s32 $0x4, s18;
	[tilespmem:s17+$0xFFFFFF00] =	vst v8;
	v0 =	vmul.f32 $8.000000000e+00, v0;
	v6 =	vmul.f32 $8.000000000e+00, v6  }
0x231: {  	v8 =	vld [tilespmem:s0+$0xFFFFFF80];
	p0 =	slt.u32 s18, $0xFC;
	[tilespmem:s17+$0xFFFFFF90] =	vst v9;
	v3 =	vmul.f32 $8.000000000e+00, v3  }
0x232: {  	v9 =	vld [tilespmem:s0+$0xA0];
	v4 =	vmul.f32 $8.000000000e+00, v4;
	[tilespmem:s17+$0xB0] =	vst v6  }
0x233: {  	v11 =	vld [tilespmem:s0+$0xFFFFFF20];
	v5 =	vmul.f32 $8.000000000e+00, v5;
	[tilespmem:s17+$0x0] =	vst v3  }
0x234: {  	v3 =	vld [tilespmem:s0+$0x90];
	v6 =	vmul.f32 $8.000000000e+00, v7;
	[tilespmem:s17+$0x10] =	vst v0  }
0x235: {  	v0 =	vld [tilespmem:s0+$0x10];
	v7 =	vmul.f32 $8.000000000e+00, v10;
	[tilespmem:s17+$0xFFFFFF10] =	vst v1  }
0x236: {  	v1 =	vld [tilespmem:s0+$0xFFFFFF10];
	[tilespmem:s17+$0xFFFFFF30] =	vst v6  }
0x237: {  	v10 =	vld [tilespmem:s0+$0x80];
	v9 =	vmul.f32 $8.000000000e+00, v9;
	[tilespmem:s17+$0x30] =	vst v2  }
0x238: {  	v2 =	vld [tilespmem:s0+$0xFFFFFF00];
	[tilespmem:s17+$0xFFFFFFB0] =	vst v4  }
0x239: {  	v12 =	vld [tilespmem:s0+$0x30];
	v3 =	vmul.f32 $8.000000000e+00, v3;
	[tilespmem:s17+$0xFFFFFFA0] =	vst v5;
	s17 =	smov.u32 s0  }
0x23a: {  	v13 =	vld [tilespmem:s0+$0xFFFFFF90];
	[tilespmem:s0+$0x20] =	vst v7  }
.Ltmp8:
0x23b: {  	v4 =	vmul.f32 $8.000000000e+00, v8;
	[tilespmem:s0+$0x90] =	vst v3;
	v6 =	vld [tilespmem:s0+$0xB0];
	(pc) =	sbr.rel @p0 .LBB2_10-.Ltmp8, $4  }
0x23c: {  	v3 =	vld [tilespmem:s0+$0x0];
	v7 =	vmul.f32 $8.000000000e+00, v10;
	[tilespmem:s0+$0xA0] =	vst v9  }
0x23d: {  	v9 =	vmul.f32 $8.000000000e+00, v11;
	[tilespmem:s0+$0xFFFFFF80] =	vst v4;
	v4 =	vld [tilespmem:s0+$0xFFFFFFB0]  }
0x23e: {  	v1 =	vmul.f32 $8.000000000e+00, v1;
	v8 =	vmul.f32 $8.000000000e+00, v2;
	v5 =	vld [tilespmem:s0+$0xFFFFFFA0];
	[tilespmem:s0+$0x80] =	vst v7  }
0x23f: {  	v2 =	vmul.f32 $8.000000000e+00, v12;
	s0 =	sadd.s32 $0x200, s0;
	[tilespmem:s17+$0xFFFFFF20] =	vst v9;
	v7 =	vld [tilespmem:s17+$0xFFFFFF30];
	v9 =	vmul.f32 $8.000000000e+00, v13  }
0x240: {  	[tilespmem:s17+$0xFFFFFF00] =	vst v8  }
0x241: {  	[tilespmem:s17+$0xFFFFFF10] =	vst v1  }
0x242: {  	v6 =	vmul.f32 $8.000000000e+00, v6;
	[tilespmem:s17+$0xFFFFFF90] =	vst v9  }
0x243: {  	v0 =	vmul.f32 $8.000000000e+00, v0;
	[tilespmem:s17+$0x30] =	vst v2  }
0x244: {  	v3 =	vmul.f32 $8.000000000e+00, v3;
	[tilespmem:s17+$0xB0] =	vst v6  }
0x245: {  	[tilespmem:s17+$0x10] =	vst v0;
	v62 =	vmul.f32 $8.000000000e+00, v4  }
.Ltmp9:
0x246: {  	s0 =	sshll.u32 s16, $0xF;
	[tilespmem:s17+$0x0] =	vst v3;
	v63 =	vmul.f32 $8.000000000e+00, v5;
	(pc) =	sbr.rel .LBB2_17-.Ltmp9, $4  }
0x247: {  	s0 =	sadd.s32 s6, s0;
	v61 =	vmul.f32 $8.000000000e+00, v7;
	[tilespmem:s17+$0xFFFFFFB0] =	vst v62  }
0x248: {  	s0 =	sshrl.u32 s0, $0x3;
	[tilespmem:s17+$0xFFFFFFA0] =	vst v63  }
0x249: {  	s1 =	simm.s32 $0x1900;
	s0 =	sadd.s32 s4, s0;
	[tilespmem:s17+$0xFFFFFF30] =	vst v61  }
0x24a: {  	[hbm4b:s0+s2] =	stream.linear.scatter [tilespmem:s1], [sflag:$0x3], $0x8000, $0x38;
	[tilespmem:$0x11900] =	vst v63  }
.LBB2_12:
0x24b: {  	s0 =	sshll.u32 s16, $0x8  }
0x24c: {  	s0 =	sand.u32 $0x3FFFFF00, s0  }
0x24d: {  	s7 =	simm.s32 $0x3;
	s0 =	sadd.s32 $0x100, s0  }
0x24e: {  	s1 =	simm.s32 $0x0;
	_ =	swait.ge [sflag:s7], $0x8000;
	[dreg:$0x3] =	wrdreg s0  }
0x24f: {  	s5 =	sand.u32 $0x80, s1;
	s0 =	rddreg [dreg:$0x3]  }
0x250: {  	s1 =	sand.u32 $0x60, s1;
	[sflag:s7] =	ssyncset.done $0x0;
	s17 =	sadd.s32 s5, s0  }
0x251: {  	[sflag:s7] =	ssyncadd.s32 $0xFFFF8000;
	s0 =	sadd.s32 s1, s17  }
0x252: {  	v0 =	vld [tilespmem:s0+$0x0];
	_ =	sdelay $0x4  }
0x253: {  	v0 =	vshll.u32 v0, $0x4  }
0x254: {  	(v2sf) =	vpush v0, $0x0;
	_ =	sdelay $0x1  }
0x255: {  	(v2sf) =	vpush v0, $0x1  }
0x256: {  	(v2sf) =	vpush v0, $0x2;
	_ =	sdelay $0x1  }
0x257: {  	(v2sf) =	vpush v0, $0x3;
	_ =	sdelay $0x1  }
0x258: {  	(v2sf) =	vpush v0, $0x4;
	_ =	sdelay $0x1  }
0x259: {  	(v2sf) =	vpush v0, $0x5;
	_ =	sdelay $0x1  }
0x25a: {  	(v2sf) =	vpush v0, $0x6  }
0x25b: {  	s13 =	simm.s32 $0x10  }
0x25c: {  	s20 =	simm.s32 $0x1F00;
	s19 =	simm.s32 $0x1F80;
	s8 =	simm.s32 $0x1C00  }
0x25d: {  	s9 =	simm.s32 $0x1900;
	s15 =	simm.s32 $0x1980;
	s23 =	simm.s32 $0x1A00  }
0x25e: {  	s26 =	simm.s32 $0x1A80;
	s29 =	simm.s32 $0x1B00;
	s14 =	spop (v2sf);
	(v2sf) =	vpush v0, $0x7  }
0x25f: {  	s12 =	simm.s32 $0x1C80;
	s18 =	sand.u32 $0x70, s13;
	s5 =	simm.s32 $0x1D80  }
0x260: {  	s1 =	simm.s32 $0x1E00;
	s7 =	sand.u32 $0x1FFFFFF0, s14;
	s10 =	spop (v2sf);
	(v2sf) =	vpush v0, $0x8  }
0x261: {  	s7 =	sadd.s32 s3, s7;
	(v2sf) =	vpush v0, $0x9;
	s21 =	sand.u32 $0x1FFFFFF0, s10;
	s22 =	spop (v2sf)  }
0x262: {  	[tilespmem:s9], [sflag:$0x1] =	stream.linear.gather [hbm4b:s7+s2], $0x80, $0x38;
	[tilespmem:$0x11900] =	vst v63  }
0x263: {  	s9 =	sadd.s32 s3, s21;
	s10 =	sand.u32 $0x1FFFFFF0, s22;
	s11 =	spop (v2sf);
	(v2sf) =	vpush v0, $0xA  }
0x264: {  	[tilespmem:s15], [sflag:$0x1] =	stream.linear.gather [hbm4b:s9+s2], $0x80, $0x38;
	[tilespmem:$0x11900] =	vst v63  }
0x265: {  	s24 =	sadd.s32 s3, s10;
	s25 =	sand.u32 $0x1FFFFFF0, s11;
	(v2sf) =	vpush v0, $0xB;
	s28 =	spop (v2sf)  }
0x266: {  	[tilespmem:s23], [sflag:$0x1] =	stream.linear.gather [hbm4b:s24+s2], $0x80, $0x38;
	[tilespmem:$0x11900] =	vst v63  }
0x267: {  	s10 =	sadd.s32 s3, s25;
	(v2sf) =	vpush v0, $0xC;
	s9 =	sand.u32 $0x1FFFFFF0, s28;
	s30 =	spop (v2sf)  }
0x268: {  	[tilespmem:s26], [sflag:$0x1] =	stream.linear.gather [hbm4b:s10+s2], $0x80, $0x38;
	[tilespmem:$0x11900] =	vst v63  }
0x269: {  	(v2sf) =	vpush v0, $0xD;
	s9 =	sadd.s32 s3, s9;
	s31 =	spop (v2sf);
	s10 =	sand.u32 $0x1FFFFFF0, s30  }
0x26a: {  	[tilespmem:s29], [sflag:$0x1] =	stream.linear.gather [hbm4b:s9+s2], $0x80, $0x38;
	[tilespmem:$0x11900] =	vst v63  }
0x26b: {  	(v2sf) =	vpush v0, $0xE;
	s11 =	sand.u32 $0x1FFFFFF0, s31;
	s10 =	sadd.s32 s3, s10;
	s9 =	simm.s32 $0x1B80  }
0x26c: {  	[tilespmem:s9], [sflag:$0x1] =	stream.linear.gather [hbm4b:s10+s2], $0x80, $0x38;
	[tilespmem:$0x11900] =	vst v63  }
0x26d: {  	s0 =	simm.s32 $0x1E80;
	s10 =	sadd.s32 s3, s11;
	s13 =	spop (v2sf);
	(v2sf) =	vpush v0, $0xF  }
0x26e: {  	[tilespmem:s8], [sflag:$0x1] =	stream.linear.gather [hbm4b:s10+s2], $0x80, $0x38;
	[tilespmem:$0x11900] =	vst v63  }
0x26f: {  	s14 =	simm.s32 $0x1D00;
	s9 =	sand.u32 $0x1FFFFFF0, s13;
	s15 =	spop (v2sf)  }
0x270: {  	s9 =	sadd.s32 s3, s9;
	s10 =	sand.u32 $0x1FFFFFF0, s15;
	s21 =	spop (v2sf)  }
0x271: {  	[tilespmem:s12], [sflag:$0x1] =	stream.linear.gather [hbm4b:s9+s2], $0x80, $0x38;
	[tilespmem:$0x11900] =	vst v63  }
0x272: {  	s22 =	sadd.s32 s3, s10;
	s23 =	sand.u32 $0x1FFFFFF0, s21;
	s24 =	spop (v2sf)  }
0x273: {  	[tilespmem:s14], [sflag:$0x1] =	stream.linear.gather [hbm4b:s22+s2], $0x80, $0x38;
	[tilespmem:$0x11900] =	vst v63  }
0x274: {  	s25 =	sadd.s32 s3, s23;
	s26 =	sand.u32 $0x1FFFFFF0, s24;
	s28 =	spop (v2sf)  }
0x275: {  	[tilespmem:s5], [sflag:$0x1] =	stream.linear.gather [hbm4b:s25+s2], $0x80, $0x38;
	[tilespmem:$0x11900] =	vst v63  }
0x276: {  	s29 =	sadd.s32 s3, s26;
	s30 =	sand.u32 $0x1FFFFFF0, s28;
	s31 =	spop (v2sf)  }
0x277: {  	[tilespmem:s1], [sflag:$0x1] =	stream.linear.gather [hbm4b:s29+s2], $0x80, $0x38;
	[tilespmem:$0x11900] =	vst v63  }
0x278: {  	s7 =	sadd.s32 s3, s30;
	s8 =	sand.u32 $0x1FFFFFF0, s31;
	s9 =	spop (v2sf)  }
0x279: {  	[tilespmem:s0], [sflag:$0x1] =	stream.linear.gather [hbm4b:s7+s2], $0x80, $0x38;
	[tilespmem:$0x11900] =	vst v63  }
0x27a: {  	s10 =	sadd.s32 s3, s8;
	s11 =	sand.u32 $0x1FFFFFF0, s9;
	s12 =	spop (v2sf)  }
0x27b: {  	[tilespmem:s20], [sflag:$0x1] =	stream.linear.gather [hbm4b:s10+s2], $0x80, $0x38;
	[tilespmem:$0x11900] =	vst v63  }
0x27c: {  	s13 =	sadd.s32 s3, s11;
	s14 =	sand.u32 $0x1FFFFFF0, s12;
	s15 =	spop (v2sf)  }
0x27d: {  	[tilespmem:s19], [sflag:$0x1] =	stream.linear.gather [hbm4b:s13+s2], $0x80, $0x38;
	[tilespmem:$0x11900] =	vst v63  }
0x27e: {  	s1 =	sadd.s32 s3, s14;
	s19 =	simm.s32 $0x2000;
	s5 =	sand.u32 $0x1FFFFFF0, s15  }
0x27f: {  	[tilespmem:s19], [sflag:$0x1] =	stream.linear.gather [hbm4b:s1+s2], $0x80, $0x38;
	[tilespmem:$0x11900] =	vst v63  }
0x280: {  	s22 =	sadd.s32 s18, s17;
	s20 =	simm.s32 $0x2080;
	s21 =	sadd.s32 s3, s5  }
0x281: {  	[tilespmem:s20], [sflag:$0x1] =	stream.linear.gather [hbm4b:s21+s2], $0x80, $0x38;
	[tilespmem:$0x11900] =	vst v63  }
0x282: {  	v63 =	vld [tilespmem:s22+$0x0];
	_ =	sdelay $0x4  }
0x283: {  	v0 =	vshll.u32 v63, $0x4  }
0x284: {  	(v2sf) =	vpush v0, $0x0  }
0x285: {  	(v2sf) =	vpush v0, $0x1  }
0x286: {  	(v2sf) =	vpush v0, $0x2;
	_ =	sdelay $0x2  }
0x287: {  	(v2sf) =	vpush v0, $0x3;
	_ =	sdelay $0x1  }
0x288: {  	(v2sf) =	vpush v0, $0x4;
	_ =	sdelay $0x1  }
0x289: {  	(v2sf) =	vpush v0, $0x5;
	_ =	sdelay $0x1  }
0x28a: {  	s24 =	simm.s32 $0x2780;
	(v2sf) =	vpush v0, $0x6  }
0x28b: {  	s17 =	simm.s32 $0x3880;
	s18 =	simm.s32 $0x3800;
	s28 =	simm.s32 $0x2180  }
0x28c: {  	s25 =	simm.s32 $0x2100;
	s12 =	simm.s32 $0x2300;
	s0 =	simm.s32 $0x2600;
	(v2sf) =	vpush v0, $0x7  }
0x28d: {  	s10 =	simm.s32 $0x2280;
	s15 =	simm.s32 $0x2380;
	s19 =	simm.s32 $0x2880  }
0x28e: {  	s20 =	simm.s32 $0x2;
	s21 =	simm.s32 $0x4880;
	s23 =	spop (v2sf)  }
0x28f: {  	s22 =	simm.s32 $0x2800;
	s1 =	sand.u32 $0x1FFFFFF0, s23;
	s26 =	spop (v2sf)  }
0x290: {  	(v2sf) =	vpush v0, $0x8;
	s1 =	sadd.s32 s3, s1;
	s29 =	sand.u32 $0x1FFFFFF0, s26;
	s30 =	spop (v2sf)  }
0x291: {  	(v2sf) =	vpush v0, $0x9;
	[tilespmem:s25], [sflag:$0x1] =	stream.linear.gather [hbm4b:s1+s2], $0x80, $0x38;
	[tilespmem:$0x11900] =	vst v63  }
0x292: {  	s26 =	simm.s32 $0x2400;
	s5 =	sadd.s32 s3, s29;
	s7 =	sand.u32 $0x1FFFFFF0, s30  }
0x293: {  	(v2sf) =	vpush v0, $0xA;
	s31 =	spop (v2sf);
	s29 =	simm.s32 $0x2480;
	s7 =	sadd.s32 s3, s7  }
0x294: {  	[tilespmem:s28], [sflag:$0x1] =	stream.linear.gather [hbm4b:s5+s2], $0x80, $0x38;
	[tilespmem:$0x11900] =	vst v63  }
0x295: {  	(v2sf) =	vpush v0, $0xB;
	s9 =	sand.u32 $0x1FFFFFF0, s31;
	s11 =	spop (v2sf);
	s5 =	simm.s32 $0x2200  }
0x296: {  	(v2sf) =	vpush v0, $0xC;
	[tilespmem:s5], [sflag:$0x1] =	stream.linear.gather [hbm4b:s7+s2], $0x80, $0x38;
	[tilespmem:$0x11900] =	vst v63  }
0x297: {  	s13 =	spop (v2sf);
	s7 =	sadd.s32 s3, s9;
	s5 =	sand.u32 $0x1FFFFFF0, s11  }
0x298: {  	(v2sf) =	vpush v0, $0xD;
	[tilespmem:s10], [sflag:$0x1] =	stream.linear.gather [hbm4b:s7+s2], $0x80, $0x38;
	[tilespmem:$0x11900] =	vst v63  }
0x299: {  	s14 =	spop (v2sf);
	s5 =	sadd.s32 s3, s5;
	s7 =	sand.u32 $0x1FFFFFF0, s13  }
0x29a: {  	[tilespmem:s12], [sflag:$0x1] =	stream.linear.gather [hbm4b:s5+s2], $0x80, $0x38;
	[tilespmem:$0x11900] =	vst v63  }
0x29b: {  	s25 =	sand.u32 $0x1FFFFFF0, s14;
	s28 =	spop (v2sf);
	s23 =	sadd.s32 s3, s7  }
0x29c: {  	(v2sf) =	vpush v0, $0xE;
	[tilespmem:s15], [sflag:$0x1] =	stream.linear.gather [hbm4b:s23+s2], $0x80, $0x38;
	[tilespmem:$0x11900] =	vst v63  }
0x29d: {  	s10 =	simm.s32 $0x2580;
	s7 =	sadd.s32 s3, s25;
	s5 =	sand.u32 $0x1FFFFFF0, s28  }
0x29e: {  	[tilespmem:s26], [sflag:$0x1] =	stream.linear.gather [hbm4b:s7+s2], $0x80, $0x38;
	[tilespmem:$0x11900] =	vst v63  }
0x29f: {  	s12 =	simm.s32 $0x2680;
	s5 =	sadd.s32 s3, s5;
	s30 =	spop (v2sf)  }
0x2a0: {  	(v2sf) =	vpush v0, $0xF;
	s26 =	simm.s32 $0x2700;
	s7 =	sand.u32 $0x1FFFFFF0, s30;
	s31 =	spop (v2sf)  }
0x2a1: {  	[tilespmem:s29], [sflag:$0x1] =	stream.linear.gather [hbm4b:s5+s2], $0x80, $0x38;
	[tilespmem:$0x11900] =	vst v63  }
0x2a2: {  	s5 =	simm.s32 $0x2500;
	s7 =	sadd.s32 s3, s7;
	s11 =	spop (v2sf)  }
0x2a3: {  	[tilespmem:s5], [sflag:$0x1] =	stream.linear.gather [hbm4b:s7+s2], $0x80, $0x38;
	[tilespmem:$0x11900] =	vst v63  }
0x2a4: {  	s9 =	sand.u32 $0x1FFFFFF0, s31;
	s13 =	spop (v2sf);
	s5 =	sand.u32 $0x1FFFFFF0, s11  }
0x2a5: {  	s7 =	sadd.s32 s3, s9;
	s14 =	spop (v2sf);
	s5 =	sadd.s32 s3, s5  }
0x2a6: {  	[tilespmem:s10], [sflag:$0x1] =	stream.linear.gather [hbm4b:s7+s2], $0x80, $0x38;
	[tilespmem:$0x11900] =	vst v63  }
0x2a7: {  	s23 =	sand.u32 $0x1FFFFFF0, s14;
	s25 =	spop (v2sf);
	s7 =	sand.u32 $0x1FFFFFF0, s13  }
0x2a8: {  	[tilespmem:s0], [sflag:$0x1] =	stream.linear.gather [hbm4b:s5+s2], $0x80, $0x38;
	[tilespmem:$0x11900] =	vst v63  }
0x2a9: {  	s28 =	sadd.s32 s3, s23;
	s29 =	sand.u32 $0x1FFFFFF0, s25;
	s15 =	sadd.s32 s3, s7  }
0x2aa: {  	[tilespmem:s12], [sflag:$0x1] =	stream.linear.gather [hbm4b:s15+s2], $0x80, $0x38;
	[tilespmem:$0x11900] =	vst v63  }
0x2ab: {  	s23 =	simm.s32 $0x30;
	s25 =	simm.s32 $0x20;
	s30 =	spop (v2sf)  }
0x2ac: {  	[tilespmem:s26], [sflag:$0x1] =	stream.linear.gather [hbm4b:s28+s2], $0x80, $0x38;
	[tilespmem:$0x11900] =	vst v63  }
0x2ad: {  	s31 =	sadd.s32 s3, s29;
	s0 =	rddreg [dreg:$0x3];
	s1 =	sand.u32 $0x1FFFFFF0, s30  }
0x2ae: {  	[tilespmem:s24], [sflag:$0x1] =	stream.linear.gather [hbm4b:s31+s2], $0x80, $0x38;
	[tilespmem:$0x11900] =	vst v63  }
0x2af: {  	s5 =	sand.u32 $0x80, s25;
	s1 =	sadd.s32 s3, s1;
	s26 =	spop (v2sf)  }
.LBB2_13:
0x2b0: {  	s7 =	sand.u32 $0x60, s25;
	s24 =	sadd.s32 s5, s0;
	s11 =	sand.u32 $0x1FFFFFF0, s26  }
0x2b1: {  	[tilespmem:s22], [sflag:$0x1] =	stream.linear.gather [hbm4b:s1+s2], $0x80, $0x38;
	[tilespmem:$0x11900] =	vst v63  }
0x2b2: {  	s12 =	sadd.s32 s7, s24;
	s0 =	sadd.s32 s3, s11  }
0x2b3: {  	[tilespmem:s19], [sflag:$0x1] =	stream.linear.gather [hbm4b:s0+s2], $0x80, $0x38;
	[tilespmem:$0x11900] =	vst v63  }
0x2b4: {  	v0 =	vld [tilespmem:s12+$0x0];
	_ =	sdelay $0x4  }
0x2b5: {  	v0 =	vshll.u32 v0, $0x4  }
0x2b6: {  	(v2sf) =	vpush v0, $0x0  }
0x2b7: {  	(v2sf) =	vpush v0, $0x1  }
0x2b8: {  	(v2sf) =	vpush v0, $0x2;
	_ =	sdelay $0x1  }
0x2b9: {  	(v2sf) =	vpush v0, $0x3;
	_ =	sdelay $0x1  }
0x2ba: {  	(v2sf) =	vpush v0, $0x4;
	_ =	sdelay $0x1  }
0x2bb: {  	(v2sf) =	vpush v0, $0x5;
	_ =	sdelay $0x1  }
0x2bc: {  	s19 =	smov.u32 s17;
	(v2sf) =	vpush v0, $0x6  }
0x2bd: {  	s25 =	sand.u32 $0x70, s23;
	s28 =	sadd.s32 $0xFFFFF680, s19;
	s26 =	sadd.s32 $0xFFFFF700, s19  }
0x2be: {  	s31 =	sadd.s32 $0xFFFFF500, s19;
	s30 =	sadd.s32 $0xFFFFF580, s19;
	s29 =	sadd.s32 $0xFFFFF600, s19;
	(v2sf) =	vpush v0, $0x7  }
0x2bf: {  	s5 =	sadd.s32 $0xFFFFF380, s19;
	s1 =	sadd.s32 $0xFFFFF400, s19;
	s0 =	sadd.s32 $0xFFFFF480, s19  }
0x2c0: {  	s7 =	sadd.s32 $0xFFFFF200, s19;
	s8 =	sadd.s32 $0xFFFFF280, s19;
	s9 =	sadd.s32 $0xFFFFF300, s19;
	(v2sf) =	vpush v0, $0x8  }
0x2c1: {  	s10 =	sadd.s32 $0xFFFFF100, s19;
	s11 =	sadd.s32 $0xFFFFF180, s19;
	s12 =	spop (v2sf)  }
0x2c2: {  	s13 =	sadd.s32 $0xFFFFF080, s19;
	s12 =	sand.u32 $0x1FFFFFF0, s12;
	s14 =	spop (v2sf);
	(v2sf) =	vpush v0, $0x9  }
0x2c3: {  	s12 =	sadd.s32 s3, s12;
	s14 =	sand.u32 $0x1FFFFFF0, s14;
	s15 =	spop (v2sf)  }
0x2c4: {  	(v2sf) =	vpush v0, $0xA;
	[tilespmem:s13], [sflag:$0x1] =	stream.linear.gather [hbm4b:s12+s2], $0x80, $0x38;
	[tilespmem:$0x11900] =	vst v63  }
0x2c5: {  	s13 =	sadd.s32 s3, s14;
	s14 =	sand.u32 $0x1FFFFFF0, s15;
	s15 =	spop (v2sf)  }
0x2c6: {  	(v2sf) =	vpush v0, $0xB;
	[tilespmem:s10], [sflag:$0x1] =	stream.linear.gather [hbm4b:s13+s2], $0x80, $0x38;
	[tilespmem:$0x11900] =	vst v63  }
0x2c7: {  	s13 =	sadd.s32 s3, s14;
	s14 =	sand.u32 $0x1FFFFFF0, s15;
	s15 =	spop (v2sf)  }
0x2c8: {  	(v2sf) =	vpush v0, $0xC;
	[tilespmem:s11], [sflag:$0x1] =	stream.linear.gather [hbm4b:s13+s2], $0x80, $0x38;
	[tilespmem:$0x11900] =	vst v63  }
0x2c9: {  	s12 =	sadd.s32 s3, s14;
	s14 =	sand.u32 $0x1FFFFFF0, s15;
	s15 =	spop (v2sf)  }
0x2ca: {  	(v2sf) =	vpush v0, $0xD;
	[tilespmem:s7], [sflag:$0x1] =	stream.linear.gather [hbm4b:s12+s2], $0x80, $0x38;
	[tilespmem:$0x11900] =	vst v63  }
0x2cb: {  	s13 =	sadd.s32 s3, s14;
	s14 =	sand.u32 $0x1FFFFFF0, s15;
	s15 =	spop (v2sf)  }
0x2cc: {  	(v2sf) =	vpush v0, $0xE;
	[tilespmem:s8], [sflag:$0x1] =	stream.linear.gather [hbm4b:s13+s2], $0x80, $0x38;
	[tilespmem:$0x11900] =	vst v63  }
0x2cd: {  	s10 =	sadd.s32 s3, s14;
	s11 =	sand.u32 $0x1FFFFFF0, s15;
	s12 =	spop (v2sf)  }
0x2ce: {  	(v2sf) =	vpush v0, $0xF;
	[tilespmem:s9], [sflag:$0x1] =	stream.linear.gather [hbm4b:s10+s2], $0x80, $0x38;
	[tilespmem:$0x11900] =	vst v63  }
0x2cf: {  	s14 =	sand.u32 $0x1FFFFFF0, s12;
	s15 =	spop (v2sf);
	s13 =	sadd.s32 s3, s11  }
0x2d0: {  	[tilespmem:s5], [sflag:$0x1] =	stream.linear.gather [hbm4b:s13+s2], $0x80, $0x38;
	[tilespmem:$0x11900] =	vst v63  }
0x2d1: {  	s11 =	sand.u32 $0x1FFFFFF0, s15;
	s10 =	sadd.s32 s3, s14;
	s12 =	spop (v2sf)  }
0x2d2: {  	[tilespmem:s1], [sflag:$0x1] =	stream.linear.gather [hbm4b:s10+s2], $0x80, $0x38;
	[tilespmem:$0x11900] =	vst v63  }
0x2d3: {  	s13 =	sadd.s32 s3, s11;
	s14 =	sand.u32 $0x1FFFFFF0, s12;
	s15 =	spop (v2sf)  }
0x2d4: {  	[tilespmem:s0], [sflag:$0x1] =	stream.linear.gather [hbm4b:s13+s2], $0x80, $0x38;
	[tilespmem:$0x11900] =	vst v63  }
0x2d5: {  	s5 =	sadd.s32 s3, s14;
	s8 =	sand.u32 $0x1FFFFFF0, s15;
	s9 =	spop (v2sf)  }
0x2d6: {  	[tilespmem:s31], [sflag:$0x1] =	stream.linear.gather [hbm4b:s5+s2], $0x80, $0x38;
	[tilespmem:$0x11900] =	vst v63  }
0x2d7: {  	s10 =	sadd.s32 s3, s8;
	s11 =	sand.u32 $0x1FFFFFF0, s9;
	s12 =	spop (v2sf)  }
0x2d8: {  	[tilespmem:s30], [sflag:$0x1] =	stream.linear.gather [hbm4b:s10+s2], $0x80, $0x38;
	[tilespmem:$0x11900] =	vst v63  }
0x2d9: {  	s13 =	sadd.s32 s3, s11;
	s14 =	sand.u32 $0x1FFFFFF0, s12;
	s15 =	spop (v2sf)  }
0x2da: {  	[tilespmem:s29], [sflag:$0x1] =	stream.linear.gather [hbm4b:s13+s2], $0x80, $0x38;
	[tilespmem:$0x11900] =	vst v63  }
0x2db: {  	s31 =	spop (v2sf);
	s30 =	sand.u32 $0x1FFFFFF0, s15;
	s29 =	sadd.s32 s3, s14  }
0x2dc: {  	[tilespmem:s28], [sflag:$0x1] =	stream.linear.gather [hbm4b:s29+s2], $0x80, $0x38;
	[tilespmem:$0x11900] =	vst v63  }
0x2dd: {  	s7 =	sand.u32 $0x1FFFFFF0, s31;
	s1 =	sadd.s32 s3, s30;
	s8 =	spop (v2sf)  }
0x2de: {  	[tilespmem:s26], [sflag:$0x1] =	stream.linear.gather [hbm4b:s1+s2], $0x80, $0x38;
	[tilespmem:$0x11900] =	vst v63  }
0x2df: {  	s9 =	sadd.s32 $0xFFFFF780, s19;
	s5 =	sand.u32 $0x1FFFFFF0, s8;
	s1 =	sadd.s32 s3, s7  }
0x2e0: {  	[tilespmem:s9], [sflag:$0x1] =	stream.linear.gather [hbm4b:s1+s2], $0x80, $0x38;
	[tilespmem:$0x11900] =	vst v63  }
0x2e1: {  	s12 =	sadd.s32 s25, s24;
	s10 =	sadd.s32 $0xFFFFF800, s19;
	s11 =	sadd.s32 s3, s5  }
0x2e2: {  	[tilespmem:s10], [sflag:$0x1] =	stream.linear.gather [hbm4b:s11+s2], $0x80, $0x38;
	[tilespmem:$0x11900] =	vst v63  }
0x2e3: {  	v63 =	vld [tilespmem:s12+$0x0];
	_ =	sdelay $0x4  }
0x2e4: {  	v0 =	vshll.u32 v63, $0x4  }
0x2e5: {  	(v2sf) =	vpush v0, $0x0  }
0x2e6: {  	(v2sf) =	vpush v0, $0x1  }
0x2e7: {  	(v2sf) =	vpush v0, $0x2;
	_ =	sdelay $0x1  }
0x2e8: {  	(v2sf) =	vpush v0, $0x3;
	_ =	sdelay $0x1  }
0x2e9: {  	(v2sf) =	vpush v0, $0x4;
	_ =	sdelay $0x1  }
0x2ea: {  	(v2sf) =	vpush v0, $0x5  }
0x2eb: {  	s20 =	sadd.s32 $0x2, s20;
	s22 =	smov.u32 s18  }
0x2ec: {  	s18 =	sadd.s32 $0xFFFFFF80, s21;
	s23 =	sadd.s32 $0x20, s23;
	p0 =	slt.u32 s20, $0xE;
	(v2sf) =	vpush v0, $0x6  }
0x2ed: {  	s17 =	smov.u32 s21;
	s21 =	sadd.s32 $0x1000, s21;
	s0 =	sadd.s32 $0xFFFFFC00, s19  }
0x2ee: {  	s24 =	sadd.s32 $0xFFFFFF00, s19;
	s25 =	sadd.s32 $0xFFFFFFF0, s23;
	s31 =	sadd.s32 $0xFFFFFC80, s19;
	(v2sf) =	vpush v0, $0x7  }
0x2ef: {  	s30 =	sadd.s32 $0xFFFFFD00, s19;
	s8 =	sadd.s32 $0xFFFFF900, s19;
	s5 =	sadd.s32 $0xFFFFFB00, s19  }
0x2f0: {  	s29 =	sadd.s32 $0xFFFFFD80, s19;
	s7 =	sadd.s32 $0xFFFFFB80, s19;
	s1 =	sadd.s32 $0xFFFFFA80, s19;
	(v2sf) =	vpush v0, $0x8  }
0x2f1: {  	s9 =	sadd.s32 $0xFFFFF980, s19;
	s10 =	sadd.s32 $0xFFFFFA00, s19;
	s13 =	spop (v2sf)  }
0x2f2: {  	s11 =	sadd.s32 $0xFFFFF880, s19;
	s12 =	sand.u32 $0x1FFFFFF0, s13;
	s14 =	spop (v2sf);
	(v2sf) =	vpush v0, $0x9  }
0x2f3: {  	s12 =	sadd.s32 s3, s12;
	s13 =	sand.u32 $0x1FFFFFF0, s14;
	s15 =	spop (v2sf)  }
0x2f4: {  	(v2sf) =	vpush v0, $0xA;
	[tilespmem:s11], [sflag:$0x1] =	stream.linear.gather [hbm4b:s12+s2], $0x80, $0x38;
	[tilespmem:$0x11900] =	vst v63  }
0x2f5: {  	s13 =	sadd.s32 s3, s13;
	s14 =	sand.u32 $0x1FFFFFF0, s15;
	s15 =	spop (v2sf);
	(v2sf) =	vpush v0, $0xB  }
0x2f6: {  	[tilespmem:s8], [sflag:$0x1] =	stream.linear.gather [hbm4b:s13+s2], $0x80, $0x38;
	[tilespmem:$0x11900] =	vst v63  }
0x2f7: {  	s12 =	sadd.s32 s3, s14;
	s14 =	sand.u32 $0x1FFFFFF0, s15;
	s15 =	spop (v2sf);
	(v2sf) =	vpush v0, $0xC  }
0x2f8: {  	[tilespmem:s9], [sflag:$0x1] =	stream.linear.gather [hbm4b:s12+s2], $0x80, $0x38;
	[tilespmem:$0x11900] =	vst v63  }
0x2f9: {  	s13 =	sadd.s32 s3, s14;
	s14 =	sand.u32 $0x1FFFFFF0, s15;
	s15 =	spop (v2sf);
	(v2sf) =	vpush v0, $0xD  }
0x2fa: {  	[tilespmem:s10], [sflag:$0x1] =	stream.linear.gather [hbm4b:s13+s2], $0x80, $0x38;
	[tilespmem:$0x11900] =	vst v63  }
0x2fb: {  	s11 =	sand.u32 $0x1FFFFFF0, s15;
	s12 =	spop (v2sf);
	(v2sf) =	vpush v0, $0xE;
	s10 =	sadd.s32 s3, s14  }
0x2fc: {  	[tilespmem:s1], [sflag:$0x1] =	stream.linear.gather [hbm4b:s10+s2], $0x80, $0x38;
	[tilespmem:$0x11900] =	vst v63  }
0x2fd: {  	s15 =	spop (v2sf);
	s13 =	sadd.s32 s3, s11;
	s14 =	sand.u32 $0x1FFFFFF0, s12  }
0x2fe: {  	[tilespmem:s5], [sflag:$0x1] =	stream.linear.gather [hbm4b:s13+s2], $0x80, $0x38;
	[tilespmem:$0x11900] =	vst v63  }
0x2ff: {  	s8 =	sand.u32 $0x1FFFFFF0, s15;
	s9 =	spop (v2sf);
	s5 =	sadd.s32 s3, s14  }
0x300: {  	[tilespmem:s7], [sflag:$0x1] =	stream.linear.gather [hbm4b:s5+s2], $0x80, $0x38;
	[tilespmem:$0x11900] =	vst v63  }
0x301: {  	s28 =	sadd.s32 $0xFFFFFE00, s19;
	(v2sf) =	vpush v0, $0xF;
	s10 =	sadd.s32 s3, s8;
	s12 =	spop (v2sf)  }
0x302: {  	[tilespmem:s0], [sflag:$0x1] =	stream.linear.gather [hbm4b:s10+s2], $0x80, $0x38;
	[tilespmem:$0x11900] =	vst v63  }
0x303: {  	s26 =	sadd.s32 $0xFFFFFE80, s19;
	s11 =	sand.u32 $0x1FFFFFF0, s9;
	s15 =	spop (v2sf)  }
0x304: {  	s13 =	sadd.s32 s3, s11;
	s14 =	sand.u32 $0x1FFFFFF0, s12;
	s9 =	spop (v2sf)  }
0x305: {  	[tilespmem:s31], [sflag:$0x1] =	stream.linear.gather [hbm4b:s13+s2], $0x80, $0x38;
	[tilespmem:$0x11900] =	vst v63  }
0x306: {  	s7 =	sadd.s32 s3, s14;
	s8 =	sand.u32 $0x1FFFFFF0, s15;
	s12 =	spop (v2sf)  }
0x307: {  	[tilespmem:s30], [sflag:$0x1] =	stream.linear.gather [hbm4b:s7+s2], $0x80, $0x38;
	[tilespmem:$0x11900] =	vst v63  }
0x308: {  	s10 =	sadd.s32 s3, s8;
	s11 =	sand.u32 $0x1FFFFFF0, s9;
	s15 =	spop (v2sf)  }
0x309: {  	[tilespmem:s29], [sflag:$0x1] =	stream.linear.gather [hbm4b:s10+s2], $0x80, $0x38;
	[tilespmem:$0x11900] =	vst v63  }
0x30a: {  	s13 =	sadd.s32 s3, s11;
	s14 =	sand.u32 $0x1FFFFFF0, s12;
	s30 =	spop (v2sf)  }
0x30b: {  	[tilespmem:s28], [sflag:$0x1] =	stream.linear.gather [hbm4b:s13+s2], $0x80, $0x38;
	[tilespmem:$0x11900] =	vst v63  }
.Ltmp10:
0x30c: {  	s29 =	sand.u32 $0x1FFFFFF0, s15;
	s28 =	sadd.s32 s3, s14;
	(pc) =	sbr.rel @p0 .LBB2_13-.Ltmp10, $4  }
0x30d: {  	[tilespmem:s26], [sflag:$0x1] =	stream.linear.gather [hbm4b:s28+s2], $0x80, $0x38;
	[tilespmem:$0x11900] =	vst v63  }
0x30e: {  	s5 =	sand.u32 $0x80, s25;
	s31 =	sand.u32 $0x1FFFFFF0, s30;
	s1 =	sadd.s32 s3, s29  }
0x30f: {  	[tilespmem:s24], [sflag:$0x1] =	stream.linear.gather [hbm4b:s1+s2], $0x80, $0x38;
	[tilespmem:$0x11900] =	vst v63  }
0x310: {  	s0 =	rddreg [dreg:$0x3];
	s26 =	spop (v2sf);
	s1 =	sadd.s32 s3, s31  }
0x311: {  	s7 =	sand.u32 $0x60, s25;
	s20 =	sadd.s32 s5, s0;
	s24 =	sand.u32 $0x1FFFFFF0, s26  }
0x312: {  	[tilespmem:s22], [sflag:$0x1] =	stream.linear.gather [hbm4b:s1+s2], $0x80, $0x38;
	[tilespmem:$0x11900] =	vst v63  }
0x313: {  	s25 =	sadd.s32 s7, s20;
	s0 =	sadd.s32 s3, s24  }
0x314: {  	[tilespmem:s19], [sflag:$0x1] =	stream.linear.gather [hbm4b:s0+s2], $0x80, $0x38;
	[tilespmem:$0x11900] =	vst v63  }
0x315: {  	v0 =	vld [tilespmem:s25+$0x0];
	_ =	sdelay $0x4  }
0x316: {  	v0 =	vshll.u32 v0, $0x4  }
0x317: {  	(v2sf) =	vpush v0, $0x0  }
0x318: {  	(v2sf) =	vpush v0, $0x1  }
0x319: {  	(v2sf) =	vpush v0, $0x2;
	_ =	sdelay $0x1  }
0x31a: {  	(v2sf) =	vpush v0, $0x3;
	_ =	sdelay $0x1  }
0x31b: {  	(v2sf) =	vpush v0, $0x4;
	_ =	sdelay $0x1  }
0x31c: {  	(v2sf) =	vpush v0, $0x5;
	_ =	sdelay $0x1  }
0x31d: {  	(v2sf) =	vpush v0, $0x6  }
0x31e: {  	s22 =	sadd.s32 $0xFFFFF680, s17;
	s21 =	sadd.s32 $0xFFFFF700, s17;
	s5 =	sadd.s32 $0xFFFFF500, s17  }
0x31f: {  	s1 =	sadd.s32 $0xFFFFF580, s17;
	s8 =	sadd.s32 $0xFFFFF400, s17;
	s9 =	sadd.s32 $0xFFFFF480, s17;
	(v2sf) =	vpush v0, $0x7  }
0x320: {  	s10 =	sadd.s32 $0xFFFFF200, s17;
	s11 =	sadd.s32 $0xFFFFF280, s17;
	s12 =	sadd.s32 $0xFFFFF300, s17  }
0x321: {  	s13 =	sadd.s32 $0xFFFFF100, s17;
	s14 =	sadd.s32 $0xFFFFF180, s17;
	s26 =	sadd.s32 $0xFFFFF080, s17;
	(v2sf) =	vpush v0, $0x8  }
0x322: {  	s7 =	sadd.s32 $0xFFFFF380, s17;
	s19 =	sand.u32 $0x70, s23;
	s15 =	spop (v2sf)  }
0x323: {  	s0 =	sadd.s32 $0xFFFFF600, s17;
	s15 =	sand.u32 $0x1FFFFFF0, s15;
	s24 =	spop (v2sf);
	(v2sf) =	vpush v0, $0x9  }
0x324: {  	s15 =	sadd.s32 s3, s15;
	s24 =	sand.u32 $0x1FFFFFF0, s24;
	s28 =	spop (v2sf)  }
0x325: {  	(v2sf) =	vpush v0, $0xA;
	[tilespmem:s26], [sflag:$0x1] =	stream.linear.gather [hbm4b:s15+s2], $0x80, $0x38;
	[tilespmem:$0x11900] =	vst v63  }
0x326: {  	s29 =	sadd.s32 s3, s24;
	s30 =	sand.u32 $0x1FFFFFF0, s28;
	s31 =	spop (v2sf)  }
0x327: {  	(v2sf) =	vpush v0, $0xB;
	[tilespmem:s13], [sflag:$0x1] =	stream.linear.gather [hbm4b:s29+s2], $0x80, $0x38;
	[tilespmem:$0x11900] =	vst v63  }
0x328: {  	s25 =	sadd.s32 s3, s30;
	s26 =	sand.u32 $0x1FFFFFF0, s31;
	s28 =	spop (v2sf)  }
0x329: {  	(v2sf) =	vpush v0, $0xC;
	[tilespmem:s14], [sflag:$0x1] =	stream.linear.gather [hbm4b:s25+s2], $0x80, $0x38;
	[tilespmem:$0x11900] =	vst v63  }
0x32a: {  	s29 =	sadd.s32 s3, s26;
	s30 =	sand.u32 $0x1FFFFFF0, s28;
	s31 =	spop (v2sf)  }
0x32b: {  	(v2sf) =	vpush v0, $0xD;
	[tilespmem:s10], [sflag:$0x1] =	stream.linear.gather [hbm4b:s29+s2], $0x80, $0x38;
	[tilespmem:$0x11900] =	vst v63  }
0x32c: {  	s23 =	sand.u32 $0x1FFFFFF0, s31;
	s24 =	spop (v2sf);
	s14 =	sadd.s32 s3, s30  }
0x32d: {  	(v2sf) =	vpush v0, $0xE;
	[tilespmem:s11], [sflag:$0x1] =	stream.linear.gather [hbm4b:s14+s2], $0x80, $0x38;
	[tilespmem:$0x11900] =	vst v63  }
0x32e: {  	s25 =	sadd.s32 s3, s23;
	s26 =	sand.u32 $0x1FFFFFF0, s24;
	s28 =	spop (v2sf)  }
0x32f: {  	(v2sf) =	vpush v0, $0xF;
	[tilespmem:s12], [sflag:$0x1] =	stream.linear.gather [hbm4b:s25+s2], $0x80, $0x38;
	[tilespmem:$0x11900] =	vst v63  }
0x330: {  	s30 =	sand.u32 $0x1FFFFFF0, s28;
	s31 =	spop (v2sf);
	s29 =	sadd.s32 s3, s26  }
0x331: {  	[tilespmem:s7], [sflag:$0x1] =	stream.linear.gather [hbm4b:s29+s2], $0x80, $0x38;
	[tilespmem:$0x11900] =	vst v63  }
0x332: {  	s13 =	sand.u32 $0x1FFFFFF0, s31;
	s11 =	sadd.s32 s3, s30;
	s14 =	spop (v2sf)  }
0x333: {  	[tilespmem:s8], [sflag:$0x1] =	stream.linear.gather [hbm4b:s11+s2], $0x80, $0x38;
	[tilespmem:$0x11900] =	vst v63  }
0x334: {  	s15 =	sadd.s32 s3, s13;
	s23 =	sand.u32 $0x1FFFFFF0, s14;
	s24 =	spop (v2sf)  }
0x335: {  	[tilespmem:s9], [sflag:$0x1] =	stream.linear.gather [hbm4b:s15+s2], $0x80, $0x38;
	[tilespmem:$0x11900] =	vst v63  }
0x336: {  	s25 =	sadd.s32 s3, s23;
	s26 =	sand.u32 $0x1FFFFFF0, s24;
	s28 =	spop (v2sf)  }
0x337: {  	[tilespmem:s5], [sflag:$0x1] =	stream.linear.gather [hbm4b:s25+s2], $0x80, $0x38;
	[tilespmem:$0x11900] =	vst v63  }
0x338: {  	s29 =	sadd.s32 s3, s26;
	s30 =	sand.u32 $0x1FFFFFF0, s28;
	s31 =	spop (v2sf)  }
0x339: {  	[tilespmem:s1], [sflag:$0x1] =	stream.linear.gather [hbm4b:s29+s2], $0x80, $0x38;
	[tilespmem:$0x11900] =	vst v63  }
0x33a: {  	s7 =	sadd.s32 s3, s30;
	s8 =	sand.u32 $0x1FFFFFF0, s31;
	s9 =	spop (v2sf)  }
0x33b: {  	[tilespmem:s0], [sflag:$0x1] =	stream.linear.gather [hbm4b:s7+s2], $0x80, $0x38;
	[tilespmem:$0x11900] =	vst v63  }
0x33c: {  	s10 =	sadd.s32 s3, s8;
	s11 =	sand.u32 $0x1FFFFFF0, s9;
	s12 =	spop (v2sf)  }
0x33d: {  	[tilespmem:s22], [sflag:$0x1] =	stream.linear.gather [hbm4b:s10+s2], $0x80, $0x38;
	[tilespmem:$0x11900] =	vst v63  }
0x33e: {  	s13 =	sadd.s32 s3, s11;
	s14 =	sand.u32 $0x1FFFFFF0, s12;
	s15 =	spop (v2sf)  }
0x33f: {  	[tilespmem:s21], [sflag:$0x1] =	stream.linear.gather [hbm4b:s13+s2], $0x80, $0x38;
	[tilespmem:$0x11900] =	vst v63  }
0x340: {  	s1 =	sadd.s32 s3, s14;
	s5 =	sand.u32 $0x1FFFFFF0, s15;
	s22 =	sadd.s32 $0xFFFFF780, s17  }
0x341: {  	[tilespmem:s22], [sflag:$0x1] =	stream.linear.gather [hbm4b:s1+s2], $0x80, $0x38;
	[tilespmem:$0x11900] =	vst v63  }
0x342: {  	s23 =	sadd.s32 $0xFFFFF800, s17;
	s25 =	sadd.s32 s19, s20;
	s24 =	sadd.s32 s3, s5  }
0x343: {  	[tilespmem:s23], [sflag:$0x1] =	stream.linear.gather [hbm4b:s24+s2], $0x80, $0x38;
	[tilespmem:$0x11900] =	vst v63  }
0x344: {  	v0 =	vld [tilespmem:s25+$0x0];
	_ =	sdelay $0x4  }
0x345: {  	v0 =	vshll.u32 v0, $0x4  }
0x346: {  	(v2sf) =	vpush v0, $0x0  }
0x347: {  	(v2sf) =	vpush v0, $0x1  }
0x348: {  	(v2sf) =	vpush v0, $0x2;
	_ =	sdelay $0x1  }
0x349: {  	(v2sf) =	vpush v0, $0x3;
	_ =	sdelay $0x1  }
0x34a: {  	(v2sf) =	vpush v0, $0x4;
	_ =	sdelay $0x1  }
0x34b: {  	(v2sf) =	vpush v0, $0x5;
	_ =	sdelay $0x1  }
0x34c: {  	(v2sf) =	vpush v0, $0x6;
	_ =	sdelay $0x1  }
0x34d: {  	s26 =	sadd.s32 $0xFFFFF900, s17;
	s8 =	sadd.s32 $0xFFFFFD00, s17;
	(v2sf) =	vpush v0, $0x7  }
0x34e: {  	s9 =	sadd.s32 $0xFFFFFA80, s17;
	s11 =	sadd.s32 $0xFFFFFB80, s17;
	s14 =	sadd.s32 $0xFFFFFA00, s17  }
0x34f: {  	s29 =	sadd.s32 $0xFFFFF880, s17;
	s5 =	sadd.s32 $0xFFFFFC00, s17;
	s0 =	sadd.s32 $0xFFFFFE00, s17;
	(v2sf) =	vpush v0, $0x8  }
0x350: {  	s7 =	sadd.s32 $0xFFFFFC80, s17;
	s10 =	sadd.s32 $0xFFFFFB00, s17;
	s28 =	spop (v2sf)  }
0x351: {  	s13 =	sadd.s32 $0xFFFFF980, s17;
	(v2sf) =	vpush v0, $0x9;
	s15 =	sand.u32 $0x1FFFFFF0, s28;
	s30 =	spop (v2sf)  }
0x352: {  	s15 =	sadd.s32 s3, s15;
	s20 =	sand.u32 $0x1FFFFFF0, s30;
	s31 =	spop (v2sf)  }
0x353: {  	[tilespmem:s29], [sflag:$0x1] =	stream.linear.gather [hbm4b:s15+s2], $0x80, $0x38;
	[tilespmem:$0x11900] =	vst v63  }
0x354: {  	(v2sf) =	vpush v0, $0xA;
	s22 =	sadd.s32 s3, s20;
	s23 =	sand.u32 $0x1FFFFFF0, s31;
	s24 =	spop (v2sf)  }
0x355: {  	[tilespmem:s26], [sflag:$0x1] =	stream.linear.gather [hbm4b:s22+s2], $0x80, $0x38;
	[tilespmem:$0x11900] =	vst v63  }
0x356: {  	(v2sf) =	vpush v0, $0xB;
	s25 =	sadd.s32 s3, s23;
	s28 =	spop (v2sf);
	s26 =	sand.u32 $0x1FFFFFF0, s24  }
0x357: {  	[tilespmem:s13], [sflag:$0x1] =	stream.linear.gather [hbm4b:s25+s2], $0x80, $0x38;
	[tilespmem:$0x11900] =	vst v63  }
0x358: {  	(v2sf) =	vpush v0, $0xC;
	s30 =	sand.u32 $0x1FFFFFF0, s28;
	s31 =	spop (v2sf);
	s29 =	sadd.s32 s3, s26  }
0x359: {  	[tilespmem:s14], [sflag:$0x1] =	stream.linear.gather [hbm4b:s29+s2], $0x80, $0x38;
	[tilespmem:$0x11900] =	vst v63  }
0x35a: {  	(v2sf) =	vpush v0, $0xD;
	s15 =	spop (v2sf);
	s13 =	sadd.s32 s3, s30;
	s14 =	sand.u32 $0x1FFFFFF0, s31  }
0x35b: {  	[tilespmem:s9], [sflag:$0x1] =	stream.linear.gather [hbm4b:s13+s2], $0x80, $0x38;
	[tilespmem:$0x11900] =	vst v63  }
0x35c: {  	(v2sf) =	vpush v0, $0xE;
	s20 =	sand.u32 $0x1FFFFFF0, s15;
	s21 =	spop (v2sf);
	s19 =	sadd.s32 s3, s14  }
0x35d: {  	[tilespmem:s10], [sflag:$0x1] =	stream.linear.gather [hbm4b:s19+s2], $0x80, $0x38;
	[tilespmem:$0x11900] =	vst v63  }
0x35e: {  	s1 =	sadd.s32 $0xFFFFFD80, s17;
	(v2sf) =	vpush v0, $0xF;
	s22 =	sadd.s32 s3, s20;
	s24 =	spop (v2sf)  }
0x35f: {  	[tilespmem:s11], [sflag:$0x1] =	stream.linear.gather [hbm4b:s22+s2], $0x80, $0x38;
	[tilespmem:$0x11900] =	vst v63  }
0x360: {  	s23 =	sand.u32 $0x1FFFFFF0, s21;
	s26 =	sand.u32 $0x1FFFFFF0, s24;
	s28 =	spop (v2sf)  }
0x361: {  	s25 =	sadd.s32 s3, s23;
	s29 =	sadd.s32 s3, s26;
	s30 =	sand.u32 $0x1FFFFFF0, s28  }
0x362: {  	[tilespmem:s5], [sflag:$0x1] =	stream.linear.gather [hbm4b:s25+s2], $0x80, $0x38;
	[tilespmem:$0x11900] =	vst v63  }
0x363: {  	s22 =	sadd.s32 $0xFFFFFE80, s17;
	s31 =	spop (v2sf);
	s9 =	sadd.s32 s3, s30  }
0x364: {  	[tilespmem:s7], [sflag:$0x1] =	stream.linear.gather [hbm4b:s29+s2], $0x80, $0x38;
	[tilespmem:$0x11900] =	vst v63  }
0x365: {  	s11 =	sand.u32 $0x1FFFFFF0, s31;
	s12 =	spop (v2sf);
	s25 =	sadd.s32 $0xFFFFFF00, s17  }
0x366: {  	[tilespmem:s8], [sflag:$0x1] =	stream.linear.gather [hbm4b:s9+s2], $0x80, $0x38;
	[tilespmem:$0x11900] =	vst v63  }
0x367: {  	s13 =	sadd.s32 s3, s11;
	s14 =	sand.u32 $0x1FFFFFF0, s12;
	s15 =	spop (v2sf)  }
0x368: {  	[tilespmem:s1], [sflag:$0x1] =	stream.linear.gather [hbm4b:s13+s2], $0x80, $0x38;
	[tilespmem:$0x11900] =	vst v63  }
0x369: {  	s19 =	sadd.s32 s3, s14;
	s20 =	sand.u32 $0x1FFFFFF0, s15;
	s21 =	spop (v2sf)  }
0x36a: {  	[tilespmem:s0], [sflag:$0x1] =	stream.linear.gather [hbm4b:s19+s2], $0x80, $0x38;
	[tilespmem:$0x11900] =	vst v63  }
0x36b: {  	s23 =	sadd.s32 s3, s20;
	s24 =	sand.u32 $0x1FFFFFF0, s21;
	s26 =	spop (v2sf)  }
0x36c: {  	[tilespmem:s22], [sflag:$0x1] =	stream.linear.gather [hbm4b:s23+s2], $0x80, $0x38;
	[tilespmem:$0x11900] =	vst v63  }
0x36d: {  	s5 =	sadd.s32 s3, s24;
	s28 =	sand.u32 $0x1FFFFFF0, s26;
	s29 =	spop (v2sf)  }
0x36e: {  	[tilespmem:s25], [sflag:$0x1] =	stream.linear.gather [hbm4b:s5+s2], $0x80, $0x38;
	[tilespmem:$0x11900] =	vst v63  }
0x36f: {  	s1 =	sand.u32 $0x1FFFFFF0, s29;
	s0 =	sadd.s32 s3, s28  }
0x370: {  	[tilespmem:s18], [sflag:$0x1] =	stream.linear.gather [hbm4b:s0+s2], $0x80, $0x38;
	[tilespmem:$0x11900] =	vst v63  }
0x371: {  	s31 =	simm.s32 $0x2;
	s30 =	sadd.s32 s3, s1  }
0x372: {  	[tilespmem:s17], [sflag:$0x1] =	stream.linear.gather [hbm4b:s30+s2], $0x80, $0x38;
	[tilespmem:$0x11900] =	vst v63  }
0x373: {  	_ =	swait.ge [sflag:s31], $0x8000  }
0x374: {  	[sflag:s31] =	ssyncset.done $0x0  }
0x375: {  	s17 =	simm.s32 $0x9A00;
	[sflag:s31] =	ssyncadd.s32 $0xFFFF8000  }
0x376: {  	v1 =	vld [tilespmem:s17+$0x20]  }
0x377: {  	v2 =	vld [tilespmem:s17+$0xFFFFFF80]  }
0x378: {  	v3 =	vld [tilespmem:s17+$0xA0]  }
0x379: {  	v4 =	vld [tilespmem:s17+$0x90]  }
0x37a: {  	v5 =	vld [tilespmem:s17+$0xFFFFFF20]  }
0x37b: {  	v0 =	vld [tilespmem:s17+$0x10]  }
0x37c: {  	v7 =	vld [tilespmem:s17+$0xFFFFFF10]  }
0x37d: {  	v8 =	vld [tilespmem:s17+$0x80]  }
0x37e: {  	v9 =	vld [tilespmem:s17+$0xFFFFFF00];
	v4 =	vmul.f32 $8.000000000e+00, v4  }
0x37f: {  	v10 =	vld [tilespmem:s17+$0x30];
	v1 =	vmul.f32 $8.000000000e+00, v1  }
0x380: {  	v11 =	vld [tilespmem:s17+$0xFFFFFF90];
	v2 =	vmul.f32 $8.000000000e+00, v2;
	[tilespmem:s17+$0x90] =	vst v4  }
0x381: {  	v6 =	vld [tilespmem:s17+$0xB0];
	v4 =	vmul.f32 $8.000000000e+00, v3;
	[tilespmem:s17+$0x20] =	vst v1  }
0x382: {  	v12 =	vmul.f32 $8.000000000e+00, v5;
	v3 =	vld [tilespmem:s17+$0x0];
	[tilespmem:s17+$0xFFFFFF80] =	vst v2  }
0x383: {  	v2 =	vmul.f32 $8.000000000e+00, v8;
	[tilespmem:s17+$0xA0] =	vst v4;
	v4 =	vld [tilespmem:s17+$0xFFFFFFB0]  }
0x384: {  	v5 =	vld [tilespmem:s17+$0xFFFFFFA0];
	v8 =	vmul.f32 $8.000000000e+00, v9;
	v1 =	vmul.f32 $8.000000000e+00, v7;
	[tilespmem:s17+$0xFFFFFF20] =	vst v12  }
0x385: {  	s18 =	simm.s32 $0x0;
	s0 =	simm.s32 $0x9C00;
	v7 =	vld [tilespmem:s17+$0xFFFFFF30];
	v9 =	vmul.f32 $8.000000000e+00, v11;
	[tilespmem:s17+$0x80] =	vst v2;
	v2 =	vmul.f32 $8.000000000e+00, v10  }
.LBB2_15:
0x386: {  	v10 =	vld [tilespmem:s0+$0x20];
	s18 =	sadd.s32 $0x4, s18;
	[tilespmem:s17+$0xFFFFFF00] =	vst v8;
	v0 =	vmul.f32 $8.000000000e+00, v0;
	v6 =	vmul.f32 $8.000000000e+00, v6  }
0x387: {  	v3 =	vmul.f32 $8.000000000e+00, v3;
	v8 =	vld [tilespmem:s0+$0xFFFFFF80];
	p0 =	slt.u32 s18, $0xFC;
	[tilespmem:s17+$0xFFFFFF90] =	vst v9  }
0x388: {  	v4 =	vmul.f32 $8.000000000e+00, v4;
	v9 =	vld [tilespmem:s0+$0xA0];
	[tilespmem:s17+$0xB0] =	vst v6  }
0x389: {  	v5 =	vmul.f32 $8.000000000e+00, v5;
	v11 =	vld [tilespmem:s0+$0xFFFFFF20];
	[tilespmem:s17+$0x0] =	vst v3  }
0x38a: {  	v6 =	vmul.f32 $8.000000000e+00, v7;
	v3 =	vld [tilespmem:s0+$0x90];
	[tilespmem:s17+$0x10] =	vst v0  }
0x38b: {  	v0 =	vld [tilespmem:s0+$0x10];
	v7 =	vmul.f32 $8.000000000e+00, v10;
	[tilespmem:s17+$0xFFFFFF10] =	vst v1  }
0x38c: {  	v1 =	vld [tilespmem:s0+$0xFFFFFF10];
	[tilespmem:s17+$0xFFFFFF30] =	vst v6  }
0x38d: {  	v10 =	vld [tilespmem:s0+$0x80];
	v9 =	vmul.f32 $8.000000000e+00, v9;
	[tilespmem:s17+$0x30] =	vst v2  }
0x38e: {  	v2 =	vld [tilespmem:s0+$0xFFFFFF00];
	[tilespmem:s17+$0xFFFFFFB0] =	vst v4  }
0x38f: {  	v12 =	vld [tilespmem:s0+$0x30];
	v3 =	vmul.f32 $8.000000000e+00, v3;
	[tilespmem:s17+$0xFFFFFFA0] =	vst v5;
	s17 =	smov.u32 s0  }
0x390: {  	v13 =	vld [tilespmem:s0+$0xFFFFFF90];
	[tilespmem:s0+$0x20] =	vst v7  }
.Ltmp11:
0x391: {  	v4 =	vmul.f32 $8.000000000e+00, v8;
	[tilespmem:s0+$0x90] =	vst v3;
	v6 =	vld [tilespmem:s0+$0xB0];
	(pc) =	sbr.rel @p0 .LBB2_15-.Ltmp11, $4  }
0x392: {  	v3 =	vld [tilespmem:s0+$0x0];
	v7 =	vmul.f32 $8.000000000e+00, v10;
	[tilespmem:s0+$0xA0] =	vst v9  }
0x393: {  	v9 =	vmul.f32 $8.000000000e+00, v11;
	[tilespmem:s0+$0xFFFFFF80] =	vst v4;
	v4 =	vld [tilespmem:s0+$0xFFFFFFB0]  }
0x394: {  	v1 =	vmul.f32 $8.000000000e+00, v1;
	v8 =	vmul.f32 $8.000000000e+00, v2;
	v5 =	vld [tilespmem:s0+$0xFFFFFFA0];
	[tilespmem:s0+$0x80] =	vst v7  }
0x395: {  	v2 =	vmul.f32 $8.000000000e+00, v12;
	s0 =	sadd.s32 $0x200, s0;
	[tilespmem:s17+$0xFFFFFF20] =	vst v9;
	v7 =	vld [tilespmem:s17+$0xFFFFFF30];
	v9 =	vmul.f32 $8.000000000e+00, v13  }
.Ltmp12:
0x396: {  	_ = 	snop;
	(pc) =	sbr.rel .LBB2_16-.Ltmp12, $1  }
0x397: {  	_ =	sdelay $0x3  }
.LBB2_19:
0x398: {  	_ =	sfence.sel $0x180000  }
0x399: {  	[bflag:$0x0] =	sbarrier.arrive $0xFFFF  }
0x39a: {  	_ =	strace $0x90000047  }
0x39b: {  	s0 =	stileid.u32;
	[bflag:$0x2] =	sbarrier.arrive $0xFFFF  }
0x39c: {  	p0 =	sne.s32 s0, $0x0;
	s0 =	rddreg [dreg:$0x2]  }
0x39d: {  	s0 =	sadd.s32 @!p0 $0x100000, s0  }
0x39e: {  	[sflag:s0] =	ssyncadd.tile.s32 @!p0 $0x1;
	_ =	shalt  }
.Lfunc_end2:
_tile_overlayer_lowered:
.L_overlay_start_2:
0x39f: {  	(tag) =	ssettag $0x2  }
0x3a0: {  	s0 =	rddreg [dreg:$0x0];
	s2 =	stileid.u32  }
0x3a1: {  	s1 =	rddreg [dreg:$0x1];
	p0 =	sne.s32 s2, $0x0  }
0x3a2: {  	s3 =	rddreg [dreg:$0x2];
	[bflag:$0x3] =	sbarrier.arrive $0xFFFF;
	s2 =	simm.s32 @!p0 $0x1C05  }
0x3a3: {  	[timem:s3], [sflag:s2] =	dma.local @!p0 [hbm:s0], s1  }
0x3a4: {  	s0 =	simm.s32 @!p0 $0x5  }
0x3a5: {  	_ =	swait.ge @!p0 [sflag:s0], s1  }
0x3a6: {  	s1 =	ssub.s32 @!p0 $0x0, s1;
	[sflag:s0] =	ssyncset.done @!p0 $0x0  }
0x3a7: {  	[sflag:s0] =	ssyncadd.s32 @!p0 s1  }
0x3a8: {  	[bflag:$0x3] =	sbarrier.arrive $0xFFFF  }
0x3a9: {  	_ =	shalt  }

// kernel: sparse-core-data-format-call.cloned.1.call-start
scs
called_computation_lowered:
.L_overlay_start_0:
0x0: {  	s2 =	sld [smem:$0x3FD9]  }
0x1: {  	s3 =	sld [smem:$0x3FFE];
	_ =	sdelay $0x1  }
0x2: {  	s1 =	srdreg.scid  }
0x3: {  	s0 =	sand.u32 $0x1, s1  }
0x4: {  	s18 =	sshll.u32 s0, $0xA;
	s2 =	sadd.s32 s3, s2  }
0x5: {  	s2 =	sadd.s32 s2, s18  }
0x6: {  	[smem:$0x3FC6] =	sst s2  }
0x7: {  	_ = 	snop  }
0x8: {  	s2 =	sld [smem:$0x3FD0];
	(tm) =	ssettm $0x1  }
0x9: {  	s19 =	sld [smem:$0x3FFB];
	_ =	sdelay $0x3  }
0xa: {  	_ =	strace s19  }
0xb: {  	s3 =	sld [smem:$0x3FFC];
	_ =	sdelay $0x3  }
0xc: {  	_ =	strace s3  }
0xd: {  	s3 =	sld [smem:$0x3FFD];
	_ =	sdelay $0x3  }
0xe: {  	_ =	strace s3  }
0xf: {  	_ =	strace $0x8FFFFFFF  }
0x10: {  	s20 =	sld [smem:$0x3FDB];
	_ =	sdelay $0x1  }
0x11: {  	s4 =	simm.s32 $_scs_section_size  }
0x12: {  	s5 =	simm.s32 $_size__tile_overlayer_lowered;
	s6 =	simm.s32 $_tile_overlayer_lowered  }
0x13: {  	s23 =	simm.s32 $0x1BFF;
	s22 =	sshll.u32 s6, $0x1;
	s3 =	sadd.s32 s4, s20  }
0x14: {  	s7 =	simm.s32 $0x0;
	s21 =	sshll.u32 s5, $0x1;
	s5 =	sadd.s32 s22, s3  }
0x15: {  	[timem:s7], [sflag:s23] =	dma.local [hbm:s5], s21  }
0x16: {  	_ =	swait.ge [sflag:s23], s21  }
0x17: {  	s4 =	ssub.s32 $0x0, s21;
	[sflag:s23] =	ssyncset.done $0x0  }
0x18: {  	[sflag:s23] =	ssyncadd.s32 s4;
	_ =	sdelay $0x1  }
0x19: {  	s24 =	simm.s32 $0x1B8B  }
0x1a: {  	_ =	swait.ge [sflag:s24], $0x1  }
0x1b: {  	[sflag:s24] =	ssyncset.done $0x0  }
0x1c: {  	s26 =	simm.s32 $0x1B8E;
	s25 =	sld [smem:$0x3FFE];
	[sflag:s24] =	ssyncadd.s32 $0xFFFFFFFF  }
0x1d: {  	s27 =	simm.s32 $execute0_lowered;
	[smem:$0x3FD2] =	sst s26  }
0x1e: {  	s5 =	sshll.u32 s27, $0x1;
	_ =	strace $0x80000049;
	[dreg:$0x1] =	wrdreg $0xFFFFFFFF  }
0x1f: {  	s28 =	simm.s32 $_size_execute0_lowered;
	s3 =	sadd.s32 s3, s5;
	[dreg:$0x0] =	wrdreg $0x0  }
0x20: {  	s5 =	sshll.u32 s28, $0x1;
	[dreg:$0x2] =	wrdreg s3  }
0x21: {  	[dreg:$0x3] =	wrdreg s5  }
0x22: {  	[dreg:$0x4] =	wrdreg $0xC0  }
0x23: {  	_ =	task [dreg:s7], $0x5FFFF  }
0x24: {  	[dreg:$0x1] =	wrdreg $0xFFFFFFFF  }
0x25: {  	[dreg:$0x0] =	wrdreg $0x60  }
0x26: {  	[dreg:$0x2] =	wrdreg s25  }
0x27: {  	[dreg:$0x3] =	wrdreg s2  }
0x28: {  	[dreg:$0x4] =	wrdreg $0x9  }
0x29: {  	_ =	task.clear_ibuf [dreg:s7], $0x5FFFF;
	_ =	strace $0x90000049  }
0x2a: {  	s29 =	simm.s32 $0x9;
	_ =	strace $0x8000004B  }
0x2b: {  	_ =	swait.ge [sflag:s29], $0x1  }
0x2c: {  	[sflag:s29] =	ssyncadd.s32 $0xFFFFFFFF  }
0x2d: {  	_ =	strace $0x9000004B  }
0x2e: {  	_ =	sfence  }
0x2f: {  	s30 =	sld [smem:$0x0];
	_ =	sdelay $0x2  }
0x30: {  	s31 =	sshll.u32 s1, $0xD;
	s1 =	sshrl.u32 s1, $0x2  }
0x31: {  	s3 =	sand.u32 $0x4000, s31;
	s1 =	sadd.s32 s1, s30  }
0x32: {  	s0 =	sor.u32 s3, s0;
	s1 =	sshll.u32 s1, $0x11  }
0x33: {  	s0 =	sor.u32 s1, s0  }
0x34: {  	s0 =	sadd.s32 $0x8F2B, s0  }
0x35: {  	[sflag:s0] =	ssyncadd.remote.s32 $0x1  }
0x36: {  	_ =	sfence.sel $0xFFFF  }
0x37: {  	[dreg:$0x0] =	wrdreg $0xFFFFFFFF;
	(pc) =	sbr.abs _section_cstart, $3  }
0x38: {  	[dreg:$0x1] =	wrdreg $0xFFFFFFFF  }
0x39: {  	_ =	task.clear_ibuf [dreg:s7], $0x2FFFF;
	_ =	strace $0x9FFFFFFF  }
0x3a: {  	(tm) =	ssettm $0x7FFFFFFF  }
0x3b: {  	_ =	shalt  }
tec
execute0_lowered:
.L_overlay_start_1:
0x0: {  	(tag) =	ssettag $0x1  }
0x1: {  	s0 =	stileid.u32;
	s6 =	rddreg [dreg:$0x0]  }
0x2: {  	s2 =	rddreg [dreg:$0x1];
	s5 =	srdreg.scid  }
0x3: {  	s31 =	simm.s32 $0x2;
	s13 =	simm.s32 $0x0;
	s1 =	sshll.u32 s0, $0x7  }
0x4: {  	s14 =	simm.s32 $0x0;
	s12 =	simm.s32 $0x0;
	s3 =	sand.u32 $0x380, s1  }
0x5: {  	s5 =	sshll.u32 s5, $0x4;
	s6 =	sadd.s32 $0xF42C00, s6;
	s4 =	ssub.s32 $0x400, s3  }
0x6: {  	s1 =	rddreg [dreg:$0x2];
	_ =	strace $0x8000004A;
	s7 =	sand.u32 $0x380, s4  }
0x7: {  	s5 =	sand.u32 $0x10, s5;
	p0 =	sne.s32 s7, $0x0;
	s7 =	simm.s32 $0x1  }
.Ltmp0:
0x8: {  	s8 =	sshrl.u32 s4, $0xA;
	s7 =	simm.s32 @!p0 $0x0;
	(pc) =	sbr.rel .LBB1_1-.Ltmp0, $4  }
0x9: {  	s9 =	sor.u32 s0, s5;
	s4 =	simm.s32 $0x1;
	s30 =	sadd.s32 s7, s8  }
0xa: {  	s11 =	smov.u32 s3;
	[sflag:s4] =	ssyncpa.u1 $0x0;
	s5 =	smul.u32 $0x32, s30  }
0xb: {  	[sflag:s31] =	ssyncpa.u1 $0x0;
	p0 =	por $0x0, $0x0;
	s7 =	sshrl.u32 s9, $0x3  }
0xc: {  	s9 =	simm.s32 $0x2000;
	s10 =	smov.u32 s7;
	s8 =	sor.u32 $0x1, s5  }
.LBB1_4:
0xd: {  	s17 =	sand.u32 $0x1F80, s14;
	s13 =	sshll.u32 s13, $0xD  }
0xe: {  	[tilespmem:s16+$0x810 ss:$0x81] =	vst.msk $0xffff, v2;
	s18 =	sshrl.u32 s14, $0x3;
	s31 =	sand.u32 $0x7, s14;
	s17 =	sadd.s32 s2, s17  }
0xf: {  	[tilespmem:s16+$0x1020 ss:$0x81] =	vst.msk $0xffff, v0;
	s18 =	sand.u32 $0xF, s18;
	s14 =	sshll.u32 s31, $0x12;
	s13 =	sadd.s32 s13, s17  }
0x10: {  	[tilespmem:s16+$0x0 ss:$0x81] =	vst.msk $0xffff, v1;
	s14 =	sor.u32 $0x400, s14;
	s13 =	sadd.s32 s18, s13  }
0x11: {  	[hbm4b:s13+s14] =	stream.strided.scatter [tilespmem:s15], [sflag:$0x2], $0x2000, s9, s14, $0x20;
	[tilespmem:$0x8080] =	vst v63  }
.LBB1_5:
0x12: {  	s15 =	sadd.s32 $0x4, s10  }
0x13: {  	s13 =	sadd.s32 $0x400, s11;
	s17 =	smov.u32 s11;
	p2 =	sgt.s32 s15, $0xC7  }
0x14: {  	s17 =	smov.u32 @p2 s13  }
0x15: {  	s15 =	smov.u32 @p2 s7;
	p2 =	sgt.s32 s17, $0x3FF  }
0x16: {  	s17 =	smov.u32 @p2 s3;
	p2 =	sne.s32 s12, s8  }
.Ltmp1:
0x17: {  	p1 =	slt.u32 s12, $0x2;
	(pc) =	sbr.rel @!p2 .LBB1_6-.Ltmp1, $4  }
0x18: {  	s16 =	simm.s32 @!p1 $0x2  }
0x19: {  	s14 =	smov.u32 s11;
	p0 =	por !p0, !p0;
	_ =	swait.ge @!p1 [sflag:s16], $0x2000  }
0x1a: {  	s13 =	smov.u32 s10;
	[sflag:s16] =	ssyncset.done @!p1 $0x0;
	s10 =	smov.u32 s15  }
0x1b: {  	s12 =	sadd.s32 $0x1, s12;
	[sflag:s16] =	ssyncadd.s32 @!p1 $0xFFFFE000;
	s11 =	smov.u32 s17  }
.LBB1_1:
0x1c: {  	p1 =	sge.u32 s12, s5  }
0x1d: {  	s15 =	sand.u32 @!p1 $0x1FFFFFF, s10  }
0x1e: {  	s16 =	smulhi.u32 @!p1 $0x147AE15, s15;
	_ =	sdelay $0x1  }
0x1f: {  	s16 =	smul.u32 @!p1 $0xC8, s16  }
0x20: {  	s17 =	sxor.u32 @!p1 $0xFFFFFFFF, s12;
	s18 =	smul.u32 @!p1 $0xC80, s11  }
0x21: {  	s31 =	sadd.s32 $0xFFFFFFFF, s12;
	s17 =	sshll.u32 @!p1 s17, $0xD;
	s15 =	ssub.s32 @!p1 s15, s16  }
0x22: {  	s16 =	sand.u32 @!p1 $0x2000, s17;
	s17 =	sadd.s32 @!p1 s6, s18;
	s15 =	sshll.u32 @!p1 s15, $0x4  }
0x23: {  	s18 =	simm.s32 @!p1 $0x6400;
	s15 =	sadd.s32 @!p1 s15, s17;
	s17 =	simm.s32 @!p1 $0x40  }
0x24: {  	[tilespmem:s16], [sflag:$0x1] =	stream.strided.gather @!p1 [hbm4b:s15+s17], $0x2000, s18, s17, $0x38;
	[tilespmem:$0x8080] =	vst v63  }
0x25: {  	p1 =	sge.u32 s31, s5  }
.Ltmp2:
0x26: {  	_ = 	snop;
	(pc) =	sbr.rel @p1 .LBB1_5-.Ltmp2, $1  }
0x27: {  	_ =	sdelay $0x3  }
0x28: {  	s15 =	simm.s32 $0x1  }
0x29: {  	_ =	swait.ge [sflag:s4], $0x2000;
	s15 =	simm.s32 @!p0 $0x0  }
0x2a: {  	[sflag:s4] =	ssyncset.done $0x0;
	s16 =	sshll.u32 s15, $0xD  }
0x2b: {  	[sflag:s4] =	ssyncadd.s32 $0xFFFFE000;
	s19 =	sor.u32 $0x20, s16  }
0x2c: {  	s15 =	smul.u32 $0x8100, s15;
	v3 =	vld [tilespmem:s19+$0x10]  }
0x2d: {  	s30 =	sand.u32 $0x1, s12;
	v2 =	vld [tilespmem:s19+$0xFFFFFFF0]  }
0x2e: {  	s16 =	smul.u32 $0x8100, s30;
	s15 =	sshrl.u32 s15, $0x2;
	v0 =	vld [tilespmem:s19+$0x0]  }
0x2f: {  	v1 =	vld [tilespmem:s19+$0xFFFFFFE0];
	s17 =	sor.u32 $0x4000, s15  }
0x30: {  	s31 =	sshrl.u32 s16, $0x2;
	s16 =	sadd.s32 $0x0, s17  }
0x31: {  	s18 =	simm.s32 $0x4;
	s19 =	sadd.s32 $0x40, s19;
	s15 =	sor.u32 $0x4000, s31;
	[tilespmem:s16+$0x1830 ss:$0x81] =	vst.msk $0xffff, v3  }
.LBB1_3:
0x32: {  	v3 =	vld [tilespmem:s19+$0x10];
	p1 =	sne.s32 s18, $0x1FC;
	[tilespmem:s16+$0x810 ss:$0x81] =	vst.msk $0xffff, v2;
	s20 =	smov.u32 s18;
	s18 =	sadd.s32 $0x4, s18  }
.Ltmp3:
0x33: {  	v2 =	vld [tilespmem:s19+$0xFFFFFFF0];
	[tilespmem:s16+$0x1020 ss:$0x81] =	vst.msk $0xffff, v0;
	(pc) =	sbr.rel @p1 .LBB1_3-.Ltmp3, $4  }
0x34: {  	v0 =	vld [tilespmem:s19+$0x0];
	[tilespmem:s16+$0x0 ss:$0x81] =	vst.msk $0xffff, v1  }
0x35: {  	s16 =	sshra.s32 s20, $0x2;
	v1 =	vld [tilespmem:s19+$0xFFFFFFE0]  }
0x36: {  	s16 =	sadd.s32 s16, s17  }
0x37: {  	s19 =	sadd.s32 $0x40, s19;
	[tilespmem:s16+$0x1830 ss:$0x81] =	vst.msk $0xffff, v3  }
.Ltmp4:
0x38: {  	_ = 	snop;
	(pc) =	sbr.rel .LBB1_4-.Ltmp4, $1  }
0x39: {  	_ =	sdelay $0x3  }
.LBB1_6:
0x3a: {  	_ =	sfence.sel $0x180000  }
0x3b: {  	s2 =	simm.s32 $0x1;
	[bflag:$0x0] =	sbarrier.arrive $0xFFFF  }
0x3c: {  	s31 =	simm.s32 $0x2;
	[sflag:s2] =	ssyncpa.u1 $0x1  }
0x3d: {  	[sflag:s31] =	ssyncpa.u1 $0x1  }
0x3e: {  	p0 =	sne.s32 s0, $0x0;
	_ =	strace $0x9000004A  }
0x3f: {  	s0 =	sadd.s32 @!p0 $0x100000, s1;
	[bflag:$0x2] =	sbarrier.arrive $0xFFFF  }
0x40: {  	[sflag:s0] =	ssyncadd.tile.s32 @!p0 $0x1;
	_ =	shalt  }
.Lfunc_end1:
_tile_overlayer_lowered:
.L_overlay_start_2:
0x41: {  	(tag) =	ssettag $0x2  }
0x42: {  	s0 =	rddreg [dreg:$0x0];
	s2 =	stileid.u32  }
0x43: {  	s1 =	rddreg [dreg:$0x1];
	p0 =	sne.s32 s2, $0x0  }
0x44: {  	s3 =	rddreg [dreg:$0x2];
	[bflag:$0x3] =	sbarrier.arrive $0xFFFF;
	s2 =	simm.s32 @!p0 $0x1C01  }
0x45: {  	[timem:s3], [sflag:s2] =	dma.local @!p0 [hbm:s0], s1  }
0x46: {  	s0 =	simm.s32 @!p0 $0x1  }
0x47: {  	_ =	swait.ge @!p0 [sflag:s0], s1  }
0x48: {  	s1 =	ssub.s32 @!p0 $0x0, s1;
	[sflag:s0] =	ssyncset.done @!p0 $0x0  }
0x49: {  	[sflag:s0] =	ssyncadd.s32 @!p0 s1  }
0x4a: {  	[bflag:$0x3] =	sbarrier.arrive $0xFFFF  }
0x4b: {  	_ =	shalt  }

</sc_bundles>
